<compile_context>
chip_gen: v7x
topology: tpu7x:2x2x1
jax: 0.10.2.dev20260603
libtpu: 0.0.44.dev20260713+nightly
codegen_flags: <defaults>
</compile_context>

<pallas_src>
import functools

import jax
import jax.numpy as jnp
from jax import lax
from jax.experimental import pallas as pl
from jax.experimental.pallas import tpu as pltpu
from jax.experimental.pallas import tpu_sc as plsc

N = 10000
E = 320000
D = 128
NC = 2
NS = 16
NP = 10240
RPT = NP // NS

EC = E // NC
ET = EC // NS
CS = 64
FCH, FTAIL = ET // CS, ET % CS
GT = E // (NC * NS)
GCS = 80
GCH = 2 * (GT // GCS)
GTAIL = GT % GCS
YRT = 624

_mesh = plsc.VectorSubcoreMesh(core_axis_name="c", subcore_axis_name="s")

_IDX = lambda n: [pltpu.VMEM((128,), jnp.int32) for _ in range(n)]
_SEM = lambda n: [pltpu.SemaphoreType.DMA for _ in range(n)]
_ROWS = lambda n: [pltpu.VMEM((128, D), jnp.float32) for _ in range(n)]


def _fill_ones(ref, n):
    @pl.loop(0, n // 16)
    def _(i):
        ref[pl.ds(i * 16, 16)] = jnp.ones((16,), jnp.float32)


def _agg_pipeline(feat_hbm, src_hbm, dst_hbm, agg_sh, deg_sh, sidx, didx,
                  rows, ones_v, isem, gsem, ssem, dgsem, sidx_t, didx_t,
                  rows_t, ones_t, f_base, with_deg):
    def idx_issue(jj, b4, b8):
        off = pl.multiple_of(f_base + jj * CS, 8)
        pltpu.async_copy(src_hbm.at[pl.ds(off, CS)], sidx[b4], isem[b4])
        pltpu.async_copy(dst_hbm.at[pl.ds(off, CS)], didx[b8], isem[b4])

    def idx_wait(b4, b8):
        pltpu.make_async_copy(src_hbm.at[pl.ds(0, CS)], sidx[b4], isem[b4]).wait()
        pltpu.make_async_copy(dst_hbm.at[pl.ds(0, CS)], didx[b8], isem[b4]).wait()

    def scat_issue(b8, b4):
        pltpu.async_copy(rows[b4], agg_sh.at[didx[b8]], ssem[b4], add=True)
        if with_deg:
            pltpu.async_copy(ones_v, deg_sh.at[didx[b8]], dgsem[b4], add=True)

    def scat_wait(b8, b4):
        pltpu.make_async_copy(rows[b4], agg_sh.at[didx[b8]], ssem[b4]).wait()
        if with_deg:
            pltpu.make_async_copy(ones_v, deg_sh.at[didx[b8]], dgsem[b4]).wait()

    def gather_wait(b4):
        pltpu.make_async_copy(feat_hbm.at[sidx[b4]], rows[b4], gsem[b4]).wait()

    def B(jj, b4, b8):
        traced = not isinstance(jj, int)
        if traced or jj >= 3:
            scat_wait((b8 + 5) % 8, (b4 + 1) % 4)
        idx_wait(b4, b8)
        pltpu.async_copy(feat_hbm.at[sidx[b4]], rows[b4], gsem[b4])
        if traced or jj >= 2:
            jp4, jp8 = (b4 + 2) % 4, (b8 + 6) % 8
            gather_wait(jp4)
            scat_issue(jp8, jp4)
        if traced or jj + 2 < FCH:
            idx_issue(jj + 2, (b4 + 2) % 4, (b8 + 2) % 8)

    idx_issue(0, 0, 0)
    idx_issue(1, 1, 1)
    for jj in range(4):
        B(jj, jj % 4, jj % 8)

    @pl.loop(4, FCH - 8, step=8)
    def _(v):
        for u in range(8):
            B(v + u, (4 + u) % 4, (4 + u) % 8)

    for jj in range(FCH - 8, FCH):
        B(jj, jj % 4, jj % 8)

    scat_wait((FCH - 3) % 8, (FCH - 3) % 4)
    for jj in (FCH - 2, FCH - 1):
        gather_wait(jj % 4)
        scat_issue(jj % 8, jj % 4)
        scat_wait(jj % 8, jj % 4)

    off = f_base + FCH * CS
    pltpu.sync_copy(src_hbm.at[pl.ds(off, FTAIL)], sidx_t)
    pltpu.sync_copy(dst_hbm.at[pl.ds(off, FTAIL)], didx_t)
    pltpu.async_copy(feat_hbm.at[sidx_t], rows_t, gsem[0]).wait()
    pltpu.sync_copy(rows_t, agg_sh.at[didx_t], add=True)
    if with_deg:
        pltpu.sync_copy(ones_t, deg_sh.at[didx_t], add=True)


def _sc_agg(feat, src, dst, z2, z1, with_deg):
    out_type = [jax.ShapeDtypeStruct((2 * NP, D), jnp.float32)]
    if with_deg:
        out_type.append(jax.ShapeDtypeStruct((2 * NP,), jnp.float32))

    @functools.partial(
        pl.kernel,
        out_type=tuple(out_type),
        mesh=_mesh,
        scratch_types=dict(
            agg_sh=pltpu.VMEM_SHARED((NP, D), jnp.float32),
            deg_sh=pltpu.VMEM_SHARED((NP,), jnp.float32),
            sidx=[pltpu.VMEM((CS,), jnp.int32) for _ in range(4)],
            didx=[pltpu.VMEM((CS,), jnp.int32) for _ in range(8)],
            sidx_t=pltpu.VMEM((FTAIL,), jnp.int32),
            didx_t=pltpu.VMEM((FTAIL,), jnp.int32),
            ones_v=pltpu.VMEM((CS,), jnp.float32),
            ones_t=pltpu.VMEM((FTAIL,), jnp.float32),
            rows=[pltpu.VMEM((CS, D), jnp.float32) for _ in range(4)],
            rows_t=pltpu.VMEM((FTAIL, D), jnp.float32),
            isem=_SEM(4), gsem=_SEM(4), ssem=_SEM(4), dgsem=_SEM(4),
        ),
    )
    def k(feat_hbm, src_hbm, dst_hbm, z2_hbm, z1_hbm, *out_and_scratch,
          agg_sh, deg_sh, sidx, didx, sidx_t, didx_t, ones_v, ones_t,
          rows, rows_t, isem, gsem, ssem, dgsem):
        if with_deg:
            part_hbm, degp_hbm = out_and_scratch
        else:
            (part_hbm,) = out_and_scratch
            degp_hbm = None
        c = lax.axis_index("c")
        s = lax.axis_index("s")
        r0 = s * RPT

        pltpu.sync_copy(z2_hbm.at[pl.ds(r0, RPT)], agg_sh.at[pl.ds(r0, RPT)])
        if with_deg:
            pltpu.sync_copy(z1_hbm.at[pl.ds(r0, RPT)], deg_sh.at[pl.ds(r0, RPT)])
            _fill_ones(ones_v, CS)
            _fill_ones(ones_t, FTAIL)
        plsc.subcore_barrier()

        _agg_pipeline(feat_hbm, src_hbm, dst_hbm, agg_sh, deg_sh, sidx, didx,
                      rows, ones_v, isem, gsem, ssem, dgsem, sidx_t, didx_t,
                      rows_t, ones_t, c * EC + s * ET, with_deg)
        plsc.subcore_barrier()

        pltpu.sync_copy(agg_sh.at[pl.ds(r0, RPT)],
                        part_hbm.at[pl.ds(c * NP + r0, RPT)])
        if with_deg:
            pltpu.sync_copy(deg_sh.at[pl.ds(r0, RPT)],
                            degp_hbm.at[pl.ds(c * NP + r0, RPT)])

    return k(feat, src, dst, z2, z1)


def _sc_gather_out(y, src, dst):
    @functools.partial(
        pl.kernel,
        out_type=(
            jax.ShapeDtypeStruct((E, D), jnp.float32),
            jax.ShapeDtypeStruct((E, D), jnp.float32),
        ),
        mesh=_mesh,
        scratch_types=dict(
            y_sh=pltpu.VMEM_SHARED((N, D), jnp.float32),
            idx=[pltpu.VMEM((GCS,), jnp.int32) for _ in range(4)],
            rows=[pltpu.VMEM((GCS, D), jnp.float32) for _ in range(4)],
            isem=_SEM(4), gsem=_SEM(4), wsem=_SEM(4),
        ),
    )
    def k(y_hbm, src_hbm, dst_hbm, sf_hbm, df_hbm, *,
          y_sh, idx, rows, isem, gsem, wsem):
        c = lax.axis_index("c")
        s = lax.axis_index("s")
        base = (c * NS + s) * GT

        yr = s * YRT
        pltpu.sync_copy(y_hbm.at[pl.ds(yr, YRT)], y_sh.at[pl.ds(yr, YRT)])

        @pl.when(s == NS - 1)
        def _():
            pltpu.sync_copy(y_hbm.at[pl.ds(NS * YRT, N - NS * YRT)],
                            y_sh.at[pl.ds(NS * YRT, N - NS * YRT)])

        plsc.subcore_barrier()

        def off_of(jj):
            return pl.multiple_of(base + (jj // 2) * GCS, 8)

        def idx_issue(jj, b4, even):
            ref = src_hbm if even else dst_hbm
            pltpu.async_copy(ref.at[pl.ds(off_of(jj), GCS)], idx[b4], isem[b4])

        def idx_wait(b4):
            pltpu.make_async_copy(src_hbm.at[pl.ds(0, GCS)], idx[b4],
                                  isem[b4]).wait()

        def write_issue(jj, b4, even):
            out = sf_hbm if even else df_hbm
            pltpu.async_copy(rows[b4], out.at[pl.ds(off_of(jj), GCS)], wsem[b4])

        def write_wait(b4, even):
            out = sf_hbm if even else df_hbm
            pltpu.make_async_copy(rows[b4], out.at[pl.ds(0, GCS)],
                                  wsem[b4]).wait()

        def B(jj, b4, even):
            if not isinstance(jj, int) or jj >= 4:
                write_wait(b4, even)
            idx_wait(b4)
            pltpu.async_copy(y_sh.at[idx[b4]], rows[b4], gsem[b4])
            if not isinstance(jj, int) or jj >= 2:
                jp4 = (b4 + 2) % 4
                pltpu.make_async_copy(y_sh.at[idx[jp4]], rows[jp4],
                                      gsem[jp4]).wait()
                write_issue(jj - 2, jp4, even)
            if not isinstance(jj, int):
                idx_issue(jj + 2, (b4 + 2) % 4, even)
            elif jj + 2 < GCH:
                idx_issue(jj + 2, (b4 + 2) % 4, even)

        idx_issue(0, 0, True)
        idx_issue(1, 1, False)
        for jj in range(4):
            B(jj, jj % 4, jj % 2 == 0)

        @pl.loop(4, GCH - 6, step=4)
        def _(v):
            for u in range(4):
                B(v + u, u, u % 2 == 0)

        for jj in range(GCH - 6, GCH):
            B(jj, jj % 4, jj % 2 == 0)

        for jj in (GCH - 2, GCH - 1):
            b4, even = jj % 4, jj % 2 == 0
            pltpu.make_async_copy(y_sh.at[idx[b4]], rows[b4], gsem[b4]).wait()
            write_issue(jj, b4, even)
        for jj in range(GCH - 4, GCH):
            write_wait(jj % 4, jj % 2 == 0)

    return k(y, src, dst)


def _tc_dense(x, part, degp, W_s, W_n, b, relu):
    R = 1000
    part3 = part.reshape(2, NP, D)
    deg3 = degp.reshape(2, NP, 1)
    b2d = b.reshape(1, D)

    def body(x_ref, p0_ref, p1_ref, d_ref, ws_ref, wn_ref, b_ref, o_ref):
        dsum = d_ref[0] + d_ref[1]
        scale = 1.0 / jnp.maximum(dsum, 1.0)
        agg = (p0_ref[0] + p1_ref[0]) * scale
        acc = jnp.dot(x_ref[...], ws_ref[...], preferred_element_type=jnp.float32)
        acc = acc + jnp.dot(agg, wn_ref[...], preferred_element_type=jnp.float32)
        acc = acc + b_ref[...]
        if relu:
            acc = jnp.maximum(acc, 0.0)
        o_ref[...] = acc

    return pl.pallas_call(
        body,
        grid=(N // R,),
        in_specs=[
            pl.BlockSpec((R, D), lambda i: (i, 0)),
            pl.BlockSpec((1, R, D), lambda i: (0, i, 0)),
            pl.BlockSpec((1, R, D), lambda i: (1, i, 0)),
            pl.BlockSpec((2, R, 1), lambda i: (0, i, 0)),
            pl.BlockSpec((D, D), lambda i: (0, 0)),
            pl.BlockSpec((D, D), lambda i: (0, 0)),
            pl.BlockSpec((1, D), lambda i: (0, 0)),
        ],
        out_specs=pl.BlockSpec((R, D), lambda i: (i, 0)),
        out_shape=jax.ShapeDtypeStruct((N, D), jnp.float32),
    )(x, part3, part3, deg3, W_s, W_n, b2d)


def kernel(x, edge_index, W_self1, W_neigh1, b1, W_self2, W_neigh2, b2):
    src = edge_index[0].astype(jnp.int32)
    dst = edge_index[1].astype(jnp.int32)
    z2 = jnp.zeros((NP, D), jnp.float32)
    z1 = jnp.zeros((NP,), jnp.float32)

    part1, degp = _sc_agg(x, src, dst, z2, z1, with_deg=True)
    h = _tc_dense(x, part1, degp, W_self1, W_neigh1, b1, relu=True)
    (part2,) = _sc_agg(h, src, dst, z2, z1, with_deg=False)
    out2 = _tc_dense(h, part2, degp, W_self2, W_neigh2, b2, relu=False)
    src_feat, dst_feat = _sc_gather_out(out2, src, dst)
    return (src_feat, dst_feat)

# --- scband reference (transcript-rebuilt; emitter-appended) ---
"""Pipeline reference for scband-tgraph-sage-50508815401524 (READ-ONLY COPY).

The authoritative reference and input builder live on the scoring server;
editing this copy changes nothing except your own understanding.
"""

import jax, jax.numpy as jnp
import numpy as np

N = 10000
E = 320000
D_IN = 128
D_HID = 128
D_OUT = 128


def setup_inputs(seed: int = 0) -> dict:
    key = jax.random.key(seed)
    ks = jax.random.split(key, 10)
    x = jax.random.normal(ks[0], (N, D_IN), dtype=jnp.float32)
    edge_index = jax.random.randint(ks[1], (2, E), 0, N, dtype=jnp.int64)
    s1 = 1.0 / np.sqrt(D_IN)
    s2 = 1.0 / np.sqrt(D_HID)
    W_self1 = jax.random.normal(ks[2], (D_IN, D_HID), dtype=jnp.float32) * s1
    W_neigh1 = jax.random.normal(ks[3], (D_IN, D_HID), dtype=jnp.float32) * s1
    b1 = jnp.zeros((D_HID,), dtype=jnp.float32)
    W_self2 = jax.random.normal(ks[4], (D_HID, D_OUT), dtype=jnp.float32) * s2
    W_neigh2 = jax.random.normal(ks[5], (D_HID, D_OUT), dtype=jnp.float32) * s2
    b2 = jnp.zeros((D_OUT,), dtype=jnp.float32)
    return {
        "x": x,
        "edge_index": edge_index,
        "W_self1": W_self1,
        "W_neigh1": W_neigh1,
        "b1": b1,
        "W_self2": W_self2,
        "W_neigh2": W_neigh2,
        "b2": b2,
    }


def reference(x, edge_index, W_self1, W_neigh1, b1, W_self2, W_neigh2, b2):
    src = edge_index[0]
    dst = edge_index[1]
    n = x.shape[0]
    e = src.shape[0]
    # in-degree for mean aggregation (shared across layers, graph is static)
    deg = jax.ops.segment_sum(jnp.ones((e,), dtype=jnp.float32), dst, num_segments=n)
    deg = jnp.maximum(deg, 1.0)

    def sage_layer(h, W_s, W_n, b):
        # mean aggregator: gather src features, scatter-add to dst, normalize
        msgs = h[src]
        agg = jax.ops.segment_sum(msgs, dst, num_segments=n) / deg[:, None]
        return h @ W_s + agg @ W_n + b

    # layer 1 (uses node features); dropout is identity in eval/reference
    out1 = sage_layer(x, W_self1, W_neigh1, b1)
    h = jax.nn.relu(out1)  # activation applied to stored edge/node features
    # layer 2 (final layer); returned src/dst edge features are pre-activation
    out2 = sage_layer(h, W_self2, W_neigh2, b2)
    src_feat = out2[src]
    dst_feat = out2[dst]
    return (src_feat, dst_feat)

if __name__ == "__main__":
    import jax
    _d = setup_inputs()
    print(jax.jit(kernel)(*tuple(_d.values())))

</pallas_src>

<mosaic_0001>
#map = affine_map<(d0, d1) -> (0, 0)>
#map1 = affine_map<(d0, d1) -> (0)>
module attributes {stable_mosaic.version = 14 : i64} {
  func.func @k(%arg0: i32, %arg1: i32, %arg2: memref<10000x128xf32, #tpu.memory_space<hbm>>, %arg3: memref<320000xi32, #tpu.memory_space<hbm>>, %arg4: memref<320000xi32, #tpu.memory_space<hbm>>, %arg5: memref<10240x128xf32, #tpu.memory_space<hbm>>, %arg6: memref<10240xf32, #tpu.memory_space<hbm>>, %arg7: memref<20480x128xf32, #tpu.memory_space<hbm>>, %arg8: memref<10240x128xf32, #tpu.memory_space<vmem_shared>>, %arg9: memref<10240xf32, #tpu.memory_space<vmem_shared>>, %arg10: memref<!tpu.dma_semaphore, #tpu.memory_space<semaphore_mem>>, %arg11: memref<!tpu.dma_semaphore, #tpu.memory_space<semaphore_mem>>, %arg12: memref<!tpu.dma_semaphore, #tpu.memory_space<semaphore_mem>>, %arg13: memref<!tpu.dma_semaphore, #tpu.memory_space<semaphore_mem>>, %arg14: memref<64xi32, #tpu.memory_space<vmem>>, %arg15: memref<64xi32, #tpu.memory_space<vmem>>, %arg16: memref<64xi32, #tpu.memory_space<vmem>>, %arg17: memref<64xi32, #tpu.memory_space<vmem>>, %arg18: memref<64xi32, #tpu.memory_space<vmem>>, %arg19: memref<64xi32, #tpu.memory_space<vmem>>, %arg20: memref<64xi32, #tpu.memory_space<vmem>>, %arg21: memref<64xi32, #tpu.memory_space<vmem>>, %arg22: memref<16xi32, #tpu.memory_space<vmem>>, %arg23: memref<!tpu.dma_semaphore, #tpu.memory_space<semaphore_mem>>, %arg24: memref<!tpu.dma_semaphore, #tpu.memory_space<semaphore_mem>>, %arg25: memref<!tpu.dma_semaphore, #tpu.memory_space<semaphore_mem>>, %arg26: memref<!tpu.dma_semaphore, #tpu.memory_space<semaphore_mem>>, %arg27: memref<!tpu.dma_semaphore, #tpu.memory_space<semaphore_mem>>, %arg28: memref<!tpu.dma_semaphore, #tpu.memory_space<semaphore_mem>>, %arg29: memref<!tpu.dma_semaphore, #tpu.memory_space<semaphore_mem>>, %arg30: memref<!tpu.dma_semaphore, #tpu.memory_space<semaphore_mem>>, %arg31: memref<16xf32, #tpu.memory_space<vmem>>, %arg32: memref<64xf32, #tpu.memory_space<vmem>>, %arg33: memref<64x128xf32, #tpu.memory_space<vmem>>, %arg34: memref<64x128xf32, #tpu.memory_space<vmem>>, %arg35: memref<64x128xf32, #tpu.memory_space<vmem>>, %arg36: memref<64x128xf32, #tpu.memory_space<vmem>>, %arg37: memref<16x128xf32, #tpu.memory_space<vmem>>, %arg38: memref<64xi32, #tpu.memory_space<vmem>>, %arg39: memref<64xi32, #tpu.memory_space<vmem>>, %arg40: memref<64xi32, #tpu.memory_space<vmem>>, %arg41: memref<64xi32, #tpu.memory_space<vmem>>, %arg42: memref<16xi32, #tpu.memory_space<vmem>>, %arg43: memref<!tpu.dma_semaphore, #tpu.memory_space<semaphore_mem>>, %arg44: memref<!tpu.dma_semaphore, #tpu.memory_space<semaphore_mem>>, %arg45: memref<!tpu.dma_semaphore, #tpu.memory_space<semaphore_mem>>, %arg46: memref<!tpu.dma_semaphore, #tpu.memory_space<semaphore_mem>>) attributes {dimension_semantics = [#tpu.dimension_semantics<core_parallel>, #tpu.dimension_semantics<subcore_parallel>], iteration_bounds = array<i64: 2, 16>, scalar_prefetch = 0 : i64, scratch_operands = 39 : i64, tpu.core_type = #tpu.core_type<sc_vector_subcore>, window_params = [{transform_indices = #map}, {transform_indices = #map1}, {transform_indices = #map1}, {transform_indices = #map}, {transform_indices = #map1}, {transform_indices = #map}]} {
    %mul3A = arith.constant 640 : i32
    %mul3A_0 = arith.muli %arg1, %mul3A : i32
    "tpu.region"() ({
      %run_scoped3A = tpu.sem_alloc : memref<!tpu.dma_semaphore, #tpu.memory_space<semaphore_mem>>
      %dma_start3A_342 = arith.constant 0 : i32
      %dma_start3A_343 = tpu.memref_slice %arg8[%mul3A_0, %dma_start3A_342] : memref<10240x128xf32, #tpu.memory_space<vmem_shared>> -> memref<640x128xf32, #tpu.memory_space<vmem_shared>>
      %dma_start3A_344 = arith.constant 0 : i32
      %dma_start3A_345 = tpu.memref_slice %arg5[%mul3A_0, %dma_start3A_344] : memref<10240x128xf32, #tpu.memory_space<hbm>> -> memref<640x128xf32, #tpu.memory_space<hbm>>
      tpu.enqueue_dma source(%dma_start3A_345 : memref<640x128xf32, #tpu.memory_space<hbm>>) target(%dma_start3A_343 : memref<640x128xf32, #tpu.memory_space<vmem_shared>>) target_semaphore(%run_scoped3A : memref<!tpu.dma_semaphore, #tpu.memory_space<semaphore_mem>>)
      %dma_wait3A_346 = arith.constant 0 : i32
      %dma_wait3A_347 = tpu.memref_slice %arg8[%mul3A_0, %dma_wait3A_346] : memref<10240x128xf32, #tpu.memory_space<vmem_shared>> -> memref<640x128xf32, #tpu.memory_space<vmem_shared>>
      %dma_wait3A_348 = arith.constant 0 : i32
      %dma_wait3A_349 = tpu.memref_slice %arg5[%mul3A_0, %dma_wait3A_348] : memref<10240x128xf32, #tpu.memory_space<hbm>> -> memref<640x128xf32, #tpu.memory_space<hbm>>
      tpu.wait_dma2 semaphore(%run_scoped3A : memref<!tpu.dma_semaphore, #tpu.memory_space<semaphore_mem>>) src(%dma_wait3A_349 : memref<640x128xf32, #tpu.memory_space<hbm>>) dst(%dma_wait3A_347 : memref<640x128xf32, #tpu.memory_space<vmem_shared>>)
      tpu.yield
    }) : () -> ()
    %barrier3A = arith.constant 0 : index
    tpu.barrier barrier_id(%barrier3A)
    %mul3A_1 = arith.constant 160000 : i32
    %mul3A_2 = arith.muli %arg0, %mul3A_1 : i32
    %mul3A_3 = arith.constant 10000 : i32
    %mul3A_4 = arith.muli %arg1, %mul3A_3 : i32
    %add3A = arith.addi %mul3A_2, %mul3A_4 : i32
    %add3A_5 = arith.constant 0 : i32
    %add3A_6 = arith.addi %add3A, %add3A_5 : i32
    %multiple_of3A = tpu.assume_multiple %add3A_6, 8 : i32
    %dma_start3A = tpu.memref_slice %arg3[%multiple_of3A] : memref<320000xi32, #tpu.memory_space<hbm>> -> memref<64xi32, #tpu.memory_space<hbm>>
    %dma_start3A_7 = tpu.memref_slice %arg3[%multiple_of3A] : memref<320000xi32, #tpu.memory_space<hbm>> -> memref<64xi32, #tpu.memory_space<hbm>>
    tpu.enqueue_dma source(%dma_start3A_7 : memref<64xi32, #tpu.memory_space<hbm>>) target(%arg38 : memref<64xi32, #tpu.memory_space<vmem>>) target_semaphore(%arg27 : memref<!tpu.dma_semaphore, #tpu.memory_space<semaphore_mem>>)
    %dma_start3A_8 = tpu.memref_slice %arg4[%multiple_of3A] : memref<320000xi32, #tpu.memory_space<hbm>> -> memref<64xi32, #tpu.memory_space<hbm>>
    %dma_start3A_9 = tpu.memref_slice %arg4[%multiple_of3A] : memref<320000xi32, #tpu.memory_space<hbm>> -> memref<64xi32, #tpu.memory_space<hbm>>
    tpu.enqueue_dma source(%dma_start3A_9 : memref<64xi32, #tpu.memory_space<hbm>>) target(%arg14 : memref<64xi32, #tpu.memory_space<vmem>>) target_semaphore(%arg27 : memref<!tpu.dma_semaphore, #tpu.memory_space<semaphore_mem>>)
    %add3A_10 = arith.constant 64 : i32
    %add3A_11 = arith.addi %add3A, %add3A_10 : i32
    %multiple_of3A_12 = tpu.assume_multiple %add3A_11, 8 : i32
    %dma_start3A_13 = tpu.memref_slice %arg3[%multiple_of3A_12] : memref<320000xi32, #tpu.memory_space<hbm>> -> memref<64xi32, #tpu.memory_space<hbm>>
    %dma_start3A_14 = tpu.memref_slice %arg3[%multiple_of3A_12] : memref<320000xi32, #tpu.memory_space<hbm>> -> memref<64xi32, #tpu.memory_space<hbm>>
    tpu.enqueue_dma source(%dma_start3A_14 : memref<64xi32, #tpu.memory_space<hbm>>) target(%arg39 : memref<64xi32, #tpu.memory_space<vmem>>) target_semaphore(%arg28 : memref<!tpu.dma_semaphore, #tpu.memory_space<semaphore_mem>>)
    %dma_start3A_15 = tpu.memref_slice %arg4[%multiple_of3A_12] : memref<320000xi32, #tpu.memory_space<hbm>> -> memref<64xi32, #tpu.memory_space<hbm>>
    %dma_start3A_16 = tpu.memref_slice %arg4[%multiple_of3A_12] : memref<320000xi32, #tpu.memory_space<hbm>> -> memref<64xi32, #tpu.memory_space<hbm>>
    tpu.enqueue_dma source(%dma_start3A_16 : memref<64xi32, #tpu.memory_space<hbm>>) target(%arg15 : memref<64xi32, #tpu.memory_space<vmem>>) target_semaphore(%arg28 : memref<!tpu.dma_semaphore, #tpu.memory_space<semaphore_mem>>)
    %dma_wait3A = arith.constant 0 : i32
    %dma_wait3A_17 = tpu.memref_slice %arg3[%dma_wait3A] : memref<320000xi32, #tpu.memory_space<hbm>> -> memref<64xi32, #tpu.memory_space<hbm>>
    %dma_wait3A_18 = arith.constant 0 : i32
    %dma_wait3A_19 = tpu.memref_slice %arg3[%dma_wait3A_18] : memref<320000xi32, #tpu.memory_space<hbm>> -> memref<64xi32, #tpu.memory_space<hbm>>
    tpu.wait_dma2 semaphore(%arg27 : memref<!tpu.dma_semaphore, #tpu.memory_space<semaphore_mem>>) src(%dma_wait3A_19 : memref<64xi32, #tpu.memory_space<hbm>>) dst(%arg38 : memref<64xi32, #tpu.memory_space<vmem>>)
    %dma_wait3A_20 = arith.constant 0 : i32
    %dma_wait3A_21 = tpu.memref_slice %arg4[%dma_wait3A_20] : memref<320000xi32, #tpu.memory_space<hbm>> -> memref<64xi32, #tpu.memory_space<hbm>>
    %dma_wait3A_22 = arith.constant 0 : i32
    %dma_wait3A_23 = tpu.memref_slice %arg4[%dma_wait3A_22] : memref<320000xi32, #tpu.memory_space<hbm>> -> memref<64xi32, #tpu.memory_space<hbm>>
    tpu.wait_dma2 semaphore(%arg27 : memref<!tpu.dma_semaphore, #tpu.memory_space<semaphore_mem>>) src(%dma_wait3A_23 : memref<64xi32, #tpu.memory_space<hbm>>) dst(%arg14 : memref<64xi32, #tpu.memory_space<vmem>>)
    %dma_start3A_24 = arith.constant 0 : i32
    %dma_start3A_25 = arith.constant 0 : i32
    %dma_start3A_26 = tpu.memref_slice %arg2[%dma_start3A_24, %dma_start3A_25] : memref<10000x128xf32, #tpu.memory_space<hbm>> -> memref<10000x128xf32, #tpu.memory_space<hbm>>
    tpu.enqueue_indirect_dma source(%dma_start3A_26 : memref<10000x128xf32, #tpu.memory_space<hbm>>) target(%arg33 : memref<64x128xf32, #tpu.memory_space<vmem>>) offsets(%arg38 : memref<64xi32, #tpu.memory_space<vmem>>) semaphore(%arg23 : memref<!tpu.dma_semaphore, #tpu.memory_space<semaphore_mem>>)
    %add3A_27 = arith.constant 128 : i32
    %add3A_28 = arith.addi %add3A, %add3A_27 : i32
    %multiple_of3A_29 = tpu.assume_multiple %add3A_28, 8 : i32
    %dma_start3A_30 = tpu.memref_slice %arg3[%multiple_of3A_29] : memref<320000xi32, #tpu.memory_space<hbm>> -> memref<64xi32, #tpu.memory_space<hbm>>
    %dma_start3A_31 = tpu.memref_slice %arg3[%multiple_of3A_29] : memref<320000xi32, #tpu.memory_space<hbm>> -> memref<64xi32, #tpu.memory_space<hbm>>
    tpu.enqueue_dma source(%dma_start3A_31 : memref<64xi32, #tpu.memory_space<hbm>>) target(%arg40 : memref<64xi32, #tpu.memory_space<vmem>>) target_semaphore(%arg29 : memref<!tpu.dma_semaphore, #tpu.memory_space<semaphore_mem>>)
    %dma_start3A_32 = tpu.memref_slice %arg4[%multiple_of3A_29] : memref<320000xi32, #tpu.memory_space<hbm>> -> memref<64xi32, #tpu.memory_space<hbm>>
    %dma_start3A_33 = tpu.memref_slice %arg4[%multiple_of3A_29] : memref<320000xi32, #tpu.memory_space<hbm>> -> memref<64xi32, #tpu.memory_space<hbm>>
    tpu.enqueue_dma source(%dma_start3A_33 : memref<64xi32, #tpu.memory_space<hbm>>) target(%arg16 : memref<64xi32, #tpu.memory_space<vmem>>) target_semaphore(%arg29 : memref<!tpu.dma_semaphore, #tpu.memory_space<semaphore_mem>>)
    %dma_wait3A_34 = arith.constant 0 : i32
    %dma_wait3A_35 = tpu.memref_slice %arg3[%dma_wait3A_34] : memref<320000xi32, #tpu.memory_space<hbm>> -> memref<64xi32, #tpu.memory_space<hbm>>
    %dma_wait3A_36 = arith.constant 0 : i32
    %dma_wait3A_37 = tpu.memref_slice %arg3[%dma_wait3A_36] : memref<320000xi32, #tpu.memory_space<hbm>> -> memref<64xi32, #tpu.memory_space<hbm>>
    tpu.wait_dma2 semaphore(%arg28 : memref<!tpu.dma_semaphore, #tpu.memory_space<semaphore_mem>>) src(%dma_wait3A_37 : memref<64xi32, #tpu.memory_space<hbm>>) dst(%arg39 : memref<64xi32, #tpu.memory_space<vmem>>)
    %dma_wait3A_38 = arith.constant 0 : i32
    %dma_wait3A_39 = tpu.memref_slice %arg4[%dma_wait3A_38] : memref<320000xi32, #tpu.memory_space<hbm>> -> memref<64xi32, #tpu.memory_space<hbm>>
    %dma_wait3A_40 = arith.constant 0 : i32
    %dma_wait3A_41 = tpu.memref_slice %arg4[%dma_wait3A_40] : memref<320000xi32, #tpu.memory_space<hbm>> -> memref<64xi32, #tpu.memory_space<hbm>>
    tpu.wait_dma2 semaphore(%arg28 : memref<!tpu.dma_semaphore, #tpu.memory_space<semaphore_mem>>) src(%dma_wait3A_41 : memref<64xi32, #tpu.memory_space<hbm>>) dst(%arg15 : memref<64xi32, #tpu.memory_space<vmem>>)
    %dma_start3A_42 = arith.constant 0 : i32
    %dma_start3A_43 = arith.constant 0 : i32
    %dma_start3A_44 = tpu.memref_slice %arg2[%dma_start3A_42, %dma_start3A_43] : memref<10000x128xf32, #tpu.memory_space<hbm>> -> memref<10000x128xf32, #tpu.memory_space<hbm>>
    tpu.enqueue_indirect_dma source(%dma_start3A_44 : memref<10000x128xf32, #tpu.memory_space<hbm>>) target(%arg34 : memref<64x128xf32, #tpu.memory_space<vmem>>) offsets(%arg39 : memref<64xi32, #tpu.memory_space<vmem>>) semaphore(%arg24 : memref<!tpu.dma_semaphore, #tpu.memory_space<semaphore_mem>>)
    %add3A_45 = arith.constant 192 : i32
    %add3A_46 = arith.addi %add3A, %add3A_45 : i32
    %multiple_of3A_47 = tpu.assume_multiple %add3A_46, 8 : i32
    %dma_start3A_48 = tpu.memref_slice %arg3[%multiple_of3A_47] : memref<320000xi32, #tpu.memory_space<hbm>> -> memref<64xi32, #tpu.memory_space<hbm>>
    %dma_start3A_49 = tpu.memref_slice %arg3[%multiple_of3A_47] : memref<320000xi32, #tpu.memory_space<hbm>> -> memref<64xi32, #tpu.memory_space<hbm>>
    tpu.enqueue_dma source(%dma_start3A_49 : memref<64xi32, #tpu.memory_space<hbm>>) target(%arg41 : memref<64xi32, #tpu.memory_space<vmem>>) target_semaphore(%arg30 : memref<!tpu.dma_semaphore, #tpu.memory_space<semaphore_mem>>)
    %dma_start3A_50 = tpu.memref_slice %arg4[%multiple_of3A_47] : memref<320000xi32, #tpu.memory_space<hbm>> -> memref<64xi32, #tpu.memory_space<hbm>>
    %dma_start3A_51 = tpu.memref_slice %arg4[%multiple_of3A_47] : memref<320000xi32, #tpu.memory_space<hbm>> -> memref<64xi32, #tpu.memory_space<hbm>>
    tpu.enqueue_dma source(%dma_start3A_51 : memref<64xi32, #tpu.memory_space<hbm>>) target(%arg17 : memref<64xi32, #tpu.memory_space<vmem>>) target_semaphore(%arg30 : memref<!tpu.dma_semaphore, #tpu.memory_space<semaphore_mem>>)
    %dma_wait3A_52 = arith.constant 0 : i32
    %dma_wait3A_53 = tpu.memref_slice %arg3[%dma_wait3A_52] : memref<320000xi32, #tpu.memory_space<hbm>> -> memref<64xi32, #tpu.memory_space<hbm>>
    %dma_wait3A_54 = arith.constant 0 : i32
    %dma_wait3A_55 = tpu.memref_slice %arg3[%dma_wait3A_54] : memref<320000xi32, #tpu.memory_space<hbm>> -> memref<64xi32, #tpu.memory_space<hbm>>
    tpu.wait_dma2 semaphore(%arg29 : memref<!tpu.dma_semaphore, #tpu.memory_space<semaphore_mem>>) src(%dma_wait3A_55 : memref<64xi32, #tpu.memory_space<hbm>>) dst(%arg40 : memref<64xi32, #tpu.memory_space<vmem>>)
    %dma_wait3A_56 = arith.constant 0 : i32
    %dma_wait3A_57 = tpu.memref_slice %arg4[%dma_wait3A_56] : memref<320000xi32, #tpu.memory_space<hbm>> -> memref<64xi32, #tpu.memory_space<hbm>>
    %dma_wait3A_58 = arith.constant 0 : i32
    %dma_wait3A_59 = tpu.memref_slice %arg4[%dma_wait3A_58] : memref<320000xi32, #tpu.memory_space<hbm>> -> memref<64xi32, #tpu.memory_space<hbm>>
    tpu.wait_dma2 semaphore(%arg29 : memref<!tpu.dma_semaphore, #tpu.memory_space<semaphore_mem>>) src(%dma_wait3A_59 : memref<64xi32, #tpu.memory_space<hbm>>) dst(%arg16 : memref<64xi32, #tpu.memory_space<vmem>>)
    %dma_start3A_60 = arith.constant 0 : i32
    %dma_start3A_61 = arith.constant 0 : i32
    %dma_start3A_62 = tpu.memref_slice %arg2[%dma_start3A_60, %dma_start3A_61] : memref<10000x128xf32, #tpu.memory_space<hbm>> -> memref<10000x128xf32, #tpu.memory_space<hbm>>
    tpu.enqueue_indirect_dma source(%dma_start3A_62 : memref<10000x128xf32, #tpu.memory_space<hbm>>) target(%arg35 : memref<64x128xf32, #tpu.memory_space<vmem>>) offsets(%arg40 : memref<64xi32, #tpu.memory_space<vmem>>) semaphore(%arg25 : memref<!tpu.dma_semaphore, #tpu.memory_space<semaphore_mem>>)
    %dma_wait3A_63 = arith.constant 0 : i32
    %dma_wait3A_64 = arith.constant 0 : i32
    %dma_wait3A_65 = tpu.memref_slice %arg2[%dma_wait3A_63, %dma_wait3A_64] : memref<10000x128xf32, #tpu.memory_space<hbm>> -> memref<10000x128xf32, #tpu.memory_space<hbm>>
    tpu.wait_indirect_dma semaphore(%arg23 : memref<!tpu.dma_semaphore, #tpu.memory_space<semaphore_mem>>) src(%dma_wait3A_65 : memref<10000x128xf32, #tpu.memory_space<hbm>>) dst(%arg33 : memref<64x128xf32, #tpu.memory_space<vmem>>)
    %dma_start3A_66 = arith.constant 0 : i32
    %dma_start3A_67 = arith.constant 0 : i32
    %dma_start3A_68 = tpu.memref_slice %arg8[%dma_start3A_66, %dma_start3A_67] : memref<10240x128xf32, #tpu.memory_space<vmem_shared>> -> memref<10240x128xf32, #tpu.memory_space<vmem_shared>>
    tpu.enqueue_indirect_dma source(%arg33 : memref<64x128xf32, #tpu.memory_space<vmem>>) target(%dma_start3A_68 : memref<10240x128xf32, #tpu.memory_space<vmem_shared>>) offsets(%arg14 : memref<64xi32, #tpu.memory_space<vmem>>) semaphore(%arg43 : memref<!tpu.dma_semaphore, #tpu.memory_space<semaphore_mem>>) {add = true}
    %add3A_69 = arith.constant 256 : i32
    %add3A_70 = arith.addi %add3A, %add3A_69 : i32
    %multiple_of3A_71 = tpu.assume_multiple %add3A_70, 8 : i32
    %dma_start3A_72 = tpu.memref_slice %arg3[%multiple_of3A_71] : memref<320000xi32, #tpu.memory_space<hbm>> -> memref<64xi32, #tpu.memory_space<hbm>>
    %dma_start3A_73 = tpu.memref_slice %arg3[%multiple_of3A_71] : memref<320000xi32, #tpu.memory_space<hbm>> -> memref<64xi32, #tpu.memory_space<hbm>>
    tpu.enqueue_dma source(%dma_start3A_73 : memref<64xi32, #tpu.memory_space<hbm>>) target(%arg38 : memref<64xi32, #tpu.memory_space<vmem>>) target_semaphore(%arg27 : memref<!tpu.dma_semaphore, #tpu.memory_space<semaphore_mem>>)
    %dma_start3A_74 = tpu.memref_slice %arg4[%multiple_of3A_71] : memref<320000xi32, #tpu.memory_space<hbm>> -> memref<64xi32, #tpu.memory_space<hbm>>
    %dma_start3A_75 = tpu.memref_slice %arg4[%multiple_of3A_71] : memref<320000xi32, #tpu.memory_space<hbm>> -> memref<64xi32, #tpu.memory_space<hbm>>
    tpu.enqueue_dma source(%dma_start3A_75 : memref<64xi32, #tpu.memory_space<hbm>>) target(%arg18 : memref<64xi32, #tpu.memory_space<vmem>>) target_semaphore(%arg27 : memref<!tpu.dma_semaphore, #tpu.memory_space<semaphore_mem>>)
    %dma_wait3A_76 = arith.constant 0 : i32
    %dma_wait3A_77 = arith.constant 0 : i32
    %dma_wait3A_78 = tpu.memref_slice %arg8[%dma_wait3A_76, %dma_wait3A_77] : memref<10240x128xf32, #tpu.memory_space<vmem_shared>> -> memref<10240x128xf32, #tpu.memory_space<vmem_shared>>
    tpu.wait_indirect_dma semaphore(%arg43 : memref<!tpu.dma_semaphore, #tpu.memory_space<semaphore_mem>>) src(%arg33 : memref<64x128xf32, #tpu.memory_space<vmem>>) dst(%dma_wait3A_78 : memref<10240x128xf32, #tpu.memory_space<vmem_shared>>)
    %dma_wait3A_79 = arith.constant 0 : i32
    %dma_wait3A_80 = tpu.memref_slice %arg3[%dma_wait3A_79] : memref<320000xi32, #tpu.memory_space<hbm>> -> memref<64xi32, #tpu.memory_space<hbm>>
    %dma_wait3A_81 = arith.constant 0 : i32
    %dma_wait3A_82 = tpu.memref_slice %arg3[%dma_wait3A_81] : memref<320000xi32, #tpu.memory_space<hbm>> -> memref<64xi32, #tpu.memory_space<hbm>>
    tpu.wait_dma2 semaphore(%arg30 : memref<!tpu.dma_semaphore, #tpu.memory_space<semaphore_mem>>) src(%dma_wait3A_82 : memref<64xi32, #tpu.memory_space<hbm>>) dst(%arg41 : memref<64xi32, #tpu.memory_space<vmem>>)
    %dma_wait3A_83 = arith.constant 0 : i32
    %dma_wait3A_84 = tpu.memref_slice %arg4[%dma_wait3A_83] : memref<320000xi32, #tpu.memory_space<hbm>> -> memref<64xi32, #tpu.memory_space<hbm>>
    %dma_wait3A_85 = arith.constant 0 : i32
    %dma_wait3A_86 = tpu.memref_slice %arg4[%dma_wait3A_85] : memref<320000xi32, #tpu.memory_space<hbm>> -> memref<64xi32, #tpu.memory_space<hbm>>
    tpu.wait_dma2 semaphore(%arg30 : memref<!tpu.dma_semaphore, #tpu.memory_space<semaphore_mem>>) src(%dma_wait3A_86 : memref<64xi32, #tpu.memory_space<hbm>>) dst(%arg17 : memref<64xi32, #tpu.memory_space<vmem>>)
    %dma_start3A_87 = arith.constant 0 : i32
    %dma_start3A_88 = arith.constant 0 : i32
    %dma_start3A_89 = tpu.memref_slice %arg2[%dma_start3A_87, %dma_start3A_88] : memref<10000x128xf32, #tpu.memory_space<hbm>> -> memref<10000x128xf32, #tpu.memory_space<hbm>>
    tpu.enqueue_indirect_dma source(%dma_start3A_89 : memref<10000x128xf32, #tpu.memory_space<hbm>>) target(%arg36 : memref<64x128xf32, #tpu.memory_space<vmem>>) offsets(%arg41 : memref<64xi32, #tpu.memory_space<vmem>>) semaphore(%arg26 : memref<!tpu.dma_semaphore, #tpu.memory_space<semaphore_mem>>)
    %dma_wait3A_90 = arith.constant 0 : i32
    %dma_wait3A_91 = arith.constant 0 : i32
    %dma_wait3A_92 = tpu.memref_slice %arg2[%dma_wait3A_90, %dma_wait3A_91] : memref<10000x128xf32, #tpu.memory_space<hbm>> -> memref<10000x128xf32, #tpu.memory_space<hbm>>
    tpu.wait_indirect_dma semaphore(%arg24 : memref<!tpu.dma_semaphore, #tpu.memory_space<semaphore_mem>>) src(%dma_wait3A_92 : memref<10000x128xf32, #tpu.memory_space<hbm>>) dst(%arg34 : memref<64x128xf32, #tpu.memory_space<vmem>>)
    %dma_start3A_93 = arith.constant 0 : i32
    %dma_start3A_94 = arith.constant 0 : i32
    %dma_start3A_95 = tpu.memref_slice %arg8[%dma_start3A_93, %dma_start3A_94] : memref<10240x128xf32, #tpu.memory_space<vmem_shared>> -> memref<10240x128xf32, #tpu.memory_space<vmem_shared>>
    tpu.enqueue_indirect_dma source(%arg34 : memref<64x128xf32, #tpu.memory_space<vmem>>) target(%dma_start3A_95 : memref<10240x128xf32, #tpu.memory_space<vmem_shared>>) offsets(%arg15 : memref<64xi32, #tpu.memory_space<vmem>>) semaphore(%arg44 : memref<!tpu.dma_semaphore, #tpu.memory_space<semaphore_mem>>) {add = true}
    %add3A_96 = arith.constant 320 : i32
    %add3A_97 = arith.addi %add3A, %add3A_96 : i32
    %multiple_of3A_98 = tpu.assume_multiple %add3A_97, 8 : i32
    %dma_start3A_99 = tpu.memref_slice %arg3[%multiple_of3A_98] : memref<320000xi32, #tpu.memory_space<hbm>> -> memref<64xi32, #tpu.memory_space<hbm>>
    %dma_start3A_100 = tpu.memref_slice %arg3[%multiple_of3A_98] : memref<320000xi32, #tpu.memory_space<hbm>> -> memref<64xi32, #tpu.memory_space<hbm>>
    tpu.enqueue_dma source(%dma_start3A_100 : memref<64xi32, #tpu.memory_space<hbm>>) target(%arg39 : memref<64xi32, #tpu.memory_space<vmem>>) target_semaphore(%arg28 : memref<!tpu.dma_semaphore, #tpu.memory_space<semaphore_mem>>)
    %dma_start3A_101 = tpu.memref_slice %arg4[%multiple_of3A_98] : memref<320000xi32, #tpu.memory_space<hbm>> -> memref<64xi32, #tpu.memory_space<hbm>>
    %dma_start3A_102 = tpu.memref_slice %arg4[%multiple_of3A_98] : memref<320000xi32, #tpu.memory_space<hbm>> -> memref<64xi32, #tpu.memory_space<hbm>>
    tpu.enqueue_dma source(%dma_start3A_102 : memref<64xi32, #tpu.memory_space<hbm>>) target(%arg19 : memref<64xi32, #tpu.memory_space<vmem>>) target_semaphore(%arg28 : memref<!tpu.dma_semaphore, #tpu.memory_space<semaphore_mem>>)
    %scan3A = arith.constant 0 : i32
    %scan3A_103 = arith.constant 18 : i32
    %scan3A_104 = arith.addi %scan3A, %scan3A_103 : i32
    %scan3A_105 = arith.constant 1 : i32
    scf.for %scan3A_342 = %scan3A to %scan3A_104 step %scan3A_105  : i32 {
      %mul3A_343 = arith.constant 8 : i32
      %mul3A_344 = arith.muli %scan3A_342, %mul3A_343 : i32
      %add3A_345 = arith.constant 4 : i32
      %add3A_346 = arith.addi %add3A_345, %mul3A_344 : i32
      %add3A_347 = arith.constant 0 : i32
      %add3A_348 = arith.addi %add3A_346, %add3A_347 : i32
      %dma_wait3A_349 = arith.constant 0 : i32
      %dma_wait3A_350 = arith.constant 0 : i32
      %dma_wait3A_351 = tpu.memref_slice %arg8[%dma_wait3A_349, %dma_wait3A_350] : memref<10240x128xf32, #tpu.memory_space<vmem_shared>> -> memref<10240x128xf32, #tpu.memory_space<vmem_shared>>
      tpu.wait_indirect_dma semaphore(%arg44 : memref<!tpu.dma_semaphore, #tpu.memory_space<semaphore_mem>>) src(%arg34 : memref<64x128xf32, #tpu.memory_space<vmem>>) dst(%dma_wait3A_351 : memref<10240x128xf32, #tpu.memory_space<vmem_shared>>)
      %dma_wait3A_352 = arith.constant 0 : i32
      %dma_wait3A_353 = tpu.memref_slice %arg3[%dma_wait3A_352] : memref<320000xi32, #tpu.memory_space<hbm>> -> memref<64xi32, #tpu.memory_space<hbm>>
      %dma_wait3A_354 = arith.constant 0 : i32
      %dma_wait3A_355 = tpu.memref_slice %arg3[%dma_wait3A_354] : memref<320000xi32, #tpu.memory_space<hbm>> -> memref<64xi32, #tpu.memory_space<hbm>>
      tpu.wait_dma2 semaphore(%arg27 : memref<!tpu.dma_semaphore, #tpu.memory_space<semaphore_mem>>) src(%dma_wait3A_355 : memref<64xi32, #tpu.memory_space<hbm>>) dst(%arg38 : memref<64xi32, #tpu.memory_space<vmem>>)
      %dma_wait3A_356 = arith.constant 0 : i32
      %dma_wait3A_357 = tpu.memref_slice %arg4[%dma_wait3A_356] : memref<320000xi32, #tpu.memory_space<hbm>> -> memref<64xi32, #tpu.memory_space<hbm>>
      %dma_wait3A_358 = arith.constant 0 : i32
      %dma_wait3A_359 = tpu.memref_slice %arg4[%dma_wait3A_358] : memref<320000xi32, #tpu.memory_space<hbm>> -> memref<64xi32, #tpu.memory_space<hbm>>
      tpu.wait_dma2 semaphore(%arg27 : memref<!tpu.dma_semaphore, #tpu.memory_space<semaphore_mem>>) src(%dma_wait3A_359 : memref<64xi32, #tpu.memory_space<hbm>>) dst(%arg18 : memref<64xi32, #tpu.memory_space<vmem>>)
      %dma_start3A_360 = arith.constant 0 : i32
      %dma_start3A_361 = arith.constant 0 : i32
      %dma_start3A_362 = tpu.memref_slice %arg2[%dma_start3A_360, %dma_start3A_361] : memref<10000x128xf32, #tpu.memory_space<hbm>> -> memref<10000x128xf32, #tpu.memory_space<hbm>>
      tpu.enqueue_indirect_dma source(%dma_start3A_362 : memref<10000x128xf32, #tpu.memory_space<hbm>>) target(%arg33 : memref<64x128xf32, #tpu.memory_space<vmem>>) offsets(%arg38 : memref<64xi32, #tpu.memory_space<vmem>>) semaphore(%arg23 : memref<!tpu.dma_semaphore, #tpu.memory_space<semaphore_mem>>)
      %dma_wait3A_363 = arith.constant 0 : i32
      %dma_wait3A_364 = arith.constant 0 : i32
      %dma_wait3A_365 = tpu.memref_slice %arg2[%dma_wait3A_363, %dma_wait3A_364] : memref<10000x128xf32, #tpu.memory_space<hbm>> -> memref<10000x128xf32, #tpu.memory_space<hbm>>
      tpu.wait_indirect_dma semaphore(%arg25 : memref<!tpu.dma_semaphore, #tpu.memory_space<semaphore_mem>>) src(%dma_wait3A_365 : memref<10000x128xf32, #tpu.memory_space<hbm>>) dst(%arg35 : memref<64x128xf32, #tpu.memory_space<vmem>>)
      %dma_start3A_366 = arith.constant 0 : i32
      %dma_start3A_367 = arith.constant 0 : i32
      %dma_start3A_368 = tpu.memref_slice %arg8[%dma_start3A_366, %dma_start3A_367] : memref<10240x128xf32, #tpu.memory_space<vmem_shared>> -> memref<10240x128xf32, #tpu.memory_space<vmem_shared>>
      tpu.enqueue_indirect_dma source(%arg35 : memref<64x128xf32, #tpu.memory_space<vmem>>) target(%dma_start3A_368 : memref<10240x128xf32, #tpu.memory_space<vmem_shared>>) offsets(%arg16 : memref<64xi32, #tpu.memory_space<vmem>>) semaphore(%arg45 : memref<!tpu.dma_semaphore, #tpu.memory_space<semaphore_mem>>) {add = true}
      %add3A_369 = arith.constant 2 : i32
      %add3A_370 = arith.addi %add3A_348, %add3A_369 : i32
      %mul3A_371 = arith.constant 64 : i32
      %mul3A_372 = arith.muli %add3A_370, %mul3A_371 : i32
      %add3A_373 = arith.addi %add3A, %mul3A_372 : i32
      %multiple_of3A_374 = tpu.assume_multiple %add3A_373, 8 : i32
      %dma_start3A_375 = tpu.memref_slice %arg3[%multiple_of3A_374] : memref<320000xi32, #tpu.memory_space<hbm>> -> memref<64xi32, #tpu.memory_space<hbm>>
      %dma_start3A_376 = tpu.memref_slice %arg3[%multiple_of3A_374] : memref<320000xi32, #tpu.memory_space<hbm>> -> memref<64xi32, #tpu.memory_space<hbm>>
      tpu.enqueue_dma source(%dma_start3A_376 : memref<64xi32, #tpu.memory_space<hbm>>) target(%arg40 : memref<64xi32, #tpu.memory_space<vmem>>) target_semaphore(%arg29 : memref<!tpu.dma_semaphore, #tpu.memory_space<semaphore_mem>>)
      %dma_start3A_377 = tpu.memref_slice %arg4[%multiple_of3A_374] : memref<320000xi32, #tpu.memory_space<hbm>> -> memref<64xi32, #tpu.memory_space<hbm>>
      %dma_start3A_378 = tpu.memref_slice %arg4[%multiple_of3A_374] : memref<320000xi32, #tpu.memory_space<hbm>> -> memref<64xi32, #tpu.memory_space<hbm>>
      tpu.enqueue_dma source(%dma_start3A_378 : memref<64xi32, #tpu.memory_space<hbm>>) target(%arg20 : memref<64xi32, #tpu.memory_space<vmem>>) target_semaphore(%arg29 : memref<!tpu.dma_semaphore, #tpu.memory_space<semaphore_mem>>)
      %add3A_379 = arith.constant 1 : i32
      %add3A_380 = arith.addi %add3A_346, %add3A_379 : i32
      %dma_wait3A_381 = arith.constant 0 : i32
      %dma_wait3A_382 = arith.constant 0 : i32
      %dma_wait3A_383 = tpu.memref_slice %arg8[%dma_wait3A_381, %dma_wait3A_382] : memref<10240x128xf32, #tpu.memory_space<vmem_shared>> -> memref<10240x128xf32, #tpu.memory_space<vmem_shared>>
      tpu.wait_indirect_dma semaphore(%arg45 : memref<!tpu.dma_semaphore, #tpu.memory_space<semaphore_mem>>) src(%arg35 : memref<64x128xf32, #tpu.memory_space<vmem>>) dst(%dma_wait3A_383 : memref<10240x128xf32, #tpu.memory_space<vmem_shared>>)
      %dma_wait3A_384 = arith.constant 0 : i32
      %dma_wait3A_385 = tpu.memref_slice %arg3[%dma_wait3A_384] : memref<320000xi32, #tpu.memory_space<hbm>> -> memref<64xi32, #tpu.memory_space<hbm>>
      %dma_wait3A_386 = arith.constant 0 : i32
      %dma_wait3A_387 = tpu.memref_slice %arg3[%dma_wait3A_386] : memref<320000xi32, #tpu.memory_space<hbm>> -> memref<64xi32, #tpu.memory_space<hbm>>
      tpu.wait_dma2 semaphore(%arg28 : memref<!tpu.dma_semaphore, #tpu.memory_space<semaphore_mem>>) src(%dma_wait3A_387 : memref<64xi32, #tpu.memory_space<hbm>>) dst(%arg39 : memref<64xi32, #tpu.memory_space<vmem>>)
      %dma_wait3A_388 = arith.constant 0 : i32
      %dma_wait3A_389 = tpu.memref_slice %arg4[%dma_wait3A_388] : memref<320000xi32, #tpu.memory_space<hbm>> -> memref<64xi32, #tpu.memory_space<hbm>>
      %dma_wait3A_390 = arith.constant 0 : i32
      %dma_wait3A_391 = tpu.memref_slice %arg4[%dma_wait3A_390] : memref<320000xi32, #tpu.memory_space<hbm>> -> memref<64xi32, #tpu.memory_space<hbm>>
      tpu.wait_dma2 semaphore(%arg28 : memref<!tpu.dma_semaphore, #tpu.memory_space<semaphore_mem>>) src(%dma_wait3A_391 : memref<64xi32, #tpu.memory_space<hbm>>) dst(%arg19 : memref<64xi32, #tpu.memory_space<vmem>>)
      %dma_start3A_392 = arith.constant 0 : i32
      %dma_start3A_393 = arith.constant 0 : i32
      %dma_start3A_394 = tpu.memref_slice %arg2[%dma_start3A_392, %dma_start3A_393] : memref<10000x128xf32, #tpu.memory_space<hbm>> -> memref<10000x128xf32, #tpu.memory_space<hbm>>
      tpu.enqueue_indirect_dma source(%dma_start3A_394 : memref<10000x128xf32, #tpu.memory_space<hbm>>) target(%arg34 : memref<64x128xf32, #tpu.memory_space<vmem>>) offsets(%arg39 : memref<64xi32, #tpu.memory_space<vmem>>) semaphore(%arg24 : memref<!tpu.dma_semaphore, #tpu.memory_space<semaphore_mem>>)
      %dma_wait3A_395 = arith.constant 0 : i32
      %dma_wait3A_396 = arith.constant 0 : i32
      %dma_wait3A_397 = tpu.memref_slice %arg2[%dma_wait3A_395, %dma_wait3A_396] : memref<10000x128xf32, #tpu.memory_space<hbm>> -> memref<10000x128xf32, #tpu.memory_space<hbm>>
      tpu.wait_indirect_dma semaphore(%arg26 : memref<!tpu.dma_semaphore, #tpu.memory_space<semaphore_mem>>) src(%dma_wait3A_397 : memref<10000x128xf32, #tpu.memory_space<hbm>>) dst(%arg36 : memref<64x128xf32, #tpu.memory_space<vmem>>)
      %dma_start3A_398 = arith.constant 0 : i32
      %dma_start3A_399 = arith.constant 0 : i32
      %dma_start3A_400 = tpu.memref_slice %arg8[%dma_start3A_398, %dma_start3A_399] : memref<10240x128xf32, #tpu.memory_space<vmem_shared>> -> memref<10240x128xf32, #tpu.memory_space<vmem_shared>>
      tpu.enqueue_indirect_dma source(%arg36 : memref<64x128xf32, #tpu.memory_space<vmem>>) target(%dma_start3A_400 : memref<10240x128xf32, #tpu.memory_space<vmem_shared>>) offsets(%arg17 : memref<64xi32, #tpu.memory_space<vmem>>) semaphore(%arg46 : memref<!tpu.dma_semaphore, #tpu.memory_space<semaphore_mem>>) {add = true}
      %add3A_401 = arith.constant 2 : i32
      %add3A_402 = arith.addi %add3A_380, %add3A_401 : i32
      %mul3A_403 = arith.constant 64 : i32
      %mul3A_404 = arith.muli %add3A_402, %mul3A_403 : i32
      %add3A_405 = arith.addi %add3A, %mul3A_404 : i32
      %multiple_of3A_406 = tpu.assume_multiple %add3A_405, 8 : i32
      %dma_start3A_407 = tpu.memref_slice %arg3[%multiple_of3A_406] : memref<320000xi32, #tpu.memory_space<hbm>> -> memref<64xi32, #tpu.memory_space<hbm>>
      %dma_start3A_408 = tpu.memref_slice %arg3[%multiple_of3A_406] : memref<320000xi32, #tpu.memory_space<hbm>> -> memref<64xi32, #tpu.memory_space<hbm>>
      tpu.enqueue_dma source(%dma_start3A_408 : memref<64xi32, #tpu.memory_space<hbm>>) target(%arg41 : memref<64xi32, #tpu.memory_space<vmem>>) target_semaphore(%arg30 : memref<!tpu.dma_semaphore, #tpu.memory_space<semaphore_mem>>)
      %dma_start3A_409 = tpu.memref_slice %arg4[%multiple_of3A_406] : memref<320000xi32, #tpu.memory_space<hbm>> -> memref<64xi32, #tpu.memory_space<hbm>>
      %dma_start3A_410 = tpu.memref_slice %arg4[%multiple_of3A_406] : memref<320000xi32, #tpu.memory_space<hbm>> -> memref<64xi32, #tpu.memory_space<hbm>>
      tpu.enqueue_dma source(%dma_start3A_410 : memref<64xi32, #tpu.memory_space<hbm>>) target(%arg21 : memref<64xi32, #tpu.memory_space<vmem>>) target_semaphore(%arg30 : memref<!tpu.dma_semaphore, #tpu.memory_space<semaphore_mem>>)
      %add3A_411 = arith.constant 2 : i32
      %add3A_412 = arith.addi %add3A_346, %add3A_411 : i32
      %dma_wait3A_413 = arith.constant 0 : i32
      %dma_wait3A_414 = arith.constant 0 : i32
      %dma_wait3A_415 = tpu.memref_slice %arg8[%dma_wait3A_413, %dma_wait3A_414] : memref<10240x128xf32, #tpu.memory_space<vmem_shared>> -> memref<10240x128xf32, #tpu.memory_space<vmem_shared>>
      tpu.wait_indirect_dma semaphore(%arg46 : memref<!tpu.dma_semaphore, #tpu.memory_space<semaphore_mem>>) src(%arg36 : memref<64x128xf32, #tpu.memory_space<vmem>>) dst(%dma_wait3A_415 : memref<10240x128xf32, #tpu.memory_space<vmem_shared>>)
      %dma_wait3A_416 = arith.constant 0 : i32
      %dma_wait3A_417 = tpu.memref_slice %arg3[%dma_wait3A_416] : memref<320000xi32, #tpu.memory_space<hbm>> -> memref<64xi32, #tpu.memory_space<hbm>>
      %dma_wait3A_418 = arith.constant 0 : i32
      %dma_wait3A_419 = tpu.memref_slice %arg3[%dma_wait3A_418] : memref<320000xi32, #tpu.memory_space<hbm>> -> memref<64xi32, #tpu.memory_space<hbm>>
      tpu.wait_dma2 semaphore(%arg29 : memref<!tpu.dma_semaphore, #tpu.memory_space<semaphore_mem>>) src(%dma_wait3A_419 : memref<64xi32, #tpu.memory_space<hbm>>) dst(%arg40 : memref<64xi32, #tpu.memory_space<vmem>>)
      %dma_wait3A_420 = arith.constant 0 : i32
      %dma_wait3A_421 = tpu.memref_slice %arg4[%dma_wait3A_420] : memref<320000xi32, #tpu.memory_space<hbm>> -> memref<64xi32, #tpu.memory_space<hbm>>
      %dma_wait3A_422 = arith.constant 0 : i32
      %dma_wait3A_423 = tpu.memref_slice %arg4[%dma_wait3A_422] : memref<320000xi32, #tpu.memory_space<hbm>> -> memref<64xi32, #tpu.memory_space<hbm>>
      tpu.wait_dma2 semaphore(%arg29 : memref<!tpu.dma_semaphore, #tpu.memory_space<semaphore_mem>>) src(%dma_wait3A_423 : memref<64xi32, #tpu.memory_space<hbm>>) dst(%arg20 : memref<64xi32, #tpu.memory_space<vmem>>)
      %dma_start3A_424 = arith.constant 0 : i32
      %dma_start3A_425 = arith.constant 0 : i32
      %dma_start3A_426 = tpu.memref_slice %arg2[%dma_start3A_424, %dma_start3A_425] : memref<10000x128xf32, #tpu.memory_space<hbm>> -> memref<10000x128xf32, #tpu.memory_space<hbm>>
      tpu.enqueue_indirect_dma source(%dma_start3A_426 : memref<10000x128xf32, #tpu.memory_space<hbm>>) target(%arg35 : memref<64x128xf32, #tpu.memory_space<vmem>>) offsets(%arg40 : memref<64xi32, #tpu.memory_space<vmem>>) semaphore(%arg25 : memref<!tpu.dma_semaphore, #tpu.memory_space<semaphore_mem>>)
      %dma_wait3A_427 = arith.constant 0 : i32
      %dma_wait3A_428 = arith.constant 0 : i32
      %dma_wait3A_429 = tpu.memref_slice %arg2[%dma_wait3A_427, %dma_wait3A_428] : memref<10000x128xf32, #tpu.memory_space<hbm>> -> memref<10000x128xf32, #tpu.memory_space<hbm>>
      tpu.wait_indirect_dma semaphore(%arg23 : memref<!tpu.dma_semaphore, #tpu.memory_space<semaphore_mem>>) src(%dma_wait3A_429 : memref<10000x128xf32, #tpu.memory_space<hbm>>) dst(%arg33 : memref<64x128xf32, #tpu.memory_space<vmem>>)
      %dma_start3A_430 = arith.constant 0 : i32
      %dma_start3A_431 = arith.constant 0 : i32
      %dma_start3A_432 = tpu.memref_slice %arg8[%dma_start3A_430, %dma_start3A_431] : memref<10240x128xf32, #tpu.memory_space<vmem_shared>> -> memref<10240x128xf32, #tpu.memory_space<vmem_shared>>
      tpu.enqueue_indirect_dma source(%arg33 : memref<64x128xf32, #tpu.memory_space<vmem>>) target(%dma_start3A_432 : memref<10240x128xf32, #tpu.memory_space<vmem_shared>>) offsets(%arg18 : memref<64xi32, #tpu.memory_space<vmem>>) semaphore(%arg43 : memref<!tpu.dma_semaphore, #tpu.memory_space<semaphore_mem>>) {add = true}
      %add3A_433 = arith.constant 2 : i32
      %add3A_434 = arith.addi %add3A_412, %add3A_433 : i32
      %mul3A_435 = arith.constant 64 : i32
      %mul3A_436 = arith.muli %add3A_434, %mul3A_435 : i32
      %add3A_437 = arith.addi %add3A, %mul3A_436 : i32
      %multiple_of3A_438 = tpu.assume_multiple %add3A_437, 8 : i32
      %dma_start3A_439 = tpu.memref_slice %arg3[%multiple_of3A_438] : memref<320000xi32, #tpu.memory_space<hbm>> -> memref<64xi32, #tpu.memory_space<hbm>>
      %dma_start3A_440 = tpu.memref_slice %arg3[%multiple_of3A_438] : memref<320000xi32, #tpu.memory_space<hbm>> -> memref<64xi32, #tpu.memory_space<hbm>>
      tpu.enqueue_dma source(%dma_start3A_440 : memref<64xi32, #tpu.memory_space<hbm>>) target(%arg38 : memref<64xi32, #tpu.memory_space<vmem>>) target_semaphore(%arg27 : memref<!tpu.dma_semaphore, #tpu.memory_space<semaphore_mem>>)
      %dma_start3A_441 = tpu.memref_slice %arg4[%multiple_of3A_438] : memref<320000xi32, #tpu.memory_space<hbm>> -> memref<64xi32, #tpu.memory_space<hbm>>
      %dma_start3A_442 = tpu.memref_slice %arg4[%multiple_of3A_438] : memref<320000xi32, #tpu.memory_space<hbm>> -> memref<64xi32, #tpu.memory_space<hbm>>
      tpu.enqueue_dma source(%dma_start3A_442 : memref<64xi32, #tpu.memory_space<hbm>>) target(%arg14 : memref<64xi32, #tpu.memory_space<vmem>>) target_semaphore(%arg27 : memref<!tpu.dma_semaphore, #tpu.memory_space<semaphore_mem>>)
      %add3A_443 = arith.constant 3 : i32
      %add3A_444 = arith.addi %add3A_346, %add3A_443 : i32
      %dma_wait3A_445 = arith.constant 0 : i32
      %dma_wait3A_446 = arith.constant 0 : i32
      %dma_wait3A_447 = tpu.memref_slice %arg8[%dma_wait3A_445, %dma_wait3A_446] : memref<10240x128xf32, #tpu.memory_space<vmem_shared>> -> memref<10240x128xf32, #tpu.memory_space<vmem_shared>>
      tpu.wait_indirect_dma semaphore(%arg43 : memref<!tpu.dma_semaphore, #tpu.memory_space<semaphore_mem>>) src(%arg33 : memref<64x128xf32, #tpu.memory_space<vmem>>) dst(%dma_wait3A_447 : memref<10240x128xf32, #tpu.memory_space<vmem_shared>>)
      %dma_wait3A_448 = arith.constant 0 : i32
      %dma_wait3A_449 = tpu.memref_slice %arg3[%dma_wait3A_448] : memref<320000xi32, #tpu.memory_space<hbm>> -> memref<64xi32, #tpu.memory_space<hbm>>
      %dma_wait3A_450 = arith.constant 0 : i32
      %dma_wait3A_451 = tpu.memref_slice %arg3[%dma_wait3A_450] : memref<320000xi32, #tpu.memory_space<hbm>> -> memref<64xi32, #tpu.memory_space<hbm>>
      tpu.wait_dma2 semaphore(%arg30 : memref<!tpu.dma_semaphore, #tpu.memory_space<semaphore_mem>>) src(%dma_wait3A_451 : memref<64xi32, #tpu.memory_space<hbm>>) dst(%arg41 : memref<64xi32, #tpu.memory_space<vmem>>)
      %dma_wait3A_452 = arith.constant 0 : i32
      %dma_wait3A_453 = tpu.memref_slice %arg4[%dma_wait3A_452] : memref<320000xi32, #tpu.memory_space<hbm>> -> memref<64xi32, #tpu.memory_space<hbm>>
      %dma_wait3A_454 = arith.constant 0 : i32
      %dma_wait3A_455 = tpu.memref_slice %arg4[%dma_wait3A_454] : memref<320000xi32, #tpu.memory_space<hbm>> -> memref<64xi32, #tpu.memory_space<hbm>>
      tpu.wait_dma2 semaphore(%arg30 : memref<!tpu.dma_semaphore, #tpu.memory_space<semaphore_mem>>) src(%dma_wait3A_455 : memref<64xi32, #tpu.memory_space<hbm>>) dst(%arg21 : memref<64xi32, #tpu.memory_space<vmem>>)
      %dma_start3A_456 = arith.constant 0 : i32
      %dma_start3A_457 = arith.constant 0 : i32
      %dma_start3A_458 = tpu.memref_slice %arg2[%dma_start3A_456, %dma_start3A_457] : memref<10000x128xf32, #tpu.memory_space<hbm>> -> memref<10000x128xf32, #tpu.memory_space<hbm>>
      tpu.enqueue_indirect_dma source(%dma_start3A_458 : memref<10000x128xf32, #tpu.memory_space<hbm>>) target(%arg36 : memref<64x128xf32, #tpu.memory_space<vmem>>) offsets(%arg41 : memref<64xi32, #tpu.memory_space<vmem>>) semaphore(%arg26 : memref<!tpu.dma_semaphore, #tpu.memory_space<semaphore_mem>>)
      %dma_wait3A_459 = arith.constant 0 : i32
      %dma_wait3A_460 = arith.constant 0 : i32
      %dma_wait3A_461 = tpu.memref_slice %arg2[%dma_wait3A_459, %dma_wait3A_460] : memref<10000x128xf32, #tpu.memory_space<hbm>> -> memref<10000x128xf32, #tpu.memory_space<hbm>>
      tpu.wait_indirect_dma semaphore(%arg24 : memref<!tpu.dma_semaphore, #tpu.memory_space<semaphore_mem>>) src(%dma_wait3A_461 : memref<10000x128xf32, #tpu.memory_space<hbm>>) dst(%arg34 : memref<64x128xf32, #tpu.memory_space<vmem>>)
      %dma_start3A_462 = arith.constant 0 : i32
      %dma_start3A_463 = arith.constant 0 : i32
      %dma_start3A_464 = tpu.memref_slice %arg8[%dma_start3A_462, %dma_start3A_463] : memref<10240x128xf32, #tpu.memory_space<vmem_shared>> -> memref<10240x128xf32, #tpu.memory_space<vmem_shared>>
      tpu.enqueue_indirect_dma source(%arg34 : memref<64x128xf32, #tpu.memory_space<vmem>>) target(%dma_start3A_464 : memref<10240x128xf32, #tpu.memory_space<vmem_shared>>) offsets(%arg19 : memref<64xi32, #tpu.memory_space<vmem>>) semaphore(%arg44 : memref<!tpu.dma_semaphore, #tpu.memory_space<semaphore_mem>>) {add = true}
      %add3A_465 = arith.constant 2 : i32
      %add3A_466 = arith.addi %add3A_444, %add3A_465 : i32
      %mul3A_467 = arith.constant 64 : i32
      %mul3A_468 = arith.muli %add3A_466, %mul3A_467 : i32
      %add3A_469 = arith.addi %add3A, %mul3A_468 : i32
      %multiple_of3A_470 = tpu.assume_multiple %add3A_469, 8 : i32
      %dma_start3A_471 = tpu.memref_slice %arg3[%multiple_of3A_470] : memref<320000xi32, #tpu.memory_space<hbm>> -> memref<64xi32, #tpu.memory_space<hbm>>
      %dma_start3A_472 = tpu.memref_slice %arg3[%multiple_of3A_470] : memref<320000xi32, #tpu.memory_space<hbm>> -> memref<64xi32, #tpu.memory_space<hbm>>
      tpu.enqueue_dma source(%dma_start3A_472 : memref<64xi32, #tpu.memory_space<hbm>>) target(%arg39 : memref<64xi32, #tpu.memory_space<vmem>>) target_semaphore(%arg28 : memref<!tpu.dma_semaphore, #tpu.memory_space<semaphore_mem>>)
      %dma_start3A_473 = tpu.memref_slice %arg4[%multiple_of3A_470] : memref<320000xi32, #tpu.memory_space<hbm>> -> memref<64xi32, #tpu.memory_space<hbm>>
      %dma_start3A_474 = tpu.memref_slice %arg4[%multiple_of3A_470] : memref<320000xi32, #tpu.memory_space<hbm>> -> memref<64xi32, #tpu.memory_space<hbm>>
      tpu.enqueue_dma source(%dma_start3A_474 : memref<64xi32, #tpu.memory_space<hbm>>) target(%arg15 : memref<64xi32, #tpu.memory_space<vmem>>) target_semaphore(%arg28 : memref<!tpu.dma_semaphore, #tpu.memory_space<semaphore_mem>>)
      %add3A_475 = arith.constant 4 : i32
      %add3A_476 = arith.addi %add3A_346, %add3A_475 : i32
      %dma_wait3A_477 = arith.constant 0 : i32
      %dma_wait3A_478 = arith.constant 0 : i32
      %dma_wait3A_479 = tpu.memref_slice %arg8[%dma_wait3A_477, %dma_wait3A_478] : memref<10240x128xf32, #tpu.memory_space<vmem_shared>> -> memref<10240x128xf32, #tpu.memory_space<vmem_shared>>
      tpu.wait_indirect_dma semaphore(%arg44 : memref<!tpu.dma_semaphore, #tpu.memory_space<semaphore_mem>>) src(%arg34 : memref<64x128xf32, #tpu.memory_space<vmem>>) dst(%dma_wait3A_479 : memref<10240x128xf32, #tpu.memory_space<vmem_shared>>)
      %dma_wait3A_480 = arith.constant 0 : i32
      %dma_wait3A_481 = tpu.memref_slice %arg3[%dma_wait3A_480] : memref<320000xi32, #tpu.memory_space<hbm>> -> memref<64xi32, #tpu.memory_space<hbm>>
      %dma_wait3A_482 = arith.constant 0 : i32
      %dma_wait3A_483 = tpu.memref_slice %arg3[%dma_wait3A_482] : memref<320000xi32, #tpu.memory_space<hbm>> -> memref<64xi32, #tpu.memory_space<hbm>>
      tpu.wait_dma2 semaphore(%arg27 : memref<!tpu.dma_semaphore, #tpu.memory_space<semaphore_mem>>) src(%dma_wait3A_483 : memref<64xi32, #tpu.memory_space<hbm>>) dst(%arg38 : memref<64xi32, #tpu.memory_space<vmem>>)
      %dma_wait3A_484 = arith.constant 0 : i32
      %dma_wait3A_485 = tpu.memref_slice %arg4[%dma_wait3A_484] : memref<320000xi32, #tpu.memory_space<hbm>> -> memref<64xi32, #tpu.memory_space<hbm>>
      %dma_wait3A_486 = arith.constant 0 : i32
      %dma_wait3A_487 = tpu.memref_slice %arg4[%dma_wait3A_486] : memref<320000xi32, #tpu.memory_space<hbm>> -> memref<64xi32, #tpu.memory_space<hbm>>
      tpu.wait_dma2 semaphore(%arg27 : memref<!tpu.dma_semaphore, #tpu.memory_space<semaphore_mem>>) src(%dma_wait3A_487 : memref<64xi32, #tpu.memory_space<hbm>>) dst(%arg14 : memref<64xi32, #tpu.memory_space<vmem>>)
      %dma_start3A_488 = arith.constant 0 : i32
      %dma_start3A_489 = arith.constant 0 : i32
      %dma_start3A_490 = tpu.memref_slice %arg2[%dma_start3A_488, %dma_start3A_489] : memref<10000x128xf32, #tpu.memory_space<hbm>> -> memref<10000x128xf32, #tpu.memory_space<hbm>>
      tpu.enqueue_indirect_dma source(%dma_start3A_490 : memref<10000x128xf32, #tpu.memory_space<hbm>>) target(%arg33 : memref<64x128xf32, #tpu.memory_space<vmem>>) offsets(%arg38 : memref<64xi32, #tpu.memory_space<vmem>>) semaphore(%arg23 : memref<!tpu.dma_semaphore, #tpu.memory_space<semaphore_mem>>)
      %dma_wait3A_491 = arith.constant 0 : i32
      %dma_wait3A_492 = arith.constant 0 : i32
      %dma_wait3A_493 = tpu.memref_slice %arg2[%dma_wait3A_491, %dma_wait3A_492] : memref<10000x128xf32, #tpu.memory_space<hbm>> -> memref<10000x128xf32, #tpu.memory_space<hbm>>
      tpu.wait_indirect_dma semaphore(%arg25 : memref<!tpu.dma_semaphore, #tpu.memory_space<semaphore_mem>>) src(%dma_wait3A_493 : memref<10000x128xf32, #tpu.memory_space<hbm>>) dst(%arg35 : memref<64x128xf32, #tpu.memory_space<vmem>>)
      %dma_start3A_494 = arith.constant 0 : i32
      %dma_start3A_495 = arith.constant 0 : i32
      %dma_start3A_496 = tpu.memref_slice %arg8[%dma_start3A_494, %dma_start3A_495] : memref<10240x128xf32, #tpu.memory_space<vmem_shared>> -> memref<10240x128xf32, #tpu.memory_space<vmem_shared>>
      tpu.enqueue_indirect_dma source(%arg35 : memref<64x128xf32, #tpu.memory_space<vmem>>) target(%dma_start3A_496 : memref<10240x128xf32, #tpu.memory_space<vmem_shared>>) offsets(%arg20 : memref<64xi32, #tpu.memory_space<vmem>>) semaphore(%arg45 : memref<!tpu.dma_semaphore, #tpu.memory_space<semaphore_mem>>) {add = true}
      %add3A_497 = arith.constant 2 : i32
      %add3A_498 = arith.addi %add3A_476, %add3A_497 : i32
      %mul3A_499 = arith.constant 64 : i32
      %mul3A_500 = arith.muli %add3A_498, %mul3A_499 : i32
      %add3A_501 = arith.addi %add3A, %mul3A_500 : i32
      %multiple_of3A_502 = tpu.assume_multiple %add3A_501, 8 : i32
      %dma_start3A_503 = tpu.memref_slice %arg3[%multiple_of3A_502] : memref<320000xi32, #tpu.memory_space<hbm>> -> memref<64xi32, #tpu.memory_space<hbm>>
      %dma_start3A_504 = tpu.memref_slice %arg3[%multiple_of3A_502] : memref<320000xi32, #tpu.memory_space<hbm>> -> memref<64xi32, #tpu.memory_space<hbm>>
      tpu.enqueue_dma source(%dma_start3A_504 : memref<64xi32, #tpu.memory_space<hbm>>) target(%arg40 : memref<64xi32, #tpu.memory_space<vmem>>) target_semaphore(%arg29 : memref<!tpu.dma_semaphore, #tpu.memory_space<semaphore_mem>>)
      %dma_start3A_505 = tpu.memref_slice %arg4[%multiple_of3A_502] : memref<320000xi32, #tpu.memory_space<hbm>> -> memref<64xi32, #tpu.memory_space<hbm>>
      %dma_start3A_506 = tpu.memref_slice %arg4[%multiple_of3A_502] : memref<320000xi32, #tpu.memory_space<hbm>> -> memref<64xi32, #tpu.memory_space<hbm>>
      tpu.enqueue_dma source(%dma_start3A_506 : memref<64xi32, #tpu.memory_space<hbm>>) target(%arg16 : memref<64xi32, #tpu.memory_space<vmem>>) target_semaphore(%arg29 : memref<!tpu.dma_semaphore, #tpu.memory_space<semaphore_mem>>)
      %add3A_507 = arith.constant 5 : i32
      %add3A_508 = arith.addi %add3A_346, %add3A_507 : i32
      %dma_wait3A_509 = arith.constant 0 : i32
      %dma_wait3A_510 = arith.constant 0 : i32
      %dma_wait3A_511 = tpu.memref_slice %arg8[%dma_wait3A_509, %dma_wait3A_510] : memref<10240x128xf32, #tpu.memory_space<vmem_shared>> -> memref<10240x128xf32, #tpu.memory_space<vmem_shared>>
      tpu.wait_indirect_dma semaphore(%arg45 : memref<!tpu.dma_semaphore, #tpu.memory_space<semaphore_mem>>) src(%arg35 : memref<64x128xf32, #tpu.memory_space<vmem>>) dst(%dma_wait3A_511 : memref<10240x128xf32, #tpu.memory_space<vmem_shared>>)
      %dma_wait3A_512 = arith.constant 0 : i32
      %dma_wait3A_513 = tpu.memref_slice %arg3[%dma_wait3A_512] : memref<320000xi32, #tpu.memory_space<hbm>> -> memref<64xi32, #tpu.memory_space<hbm>>
      %dma_wait3A_514 = arith.constant 0 : i32
      %dma_wait3A_515 = tpu.memref_slice %arg3[%dma_wait3A_514] : memref<320000xi32, #tpu.memory_space<hbm>> -> memref<64xi32, #tpu.memory_space<hbm>>
      tpu.wait_dma2 semaphore(%arg28 : memref<!tpu.dma_semaphore, #tpu.memory_space<semaphore_mem>>) src(%dma_wait3A_515 : memref<64xi32, #tpu.memory_space<hbm>>) dst(%arg39 : memref<64xi32, #tpu.memory_space<vmem>>)
      %dma_wait3A_516 = arith.constant 0 : i32
      %dma_wait3A_517 = tpu.memref_slice %arg4[%dma_wait3A_516] : memref<320000xi32, #tpu.memory_space<hbm>> -> memref<64xi32, #tpu.memory_space<hbm>>
      %dma_wait3A_518 = arith.constant 0 : i32
      %dma_wait3A_519 = tpu.memref_slice %arg4[%dma_wait3A_518] : memref<320000xi32, #tpu.memory_space<hbm>> -> memref<64xi32, #tpu.memory_space<hbm>>
      tpu.wait_dma2 semaphore(%arg28 : memref<!tpu.dma_semaphore, #tpu.memory_space<semaphore_mem>>) src(%dma_wait3A_519 : memref<64xi32, #tpu.memory_space<hbm>>) dst(%arg15 : memref<64xi32, #tpu.memory_space<vmem>>)
      %dma_start3A_520 = arith.constant 0 : i32
      %dma_start3A_521 = arith.constant 0 : i32
      %dma_start3A_522 = tpu.memref_slice %arg2[%dma_start3A_520, %dma_start3A_521] : memref<10000x128xf32, #tpu.memory_space<hbm>> -> memref<10000x128xf32, #tpu.memory_space<hbm>>
      tpu.enqueue_indirect_dma source(%dma_start3A_522 : memref<10000x128xf32, #tpu.memory_space<hbm>>) target(%arg34 : memref<64x128xf32, #tpu.memory_space<vmem>>) offsets(%arg39 : memref<64xi32, #tpu.memory_space<vmem>>) semaphore(%arg24 : memref<!tpu.dma_semaphore, #tpu.memory_space<semaphore_mem>>)
      %dma_wait3A_523 = arith.constant 0 : i32
      %dma_wait3A_524 = arith.constant 0 : i32
      %dma_wait3A_525 = tpu.memref_slice %arg2[%dma_wait3A_523, %dma_wait3A_524] : memref<10000x128xf32, #tpu.memory_space<hbm>> -> memref<10000x128xf32, #tpu.memory_space<hbm>>
      tpu.wait_indirect_dma semaphore(%arg26 : memref<!tpu.dma_semaphore, #tpu.memory_space<semaphore_mem>>) src(%dma_wait3A_525 : memref<10000x128xf32, #tpu.memory_space<hbm>>) dst(%arg36 : memref<64x128xf32, #tpu.memory_space<vmem>>)
      %dma_start3A_526 = arith.constant 0 : i32
      %dma_start3A_527 = arith.constant 0 : i32
      %dma_start3A_528 = tpu.memref_slice %arg8[%dma_start3A_526, %dma_start3A_527] : memref<10240x128xf32, #tpu.memory_space<vmem_shared>> -> memref<10240x128xf32, #tpu.memory_space<vmem_shared>>
      tpu.enqueue_indirect_dma source(%arg36 : memref<64x128xf32, #tpu.memory_space<vmem>>) target(%dma_start3A_528 : memref<10240x128xf32, #tpu.memory_space<vmem_shared>>) offsets(%arg21 : memref<64xi32, #tpu.memory_space<vmem>>) semaphore(%arg46 : memref<!tpu.dma_semaphore, #tpu.memory_space<semaphore_mem>>) {add = true}
      %add3A_529 = arith.constant 2 : i32
      %add3A_530 = arith.addi %add3A_508, %add3A_529 : i32
      %mul3A_531 = arith.constant 64 : i32
      %mul3A_532 = arith.muli %add3A_530, %mul3A_531 : i32
      %add3A_533 = arith.addi %add3A, %mul3A_532 : i32
      %multiple_of3A_534 = tpu.assume_multiple %add3A_533, 8 : i32
      %dma_start3A_535 = tpu.memref_slice %arg3[%multiple_of3A_534] : memref<320000xi32, #tpu.memory_space<hbm>> -> memref<64xi32, #tpu.memory_space<hbm>>
      %dma_start3A_536 = tpu.memref_slice %arg3[%multiple_of3A_534] : memref<320000xi32, #tpu.memory_space<hbm>> -> memref<64xi32, #tpu.memory_space<hbm>>
      tpu.enqueue_dma source(%dma_start3A_536 : memref<64xi32, #tpu.memory_space<hbm>>) target(%arg41 : memref<64xi32, #tpu.memory_space<vmem>>) target_semaphore(%arg30 : memref<!tpu.dma_semaphore, #tpu.memory_space<semaphore_mem>>)
      %dma_start3A_537 = tpu.memref_slice %arg4[%multiple_of3A_534] : memref<320000xi32, #tpu.memory_space<hbm>> -> memref<64xi32, #tpu.memory_space<hbm>>
      %dma_start3A_538 = tpu.memref_slice %arg4[%multiple_of3A_534] : memref<320000xi32, #tpu.memory_space<hbm>> -> memref<64xi32, #tpu.memory_space<hbm>>
      tpu.enqueue_dma source(%dma_start3A_538 : memref<64xi32, #tpu.memory_space<hbm>>) target(%arg17 : memref<64xi32, #tpu.memory_space<vmem>>) target_semaphore(%arg30 : memref<!tpu.dma_semaphore, #tpu.memory_space<semaphore_mem>>)
      %add3A_539 = arith.constant 6 : i32
      %add3A_540 = arith.addi %add3A_346, %add3A_539 : i32
      %dma_wait3A_541 = arith.constant 0 : i32
      %dma_wait3A_542 = arith.constant 0 : i32
      %dma_wait3A_543 = tpu.memref_slice %arg8[%dma_wait3A_541, %dma_wait3A_542] : memref<10240x128xf32, #tpu.memory_space<vmem_shared>> -> memref<10240x128xf32, #tpu.memory_space<vmem_shared>>
      tpu.wait_indirect_dma semaphore(%arg46 : memref<!tpu.dma_semaphore, #tpu.memory_space<semaphore_mem>>) src(%arg36 : memref<64x128xf32, #tpu.memory_space<vmem>>) dst(%dma_wait3A_543 : memref<10240x128xf32, #tpu.memory_space<vmem_shared>>)
      %dma_wait3A_544 = arith.constant 0 : i32
      %dma_wait3A_545 = tpu.memref_slice %arg3[%dma_wait3A_544] : memref<320000xi32, #tpu.memory_space<hbm>> -> memref<64xi32, #tpu.memory_space<hbm>>
      %dma_wait3A_546 = arith.constant 0 : i32
      %dma_wait3A_547 = tpu.memref_slice %arg3[%dma_wait3A_546] : memref<320000xi32, #tpu.memory_space<hbm>> -> memref<64xi32, #tpu.memory_space<hbm>>
      tpu.wait_dma2 semaphore(%arg29 : memref<!tpu.dma_semaphore, #tpu.memory_space<semaphore_mem>>) src(%dma_wait3A_547 : memref<64xi32, #tpu.memory_space<hbm>>) dst(%arg40 : memref<64xi32, #tpu.memory_space<vmem>>)
      %dma_wait3A_548 = arith.constant 0 : i32
      %dma_wait3A_549 = tpu.memref_slice %arg4[%dma_wait3A_548] : memref<320000xi32, #tpu.memory_space<hbm>> -> memref<64xi32, #tpu.memory_space<hbm>>
      %dma_wait3A_550 = arith.constant 0 : i32
      %dma_wait3A_551 = tpu.memref_slice %arg4[%dma_wait3A_550] : memref<320000xi32, #tpu.memory_space<hbm>> -> memref<64xi32, #tpu.memory_space<hbm>>
      tpu.wait_dma2 semaphore(%arg29 : memref<!tpu.dma_semaphore, #tpu.memory_space<semaphore_mem>>) src(%dma_wait3A_551 : memref<64xi32, #tpu.memory_space<hbm>>) dst(%arg16 : memref<64xi32, #tpu.memory_space<vmem>>)
      %dma_start3A_552 = arith.constant 0 : i32
      %dma_start3A_553 = arith.constant 0 : i32
      %dma_start3A_554 = tpu.memref_slice %arg2[%dma_start3A_552, %dma_start3A_553] : memref<10000x128xf32, #tpu.memory_space<hbm>> -> memref<10000x128xf32, #tpu.memory_space<hbm>>
      tpu.enqueue_indirect_dma source(%dma_start3A_554 : memref<10000x128xf32, #tpu.memory_space<hbm>>) target(%arg35 : memref<64x128xf32, #tpu.memory_space<vmem>>) offsets(%arg40 : memref<64xi32, #tpu.memory_space<vmem>>) semaphore(%arg25 : memref<!tpu.dma_semaphore, #tpu.memory_space<semaphore_mem>>)
      %dma_wait3A_555 = arith.constant 0 : i32
      %dma_wait3A_556 = arith.constant 0 : i32
      %dma_wait3A_557 = tpu.memref_slice %arg2[%dma_wait3A_555, %dma_wait3A_556] : memref<10000x128xf32, #tpu.memory_space<hbm>> -> memref<10000x128xf32, #tpu.memory_space<hbm>>
      tpu.wait_indirect_dma semaphore(%arg23 : memref<!tpu.dma_semaphore, #tpu.memory_space<semaphore_mem>>) src(%dma_wait3A_557 : memref<10000x128xf32, #tpu.memory_space<hbm>>) dst(%arg33 : memref<64x128xf32, #tpu.memory_space<vmem>>)
      %dma_start3A_558 = arith.constant 0 : i32
      %dma_start3A_559 = arith.constant 0 : i32
      %dma_start3A_560 = tpu.memref_slice %arg8[%dma_start3A_558, %dma_start3A_559] : memref<10240x128xf32, #tpu.memory_space<vmem_shared>> -> memref<10240x128xf32, #tpu.memory_space<vmem_shared>>
      tpu.enqueue_indirect_dma source(%arg33 : memref<64x128xf32, #tpu.memory_space<vmem>>) target(%dma_start3A_560 : memref<10240x128xf32, #tpu.memory_space<vmem_shared>>) offsets(%arg14 : memref<64xi32, #tpu.memory_space<vmem>>) semaphore(%arg43 : memref<!tpu.dma_semaphore, #tpu.memory_space<semaphore_mem>>) {add = true}
      %add3A_561 = arith.constant 2 : i32
      %add3A_562 = arith.addi %add3A_540, %add3A_561 : i32
      %mul3A_563 = arith.constant 64 : i32
      %mul3A_564 = arith.muli %add3A_562, %mul3A_563 : i32
      %add3A_565 = arith.addi %add3A, %mul3A_564 : i32
      %multiple_of3A_566 = tpu.assume_multiple %add3A_565, 8 : i32
      %dma_start3A_567 = tpu.memref_slice %arg3[%multiple_of3A_566] : memref<320000xi32, #tpu.memory_space<hbm>> -> memref<64xi32, #tpu.memory_space<hbm>>
      %dma_start3A_568 = tpu.memref_slice %arg3[%multiple_of3A_566] : memref<320000xi32, #tpu.memory_space<hbm>> -> memref<64xi32, #tpu.memory_space<hbm>>
      tpu.enqueue_dma source(%dma_start3A_568 : memref<64xi32, #tpu.memory_space<hbm>>) target(%arg38 : memref<64xi32, #tpu.memory_space<vmem>>) target_semaphore(%arg27 : memref<!tpu.dma_semaphore, #tpu.memory_space<semaphore_mem>>)
      %dma_start3A_569 = tpu.memref_slice %arg4[%multiple_of3A_566] : memref<320000xi32, #tpu.memory_space<hbm>> -> memref<64xi32, #tpu.memory_space<hbm>>
      %dma_start3A_570 = tpu.memref_slice %arg4[%multiple_of3A_566] : memref<320000xi32, #tpu.memory_space<hbm>> -> memref<64xi32, #tpu.memory_space<hbm>>
      tpu.enqueue_dma source(%dma_start3A_570 : memref<64xi32, #tpu.memory_space<hbm>>) target(%arg18 : memref<64xi32, #tpu.memory_space<vmem>>) target_semaphore(%arg27 : memref<!tpu.dma_semaphore, #tpu.memory_space<semaphore_mem>>)
      %add3A_571 = arith.constant 7 : i32
      %add3A_572 = arith.addi %add3A_346, %add3A_571 : i32
      %dma_wait3A_573 = arith.constant 0 : i32
      %dma_wait3A_574 = arith.constant 0 : i32
      %dma_wait3A_575 = tpu.memref_slice %arg8[%dma_wait3A_573, %dma_wait3A_574] : memref<10240x128xf32, #tpu.memory_space<vmem_shared>> -> memref<10240x128xf32, #tpu.memory_space<vmem_shared>>
      tpu.wait_indirect_dma semaphore(%arg43 : memref<!tpu.dma_semaphore, #tpu.memory_space<semaphore_mem>>) src(%arg33 : memref<64x128xf32, #tpu.memory_space<vmem>>) dst(%dma_wait3A_575 : memref<10240x128xf32, #tpu.memory_space<vmem_shared>>)
      %dma_wait3A_576 = arith.constant 0 : i32
      %dma_wait3A_577 = tpu.memref_slice %arg3[%dma_wait3A_576] : memref<320000xi32, #tpu.memory_space<hbm>> -> memref<64xi32, #tpu.memory_space<hbm>>
      %dma_wait3A_578 = arith.constant 0 : i32
      %dma_wait3A_579 = tpu.memref_slice %arg3[%dma_wait3A_578] : memref<320000xi32, #tpu.memory_space<hbm>> -> memref<64xi32, #tpu.memory_space<hbm>>
      tpu.wait_dma2 semaphore(%arg30 : memref<!tpu.dma_semaphore, #tpu.memory_space<semaphore_mem>>) src(%dma_wait3A_579 : memref<64xi32, #tpu.memory_space<hbm>>) dst(%arg41 : memref<64xi32, #tpu.memory_space<vmem>>)
      %dma_wait3A_580 = arith.constant 0 : i32
      %dma_wait3A_581 = tpu.memref_slice %arg4[%dma_wait3A_580] : memref<320000xi32, #tpu.memory_space<hbm>> -> memref<64xi32, #tpu.memory_space<hbm>>
      %dma_wait3A_582 = arith.constant 0 : i32
      %dma_wait3A_583 = tpu.memref_slice %arg4[%dma_wait3A_582] : memref<320000xi32, #tpu.memory_space<hbm>> -> memref<64xi32, #tpu.memory_space<hbm>>
      tpu.wait_dma2 semaphore(%arg30 : memref<!tpu.dma_semaphore, #tpu.memory_space<semaphore_mem>>) src(%dma_wait3A_583 : memref<64xi32, #tpu.memory_space<hbm>>) dst(%arg17 : memref<64xi32, #tpu.memory_space<vmem>>)
      %dma_start3A_584 = arith.constant 0 : i32
      %dma_start3A_585 = arith.constant 0 : i32
      %dma_start3A_586 = tpu.memref_slice %arg2[%dma_start3A_584, %dma_start3A_585] : memref<10000x128xf32, #tpu.memory_space<hbm>> -> memref<10000x128xf32, #tpu.memory_space<hbm>>
      tpu.enqueue_indirect_dma source(%dma_start3A_586 : memref<10000x128xf32, #tpu.memory_space<hbm>>) target(%arg36 : memref<64x128xf32, #tpu.memory_space<vmem>>) offsets(%arg41 : memref<64xi32, #tpu.memory_space<vmem>>) semaphore(%arg26 : memref<!tpu.dma_semaphore, #tpu.memory_space<semaphore_mem>>)
      %dma_wait3A_587 = arith.constant 0 : i32
      %dma_wait3A_588 = arith.constant 0 : i32
      %dma_wait3A_589 = tpu.memref_slice %arg2[%dma_wait3A_587, %dma_wait3A_588] : memref<10000x128xf32, #tpu.memory_space<hbm>> -> memref<10000x128xf32, #tpu.memory_space<hbm>>
      tpu.wait_indirect_dma semaphore(%arg24 : memref<!tpu.dma_semaphore, #tpu.memory_space<semaphore_mem>>) src(%dma_wait3A_589 : memref<10000x128xf32, #tpu.memory_space<hbm>>) dst(%arg34 : memref<64x128xf32, #tpu.memory_space<vmem>>)
      %dma_start3A_590 = arith.constant 0 : i32
      %dma_start3A_591 = arith.constant 0 : i32
      %dma_start3A_592 = tpu.memref_slice %arg8[%dma_start3A_590, %dma_start3A_591] : memref<10240x128xf32, #tpu.memory_space<vmem_shared>> -> memref<10240x128xf32, #tpu.memory_space<vmem_shared>>
      tpu.enqueue_indirect_dma source(%arg34 : memref<64x128xf32, #tpu.memory_space<vmem>>) target(%dma_start3A_592 : memref<10240x128xf32, #tpu.memory_space<vmem_shared>>) offsets(%arg15 : memref<64xi32, #tpu.memory_space<vmem>>) semaphore(%arg44 : memref<!tpu.dma_semaphore, #tpu.memory_space<semaphore_mem>>) {add = true}
      %add3A_593 = arith.constant 2 : i32
      %add3A_594 = arith.addi %add3A_572, %add3A_593 : i32
      %mul3A_595 = arith.constant 64 : i32
      %mul3A_596 = arith.muli %add3A_594, %mul3A_595 : i32
      %add3A_597 = arith.addi %add3A, %mul3A_596 : i32
      %multiple_of3A_598 = tpu.assume_multiple %add3A_597, 8 : i32
      %dma_start3A_599 = tpu.memref_slice %arg3[%multiple_of3A_598] : memref<320000xi32, #tpu.memory_space<hbm>> -> memref<64xi32, #tpu.memory_space<hbm>>
      %dma_start3A_600 = tpu.memref_slice %arg3[%multiple_of3A_598] : memref<320000xi32, #tpu.memory_space<hbm>> -> memref<64xi32, #tpu.memory_space<hbm>>
      tpu.enqueue_dma source(%dma_start3A_600 : memref<64xi32, #tpu.memory_space<hbm>>) target(%arg39 : memref<64xi32, #tpu.memory_space<vmem>>) target_semaphore(%arg28 : memref<!tpu.dma_semaphore, #tpu.memory_space<semaphore_mem>>)
      %dma_start3A_601 = tpu.memref_slice %arg4[%multiple_of3A_598] : memref<320000xi32, #tpu.memory_space<hbm>> -> memref<64xi32, #tpu.memory_space<hbm>>
      %dma_start3A_602 = tpu.memref_slice %arg4[%multiple_of3A_598] : memref<320000xi32, #tpu.memory_space<hbm>> -> memref<64xi32, #tpu.memory_space<hbm>>
      tpu.enqueue_dma source(%dma_start3A_602 : memref<64xi32, #tpu.memory_space<hbm>>) target(%arg19 : memref<64xi32, #tpu.memory_space<vmem>>) target_semaphore(%arg28 : memref<!tpu.dma_semaphore, #tpu.memory_space<semaphore_mem>>)
    }
    %scan3A_106 = arith.constant 18 : i32
    %dma_wait3A_107 = arith.constant 0 : i32
    %dma_wait3A_108 = arith.constant 0 : i32
    %dma_wait3A_109 = tpu.memref_slice %arg8[%dma_wait3A_107, %dma_wait3A_108] : memref<10240x128xf32, #tpu.memory_space<vmem_shared>> -> memref<10240x128xf32, #tpu.memory_space<vmem_shared>>
    tpu.wait_indirect_dma semaphore(%arg44 : memref<!tpu.dma_semaphore, #tpu.memory_space<semaphore_mem>>) src(%arg34 : memref<64x128xf32, #tpu.memory_space<vmem>>) dst(%dma_wait3A_109 : memref<10240x128xf32, #tpu.memory_space<vmem_shared>>)
    %dma_wait3A_110 = arith.constant 0 : i32
    %dma_wait3A_111 = tpu.memref_slice %arg3[%dma_wait3A_110] : memref<320000xi32, #tpu.memory_space<hbm>> -> memref<64xi32, #tpu.memory_space<hbm>>
    %dma_wait3A_112 = arith.constant 0 : i32
    %dma_wait3A_113 = tpu.memref_slice %arg3[%dma_wait3A_112] : memref<320000xi32, #tpu.memory_space<hbm>> -> memref<64xi32, #tpu.memory_space<hbm>>
    tpu.wait_dma2 semaphore(%arg27 : memref<!tpu.dma_semaphore, #tpu.memory_space<semaphore_mem>>) src(%dma_wait3A_113 : memref<64xi32, #tpu.memory_space<hbm>>) dst(%arg38 : memref<64xi32, #tpu.memory_space<vmem>>)
    %dma_wait3A_114 = arith.constant 0 : i32
    %dma_wait3A_115 = tpu.memref_slice %arg4[%dma_wait3A_114] : memref<320000xi32, #tpu.memory_space<hbm>> -> memref<64xi32, #tpu.memory_space<hbm>>
    %dma_wait3A_116 = arith.constant 0 : i32
    %dma_wait3A_117 = tpu.memref_slice %arg4[%dma_wait3A_116] : memref<320000xi32, #tpu.memory_space<hbm>> -> memref<64xi32, #tpu.memory_space<hbm>>
    tpu.wait_dma2 semaphore(%arg27 : memref<!tpu.dma_semaphore, #tpu.memory_space<semaphore_mem>>) src(%dma_wait3A_117 : memref<64xi32, #tpu.memory_space<hbm>>) dst(%arg18 : memref<64xi32, #tpu.memory_space<vmem>>)
    %dma_start3A_118 = arith.constant 0 : i32
    %dma_start3A_119 = arith.constant 0 : i32
    %dma_start3A_120 = tpu.memref_slice %arg2[%dma_start3A_118, %dma_start3A_119] : memref<10000x128xf32, #tpu.memory_space<hbm>> -> memref<10000x128xf32, #tpu.memory_space<hbm>>
    tpu.enqueue_indirect_dma source(%dma_start3A_120 : memref<10000x128xf32, #tpu.memory_space<hbm>>) target(%arg33 : memref<64x128xf32, #tpu.memory_space<vmem>>) offsets(%arg38 : memref<64xi32, #tpu.memory_space<vmem>>) semaphore(%arg23 : memref<!tpu.dma_semaphore, #tpu.memory_space<semaphore_mem>>)
    %dma_wait3A_121 = arith.constant 0 : i32
    %dma_wait3A_122 = arith.constant 0 : i32
    %dma_wait3A_123 = tpu.memref_slice %arg2[%dma_wait3A_121, %dma_wait3A_122] : memref<10000x128xf32, #tpu.memory_space<hbm>> -> memref<10000x128xf32, #tpu.memory_space<hbm>>
    tpu.wait_indirect_dma semaphore(%arg25 : memref<!tpu.dma_semaphore, #tpu.memory_space<semaphore_mem>>) src(%dma_wait3A_123 : memref<10000x128xf32, #tpu.memory_space<hbm>>) dst(%arg35 : memref<64x128xf32, #tpu.memory_space<vmem>>)
    %dma_start3A_124 = arith.constant 0 : i32
    %dma_start3A_125 = arith.constant 0 : i32
    %dma_start3A_126 = tpu.memref_slice %arg8[%dma_start3A_124, %dma_start3A_125] : memref<10240x128xf32, #tpu.memory_space<vmem_shared>> -> memref<10240x128xf32, #tpu.memory_space<vmem_shared>>
    tpu.enqueue_indirect_dma source(%arg35 : memref<64x128xf32, #tpu.memory_space<vmem>>) target(%dma_start3A_126 : memref<10240x128xf32, #tpu.memory_space<vmem_shared>>) offsets(%arg16 : memref<64xi32, #tpu.memory_space<vmem>>) semaphore(%arg45 : memref<!tpu.dma_semaphore, #tpu.memory_space<semaphore_mem>>) {add = true}
    %add3A_127 = arith.constant 9600 : i32
    %add3A_128 = arith.addi %add3A, %add3A_127 : i32
    %multiple_of3A_129 = tpu.assume_multiple %add3A_128, 8 : i32
    %dma_start3A_130 = tpu.memref_slice %arg3[%multiple_of3A_129] : memref<320000xi32, #tpu.memory_space<hbm>> -> memref<64xi32, #tpu.memory_space<hbm>>
    %dma_start3A_131 = tpu.memref_slice %arg3[%multiple_of3A_129] : memref<320000xi32, #tpu.memory_space<hbm>> -> memref<64xi32, #tpu.memory_space<hbm>>
    tpu.enqueue_dma source(%dma_start3A_131 : memref<64xi32, #tpu.memory_space<hbm>>) target(%arg40 : memref<64xi32, #tpu.memory_space<vmem>>) target_semaphore(%arg29 : memref<!tpu.dma_semaphore, #tpu.memory_space<semaphore_mem>>)
    %dma_start3A_132 = tpu.memref_slice %arg4[%multiple_of3A_129] : memref<320000xi32, #tpu.memory_space<hbm>> -> memref<64xi32, #tpu.memory_space<hbm>>
    %dma_start3A_133 = tpu.memref_slice %arg4[%multiple_of3A_129] : memref<320000xi32, #tpu.memory_space<hbm>> -> memref<64xi32, #tpu.memory_space<hbm>>
    tpu.enqueue_dma source(%dma_start3A_133 : memref<64xi32, #tpu.memory_space<hbm>>) target(%arg20 : memref<64xi32, #tpu.memory_space<vmem>>) target_semaphore(%arg29 : memref<!tpu.dma_semaphore, #tpu.memory_space<semaphore_mem>>)
    %dma_wait3A_134 = arith.constant 0 : i32
    %dma_wait3A_135 = arith.constant 0 : i32
    %dma_wait3A_136 = tpu.memref_slice %arg8[%dma_wait3A_134, %dma_wait3A_135] : memref<10240x128xf32, #tpu.memory_space<vmem_shared>> -> memref<10240x128xf32, #tpu.memory_space<vmem_shared>>
    tpu.wait_indirect_dma semaphore(%arg45 : memref<!tpu.dma_semaphore, #tpu.memory_space<semaphore_mem>>) src(%arg35 : memref<64x128xf32, #tpu.memory_space<vmem>>) dst(%dma_wait3A_136 : memref<10240x128xf32, #tpu.memory_space<vmem_shared>>)
    %dma_wait3A_137 = arith.constant 0 : i32
    %dma_wait3A_138 = tpu.memref_slice %arg3[%dma_wait3A_137] : memref<320000xi32, #tpu.memory_space<hbm>> -> memref<64xi32, #tpu.memory_space<hbm>>
    %dma_wait3A_139 = arith.constant 0 : i32
    %dma_wait3A_140 = tpu.memref_slice %arg3[%dma_wait3A_139] : memref<320000xi32, #tpu.memory_space<hbm>> -> memref<64xi32, #tpu.memory_space<hbm>>
    tpu.wait_dma2 semaphore(%arg28 : memref<!tpu.dma_semaphore, #tpu.memory_space<semaphore_mem>>) src(%dma_wait3A_140 : memref<64xi32, #tpu.memory_space<hbm>>) dst(%arg39 : memref<64xi32, #tpu.memory_space<vmem>>)
    %dma_wait3A_141 = arith.constant 0 : i32
    %dma_wait3A_142 = tpu.memref_slice %arg4[%dma_wait3A_141] : memref<320000xi32, #tpu.memory_space<hbm>> -> memref<64xi32, #tpu.memory_space<hbm>>
    %dma_wait3A_143 = arith.constant 0 : i32
    %dma_wait3A_144 = tpu.memref_slice %arg4[%dma_wait3A_143] : memref<320000xi32, #tpu.memory_space<hbm>> -> memref<64xi32, #tpu.memory_space<hbm>>
    tpu.wait_dma2 semaphore(%arg28 : memref<!tpu.dma_semaphore, #tpu.memory_space<semaphore_mem>>) src(%dma_wait3A_144 : memref<64xi32, #tpu.memory_space<hbm>>) dst(%arg19 : memref<64xi32, #tpu.memory_space<vmem>>)
    %dma_start3A_145 = arith.constant 0 : i32
    %dma_start3A_146 = arith.constant 0 : i32
    %dma_start3A_147 = tpu.memref_slice %arg2[%dma_start3A_145, %dma_start3A_146] : memref<10000x128xf32, #tpu.memory_space<hbm>> -> memref<10000x128xf32, #tpu.memory_space<hbm>>
    tpu.enqueue_indirect_dma source(%dma_start3A_147 : memref<10000x128xf32, #tpu.memory_space<hbm>>) target(%arg34 : memref<64x128xf32, #tpu.memory_space<vmem>>) offsets(%arg39 : memref<64xi32, #tpu.memory_space<vmem>>) semaphore(%arg24 : memref<!tpu.dma_semaphore, #tpu.memory_space<semaphore_mem>>)
    %dma_wait3A_148 = arith.constant 0 : i32
    %dma_wait3A_149 = arith.constant 0 : i32
    %dma_wait3A_150 = tpu.memref_slice %arg2[%dma_wait3A_148, %dma_wait3A_149] : memref<10000x128xf32, #tpu.memory_space<hbm>> -> memref<10000x128xf32, #tpu.memory_space<hbm>>
    tpu.wait_indirect_dma semaphore(%arg26 : memref<!tpu.dma_semaphore, #tpu.memory_space<semaphore_mem>>) src(%dma_wait3A_150 : memref<10000x128xf32, #tpu.memory_space<hbm>>) dst(%arg36 : memref<64x128xf32, #tpu.memory_space<vmem>>)
    %dma_start3A_151 = arith.constant 0 : i32
    %dma_start3A_152 = arith.constant 0 : i32
    %dma_start3A_153 = tpu.memref_slice %arg8[%dma_start3A_151, %dma_start3A_152] : memref<10240x128xf32, #tpu.memory_space<vmem_shared>> -> memref<10240x128xf32, #tpu.memory_space<vmem_shared>>
    tpu.enqueue_indirect_dma source(%arg36 : memref<64x128xf32, #tpu.memory_space<vmem>>) target(%dma_start3A_153 : memref<10240x128xf32, #tpu.memory_space<vmem_shared>>) offsets(%arg17 : memref<64xi32, #tpu.memory_space<vmem>>) semaphore(%arg46 : memref<!tpu.dma_semaphore, #tpu.memory_space<semaphore_mem>>) {add = true}
    %add3A_154 = arith.constant 9664 : i32
    %add3A_155 = arith.addi %add3A, %add3A_154 : i32
    %multiple_of3A_156 = tpu.assume_multiple %add3A_155, 8 : i32
    %dma_start3A_157 = tpu.memref_slice %arg3[%multiple_of3A_156] : memref<320000xi32, #tpu.memory_space<hbm>> -> memref<64xi32, #tpu.memory_space<hbm>>
    %dma_start3A_158 = tpu.memref_slice %arg3[%multiple_of3A_156] : memref<320000xi32, #tpu.memory_space<hbm>> -> memref<64xi32, #tpu.memory_space<hbm>>
    tpu.enqueue_dma source(%dma_start3A_158 : memref<64xi32, #tpu.memory_space<hbm>>) target(%arg41 : memref<64xi32, #tpu.memory_space<vmem>>) target_semaphore(%arg30 : memref<!tpu.dma_semaphore, #tpu.memory_space<semaphore_mem>>)
    %dma_start3A_159 = tpu.memref_slice %arg4[%multiple_of3A_156] : memref<320000xi32, #tpu.memory_space<hbm>> -> memref<64xi32, #tpu.memory_space<hbm>>
    %dma_start3A_160 = tpu.memref_slice %arg4[%multiple_of3A_156] : memref<320000xi32, #tpu.memory_space<hbm>> -> memref<64xi32, #tpu.memory_space<hbm>>
    tpu.enqueue_dma source(%dma_start3A_160 : memref<64xi32, #tpu.memory_space<hbm>>) target(%arg21 : memref<64xi32, #tpu.memory_space<vmem>>) target_semaphore(%arg30 : memref<!tpu.dma_semaphore, #tpu.memory_space<semaphore_mem>>)
    %dma_wait3A_161 = arith.constant 0 : i32
    %dma_wait3A_162 = arith.constant 0 : i32
    %dma_wait3A_163 = tpu.memref_slice %arg8[%dma_wait3A_161, %dma_wait3A_162] : memref<10240x128xf32, #tpu.memory_space<vmem_shared>> -> memref<10240x128xf32, #tpu.memory_space<vmem_shared>>
    tpu.wait_indirect_dma semaphore(%arg46 : memref<!tpu.dma_semaphore, #tpu.memory_space<semaphore_mem>>) src(%arg36 : memref<64x128xf32, #tpu.memory_space<vmem>>) dst(%dma_wait3A_163 : memref<10240x128xf32, #tpu.memory_space<vmem_shared>>)
    %dma_wait3A_164 = arith.constant 0 : i32
    %dma_wait3A_165 = tpu.memref_slice %arg3[%dma_wait3A_164] : memref<320000xi32, #tpu.memory_space<hbm>> -> memref<64xi32, #tpu.memory_space<hbm>>
    %dma_wait3A_166 = arith.constant 0 : i32
    %dma_wait3A_167 = tpu.memref_slice %arg3[%dma_wait3A_166] : memref<320000xi32, #tpu.memory_space<hbm>> -> memref<64xi32, #tpu.memory_space<hbm>>
    tpu.wait_dma2 semaphore(%arg29 : memref<!tpu.dma_semaphore, #tpu.memory_space<semaphore_mem>>) src(%dma_wait3A_167 : memref<64xi32, #tpu.memory_space<hbm>>) dst(%arg40 : memref<64xi32, #tpu.memory_space<vmem>>)
    %dma_wait3A_168 = arith.constant 0 : i32
    %dma_wait3A_169 = tpu.memref_slice %arg4[%dma_wait3A_168] : memref<320000xi32, #tpu.memory_space<hbm>> -> memref<64xi32, #tpu.memory_space<hbm>>
    %dma_wait3A_170 = arith.constant 0 : i32
    %dma_wait3A_171 = tpu.memref_slice %arg4[%dma_wait3A_170] : memref<320000xi32, #tpu.memory_space<hbm>> -> memref<64xi32, #tpu.memory_space<hbm>>
    tpu.wait_dma2 semaphore(%arg29 : memref<!tpu.dma_semaphore, #tpu.memory_space<semaphore_mem>>) src(%dma_wait3A_171 : memref<64xi32, #tpu.memory_space<hbm>>) dst(%arg20 : memref<64xi32, #tpu.memory_space<vmem>>)
    %dma_start3A_172 = arith.constant 0 : i32
    %dma_start3A_173 = arith.constant 0 : i32
    %dma_start3A_174 = tpu.memref_slice %arg2[%dma_start3A_172, %dma_start3A_173] : memref<10000x128xf32, #tpu.memory_space<hbm>> -> memref<10000x128xf32, #tpu.memory_space<hbm>>
    tpu.enqueue_indirect_dma source(%dma_start3A_174 : memref<10000x128xf32, #tpu.memory_space<hbm>>) target(%arg35 : memref<64x128xf32, #tpu.memory_space<vmem>>) offsets(%arg40 : memref<64xi32, #tpu.memory_space<vmem>>) semaphore(%arg25 : memref<!tpu.dma_semaphore, #tpu.memory_space<semaphore_mem>>)
    %dma_wait3A_175 = arith.constant 0 : i32
    %dma_wait3A_176 = arith.constant 0 : i32
    %dma_wait3A_177 = tpu.memref_slice %arg2[%dma_wait3A_175, %dma_wait3A_176] : memref<10000x128xf32, #tpu.memory_space<hbm>> -> memref<10000x128xf32, #tpu.memory_space<hbm>>
    tpu.wait_indirect_dma semaphore(%arg23 : memref<!tpu.dma_semaphore, #tpu.memory_space<semaphore_mem>>) src(%dma_wait3A_177 : memref<10000x128xf32, #tpu.memory_space<hbm>>) dst(%arg33 : memref<64x128xf32, #tpu.memory_space<vmem>>)
    %dma_start3A_178 = arith.constant 0 : i32
    %dma_start3A_179 = arith.constant 0 : i32
    %dma_start3A_180 = tpu.memref_slice %arg8[%dma_start3A_178, %dma_start3A_179] : memref<10240x128xf32, #tpu.memory_space<vmem_shared>> -> memref<10240x128xf32, #tpu.memory_space<vmem_shared>>
    tpu.enqueue_indirect_dma source(%arg33 : memref<64x128xf32, #tpu.memory_space<vmem>>) target(%dma_start3A_180 : memref<10240x128xf32, #tpu.memory_space<vmem_shared>>) offsets(%arg18 : memref<64xi32, #tpu.memory_space<vmem>>) semaphore(%arg43 : memref<!tpu.dma_semaphore, #tpu.memory_space<semaphore_mem>>) {add = true}
    %add3A_181 = arith.constant 9728 : i32
    %add3A_182 = arith.addi %add3A, %add3A_181 : i32
    %multiple_of3A_183 = tpu.assume_multiple %add3A_182, 8 : i32
    %dma_start3A_184 = tpu.memref_slice %arg3[%multiple_of3A_183] : memref<320000xi32, #tpu.memory_space<hbm>> -> memref<64xi32, #tpu.memory_space<hbm>>
    %dma_start3A_185 = tpu.memref_slice %arg3[%multiple_of3A_183] : memref<320000xi32, #tpu.memory_space<hbm>> -> memref<64xi32, #tpu.memory_space<hbm>>
    tpu.enqueue_dma source(%dma_start3A_185 : memref<64xi32, #tpu.memory_space<hbm>>) target(%arg38 : memref<64xi32, #tpu.memory_space<vmem>>) target_semaphore(%arg27 : memref<!tpu.dma_semaphore, #tpu.memory_space<semaphore_mem>>)
    %dma_start3A_186 = tpu.memref_slice %arg4[%multiple_of3A_183] : memref<320000xi32, #tpu.memory_space<hbm>> -> memref<64xi32, #tpu.memory_space<hbm>>
    %dma_start3A_187 = tpu.memref_slice %arg4[%multiple_of3A_183] : memref<320000xi32, #tpu.memory_space<hbm>> -> memref<64xi32, #tpu.memory_space<hbm>>
    tpu.enqueue_dma source(%dma_start3A_187 : memref<64xi32, #tpu.memory_space<hbm>>) target(%arg14 : memref<64xi32, #tpu.memory_space<vmem>>) target_semaphore(%arg27 : memref<!tpu.dma_semaphore, #tpu.memory_space<semaphore_mem>>)
    %dma_wait3A_188 = arith.constant 0 : i32
    %dma_wait3A_189 = arith.constant 0 : i32
    %dma_wait3A_190 = tpu.memref_slice %arg8[%dma_wait3A_188, %dma_wait3A_189] : memref<10240x128xf32, #tpu.memory_space<vmem_shared>> -> memref<10240x128xf32, #tpu.memory_space<vmem_shared>>
    tpu.wait_indirect_dma semaphore(%arg43 : memref<!tpu.dma_semaphore, #tpu.memory_space<semaphore_mem>>) src(%arg33 : memref<64x128xf32, #tpu.memory_space<vmem>>) dst(%dma_wait3A_190 : memref<10240x128xf32, #tpu.memory_space<vmem_shared>>)
    %dma_wait3A_191 = arith.constant 0 : i32
    %dma_wait3A_192 = tpu.memref_slice %arg3[%dma_wait3A_191] : memref<320000xi32, #tpu.memory_space<hbm>> -> memref<64xi32, #tpu.memory_space<hbm>>
    %dma_wait3A_193 = arith.constant 0 : i32
    %dma_wait3A_194 = tpu.memref_slice %arg3[%dma_wait3A_193] : memref<320000xi32, #tpu.memory_space<hbm>> -> memref<64xi32, #tpu.memory_space<hbm>>
    tpu.wait_dma2 semaphore(%arg30 : memref<!tpu.dma_semaphore, #tpu.memory_space<semaphore_mem>>) src(%dma_wait3A_194 : memref<64xi32, #tpu.memory_space<hbm>>) dst(%arg41 : memref<64xi32, #tpu.memory_space<vmem>>)
    %dma_wait3A_195 = arith.constant 0 : i32
    %dma_wait3A_196 = tpu.memref_slice %arg4[%dma_wait3A_195] : memref<320000xi32, #tpu.memory_space<hbm>> -> memref<64xi32, #tpu.memory_space<hbm>>
    %dma_wait3A_197 = arith.constant 0 : i32
    %dma_wait3A_198 = tpu.memref_slice %arg4[%dma_wait3A_197] : memref<320000xi32, #tpu.memory_space<hbm>> -> memref<64xi32, #tpu.memory_space<hbm>>
    tpu.wait_dma2 semaphore(%arg30 : memref<!tpu.dma_semaphore, #tpu.memory_space<semaphore_mem>>) src(%dma_wait3A_198 : memref<64xi32, #tpu.memory_space<hbm>>) dst(%arg21 : memref<64xi32, #tpu.memory_space<vmem>>)
    %dma_start3A_199 = arith.constant 0 : i32
    %dma_start3A_200 = arith.constant 0 : i32
    %dma_start3A_201 = tpu.memref_slice %arg2[%dma_start3A_199, %dma_start3A_200] : memref<10000x128xf32, #tpu.memory_space<hbm>> -> memref<10000x128xf32, #tpu.memory_space<hbm>>
    tpu.enqueue_indirect_dma source(%dma_start3A_201 : memref<10000x128xf32, #tpu.memory_space<hbm>>) target(%arg36 : memref<64x128xf32, #tpu.memory_space<vmem>>) offsets(%arg41 : memref<64xi32, #tpu.memory_space<vmem>>) semaphore(%arg26 : memref<!tpu.dma_semaphore, #tpu.memory_space<semaphore_mem>>)
    %dma_wait3A_202 = arith.constant 0 : i32
    %dma_wait3A_203 = arith.constant 0 : i32
    %dma_wait3A_204 = tpu.memref_slice %arg2[%dma_wait3A_202, %dma_wait3A_203] : memref<10000x128xf32, #tpu.memory_space<hbm>> -> memref<10000x128xf32, #tpu.memory_space<hbm>>
    tpu.wait_indirect_dma semaphore(%arg24 : memref<!tpu.dma_semaphore, #tpu.memory_space<semaphore_mem>>) src(%dma_wait3A_204 : memref<10000x128xf32, #tpu.memory_space<hbm>>) dst(%arg34 : memref<64x128xf32, #tpu.memory_space<vmem>>)
    %dma_start3A_205 = arith.constant 0 : i32
    %dma_start3A_206 = arith.constant 0 : i32
    %dma_start3A_207 = tpu.memref_slice %arg8[%dma_start3A_205, %dma_start3A_206] : memref<10240x128xf32, #tpu.memory_space<vmem_shared>> -> memref<10240x128xf32, #tpu.memory_space<vmem_shared>>
    tpu.enqueue_indirect_dma source(%arg34 : memref<64x128xf32, #tpu.memory_space<vmem>>) target(%dma_start3A_207 : memref<10240x128xf32, #tpu.memory_space<vmem_shared>>) offsets(%arg19 : memref<64xi32, #tpu.memory_space<vmem>>) semaphore(%arg44 : memref<!tpu.dma_semaphore, #tpu.memory_space<semaphore_mem>>) {add = true}
    %add3A_208 = arith.constant 9792 : i32
    %add3A_209 = arith.addi %add3A, %add3A_208 : i32
    %multiple_of3A_210 = tpu.assume_multiple %add3A_209, 8 : i32
    %dma_start3A_211 = tpu.memref_slice %arg3[%multiple_of3A_210] : memref<320000xi32, #tpu.memory_space<hbm>> -> memref<64xi32, #tpu.memory_space<hbm>>
    %dma_start3A_212 = tpu.memref_slice %arg3[%multiple_of3A_210] : memref<320000xi32, #tpu.memory_space<hbm>> -> memref<64xi32, #tpu.memory_space<hbm>>
    tpu.enqueue_dma source(%dma_start3A_212 : memref<64xi32, #tpu.memory_space<hbm>>) target(%arg39 : memref<64xi32, #tpu.memory_space<vmem>>) target_semaphore(%arg28 : memref<!tpu.dma_semaphore, #tpu.memory_space<semaphore_mem>>)
    %dma_start3A_213 = tpu.memref_slice %arg4[%multiple_of3A_210] : memref<320000xi32, #tpu.memory_space<hbm>> -> memref<64xi32, #tpu.memory_space<hbm>>
    %dma_start3A_214 = tpu.memref_slice %arg4[%multiple_of3A_210] : memref<320000xi32, #tpu.memory_space<hbm>> -> memref<64xi32, #tpu.memory_space<hbm>>
    tpu.enqueue_dma source(%dma_start3A_214 : memref<64xi32, #tpu.memory_space<hbm>>) target(%arg15 : memref<64xi32, #tpu.memory_space<vmem>>) target_semaphore(%arg28 : memref<!tpu.dma_semaphore, #tpu.memory_space<semaphore_mem>>)
    %dma_wait3A_215 = arith.constant 0 : i32
    %dma_wait3A_216 = arith.constant 0 : i32
    %dma_wait3A_217 = tpu.memref_slice %arg8[%dma_wait3A_215, %dma_wait3A_216] : memref<10240x128xf32, #tpu.memory_space<vmem_shared>> -> memref<10240x128xf32, #tpu.memory_space<vmem_shared>>
    tpu.wait_indirect_dma semaphore(%arg44 : memref<!tpu.dma_semaphore, #tpu.memory_space<semaphore_mem>>) src(%arg34 : memref<64x128xf32, #tpu.memory_space<vmem>>) dst(%dma_wait3A_217 : memref<10240x128xf32, #tpu.memory_space<vmem_shared>>)
    %dma_wait3A_218 = arith.constant 0 : i32
    %dma_wait3A_219 = tpu.memref_slice %arg3[%dma_wait3A_218] : memref<320000xi32, #tpu.memory_space<hbm>> -> memref<64xi32, #tpu.memory_space<hbm>>
    %dma_wait3A_220 = arith.constant 0 : i32
    %dma_wait3A_221 = tpu.memref_slice %arg3[%dma_wait3A_220] : memref<320000xi32, #tpu.memory_space<hbm>> -> memref<64xi32, #tpu.memory_space<hbm>>
    tpu.wait_dma2 semaphore(%arg27 : memref<!tpu.dma_semaphore, #tpu.memory_space<semaphore_mem>>) src(%dma_wait3A_221 : memref<64xi32, #tpu.memory_space<hbm>>) dst(%arg38 : memref<64xi32, #tpu.memory_space<vmem>>)
    %dma_wait3A_222 = arith.constant 0 : i32
    %dma_wait3A_223 = tpu.memref_slice %arg4[%dma_wait3A_222] : memref<320000xi32, #tpu.memory_space<hbm>> -> memref<64xi32, #tpu.memory_space<hbm>>
    %dma_wait3A_224 = arith.constant 0 : i32
    %dma_wait3A_225 = tpu.memref_slice %arg4[%dma_wait3A_224] : memref<320000xi32, #tpu.memory_space<hbm>> -> memref<64xi32, #tpu.memory_space<hbm>>
    tpu.wait_dma2 semaphore(%arg27 : memref<!tpu.dma_semaphore, #tpu.memory_space<semaphore_mem>>) src(%dma_wait3A_225 : memref<64xi32, #tpu.memory_space<hbm>>) dst(%arg14 : memref<64xi32, #tpu.memory_space<vmem>>)
    %dma_start3A_226 = arith.constant 0 : i32
    %dma_start3A_227 = arith.constant 0 : i32
    %dma_start3A_228 = tpu.memref_slice %arg2[%dma_start3A_226, %dma_start3A_227] : memref<10000x128xf32, #tpu.memory_space<hbm>> -> memref<10000x128xf32, #tpu.memory_space<hbm>>
    tpu.enqueue_indirect_dma source(%dma_start3A_228 : memref<10000x128xf32, #tpu.memory_space<hbm>>) target(%arg33 : memref<64x128xf32, #tpu.memory_space<vmem>>) offsets(%arg38 : memref<64xi32, #tpu.memory_space<vmem>>) semaphore(%arg23 : memref<!tpu.dma_semaphore, #tpu.memory_space<semaphore_mem>>)
    %dma_wait3A_229 = arith.constant 0 : i32
    %dma_wait3A_230 = arith.constant 0 : i32
    %dma_wait3A_231 = tpu.memref_slice %arg2[%dma_wait3A_229, %dma_wait3A_230] : memref<10000x128xf32, #tpu.memory_space<hbm>> -> memref<10000x128xf32, #tpu.memory_space<hbm>>
    tpu.wait_indirect_dma semaphore(%arg25 : memref<!tpu.dma_semaphore, #tpu.memory_space<semaphore_mem>>) src(%dma_wait3A_231 : memref<10000x128xf32, #tpu.memory_space<hbm>>) dst(%arg35 : memref<64x128xf32, #tpu.memory_space<vmem>>)
    %dma_start3A_232 = arith.constant 0 : i32
    %dma_start3A_233 = arith.constant 0 : i32
    %dma_start3A_234 = tpu.memref_slice %arg8[%dma_start3A_232, %dma_start3A_233] : memref<10240x128xf32, #tpu.memory_space<vmem_shared>> -> memref<10240x128xf32, #tpu.memory_space<vmem_shared>>
    tpu.enqueue_indirect_dma source(%arg35 : memref<64x128xf32, #tpu.memory_space<vmem>>) target(%dma_start3A_234 : memref<10240x128xf32, #tpu.memory_space<vmem_shared>>) offsets(%arg20 : memref<64xi32, #tpu.memory_space<vmem>>) semaphore(%arg45 : memref<!tpu.dma_semaphore, #tpu.memory_space<semaphore_mem>>) {add = true}
    %add3A_235 = arith.constant 9856 : i32
    %add3A_236 = arith.addi %add3A, %add3A_235 : i32
    %multiple_of3A_237 = tpu.assume_multiple %add3A_236, 8 : i32
    %dma_start3A_238 = tpu.memref_slice %arg3[%multiple_of3A_237] : memref<320000xi32, #tpu.memory_space<hbm>> -> memref<64xi32, #tpu.memory_space<hbm>>
    %dma_start3A_239 = tpu.memref_slice %arg3[%multiple_of3A_237] : memref<320000xi32, #tpu.memory_space<hbm>> -> memref<64xi32, #tpu.memory_space<hbm>>
    tpu.enqueue_dma source(%dma_start3A_239 : memref<64xi32, #tpu.memory_space<hbm>>) target(%arg40 : memref<64xi32, #tpu.memory_space<vmem>>) target_semaphore(%arg29 : memref<!tpu.dma_semaphore, #tpu.memory_space<semaphore_mem>>)
    %dma_start3A_240 = tpu.memref_slice %arg4[%multiple_of3A_237] : memref<320000xi32, #tpu.memory_space<hbm>> -> memref<64xi32, #tpu.memory_space<hbm>>
    %dma_start3A_241 = tpu.memref_slice %arg4[%multiple_of3A_237] : memref<320000xi32, #tpu.memory_space<hbm>> -> memref<64xi32, #tpu.memory_space<hbm>>
    tpu.enqueue_dma source(%dma_start3A_241 : memref<64xi32, #tpu.memory_space<hbm>>) target(%arg16 : memref<64xi32, #tpu.memory_space<vmem>>) target_semaphore(%arg29 : memref<!tpu.dma_semaphore, #tpu.memory_space<semaphore_mem>>)
    %dma_wait3A_242 = arith.constant 0 : i32
    %dma_wait3A_243 = arith.constant 0 : i32
    %dma_wait3A_244 = tpu.memref_slice %arg8[%dma_wait3A_242, %dma_wait3A_243] : memref<10240x128xf32, #tpu.memory_space<vmem_shared>> -> memref<10240x128xf32, #tpu.memory_space<vmem_shared>>
    tpu.wait_indirect_dma semaphore(%arg45 : memref<!tpu.dma_semaphore, #tpu.memory_space<semaphore_mem>>) src(%arg35 : memref<64x128xf32, #tpu.memory_space<vmem>>) dst(%dma_wait3A_244 : memref<10240x128xf32, #tpu.memory_space<vmem_shared>>)
    %dma_wait3A_245 = arith.constant 0 : i32
    %dma_wait3A_246 = tpu.memref_slice %arg3[%dma_wait3A_245] : memref<320000xi32, #tpu.memory_space<hbm>> -> memref<64xi32, #tpu.memory_space<hbm>>
    %dma_wait3A_247 = arith.constant 0 : i32
    %dma_wait3A_248 = tpu.memref_slice %arg3[%dma_wait3A_247] : memref<320000xi32, #tpu.memory_space<hbm>> -> memref<64xi32, #tpu.memory_space<hbm>>
    tpu.wait_dma2 semaphore(%arg28 : memref<!tpu.dma_semaphore, #tpu.memory_space<semaphore_mem>>) src(%dma_wait3A_248 : memref<64xi32, #tpu.memory_space<hbm>>) dst(%arg39 : memref<64xi32, #tpu.memory_space<vmem>>)
    %dma_wait3A_249 = arith.constant 0 : i32
    %dma_wait3A_250 = tpu.memref_slice %arg4[%dma_wait3A_249] : memref<320000xi32, #tpu.memory_space<hbm>> -> memref<64xi32, #tpu.memory_space<hbm>>
    %dma_wait3A_251 = arith.constant 0 : i32
    %dma_wait3A_252 = tpu.memref_slice %arg4[%dma_wait3A_251] : memref<320000xi32, #tpu.memory_space<hbm>> -> memref<64xi32, #tpu.memory_space<hbm>>
    tpu.wait_dma2 semaphore(%arg28 : memref<!tpu.dma_semaphore, #tpu.memory_space<semaphore_mem>>) src(%dma_wait3A_252 : memref<64xi32, #tpu.memory_space<hbm>>) dst(%arg15 : memref<64xi32, #tpu.memory_space<vmem>>)
    %dma_start3A_253 = arith.constant 0 : i32
    %dma_start3A_254 = arith.constant 0 : i32
    %dma_start3A_255 = tpu.memref_slice %arg2[%dma_start3A_253, %dma_start3A_254] : memref<10000x128xf32, #tpu.memory_space<hbm>> -> memref<10000x128xf32, #tpu.memory_space<hbm>>
    tpu.enqueue_indirect_dma source(%dma_start3A_255 : memref<10000x128xf32, #tpu.memory_space<hbm>>) target(%arg34 : memref<64x128xf32, #tpu.memory_space<vmem>>) offsets(%arg39 : memref<64xi32, #tpu.memory_space<vmem>>) semaphore(%arg24 : memref<!tpu.dma_semaphore, #tpu.memory_space<semaphore_mem>>)
    %dma_wait3A_256 = arith.constant 0 : i32
    %dma_wait3A_257 = arith.constant 0 : i32
    %dma_wait3A_258 = tpu.memref_slice %arg2[%dma_wait3A_256, %dma_wait3A_257] : memref<10000x128xf32, #tpu.memory_space<hbm>> -> memref<10000x128xf32, #tpu.memory_space<hbm>>
    tpu.wait_indirect_dma semaphore(%arg26 : memref<!tpu.dma_semaphore, #tpu.memory_space<semaphore_mem>>) src(%dma_wait3A_258 : memref<10000x128xf32, #tpu.memory_space<hbm>>) dst(%arg36 : memref<64x128xf32, #tpu.memory_space<vmem>>)
    %dma_start3A_259 = arith.constant 0 : i32
    %dma_start3A_260 = arith.constant 0 : i32
    %dma_start3A_261 = tpu.memref_slice %arg8[%dma_start3A_259, %dma_start3A_260] : memref<10240x128xf32, #tpu.memory_space<vmem_shared>> -> memref<10240x128xf32, #tpu.memory_space<vmem_shared>>
    tpu.enqueue_indirect_dma source(%arg36 : memref<64x128xf32, #tpu.memory_space<vmem>>) target(%dma_start3A_261 : memref<10240x128xf32, #tpu.memory_space<vmem_shared>>) offsets(%arg21 : memref<64xi32, #tpu.memory_space<vmem>>) semaphore(%arg46 : memref<!tpu.dma_semaphore, #tpu.memory_space<semaphore_mem>>) {add = true}
    %add3A_262 = arith.constant 9920 : i32
    %add3A_263 = arith.addi %add3A, %add3A_262 : i32
    %multiple_of3A_264 = tpu.assume_multiple %add3A_263, 8 : i32
    %dma_start3A_265 = tpu.memref_slice %arg3[%multiple_of3A_264] : memref<320000xi32, #tpu.memory_space<hbm>> -> memref<64xi32, #tpu.memory_space<hbm>>
    %dma_start3A_266 = tpu.memref_slice %arg3[%multiple_of3A_264] : memref<320000xi32, #tpu.memory_space<hbm>> -> memref<64xi32, #tpu.memory_space<hbm>>
    tpu.enqueue_dma source(%dma_start3A_266 : memref<64xi32, #tpu.memory_space<hbm>>) target(%arg41 : memref<64xi32, #tpu.memory_space<vmem>>) target_semaphore(%arg30 : memref<!tpu.dma_semaphore, #tpu.memory_space<semaphore_mem>>)
    %dma_start3A_267 = tpu.memref_slice %arg4[%multiple_of3A_264] : memref<320000xi32, #tpu.memory_space<hbm>> -> memref<64xi32, #tpu.memory_space<hbm>>
    %dma_start3A_268 = tpu.memref_slice %arg4[%multiple_of3A_264] : memref<320000xi32, #tpu.memory_space<hbm>> -> memref<64xi32, #tpu.memory_space<hbm>>
    tpu.enqueue_dma source(%dma_start3A_268 : memref<64xi32, #tpu.memory_space<hbm>>) target(%arg17 : memref<64xi32, #tpu.memory_space<vmem>>) target_semaphore(%arg30 : memref<!tpu.dma_semaphore, #tpu.memory_space<semaphore_mem>>)
    %dma_wait3A_269 = arith.constant 0 : i32
    %dma_wait3A_270 = arith.constant 0 : i32
    %dma_wait3A_271 = tpu.memref_slice %arg8[%dma_wait3A_269, %dma_wait3A_270] : memref<10240x128xf32, #tpu.memory_space<vmem_shared>> -> memref<10240x128xf32, #tpu.memory_space<vmem_shared>>
    tpu.wait_indirect_dma semaphore(%arg46 : memref<!tpu.dma_semaphore, #tpu.memory_space<semaphore_mem>>) src(%arg36 : memref<64x128xf32, #tpu.memory_space<vmem>>) dst(%dma_wait3A_271 : memref<10240x128xf32, #tpu.memory_space<vmem_shared>>)
    %dma_wait3A_272 = arith.constant 0 : i32
    %dma_wait3A_273 = tpu.memref_slice %arg3[%dma_wait3A_272] : memref<320000xi32, #tpu.memory_space<hbm>> -> memref<64xi32, #tpu.memory_space<hbm>>
    %dma_wait3A_274 = arith.constant 0 : i32
    %dma_wait3A_275 = tpu.memref_slice %arg3[%dma_wait3A_274] : memref<320000xi32, #tpu.memory_space<hbm>> -> memref<64xi32, #tpu.memory_space<hbm>>
    tpu.wait_dma2 semaphore(%arg29 : memref<!tpu.dma_semaphore, #tpu.memory_space<semaphore_mem>>) src(%dma_wait3A_275 : memref<64xi32, #tpu.memory_space<hbm>>) dst(%arg40 : memref<64xi32, #tpu.memory_space<vmem>>)
    %dma_wait3A_276 = arith.constant 0 : i32
    %dma_wait3A_277 = tpu.memref_slice %arg4[%dma_wait3A_276] : memref<320000xi32, #tpu.memory_space<hbm>> -> memref<64xi32, #tpu.memory_space<hbm>>
    %dma_wait3A_278 = arith.constant 0 : i32
    %dma_wait3A_279 = tpu.memref_slice %arg4[%dma_wait3A_278] : memref<320000xi32, #tpu.memory_space<hbm>> -> memref<64xi32, #tpu.memory_space<hbm>>
    tpu.wait_dma2 semaphore(%arg29 : memref<!tpu.dma_semaphore, #tpu.memory_space<semaphore_mem>>) src(%dma_wait3A_279 : memref<64xi32, #tpu.memory_space<hbm>>) dst(%arg16 : memref<64xi32, #tpu.memory_space<vmem>>)
    %dma_start3A_280 = arith.constant 0 : i32
    %dma_start3A_281 = arith.constant 0 : i32
    %dma_start3A_282 = tpu.memref_slice %arg2[%dma_start3A_280, %dma_start3A_281] : memref<10000x128xf32, #tpu.memory_space<hbm>> -> memref<10000x128xf32, #tpu.memory_space<hbm>>
    tpu.enqueue_indirect_dma source(%dma_start3A_282 : memref<10000x128xf32, #tpu.memory_space<hbm>>) target(%arg35 : memref<64x128xf32, #tpu.memory_space<vmem>>) offsets(%arg40 : memref<64xi32, #tpu.memory_space<vmem>>) semaphore(%arg25 : memref<!tpu.dma_semaphore, #tpu.memory_space<semaphore_mem>>)
    %dma_wait3A_283 = arith.constant 0 : i32
    %dma_wait3A_284 = arith.constant 0 : i32
    %dma_wait3A_285 = tpu.memref_slice %arg2[%dma_wait3A_283, %dma_wait3A_284] : memref<10000x128xf32, #tpu.memory_space<hbm>> -> memref<10000x128xf32, #tpu.memory_space<hbm>>
    tpu.wait_indirect_dma semaphore(%arg23 : memref<!tpu.dma_semaphore, #tpu.memory_space<semaphore_mem>>) src(%dma_wait3A_285 : memref<10000x128xf32, #tpu.memory_space<hbm>>) dst(%arg33 : memref<64x128xf32, #tpu.memory_space<vmem>>)
    %dma_start3A_286 = arith.constant 0 : i32
    %dma_start3A_287 = arith.constant 0 : i32
    %dma_start3A_288 = tpu.memref_slice %arg8[%dma_start3A_286, %dma_start3A_287] : memref<10240x128xf32, #tpu.memory_space<vmem_shared>> -> memref<10240x128xf32, #tpu.memory_space<vmem_shared>>
    tpu.enqueue_indirect_dma source(%arg33 : memref<64x128xf32, #tpu.memory_space<vmem>>) target(%dma_start3A_288 : memref<10240x128xf32, #tpu.memory_space<vmem_shared>>) offsets(%arg14 : memref<64xi32, #tpu.memory_space<vmem>>) semaphore(%arg43 : memref<!tpu.dma_semaphore, #tpu.memory_space<semaphore_mem>>) {add = true}
    %dma_wait3A_289 = arith.constant 0 : i32
    %dma_wait3A_290 = arith.constant 0 : i32
    %dma_wait3A_291 = tpu.memref_slice %arg8[%dma_wait3A_289, %dma_wait3A_290] : memref<10240x128xf32, #tpu.memory_space<vmem_shared>> -> memref<10240x128xf32, #tpu.memory_space<vmem_shared>>
    tpu.wait_indirect_dma semaphore(%arg43 : memref<!tpu.dma_semaphore, #tpu.memory_space<semaphore_mem>>) src(%arg33 : memref<64x128xf32, #tpu.memory_space<vmem>>) dst(%dma_wait3A_291 : memref<10240x128xf32, #tpu.memory_space<vmem_shared>>)
    %dma_wait3A_292 = arith.constant 0 : i32
    %dma_wait3A_293 = tpu.memref_slice %arg3[%dma_wait3A_292] : memref<320000xi32, #tpu.memory_space<hbm>> -> memref<64xi32, #tpu.memory_space<hbm>>
    %dma_wait3A_294 = arith.constant 0 : i32
    %dma_wait3A_295 = tpu.memref_slice %arg3[%dma_wait3A_294] : memref<320000xi32, #tpu.memory_space<hbm>> -> memref<64xi32, #tpu.memory_space<hbm>>
    tpu.wait_dma2 semaphore(%arg30 : memref<!tpu.dma_semaphore, #tpu.memory_space<semaphore_mem>>) src(%dma_wait3A_295 : memref<64xi32, #tpu.memory_space<hbm>>) dst(%arg41 : memref<64xi32, #tpu.memory_space<vmem>>)
    %dma_wait3A_296 = arith.constant 0 : i32
    %dma_wait3A_297 = tpu.memref_slice %arg4[%dma_wait3A_296] : memref<320000xi32, #tpu.memory_space<hbm>> -> memref<64xi32, #tpu.memory_space<hbm>>
    %dma_wait3A_298 = arith.constant 0 : i32
    %dma_wait3A_299 = tpu.memref_slice %arg4[%dma_wait3A_298] : memref<320000xi32, #tpu.memory_space<hbm>> -> memref<64xi32, #tpu.memory_space<hbm>>
    tpu.wait_dma2 semaphore(%arg30 : memref<!tpu.dma_semaphore, #tpu.memory_space<semaphore_mem>>) src(%dma_wait3A_299 : memref<64xi32, #tpu.memory_space<hbm>>) dst(%arg17 : memref<64xi32, #tpu.memory_space<vmem>>)
    %dma_start3A_300 = arith.constant 0 : i32
    %dma_start3A_301 = arith.constant 0 : i32
    %dma_start3A_302 = tpu.memref_slice %arg2[%dma_start3A_300, %dma_start3A_301] : memref<10000x128xf32, #tpu.memory_space<hbm>> -> memref<10000x128xf32, #tpu.memory_space<hbm>>
    tpu.enqueue_indirect_dma source(%dma_start3A_302 : memref<10000x128xf32, #tpu.memory_space<hbm>>) target(%arg36 : memref<64x128xf32, #tpu.memory_space<vmem>>) offsets(%arg41 : memref<64xi32, #tpu.memory_space<vmem>>) semaphore(%arg26 : memref<!tpu.dma_semaphore, #tpu.memory_space<semaphore_mem>>)
    %dma_wait3A_303 = arith.constant 0 : i32
    %dma_wait3A_304 = arith.constant 0 : i32
    %dma_wait3A_305 = tpu.memref_slice %arg2[%dma_wait3A_303, %dma_wait3A_304] : memref<10000x128xf32, #tpu.memory_space<hbm>> -> memref<10000x128xf32, #tpu.memory_space<hbm>>
    tpu.wait_indirect_dma semaphore(%arg24 : memref<!tpu.dma_semaphore, #tpu.memory_space<semaphore_mem>>) src(%dma_wait3A_305 : memref<10000x128xf32, #tpu.memory_space<hbm>>) dst(%arg34 : memref<64x128xf32, #tpu.memory_space<vmem>>)
    %dma_start3A_306 = arith.constant 0 : i32
    %dma_start3A_307 = arith.constant 0 : i32
    %dma_start3A_308 = tpu.memref_slice %arg8[%dma_start3A_306, %dma_start3A_307] : memref<10240x128xf32, #tpu.memory_space<vmem_shared>> -> memref<10240x128xf32, #tpu.memory_space<vmem_shared>>
    tpu.enqueue_indirect_dma source(%arg34 : memref<64x128xf32, #tpu.memory_space<vmem>>) target(%dma_start3A_308 : memref<10240x128xf32, #tpu.memory_space<vmem_shared>>) offsets(%arg15 : memref<64xi32, #tpu.memory_space<vmem>>) semaphore(%arg44 : memref<!tpu.dma_semaphore, #tpu.memory_space<semaphore_mem>>) {add = true}
    %dma_wait3A_309 = arith.constant 0 : i32
    %dma_wait3A_310 = arith.constant 0 : i32
    %dma_wait3A_311 = tpu.memref_slice %arg8[%dma_wait3A_309, %dma_wait3A_310] : memref<10240x128xf32, #tpu.memory_space<vmem_shared>> -> memref<10240x128xf32, #tpu.memory_space<vmem_shared>>
    tpu.wait_indirect_dma semaphore(%arg44 : memref<!tpu.dma_semaphore, #tpu.memory_space<semaphore_mem>>) src(%arg34 : memref<64x128xf32, #tpu.memory_space<vmem>>) dst(%dma_wait3A_311 : memref<10240x128xf32, #tpu.memory_space<vmem_shared>>)
    %dma_wait3A_312 = arith.constant 0 : i32
    %dma_wait3A_313 = arith.constant 0 : i32
    %dma_wait3A_314 = tpu.memref_slice %arg2[%dma_wait3A_312, %dma_wait3A_313] : memref<10000x128xf32, #tpu.memory_space<hbm>> -> memref<10000x128xf32, #tpu.memory_space<hbm>>
    tpu.wait_indirect_dma semaphore(%arg25 : memref<!tpu.dma_semaphore, #tpu.memory_space<semaphore_mem>>) src(%dma_wait3A_314 : memref<10000x128xf32, #tpu.memory_space<hbm>>) dst(%arg35 : memref<64x128xf32, #tpu.memory_space<vmem>>)
    %dma_start3A_315 = arith.constant 0 : i32
    %dma_start3A_316 = arith.constant 0 : i32
    %dma_start3A_317 = tpu.memref_slice %arg8[%dma_start3A_315, %dma_start3A_316] : memref<10240x128xf32, #tpu.memory_space<vmem_shared>> -> memref<10240x128xf32, #tpu.memory_space<vmem_shared>>
    tpu.enqueue_indirect_dma source(%arg35 : memref<64x128xf32, #tpu.memory_space<vmem>>) target(%dma_start3A_317 : memref<10240x128xf32, #tpu.memory_space<vmem_shared>>) offsets(%arg16 : memref<64xi32, #tpu.memory_space<vmem>>) semaphore(%arg45 : memref<!tpu.dma_semaphore, #tpu.memory_space<semaphore_mem>>) {add = true}
    %dma_wait3A_318 = arith.constant 0 : i32
    %dma_wait3A_319 = arith.constant 0 : i32
    %dma_wait3A_320 = tpu.memref_slice %arg8[%dma_wait3A_318, %dma_wait3A_319] : memref<10240x128xf32, #tpu.memory_space<vmem_shared>> -> memref<10240x128xf32, #tpu.memory_space<vmem_shared>>
    tpu.wait_indirect_dma semaphore(%arg45 : memref<!tpu.dma_semaphore, #tpu.memory_space<semaphore_mem>>) src(%arg35 : memref<64x128xf32, #tpu.memory_space<vmem>>) dst(%dma_wait3A_320 : memref<10240x128xf32, #tpu.memory_space<vmem_shared>>)
    %dma_wait3A_321 = arith.constant 0 : i32
    %dma_wait3A_322 = arith.constant 0 : i32
    %dma_wait3A_323 = tpu.memref_slice %arg2[%dma_wait3A_321, %dma_wait3A_322] : memref<10000x128xf32, #tpu.memory_space<hbm>> -> memref<10000x128xf32, #tpu.memory_space<hbm>>
    tpu.wait_indirect_dma semaphore(%arg26 : memref<!tpu.dma_semaphore, #tpu.memory_space<semaphore_mem>>) src(%dma_wait3A_323 : memref<10000x128xf32, #tpu.memory_space<hbm>>) dst(%arg36 : memref<64x128xf32, #tpu.memory_space<vmem>>)
    %dma_start3A_324 = arith.constant 0 : i32
    %dma_start3A_325 = arith.constant 0 : i32
    %dma_start3A_326 = tpu.memref_slice %arg8[%dma_start3A_324, %dma_start3A_325] : memref<10240x128xf32, #tpu.memory_space<vmem_shared>> -> memref<10240x128xf32, #tpu.memory_space<vmem_shared>>
    tpu.enqueue_indirect_dma source(%arg36 : memref<64x128xf32, #tpu.memory_space<vmem>>) target(%dma_start3A_326 : memref<10240x128xf32, #tpu.memory_space<vmem_shared>>) offsets(%arg17 : memref<64xi32, #tpu.memory_space<vmem>>) semaphore(%arg46 : memref<!tpu.dma_semaphore, #tpu.memory_space<semaphore_mem>>) {add = true}
    %dma_wait3A_327 = arith.constant 0 : i32
    %dma_wait3A_328 = arith.constant 0 : i32
    %dma_wait3A_329 = tpu.memref_slice %arg8[%dma_wait3A_327, %dma_wait3A_328] : memref<10240x128xf32, #tpu.memory_space<vmem_shared>> -> memref<10240x128xf32, #tpu.memory_space<vmem_shared>>
    tpu.wait_indirect_dma semaphore(%arg46 : memref<!tpu.dma_semaphore, #tpu.memory_space<semaphore_mem>>) src(%arg36 : memref<64x128xf32, #tpu.memory_space<vmem>>) dst(%dma_wait3A_329 : memref<10240x128xf32, #tpu.memory_space<vmem_shared>>)
    %add3A_330 = arith.constant 9984 : i32
    %add3A_331 = arith.addi %add3A, %add3A_330 : i32
    "tpu.region"() ({
      %run_scoped3A = tpu.sem_alloc : memref<!tpu.dma_semaphore, #tpu.memory_space<semaphore_mem>>
      %dma_start3A_342 = tpu.memref_slice %arg3[%add3A_331] : memref<320000xi32, #tpu.memory_space<hbm>> -> memref<16xi32, #tpu.memory_space<hbm>>
      %dma_start3A_343 = tpu.memref_slice %arg3[%add3A_331] : memref<320000xi32, #tpu.memory_space<hbm>> -> memref<16xi32, #tpu.memory_space<hbm>>
      tpu.enqueue_dma source(%dma_start3A_343 : memref<16xi32, #tpu.memory_space<hbm>>) target(%arg42 : memref<16xi32, #tpu.memory_space<vmem>>) target_semaphore(%run_scoped3A : memref<!tpu.dma_semaphore, #tpu.memory_space<semaphore_mem>>)
      %dma_wait3A_344 = tpu.memref_slice %arg3[%add3A_331] : memref<320000xi32, #tpu.memory_space<hbm>> -> memref<16xi32, #tpu.memory_space<hbm>>
      %dma_wait3A_345 = tpu.memref_slice %arg3[%add3A_331] : memref<320000xi32, #tpu.memory_space<hbm>> -> memref<16xi32, #tpu.memory_space<hbm>>
      tpu.wait_dma2 semaphore(%run_scoped3A : memref<!tpu.dma_semaphore, #tpu.memory_space<semaphore_mem>>) src(%dma_wait3A_345 : memref<16xi32, #tpu.memory_space<hbm>>) dst(%arg42 : memref<16xi32, #tpu.memory_space<vmem>>)
      tpu.yield
    }) : () -> ()
    "tpu.region"() ({
      %run_scoped3A = tpu.sem_alloc : memref<!tpu.dma_semaphore, #tpu.memory_space<semaphore_mem>>
      %dma_start3A_342 = tpu.memref_slice %arg4[%add3A_331] : memref<320000xi32, #tpu.memory_space<hbm>> -> memref<16xi32, #tpu.memory_space<hbm>>
      %dma_start3A_343 = tpu.memref_slice %arg4[%add3A_331] : memref<320000xi32, #tpu.memory_space<hbm>> -> memref<16xi32, #tpu.memory_space<hbm>>
      tpu.enqueue_dma source(%dma_start3A_343 : memref<16xi32, #tpu.memory_space<hbm>>) target(%arg22 : memref<16xi32, #tpu.memory_space<vmem>>) target_semaphore(%run_scoped3A : memref<!tpu.dma_semaphore, #tpu.memory_space<semaphore_mem>>)
      %dma_wait3A_344 = tpu.memref_slice %arg4[%add3A_331] : memref<320000xi32, #tpu.memory_space<hbm>> -> memref<16xi32, #tpu.memory_space<hbm>>
      %dma_wait3A_345 = tpu.memref_slice %arg4[%add3A_331] : memref<320000xi32, #tpu.memory_space<hbm>> -> memref<16xi32, #tpu.memory_space<hbm>>
      tpu.wait_dma2 semaphore(%run_scoped3A : memref<!tpu.dma_semaphore, #tpu.memory_space<semaphore_mem>>) src(%dma_wait3A_345 : memref<16xi32, #tpu.memory_space<hbm>>) dst(%arg22 : memref<16xi32, #tpu.memory_space<vmem>>)
      tpu.yield
    }) : () -> ()
    %dma_start3A_332 = arith.constant 0 : i32
    %dma_start3A_333 = arith.constant 0 : i32
    %dma_start3A_334 = tpu.memref_slice %arg2[%dma_start3A_332, %dma_start3A_333] : memref<10000x128xf32, #tpu.memory_space<hbm>> -> memref<10000x128xf32, #tpu.memory_space<hbm>>
    tpu.enqueue_indirect_dma source(%dma_start3A_334 : memref<10000x128xf32, #tpu.memory_space<hbm>>) target(%arg37 : memref<16x128xf32, #tpu.memory_space<vmem>>) offsets(%arg42 : memref<16xi32, #tpu.memory_space<vmem>>) semaphore(%arg23 : memref<!tpu.dma_semaphore, #tpu.memory_space<semaphore_mem>>)
    %dma_wait3A_335 = arith.constant 0 : i32
    %dma_wait3A_336 = arith.constant 0 : i32
    %dma_wait3A_337 = tpu.memref_slice %arg2[%dma_wait3A_335, %dma_wait3A_336] : memref<10000x128xf32, #tpu.memory_space<hbm>> -> memref<10000x128xf32, #tpu.memory_space<hbm>>
    tpu.wait_indirect_dma semaphore(%arg23 : memref<!tpu.dma_semaphore, #tpu.memory_space<semaphore_mem>>) src(%dma_wait3A_337 : memref<10000x128xf32, #tpu.memory_space<hbm>>) dst(%arg37 : memref<16x128xf32, #tpu.memory_space<vmem>>)
    "tpu.region"() ({
      %run_scoped3A = tpu.sem_alloc : memref<!tpu.dma_semaphore, #tpu.memory_space<semaphore_mem>>
      %dma_start3A_342 = arith.constant 0 : i32
      %dma_start3A_343 = arith.constant 0 : i32
      %dma_start3A_344 = tpu.memref_slice %arg8[%dma_start3A_342, %dma_start3A_343] : memref<10240x128xf32, #tpu.memory_space<vmem_shared>> -> memref<10240x128xf32, #tpu.memory_space<vmem_shared>>
      tpu.enqueue_indirect_dma source(%arg37 : memref<16x128xf32, #tpu.memory_space<vmem>>) target(%dma_start3A_344 : memref<10240x128xf32, #tpu.memory_space<vmem_shared>>) offsets(%arg22 : memref<16xi32, #tpu.memory_space<vmem>>) semaphore(%run_scoped3A : memref<!tpu.dma_semaphore, #tpu.memory_space<semaphore_mem>>) {add = true}
      %dma_wait3A_345 = arith.constant 0 : i32
      %dma_wait3A_346 = arith.constant 0 : i32
      %dma_wait3A_347 = tpu.memref_slice %arg8[%dma_wait3A_345, %dma_wait3A_346] : memref<10240x128xf32, #tpu.memory_space<vmem_shared>> -> memref<10240x128xf32, #tpu.memory_space<vmem_shared>>
      tpu.wait_indirect_dma semaphore(%run_scoped3A : memref<!tpu.dma_semaphore, #tpu.memory_space<semaphore_mem>>) src(%arg37 : memref<16x128xf32, #tpu.memory_space<vmem>>) dst(%dma_wait3A_347 : memref<10240x128xf32, #tpu.memory_space<vmem_shared>>)
      tpu.yield
    }) : () -> ()
    %barrier3A_338 = arith.constant 0 : index
    tpu.barrier barrier_id(%barrier3A_338)
    %mul3A_339 = arith.constant 10240 : i32
    %mul3A_340 = arith.muli %arg0, %mul3A_339 : i32
    %add3A_341 = arith.addi %mul3A_340, %mul3A_0 : i32
    "tpu.region"() ({
      %run_scoped3A = tpu.sem_alloc : memref<!tpu.dma_semaphore, #tpu.memory_space<semaphore_mem>>
      %dma_start3A_342 = arith.constant 0 : i32
      %dma_start3A_343 = tpu.memref_slice %arg7[%add3A_341, %dma_start3A_342] : memref<20480x128xf32, #tpu.memory_space<hbm>> -> memref<640x128xf32, #tpu.memory_space<hbm>>
      %dma_start3A_344 = arith.constant 0 : i32
      %dma_start3A_345 = tpu.memref_slice %arg8[%mul3A_0, %dma_start3A_344] : memref<10240x128xf32, #tpu.memory_space<vmem_shared>> -> memref<640x128xf32, #tpu.memory_space<vmem_shared>>
      tpu.enqueue_dma source(%dma_start3A_345 : memref<640x128xf32, #tpu.memory_space<vmem_shared>>) target(%dma_start3A_343 : memref<640x128xf32, #tpu.memory_space<hbm>>) target_semaphore(%run_scoped3A : memref<!tpu.dma_semaphore, #tpu.memory_space<semaphore_mem>>)
      %dma_wait3A_346 = arith.constant 0 : i32
      %dma_wait3A_347 = tpu.memref_slice %arg7[%add3A_341, %dma_wait3A_346] : memref<20480x128xf32, #tpu.memory_space<hbm>> -> memref<640x128xf32, #tpu.memory_space<hbm>>
      %dma_wait3A_348 = arith.constant 0 : i32
      %dma_wait3A_349 = tpu.memref_slice %arg8[%mul3A_0, %dma_wait3A_348] : memref<10240x128xf32, #tpu.memory_space<vmem_shared>> -> memref<640x128xf32, #tpu.memory_space<vmem_shared>>
      tpu.wait_dma2 semaphore(%run_scoped3A : memref<!tpu.dma_semaphore, #tpu.memory_space<semaphore_mem>>) src(%dma_wait3A_349 : memref<640x128xf32, #tpu.memory_space<vmem_shared>>) dst(%dma_wait3A_347 : memref<640x128xf32, #tpu.memory_space<hbm>>)
      tpu.yield
    }) : () -> ()
    return
  }
}

#map = affine_map<(d0, d1) -> (0, 0)>
#map1 = affine_map<(d0, d1) -> (0)>
module attributes {stable_mosaic.version = 14 : i64} {
  func.func @k(%arg0: i32, %arg1: i32, %arg2: memref<10000x128xf32, #tpu.memory_space<hbm>>, %arg3: memref<320000xi32, #tpu.memory_space<hbm>>, %arg4: memref<320000xi32, #tpu.memory_space<hbm>>, %arg5: memref<10240x128xf32, #tpu.memory_space<hbm>>, %arg6: memref<10240xf32, #tpu.memory_space<hbm>>, %arg7: memref<20480x128xf32, #tpu.memory_space<hbm>>, %arg8: memref<20480xf32, #tpu.memory_space<hbm>>, %arg9: memref<10240x128xf32, #tpu.memory_space<vmem_shared>>, %arg10: memref<10240xf32, #tpu.memory_space<vmem_shared>>, %arg11: memref<!tpu.dma_semaphore, #tpu.memory_space<semaphore_mem>>, %arg12: memref<!tpu.dma_semaphore, #tpu.memory_space<semaphore_mem>>, %arg13: memref<!tpu.dma_semaphore, #tpu.memory_space<semaphore_mem>>, %arg14: memref<!tpu.dma_semaphore, #tpu.memory_space<semaphore_mem>>, %arg15: memref<64xi32, #tpu.memory_space<vmem>>, %arg16: memref<64xi32, #tpu.memory_space<vmem>>, %arg17: memref<64xi32, #tpu.memory_space<vmem>>, %arg18: memref<64xi32, #tpu.memory_space<vmem>>, %arg19: memref<64xi32, #tpu.memory_space<vmem>>, %arg20: memref<64xi32, #tpu.memory_space<vmem>>, %arg21: memref<64xi32, #tpu.memory_space<vmem>>, %arg22: memref<64xi32, #tpu.memory_space<vmem>>, %arg23: memref<16xi32, #tpu.memory_space<vmem>>, %arg24: memref<!tpu.dma_semaphore, #tpu.memory_space<semaphore_mem>>, %arg25: memref<!tpu.dma_semaphore, #tpu.memory_space<semaphore_mem>>, %arg26: memref<!tpu.dma_semaphore, #tpu.memory_space<semaphore_mem>>, %arg27: memref<!tpu.dma_semaphore, #tpu.memory_space<semaphore_mem>>, %arg28: memref<!tpu.dma_semaphore, #tpu.memory_space<semaphore_mem>>, %arg29: memref<!tpu.dma_semaphore, #tpu.memory_space<semaphore_mem>>, %arg30: memref<!tpu.dma_semaphore, #tpu.memory_space<semaphore_mem>>, %arg31: memref<!tpu.dma_semaphore, #tpu.memory_space<semaphore_mem>>, %arg32: memref<16xf32, #tpu.memory_space<vmem>>, %arg33: memref<64xf32, #tpu.memory_space<vmem>>, %arg34: memref<64x128xf32, #tpu.memory_space<vmem>>, %arg35: memref<64x128xf32, #tpu.memory_space<vmem>>, %arg36: memref<64x128xf32, #tpu.memory_space<vmem>>, %arg37: memref<64x128xf32, #tpu.memory_space<vmem>>, %arg38: memref<16x128xf32, #tpu.memory_space<vmem>>, %arg39: memref<64xi32, #tpu.memory_space<vmem>>, %arg40: memref<64xi32, #tpu.memory_space<vmem>>, %arg41: memref<64xi32, #tpu.memory_space<vmem>>, %arg42: memref<64xi32, #tpu.memory_space<vmem>>, %arg43: memref<16xi32, #tpu.memory_space<vmem>>, %arg44: memref<!tpu.dma_semaphore, #tpu.memory_space<semaphore_mem>>, %arg45: memref<!tpu.dma_semaphore, #tpu.memory_space<semaphore_mem>>, %arg46: memref<!tpu.dma_semaphore, #tpu.memory_space<semaphore_mem>>, %arg47: memref<!tpu.dma_semaphore, #tpu.memory_space<semaphore_mem>>) attributes {dimension_semantics = [#tpu.dimension_semantics<core_parallel>, #tpu.dimension_semantics<subcore_parallel>], iteration_bounds = array<i64: 2, 16>, scalar_prefetch = 0 : i64, scratch_operands = 39 : i64, tpu.core_type = #tpu.core_type<sc_vector_subcore>, window_params = [{transform_indices = #map}, {transform_indices = #map1}, {transform_indices = #map1}, {transform_indices = #map}, {transform_indices = #map1}, {transform_indices = #map}, {transform_indices = #map1}]} {
    %mul3A = arith.constant 640 : i32
    %mul3A_0 = arith.muli %arg1, %mul3A : i32
    "tpu.region"() ({
      %run_scoped3A = tpu.sem_alloc : memref<!tpu.dma_semaphore, #tpu.memory_space<semaphore_mem>>
      %dma_start3A_410 = arith.constant 0 : i32
      %dma_start3A_411 = tpu.memref_slice %arg9[%mul3A_0, %dma_start3A_410] : memref<10240x128xf32, #tpu.memory_space<vmem_shared>> -> memref<640x128xf32, #tpu.memory_space<vmem_shared>>
      %dma_start3A_412 = arith.constant 0 : i32
      %dma_start3A_413 = tpu.memref_slice %arg5[%mul3A_0, %dma_start3A_412] : memref<10240x128xf32, #tpu.memory_space<hbm>> -> memref<640x128xf32, #tpu.memory_space<hbm>>
      tpu.enqueue_dma source(%dma_start3A_413 : memref<640x128xf32, #tpu.memory_space<hbm>>) target(%dma_start3A_411 : memref<640x128xf32, #tpu.memory_space<vmem_shared>>) target_semaphore(%run_scoped3A : memref<!tpu.dma_semaphore, #tpu.memory_space<semaphore_mem>>)
      %dma_wait3A_414 = arith.constant 0 : i32
      %dma_wait3A_415 = tpu.memref_slice %arg9[%mul3A_0, %dma_wait3A_414] : memref<10240x128xf32, #tpu.memory_space<vmem_shared>> -> memref<640x128xf32, #tpu.memory_space<vmem_shared>>
      %dma_wait3A_416 = arith.constant 0 : i32
      %dma_wait3A_417 = tpu.memref_slice %arg5[%mul3A_0, %dma_wait3A_416] : memref<10240x128xf32, #tpu.memory_space<hbm>> -> memref<640x128xf32, #tpu.memory_space<hbm>>
      tpu.wait_dma2 semaphore(%run_scoped3A : memref<!tpu.dma_semaphore, #tpu.memory_space<semaphore_mem>>) src(%dma_wait3A_417 : memref<640x128xf32, #tpu.memory_space<hbm>>) dst(%dma_wait3A_415 : memref<640x128xf32, #tpu.memory_space<vmem_shared>>)
      tpu.yield
    }) : () -> ()
    "tpu.region"() ({
      %run_scoped3A = tpu.sem_alloc : memref<!tpu.dma_semaphore, #tpu.memory_space<semaphore_mem>>
      %dma_start3A_410 = tpu.memref_slice %arg10[%mul3A_0] : memref<10240xf32, #tpu.memory_space<vmem_shared>> -> memref<640xf32, #tpu.memory_space<vmem_shared>>
      %dma_start3A_411 = tpu.memref_slice %arg6[%mul3A_0] : memref<10240xf32, #tpu.memory_space<hbm>> -> memref<640xf32, #tpu.memory_space<hbm>>
      tpu.enqueue_dma source(%dma_start3A_411 : memref<640xf32, #tpu.memory_space<hbm>>) target(%dma_start3A_410 : memref<640xf32, #tpu.memory_space<vmem_shared>>) target_semaphore(%run_scoped3A : memref<!tpu.dma_semaphore, #tpu.memory_space<semaphore_mem>>)
      %dma_wait3A_412 = tpu.memref_slice %arg10[%mul3A_0] : memref<10240xf32, #tpu.memory_space<vmem_shared>> -> memref<640xf32, #tpu.memory_space<vmem_shared>>
      %dma_wait3A_413 = tpu.memref_slice %arg6[%mul3A_0] : memref<10240xf32, #tpu.memory_space<hbm>> -> memref<640xf32, #tpu.memory_space<hbm>>
      tpu.wait_dma2 semaphore(%run_scoped3A : memref<!tpu.dma_semaphore, #tpu.memory_space<semaphore_mem>>) src(%dma_wait3A_413 : memref<640xf32, #tpu.memory_space<hbm>>) dst(%dma_wait3A_412 : memref<640xf32, #tpu.memory_space<vmem_shared>>)
      tpu.yield
    }) : () -> ()
    %scan3A = arith.constant 0 : i32
    %scan3A_1 = arith.constant 4 : i32
    %scan3A_2 = arith.addi %scan3A, %scan3A_1 : i32
    %scan3A_3 = arith.constant 1 : i32
    scf.for %scan3A_410 = %scan3A to %scan3A_2 step %scan3A_3  : i32 {
      %mul3A_411 = arith.constant 1 : i32
      %mul3A_412 = arith.muli %scan3A_410, %mul3A_411 : i32
      %add3A_413 = arith.constant 0 : i32
      %add3A_414 = arith.addi %add3A_413, %mul3A_412 : i32
      %broadcast_in_dim3A_415 = arith.constant 1.000000e+00 : f32
      %broadcast_in_dim3A_416 = vector.broadcast %broadcast_in_dim3A_415 : f32 to vector<16xf32>
      %mul3A_417 = arith.constant 16 : i32
      %mul3A_418 = arith.muli %add3A_414, %mul3A_417 : i32
      %swap3A_419 = arith.index_cast %mul3A_418 : i32 to index
      %swap3A_420 = tpu.vector_load %arg33[%swap3A_419] {strides = array<i32>} : memref<64xf32, #tpu.memory_space<vmem>>, vector<16xf32>,
      %swap3A_421 = vector.shape_cast %swap3A_420 : vector<16xf32> to vector<16xf32>
      %swap3A_422 = vector.shape_cast %broadcast_in_dim3A_416 : vector<16xf32> to vector<16xf32>
      tpu.vector_store %arg33[%swap3A_419], %swap3A_422 {strides = array<i32>} : memref<64xf32, #tpu.memory_space<vmem>>, vector<16xf32>,
    }
    %scan3A_4 = arith.constant 4 : i32
    %scan3A_5 = arith.constant 0 : i32
    %mul3A_6 = arith.constant 1 : i32
    %mul3A_7 = arith.muli %scan3A_5, %mul3A_6 : i32
    %add3A = arith.constant 0 : i32
    %add3A_8 = arith.addi %add3A, %mul3A_7 : i32
    %broadcast_in_dim3A = arith.constant 1.000000e+00 : f32
    %broadcast_in_dim3A_9 = vector.broadcast %broadcast_in_dim3A : f32 to vector<16xf32>
    %mul3A_10 = arith.constant 16 : i32
    %mul3A_11 = arith.muli %add3A_8, %mul3A_10 : i32
    %swap3A = arith.index_cast %mul3A_11 : i32 to index
    %swap3A_12 = tpu.vector_load %arg32[%swap3A] {strides = array<i32>} : memref<16xf32, #tpu.memory_space<vmem>>, vector<16xf32>,
    %swap3A_13 = vector.shape_cast %swap3A_12 : vector<16xf32> to vector<16xf32>
    %swap3A_14 = vector.shape_cast %broadcast_in_dim3A_9 : vector<16xf32> to vector<16xf32>
    tpu.vector_store %arg32[%swap3A], %swap3A_14 {strides = array<i32>} : memref<16xf32, #tpu.memory_space<vmem>>, vector<16xf32>,
    %scan3A_15 = arith.constant 1 : i32
    %barrier3A = arith.constant 0 : index
    tpu.barrier barrier_id(%barrier3A)
    %mul3A_16 = arith.constant 160000 : i32
    %mul3A_17 = arith.muli %arg0, %mul3A_16 : i32
    %mul3A_18 = arith.constant 10000 : i32
    %mul3A_19 = arith.muli %arg1, %mul3A_18 : i32
    %add3A_20 = arith.addi %mul3A_17, %mul3A_19 : i32
    %add3A_21 = arith.constant 0 : i32
    %add3A_22 = arith.addi %add3A_20, %add3A_21 : i32
    %multiple_of3A = tpu.assume_multiple %add3A_22, 8 : i32
    %dma_start3A = tpu.memref_slice %arg3[%multiple_of3A] : memref<320000xi32, #tpu.memory_space<hbm>> -> memref<64xi32, #tpu.memory_space<hbm>>
    %dma_start3A_23 = tpu.memref_slice %arg3[%multiple_of3A] : memref<320000xi32, #tpu.memory_space<hbm>> -> memref<64xi32, #tpu.memory_space<hbm>>
    tpu.enqueue_dma source(%dma_start3A_23 : memref<64xi32, #tpu.memory_space<hbm>>) target(%arg39 : memref<64xi32, #tpu.memory_space<vmem>>) target_semaphore(%arg28 : memref<!tpu.dma_semaphore, #tpu.memory_space<semaphore_mem>>)
    %dma_start3A_24 = tpu.memref_slice %arg4[%multiple_of3A] : memref<320000xi32, #tpu.memory_space<hbm>> -> memref<64xi32, #tpu.memory_space<hbm>>
    %dma_start3A_25 = tpu.memref_slice %arg4[%multiple_of3A] : memref<320000xi32, #tpu.memory_space<hbm>> -> memref<64xi32, #tpu.memory_space<hbm>>
    tpu.enqueue_dma source(%dma_start3A_25 : memref<64xi32, #tpu.memory_space<hbm>>) target(%arg15 : memref<64xi32, #tpu.memory_space<vmem>>) target_semaphore(%arg28 : memref<!tpu.dma_semaphore, #tpu.memory_space<semaphore_mem>>)
    %add3A_26 = arith.constant 64 : i32
    %add3A_27 = arith.addi %add3A_20, %add3A_26 : i32
    %multiple_of3A_28 = tpu.assume_multiple %add3A_27, 8 : i32
    %dma_start3A_29 = tpu.memref_slice %arg3[%multiple_of3A_28] : memref<320000xi32, #tpu.memory_space<hbm>> -> memref<64xi32, #tpu.memory_space<hbm>>
    %dma_start3A_30 = tpu.memref_slice %arg3[%multiple_of3A_28] : memref<320000xi32, #tpu.memory_space<hbm>> -> memref<64xi32, #tpu.memory_space<hbm>>
    tpu.enqueue_dma source(%dma_start3A_30 : memref<64xi32, #tpu.memory_space<hbm>>) target(%arg40 : memref<64xi32, #tpu.memory_space<vmem>>) target_semaphore(%arg29 : memref<!tpu.dma_semaphore, #tpu.memory_space<semaphore_mem>>)
    %dma_start3A_31 = tpu.memref_slice %arg4[%multiple_of3A_28] : memref<320000xi32, #tpu.memory_space<hbm>> -> memref<64xi32, #tpu.memory_space<hbm>>
    %dma_start3A_32 = tpu.memref_slice %arg4[%multiple_of3A_28] : memref<320000xi32, #tpu.memory_space<hbm>> -> memref<64xi32, #tpu.memory_space<hbm>>
    tpu.enqueue_dma source(%dma_start3A_32 : memref<64xi32, #tpu.memory_space<hbm>>) target(%arg16 : memref<64xi32, #tpu.memory_space<vmem>>) target_semaphore(%arg29 : memref<!tpu.dma_semaphore, #tpu.memory_space<semaphore_mem>>)
    %dma_wait3A = arith.constant 0 : i32
    %dma_wait3A_33 = tpu.memref_slice %arg3[%dma_wait3A] : memref<320000xi32, #tpu.memory_space<hbm>> -> memref<64xi32, #tpu.memory_space<hbm>>
    %dma_wait3A_34 = arith.constant 0 : i32
    %dma_wait3A_35 = tpu.memref_slice %arg3[%dma_wait3A_34] : memref<320000xi32, #tpu.memory_space<hbm>> -> memref<64xi32, #tpu.memory_space<hbm>>
    tpu.wait_dma2 semaphore(%arg28 : memref<!tpu.dma_semaphore, #tpu.memory_space<semaphore_mem>>) src(%dma_wait3A_35 : memref<64xi32, #tpu.memory_space<hbm>>) dst(%arg39 : memref<64xi32, #tpu.memory_space<vmem>>)
    %dma_wait3A_36 = arith.constant 0 : i32
    %dma_wait3A_37 = tpu.memref_slice %arg4[%dma_wait3A_36] : memref<320000xi32, #tpu.memory_space<hbm>> -> memref<64xi32, #tpu.memory_space<hbm>>
    %dma_wait3A_38 = arith.constant 0 : i32
    %dma_wait3A_39 = tpu.memref_slice %arg4[%dma_wait3A_38] : memref<320000xi32, #tpu.memory_space<hbm>> -> memref<64xi32, #tpu.memory_space<hbm>>
    tpu.wait_dma2 semaphore(%arg28 : memref<!tpu.dma_semaphore, #tpu.memory_space<semaphore_mem>>) src(%dma_wait3A_39 : memref<64xi32, #tpu.memory_space<hbm>>) dst(%arg15 : memref<64xi32, #tpu.memory_space<vmem>>)
    %dma_start3A_40 = arith.constant 0 : i32
    %dma_start3A_41 = arith.constant 0 : i32
    %dma_start3A_42 = tpu.memref_slice %arg2[%dma_start3A_40, %dma_start3A_41] : memref<10000x128xf32, #tpu.memory_space<hbm>> -> memref<10000x128xf32, #tpu.memory_space<hbm>>
    tpu.enqueue_indirect_dma source(%dma_start3A_42 : memref<10000x128xf32, #tpu.memory_space<hbm>>) target(%arg34 : memref<64x128xf32, #tpu.memory_space<vmem>>) offsets(%arg39 : memref<64xi32, #tpu.memory_space<vmem>>) semaphore(%arg24 : memref<!tpu.dma_semaphore, #tpu.memory_space<semaphore_mem>>)
    %add3A_43 = arith.constant 128 : i32
    %add3A_44 = arith.addi %add3A_20, %add3A_43 : i32
    %multiple_of3A_45 = tpu.assume_multiple %add3A_44, 8 : i32
    %dma_start3A_46 = tpu.memref_slice %arg3[%multiple_of3A_45] : memref<320000xi32, #tpu.memory_space<hbm>> -> memref<64xi32, #tpu.memory_space<hbm>>
    %dma_start3A_47 = tpu.memref_slice %arg3[%multiple_of3A_45] : memref<320000xi32, #tpu.memory_space<hbm>> -> memref<64xi32, #tpu.memory_space<hbm>>
    tpu.enqueue_dma source(%dma_start3A_47 : memref<64xi32, #tpu.memory_space<hbm>>) target(%arg41 : memref<64xi32, #tpu.memory_space<vmem>>) target_semaphore(%arg30 : memref<!tpu.dma_semaphore, #tpu.memory_space<semaphore_mem>>)
    %dma_start3A_48 = tpu.memref_slice %arg4[%multiple_of3A_45] : memref<320000xi32, #tpu.memory_space<hbm>> -> memref<64xi32, #tpu.memory_space<hbm>>
    %dma_start3A_49 = tpu.memref_slice %arg4[%multiple_of3A_45] : memref<320000xi32, #tpu.memory_space<hbm>> -> memref<64xi32, #tpu.memory_space<hbm>>
    tpu.enqueue_dma source(%dma_start3A_49 : memref<64xi32, #tpu.memory_space<hbm>>) target(%arg17 : memref<64xi32, #tpu.memory_space<vmem>>) target_semaphore(%arg30 : memref<!tpu.dma_semaphore, #tpu.memory_space<semaphore_mem>>)
    %dma_wait3A_50 = arith.constant 0 : i32
    %dma_wait3A_51 = tpu.memref_slice %arg3[%dma_wait3A_50] : memref<320000xi32, #tpu.memory_space<hbm>> -> memref<64xi32, #tpu.memory_space<hbm>>
    %dma_wait3A_52 = arith.constant 0 : i32
    %dma_wait3A_53 = tpu.memref_slice %arg3[%dma_wait3A_52] : memref<320000xi32, #tpu.memory_space<hbm>> -> memref<64xi32, #tpu.memory_space<hbm>>
    tpu.wait_dma2 semaphore(%arg29 : memref<!tpu.dma_semaphore, #tpu.memory_space<semaphore_mem>>) src(%dma_wait3A_53 : memref<64xi32, #tpu.memory_space<hbm>>) dst(%arg40 : memref<64xi32, #tpu.memory_space<vmem>>)
    %dma_wait3A_54 = arith.constant 0 : i32
    %dma_wait3A_55 = tpu.memref_slice %arg4[%dma_wait3A_54] : memref<320000xi32, #tpu.memory_space<hbm>> -> memref<64xi32, #tpu.memory_space<hbm>>
    %dma_wait3A_56 = arith.constant 0 : i32
    %dma_wait3A_57 = tpu.memref_slice %arg4[%dma_wait3A_56] : memref<320000xi32, #tpu.memory_space<hbm>> -> memref<64xi32, #tpu.memory_space<hbm>>
    tpu.wait_dma2 semaphore(%arg29 : memref<!tpu.dma_semaphore, #tpu.memory_space<semaphore_mem>>) src(%dma_wait3A_57 : memref<64xi32, #tpu.memory_space<hbm>>) dst(%arg16 : memref<64xi32, #tpu.memory_space<vmem>>)
    %dma_start3A_58 = arith.constant 0 : i32
    %dma_start3A_59 = arith.constant 0 : i32
    %dma_start3A_60 = tpu.memref_slice %arg2[%dma_start3A_58, %dma_start3A_59] : memref<10000x128xf32, #tpu.memory_space<hbm>> -> memref<10000x128xf32, #tpu.memory_space<hbm>>
    tpu.enqueue_indirect_dma source(%dma_start3A_60 : memref<10000x128xf32, #tpu.memory_space<hbm>>) target(%arg35 : memref<64x128xf32, #tpu.memory_space<vmem>>) offsets(%arg40 : memref<64xi32, #tpu.memory_space<vmem>>) semaphore(%arg25 : memref<!tpu.dma_semaphore, #tpu.memory_space<semaphore_mem>>)
    %add3A_61 = arith.constant 192 : i32
    %add3A_62 = arith.addi %add3A_20, %add3A_61 : i32
    %multiple_of3A_63 = tpu.assume_multiple %add3A_62, 8 : i32
    %dma_start3A_64 = tpu.memref_slice %arg3[%multiple_of3A_63] : memref<320000xi32, #tpu.memory_space<hbm>> -> memref<64xi32, #tpu.memory_space<hbm>>
    %dma_start3A_65 = tpu.memref_slice %arg3[%multiple_of3A_63] : memref<320000xi32, #tpu.memory_space<hbm>> -> memref<64xi32, #tpu.memory_space<hbm>>
    tpu.enqueue_dma source(%dma_start3A_65 : memref<64xi32, #tpu.memory_space<hbm>>) target(%arg42 : memref<64xi32, #tpu.memory_space<vmem>>) target_semaphore(%arg31 : memref<!tpu.dma_semaphore, #tpu.memory_space<semaphore_mem>>)
    %dma_start3A_66 = tpu.memref_slice %arg4[%multiple_of3A_63] : memref<320000xi32, #tpu.memory_space<hbm>> -> memref<64xi32, #tpu.memory_space<hbm>>
    %dma_start3A_67 = tpu.memref_slice %arg4[%multiple_of3A_63] : memref<320000xi32, #tpu.memory_space<hbm>> -> memref<64xi32, #tpu.memory_space<hbm>>
    tpu.enqueue_dma source(%dma_start3A_67 : memref<64xi32, #tpu.memory_space<hbm>>) target(%arg18 : memref<64xi32, #tpu.memory_space<vmem>>) target_semaphore(%arg31 : memref<!tpu.dma_semaphore, #tpu.memory_space<semaphore_mem>>)
    %dma_wait3A_68 = arith.constant 0 : i32
    %dma_wait3A_69 = tpu.memref_slice %arg3[%dma_wait3A_68] : memref<320000xi32, #tpu.memory_space<hbm>> -> memref<64xi32, #tpu.memory_space<hbm>>
    %dma_wait3A_70 = arith.constant 0 : i32
    %dma_wait3A_71 = tpu.memref_slice %arg3[%dma_wait3A_70] : memref<320000xi32, #tpu.memory_space<hbm>> -> memref<64xi32, #tpu.memory_space<hbm>>
    tpu.wait_dma2 semaphore(%arg30 : memref<!tpu.dma_semaphore, #tpu.memory_space<semaphore_mem>>) src(%dma_wait3A_71 : memref<64xi32, #tpu.memory_space<hbm>>) dst(%arg41 : memref<64xi32, #tpu.memory_space<vmem>>)
    %dma_wait3A_72 = arith.constant 0 : i32
    %dma_wait3A_73 = tpu.memref_slice %arg4[%dma_wait3A_72] : memref<320000xi32, #tpu.memory_space<hbm>> -> memref<64xi32, #tpu.memory_space<hbm>>
    %dma_wait3A_74 = arith.constant 0 : i32
    %dma_wait3A_75 = tpu.memref_slice %arg4[%dma_wait3A_74] : memref<320000xi32, #tpu.memory_space<hbm>> -> memref<64xi32, #tpu.memory_space<hbm>>
    tpu.wait_dma2 semaphore(%arg30 : memref<!tpu.dma_semaphore, #tpu.memory_space<semaphore_mem>>) src(%dma_wait3A_75 : memref<64xi32, #tpu.memory_space<hbm>>) dst(%arg17 : memref<64xi32, #tpu.memory_space<vmem>>)
    %dma_start3A_76 = arith.constant 0 : i32
    %dma_start3A_77 = arith.constant 0 : i32
    %dma_start3A_78 = tpu.memref_slice %arg2[%dma_start3A_76, %dma_start3A_77] : memref<10000x128xf32, #tpu.memory_space<hbm>> -> memref<10000x128xf32, #tpu.memory_space<hbm>>
    tpu.enqueue_indirect_dma source(%dma_start3A_78 : memref<10000x128xf32, #tpu.memory_space<hbm>>) target(%arg36 : memref<64x128xf32, #tpu.memory_space<vmem>>) offsets(%arg41 : memref<64xi32, #tpu.memory_space<vmem>>) semaphore(%arg26 : memref<!tpu.dma_semaphore, #tpu.memory_space<semaphore_mem>>)
    %dma_wait3A_79 = arith.constant 0 : i32
    %dma_wait3A_80 = arith.constant 0 : i32
    %dma_wait3A_81 = tpu.memref_slice %arg2[%dma_wait3A_79, %dma_wait3A_80] : memref<10000x128xf32, #tpu.memory_space<hbm>> -> memref<10000x128xf32, #tpu.memory_space<hbm>>
    tpu.wait_indirect_dma semaphore(%arg24 : memref<!tpu.dma_semaphore, #tpu.memory_space<semaphore_mem>>) src(%dma_wait3A_81 : memref<10000x128xf32, #tpu.memory_space<hbm>>) dst(%arg34 : memref<64x128xf32, #tpu.memory_space<vmem>>)
    %dma_start3A_82 = arith.constant 0 : i32
    %dma_start3A_83 = arith.constant 0 : i32
    %dma_start3A_84 = tpu.memref_slice %arg9[%dma_start3A_82, %dma_start3A_83] : memref<10240x128xf32, #tpu.memory_space<vmem_shared>> -> memref<10240x128xf32, #tpu.memory_space<vmem_shared>>
    tpu.enqueue_indirect_dma source(%arg34 : memref<64x128xf32, #tpu.memory_space<vmem>>) target(%dma_start3A_84 : memref<10240x128xf32, #tpu.memory_space<vmem_shared>>) offsets(%arg15 : memref<64xi32, #tpu.memory_space<vmem>>) semaphore(%arg44 : memref<!tpu.dma_semaphore, #tpu.memory_space<semaphore_mem>>) {add = true}
    %dma_start3A_85 = arith.constant 0 : i32
    %dma_start3A_86 = tpu.memref_slice %arg10[%dma_start3A_85] : memref<10240xf32, #tpu.memory_space<vmem_shared>> -> memref<10240xf32, #tpu.memory_space<vmem_shared>>
    tpu.enqueue_indirect_dma source(%arg33 : memref<64xf32, #tpu.memory_space<vmem>>) target(%dma_start3A_86 : memref<10240xf32, #tpu.memory_space<vmem_shared>>) offsets(%arg15 : memref<64xi32, #tpu.memory_space<vmem>>) semaphore(%arg11 : memref<!tpu.dma_semaphore, #tpu.memory_space<semaphore_mem>>) {add = true}
    %add3A_87 = arith.constant 256 : i32
    %add3A_88 = arith.addi %add3A_20, %add3A_87 : i32
    %multiple_of3A_89 = tpu.assume_multiple %add3A_88, 8 : i32
    %dma_start3A_90 = tpu.memref_slice %arg3[%multiple_of3A_89] : memref<320000xi32, #tpu.memory_space<hbm>> -> memref<64xi32, #tpu.memory_space<hbm>>
    %dma_start3A_91 = tpu.memref_slice %arg3[%multiple_of3A_89] : memref<320000xi32, #tpu.memory_space<hbm>> -> memref<64xi32, #tpu.memory_space<hbm>>
    tpu.enqueue_dma source(%dma_start3A_91 : memref<64xi32, #tpu.memory_space<hbm>>) target(%arg39 : memref<64xi32, #tpu.memory_space<vmem>>) target_semaphore(%arg28 : memref<!tpu.dma_semaphore, #tpu.memory_space<semaphore_mem>>)
    %dma_start3A_92 = tpu.memref_slice %arg4[%multiple_of3A_89] : memref<320000xi32, #tpu.memory_space<hbm>> -> memref<64xi32, #tpu.memory_space<hbm>>
    %dma_start3A_93 = tpu.memref_slice %arg4[%multiple_of3A_89] : memref<320000xi32, #tpu.memory_space<hbm>> -> memref<64xi32, #tpu.memory_space<hbm>>
    tpu.enqueue_dma source(%dma_start3A_93 : memref<64xi32, #tpu.memory_space<hbm>>) target(%arg19 : memref<64xi32, #tpu.memory_space<vmem>>) target_semaphore(%arg28 : memref<!tpu.dma_semaphore, #tpu.memory_space<semaphore_mem>>)
    %dma_wait3A_94 = arith.constant 0 : i32
    %dma_wait3A_95 = arith.constant 0 : i32
    %dma_wait3A_96 = tpu.memref_slice %arg9[%dma_wait3A_94, %dma_wait3A_95] : memref<10240x128xf32, #tpu.memory_space<vmem_shared>> -> memref<10240x128xf32, #tpu.memory_space<vmem_shared>>
    tpu.wait_indirect_dma semaphore(%arg44 : memref<!tpu.dma_semaphore, #tpu.memory_space<semaphore_mem>>) src(%arg34 : memref<64x128xf32, #tpu.memory_space<vmem>>) dst(%dma_wait3A_96 : memref<10240x128xf32, #tpu.memory_space<vmem_shared>>)
    %dma_wait3A_97 = arith.constant 0 : i32
    %dma_wait3A_98 = tpu.memref_slice %arg10[%dma_wait3A_97] : memref<10240xf32, #tpu.memory_space<vmem_shared>> -> memref<10240xf32, #tpu.memory_space<vmem_shared>>
    tpu.wait_indirect_dma semaphore(%arg11 : memref<!tpu.dma_semaphore, #tpu.memory_space<semaphore_mem>>) src(%arg33 : memref<64xf32, #tpu.memory_space<vmem>>) dst(%dma_wait3A_98 : memref<10240xf32, #tpu.memory_space<vmem_shared>>)
    %dma_wait3A_99 = arith.constant 0 : i32
    %dma_wait3A_100 = tpu.memref_slice %arg3[%dma_wait3A_99] : memref<320000xi32, #tpu.memory_space<hbm>> -> memref<64xi32, #tpu.memory_space<hbm>>
    %dma_wait3A_101 = arith.constant 0 : i32
    %dma_wait3A_102 = tpu.memref_slice %arg3[%dma_wait3A_101] : memref<320000xi32, #tpu.memory_space<hbm>> -> memref<64xi32, #tpu.memory_space<hbm>>
    tpu.wait_dma2 semaphore(%arg31 : memref<!tpu.dma_semaphore, #tpu.memory_space<semaphore_mem>>) src(%dma_wait3A_102 : memref<64xi32, #tpu.memory_space<hbm>>) dst(%arg42 : memref<64xi32, #tpu.memory_space<vmem>>)
    %dma_wait3A_103 = arith.constant 0 : i32
    %dma_wait3A_104 = tpu.memref_slice %arg4[%dma_wait3A_103] : memref<320000xi32, #tpu.memory_space<hbm>> -> memref<64xi32, #tpu.memory_space<hbm>>
    %dma_wait3A_105 = arith.constant 0 : i32
    %dma_wait3A_106 = tpu.memref_slice %arg4[%dma_wait3A_105] : memref<320000xi32, #tpu.memory_space<hbm>> -> memref<64xi32, #tpu.memory_space<hbm>>
    tpu.wait_dma2 semaphore(%arg31 : memref<!tpu.dma_semaphore, #tpu.memory_space<semaphore_mem>>) src(%dma_wait3A_106 : memref<64xi32, #tpu.memory_space<hbm>>) dst(%arg18 : memref<64xi32, #tpu.memory_space<vmem>>)
    %dma_start3A_107 = arith.constant 0 : i32
    %dma_start3A_108 = arith.constant 0 : i32
    %dma_start3A_109 = tpu.memref_slice %arg2[%dma_start3A_107, %dma_start3A_108] : memref<10000x128xf32, #tpu.memory_space<hbm>> -> memref<10000x128xf32, #tpu.memory_space<hbm>>
    tpu.enqueue_indirect_dma source(%dma_start3A_109 : memref<10000x128xf32, #tpu.memory_space<hbm>>) target(%arg37 : memref<64x128xf32, #tpu.memory_space<vmem>>) offsets(%arg42 : memref<64xi32, #tpu.memory_space<vmem>>) semaphore(%arg27 : memref<!tpu.dma_semaphore, #tpu.memory_space<semaphore_mem>>)
    %dma_wait3A_110 = arith.constant 0 : i32
    %dma_wait3A_111 = arith.constant 0 : i32
    %dma_wait3A_112 = tpu.memref_slice %arg2[%dma_wait3A_110, %dma_wait3A_111] : memref<10000x128xf32, #tpu.memory_space<hbm>> -> memref<10000x128xf32, #tpu.memory_space<hbm>>
    tpu.wait_indirect_dma semaphore(%arg25 : memref<!tpu.dma_semaphore, #tpu.memory_space<semaphore_mem>>) src(%dma_wait3A_112 : memref<10000x128xf32, #tpu.memory_space<hbm>>) dst(%arg35 : memref<64x128xf32, #tpu.memory_space<vmem>>)
    %dma_start3A_113 = arith.constant 0 : i32
    %dma_start3A_114 = arith.constant 0 : i32
    %dma_start3A_115 = tpu.memref_slice %arg9[%dma_start3A_113, %dma_start3A_114] : memref<10240x128xf32, #tpu.memory_space<vmem_shared>> -> memref<10240x128xf32, #tpu.memory_space<vmem_shared>>
    tpu.enqueue_indirect_dma source(%arg35 : memref<64x128xf32, #tpu.memory_space<vmem>>) target(%dma_start3A_115 : memref<10240x128xf32, #tpu.memory_space<vmem_shared>>) offsets(%arg16 : memref<64xi32, #tpu.memory_space<vmem>>) semaphore(%arg45 : memref<!tpu.dma_semaphore, #tpu.memory_space<semaphore_mem>>) {add = true}
    %dma_start3A_116 = arith.constant 0 : i32
    %dma_start3A_117 = tpu.memref_slice %arg10[%dma_start3A_116] : memref<10240xf32, #tpu.memory_space<vmem_shared>> -> memref<10240xf32, #tpu.memory_space<vmem_shared>>
    tpu.enqueue_indirect_dma source(%arg33 : memref<64xf32, #tpu.memory_space<vmem>>) target(%dma_start3A_117 : memref<10240xf32, #tpu.memory_space<vmem_shared>>) offsets(%arg16 : memref<64xi32, #tpu.memory_space<vmem>>) semaphore(%arg12 : memref<!tpu.dma_semaphore, #tpu.memory_space<semaphore_mem>>) {add = true}
    %add3A_118 = arith.constant 320 : i32
    %add3A_119 = arith.addi %add3A_20, %add3A_118 : i32
    %multiple_of3A_120 = tpu.assume_multiple %add3A_119, 8 : i32
    %dma_start3A_121 = tpu.memref_slice %arg3[%multiple_of3A_120] : memref<320000xi32, #tpu.memory_space<hbm>> -> memref<64xi32, #tpu.memory_space<hbm>>
    %dma_start3A_122 = tpu.memref_slice %arg3[%multiple_of3A_120] : memref<320000xi32, #tpu.memory_space<hbm>> -> memref<64xi32, #tpu.memory_space<hbm>>
    tpu.enqueue_dma source(%dma_start3A_122 : memref<64xi32, #tpu.memory_space<hbm>>) target(%arg40 : memref<64xi32, #tpu.memory_space<vmem>>) target_semaphore(%arg29 : memref<!tpu.dma_semaphore, #tpu.memory_space<semaphore_mem>>)
    %dma_start3A_123 = tpu.memref_slice %arg4[%multiple_of3A_120] : memref<320000xi32, #tpu.memory_space<hbm>> -> memref<64xi32, #tpu.memory_space<hbm>>
    %dma_start3A_124 = tpu.memref_slice %arg4[%multiple_of3A_120] : memref<320000xi32, #tpu.memory_space<hbm>> -> memref<64xi32, #tpu.memory_space<hbm>>
    tpu.enqueue_dma source(%dma_start3A_124 : memref<64xi32, #tpu.memory_space<hbm>>) target(%arg20 : memref<64xi32, #tpu.memory_space<vmem>>) target_semaphore(%arg29 : memref<!tpu.dma_semaphore, #tpu.memory_space<semaphore_mem>>)
    %scan3A_125 = arith.constant 0 : i32
    %scan3A_126 = arith.constant 18 : i32
    %scan3A_127 = arith.addi %scan3A_125, %scan3A_126 : i32
    %scan3A_128 = arith.constant 1 : i32
    scf.for %scan3A_410 = %scan3A_125 to %scan3A_127 step %scan3A_128  : i32 {
      %mul3A_411 = arith.constant 8 : i32
      %mul3A_412 = arith.muli %scan3A_410, %mul3A_411 : i32
      %add3A_413 = arith.constant 4 : i32
      %add3A_414 = arith.addi %add3A_413, %mul3A_412 : i32
      %add3A_415 = arith.constant 0 : i32
      %add3A_416 = arith.addi %add3A_414, %add3A_415 : i32
      %dma_wait3A_417 = arith.constant 0 : i32
      %dma_wait3A_418 = arith.constant 0 : i32
      %dma_wait3A_419 = tpu.memref_slice %arg9[%dma_wait3A_417, %dma_wait3A_418] : memref<10240x128xf32, #tpu.memory_space<vmem_shared>> -> memref<10240x128xf32, #tpu.memory_space<vmem_shared>>
      tpu.wait_indirect_dma semaphore(%arg45 : memref<!tpu.dma_semaphore, #tpu.memory_space<semaphore_mem>>) src(%arg35 : memref<64x128xf32, #tpu.memory_space<vmem>>) dst(%dma_wait3A_419 : memref<10240x128xf32, #tpu.memory_space<vmem_shared>>)
      %dma_wait3A_420 = arith.constant 0 : i32
      %dma_wait3A_421 = tpu.memref_slice %arg10[%dma_wait3A_420] : memref<10240xf32, #tpu.memory_space<vmem_shared>> -> memref<10240xf32, #tpu.memory_space<vmem_shared>>
      tpu.wait_indirect_dma semaphore(%arg12 : memref<!tpu.dma_semaphore, #tpu.memory_space<semaphore_mem>>) src(%arg33 : memref<64xf32, #tpu.memory_space<vmem>>) dst(%dma_wait3A_421 : memref<10240xf32, #tpu.memory_space<vmem_shared>>)
      %dma_wait3A_422 = arith.constant 0 : i32
      %dma_wait3A_423 = tpu.memref_slice %arg3[%dma_wait3A_422] : memref<320000xi32, #tpu.memory_space<hbm>> -> memref<64xi32, #tpu.memory_space<hbm>>
      %dma_wait3A_424 = arith.constant 0 : i32
      %dma_wait3A_425 = tpu.memref_slice %arg3[%dma_wait3A_424] : memref<320000xi32, #tpu.memory_space<hbm>> -> memref<64xi32, #tpu.memory_space<hbm>>
      tpu.wait_dma2 semaphore(%arg28 : memref<!tpu.dma_semaphore, #tpu.memory_space<semaphore_mem>>) src(%dma_wait3A_425 : memref<64xi32, #tpu.memory_space<hbm>>) dst(%arg39 : memref<64xi32, #tpu.memory_space<vmem>>)
      %dma_wait3A_426 = arith.constant 0 : i32
      %dma_wait3A_427 = tpu.memref_slice %arg4[%dma_wait3A_426] : memref<320000xi32, #tpu.memory_space<hbm>> -> memref<64xi32, #tpu.memory_space<hbm>>
      %dma_wait3A_428 = arith.constant 0 : i32
      %dma_wait3A_429 = tpu.memref_slice %arg4[%dma_wait3A_428] : memref<320000xi32, #tpu.memory_space<hbm>> -> memref<64xi32, #tpu.memory_space<hbm>>
      tpu.wait_dma2 semaphore(%arg28 : memref<!tpu.dma_semaphore, #tpu.memory_space<semaphore_mem>>) src(%dma_wait3A_429 : memref<64xi32, #tpu.memory_space<hbm>>) dst(%arg19 : memref<64xi32, #tpu.memory_space<vmem>>)
      %dma_start3A_430 = arith.constant 0 : i32
      %dma_start3A_431 = arith.constant 0 : i32
      %dma_start3A_432 = tpu.memref_slice %arg2[%dma_start3A_430, %dma_start3A_431] : memref<10000x128xf32, #tpu.memory_space<hbm>> -> memref<10000x128xf32, #tpu.memory_space<hbm>>
      tpu.enqueue_indirect_dma source(%dma_start3A_432 : memref<10000x128xf32, #tpu.memory_space<hbm>>) target(%arg34 : memref<64x128xf32, #tpu.memory_space<vmem>>) offsets(%arg39 : memref<64xi32, #tpu.memory_space<vmem>>) semaphore(%arg24 : memref<!tpu.dma_semaphore, #tpu.memory_space<semaphore_mem>>)
      %dma_wait3A_433 = arith.constant 0 : i32
      %dma_wait3A_434 = arith.constant 0 : i32
      %dma_wait3A_435 = tpu.memref_slice %arg2[%dma_wait3A_433, %dma_wait3A_434] : memref<10000x128xf32, #tpu.memory_space<hbm>> -> memref<10000x128xf32, #tpu.memory_space<hbm>>
      tpu.wait_indirect_dma semaphore(%arg26 : memref<!tpu.dma_semaphore, #tpu.memory_space<semaphore_mem>>) src(%dma_wait3A_435 : memref<10000x128xf32, #tpu.memory_space<hbm>>) dst(%arg36 : memref<64x128xf32, #tpu.memory_space<vmem>>)
      %dma_start3A_436 = arith.constant 0 : i32
      %dma_start3A_437 = arith.constant 0 : i32
      %dma_start3A_438 = tpu.memref_slice %arg9[%dma_start3A_436, %dma_start3A_437] : memref<10240x128xf32, #tpu.memory_space<vmem_shared>> -> memref<10240x128xf32, #tpu.memory_space<vmem_shared>>
      tpu.enqueue_indirect_dma source(%arg36 : memref<64x128xf32, #tpu.memory_space<vmem>>) target(%dma_start3A_438 : memref<10240x128xf32, #tpu.memory_space<vmem_shared>>) offsets(%arg17 : memref<64xi32, #tpu.memory_space<vmem>>) semaphore(%arg46 : memref<!tpu.dma_semaphore, #tpu.memory_space<semaphore_mem>>) {add = true}
      %dma_start3A_439 = arith.constant 0 : i32
      %dma_start3A_440 = tpu.memref_slice %arg10[%dma_start3A_439] : memref<10240xf32, #tpu.memory_space<vmem_shared>> -> memref<10240xf32, #tpu.memory_space<vmem_shared>>
      tpu.enqueue_indirect_dma source(%arg33 : memref<64xf32, #tpu.memory_space<vmem>>) target(%dma_start3A_440 : memref<10240xf32, #tpu.memory_space<vmem_shared>>) offsets(%arg17 : memref<64xi32, #tpu.memory_space<vmem>>) semaphore(%arg13 : memref<!tpu.dma_semaphore, #tpu.memory_space<semaphore_mem>>) {add = true}
      %add3A_441 = arith.constant 2 : i32
      %add3A_442 = arith.addi %add3A_416, %add3A_441 : i32
      %mul3A_443 = arith.constant 64 : i32
      %mul3A_444 = arith.muli %add3A_442, %mul3A_443 : i32
      %add3A_445 = arith.addi %add3A_20, %mul3A_444 : i32
      %multiple_of3A_446 = tpu.assume_multiple %add3A_445, 8 : i32
      %dma_start3A_447 = tpu.memref_slice %arg3[%multiple_of3A_446] : memref<320000xi32, #tpu.memory_space<hbm>> -> memref<64xi32, #tpu.memory_space<hbm>>
      %dma_start3A_448 = tpu.memref_slice %arg3[%multiple_of3A_446] : memref<320000xi32, #tpu.memory_space<hbm>> -> memref<64xi32, #tpu.memory_space<hbm>>
      tpu.enqueue_dma source(%dma_start3A_448 : memref<64xi32, #tpu.memory_space<hbm>>) target(%arg41 : memref<64xi32, #tpu.memory_space<vmem>>) target_semaphore(%arg30 : memref<!tpu.dma_semaphore, #tpu.memory_space<semaphore_mem>>)
      %dma_start3A_449 = tpu.memref_slice %arg4[%multiple_of3A_446] : memref<320000xi32, #tpu.memory_space<hbm>> -> memref<64xi32, #tpu.memory_space<hbm>>
      %dma_start3A_450 = tpu.memref_slice %arg4[%multiple_of3A_446] : memref<320000xi32, #tpu.memory_space<hbm>> -> memref<64xi32, #tpu.memory_space<hbm>>
      tpu.enqueue_dma source(%dma_start3A_450 : memref<64xi32, #tpu.memory_space<hbm>>) target(%arg21 : memref<64xi32, #tpu.memory_space<vmem>>) target_semaphore(%arg30 : memref<!tpu.dma_semaphore, #tpu.memory_space<semaphore_mem>>)
      %add3A_451 = arith.constant 1 : i32
      %add3A_452 = arith.addi %add3A_414, %add3A_451 : i32
      %dma_wait3A_453 = arith.constant 0 : i32
      %dma_wait3A_454 = arith.constant 0 : i32
      %dma_wait3A_455 = tpu.memref_slice %arg9[%dma_wait3A_453, %dma_wait3A_454] : memref<10240x128xf32, #tpu.memory_space<vmem_shared>> -> memref<10240x128xf32, #tpu.memory_space<vmem_shared>>
      tpu.wait_indirect_dma semaphore(%arg46 : memref<!tpu.dma_semaphore, #tpu.memory_space<semaphore_mem>>) src(%arg36 : memref<64x128xf32, #tpu.memory_space<vmem>>) dst(%dma_wait3A_455 : memref<10240x128xf32, #tpu.memory_space<vmem_shared>>)
      %dma_wait3A_456 = arith.constant 0 : i32
      %dma_wait3A_457 = tpu.memref_slice %arg10[%dma_wait3A_456] : memref<10240xf32, #tpu.memory_space<vmem_shared>> -> memref<10240xf32, #tpu.memory_space<vmem_shared>>
      tpu.wait_indirect_dma semaphore(%arg13 : memref<!tpu.dma_semaphore, #tpu.memory_space<semaphore_mem>>) src(%arg33 : memref<64xf32, #tpu.memory_space<vmem>>) dst(%dma_wait3A_457 : memref<10240xf32, #tpu.memory_space<vmem_shared>>)
      %dma_wait3A_458 = arith.constant 0 : i32
      %dma_wait3A_459 = tpu.memref_slice %arg3[%dma_wait3A_458] : memref<320000xi32, #tpu.memory_space<hbm>> -> memref<64xi32, #tpu.memory_space<hbm>>
      %dma_wait3A_460 = arith.constant 0 : i32
      %dma_wait3A_461 = tpu.memref_slice %arg3[%dma_wait3A_460] : memref<320000xi32, #tpu.memory_space<hbm>> -> memref<64xi32, #tpu.memory_space<hbm>>
      tpu.wait_dma2 semaphore(%arg29 : memref<!tpu.dma_semaphore, #tpu.memory_space<semaphore_mem>>) src(%dma_wait3A_461 : memref<64xi32, #tpu.memory_space<hbm>>) dst(%arg40 : memref<64xi32, #tpu.memory_space<vmem>>)
      %dma_wait3A_462 = arith.constant 0 : i32
      %dma_wait3A_463 = tpu.memref_slice %arg4[%dma_wait3A_462] : memref<320000xi32, #tpu.memory_space<hbm>> -> memref<64xi32, #tpu.memory_space<hbm>>
      %dma_wait3A_464 = arith.constant 0 : i32
      %dma_wait3A_465 = tpu.memref_slice %arg4[%dma_wait3A_464] : memref<320000xi32, #tpu.memory_space<hbm>> -> memref<64xi32, #tpu.memory_space<hbm>>
      tpu.wait_dma2 semaphore(%arg29 : memref<!tpu.dma_semaphore, #tpu.memory_space<semaphore_mem>>) src(%dma_wait3A_465 : memref<64xi32, #tpu.memory_space<hbm>>) dst(%arg20 : memref<64xi32, #tpu.memory_space<vmem>>)
      %dma_start3A_466 = arith.constant 0 : i32
      %dma_start3A_467 = arith.constant 0 : i32
      %dma_start3A_468 = tpu.memref_slice %arg2[%dma_start3A_466, %dma_start3A_467] : memref<10000x128xf32, #tpu.memory_space<hbm>> -> memref<10000x128xf32, #tpu.memory_space<hbm>>
      tpu.enqueue_indirect_dma source(%dma_start3A_468 : memref<10000x128xf32, #tpu.memory_space<hbm>>) target(%arg35 : memref<64x128xf32, #tpu.memory_space<vmem>>) offsets(%arg40 : memref<64xi32, #tpu.memory_space<vmem>>) semaphore(%arg25 : memref<!tpu.dma_semaphore, #tpu.memory_space<semaphore_mem>>)
      %dma_wait3A_469 = arith.constant 0 : i32
      %dma_wait3A_470 = arith.constant 0 : i32
      %dma_wait3A_471 = tpu.memref_slice %arg2[%dma_wait3A_469, %dma_wait3A_470] : memref<10000x128xf32, #tpu.memory_space<hbm>> -> memref<10000x128xf32, #tpu.memory_space<hbm>>
      tpu.wait_indirect_dma semaphore(%arg27 : memref<!tpu.dma_semaphore, #tpu.memory_space<semaphore_mem>>) src(%dma_wait3A_471 : memref<10000x128xf32, #tpu.memory_space<hbm>>) dst(%arg37 : memref<64x128xf32, #tpu.memory_space<vmem>>)
      %dma_start3A_472 = arith.constant 0 : i32
      %dma_start3A_473 = arith.constant 0 : i32
      %dma_start3A_474 = tpu.memref_slice %arg9[%dma_start3A_472, %dma_start3A_473] : memref<10240x128xf32, #tpu.memory_space<vmem_shared>> -> memref<10240x128xf32, #tpu.memory_space<vmem_shared>>
      tpu.enqueue_indirect_dma source(%arg37 : memref<64x128xf32, #tpu.memory_space<vmem>>) target(%dma_start3A_474 : memref<10240x128xf32, #tpu.memory_space<vmem_shared>>) offsets(%arg18 : memref<64xi32, #tpu.memory_space<vmem>>) semaphore(%arg47 : memref<!tpu.dma_semaphore, #tpu.memory_space<semaphore_mem>>) {add = true}
      %dma_start3A_475 = arith.constant 0 : i32
      %dma_start3A_476 = tpu.memref_slice %arg10[%dma_start3A_475] : memref<10240xf32, #tpu.memory_space<vmem_shared>> -> memref<10240xf32, #tpu.memory_space<vmem_shared>>
      tpu.enqueue_indirect_dma source(%arg33 : memref<64xf32, #tpu.memory_space<vmem>>) target(%dma_start3A_476 : memref<10240xf32, #tpu.memory_space<vmem_shared>>) offsets(%arg18 : memref<64xi32, #tpu.memory_space<vmem>>) semaphore(%arg14 : memref<!tpu.dma_semaphore, #tpu.memory_space<semaphore_mem>>) {add = true}
      %add3A_477 = arith.constant 2 : i32
      %add3A_478 = arith.addi %add3A_452, %add3A_477 : i32
      %mul3A_479 = arith.constant 64 : i32
      %mul3A_480 = arith.muli %add3A_478, %mul3A_479 : i32
      %add3A_481 = arith.addi %add3A_20, %mul3A_480 : i32
      %multiple_of3A_482 = tpu.assume_multiple %add3A_481, 8 : i32
      %dma_start3A_483 = tpu.memref_slice %arg3[%multiple_of3A_482] : memref<320000xi32, #tpu.memory_space<hbm>> -> memref<64xi32, #tpu.memory_space<hbm>>
      %dma_start3A_484 = tpu.memref_slice %arg3[%multiple_of3A_482] : memref<320000xi32, #tpu.memory_space<hbm>> -> memref<64xi32, #tpu.memory_space<hbm>>
      tpu.enqueue_dma source(%dma_start3A_484 : memref<64xi32, #tpu.memory_space<hbm>>) target(%arg42 : memref<64xi32, #tpu.memory_space<vmem>>) target_semaphore(%arg31 : memref<!tpu.dma_semaphore, #tpu.memory_space<semaphore_mem>>)
      %dma_start3A_485 = tpu.memref_slice %arg4[%multiple_of3A_482] : memref<320000xi32, #tpu.memory_space<hbm>> -> memref<64xi32, #tpu.memory_space<hbm>>
      %dma_start3A_486 = tpu.memref_slice %arg4[%multiple_of3A_482] : memref<320000xi32, #tpu.memory_space<hbm>> -> memref<64xi32, #tpu.memory_space<hbm>>
      tpu.enqueue_dma source(%dma_start3A_486 : memref<64xi32, #tpu.memory_space<hbm>>) target(%arg22 : memref<64xi32, #tpu.memory_space<vmem>>) target_semaphore(%arg31 : memref<!tpu.dma_semaphore, #tpu.memory_space<semaphore_mem>>)
      %add3A_487 = arith.constant 2 : i32
      %add3A_488 = arith.addi %add3A_414, %add3A_487 : i32
      %dma_wait3A_489 = arith.constant 0 : i32
      %dma_wait3A_490 = arith.constant 0 : i32
      %dma_wait3A_491 = tpu.memref_slice %arg9[%dma_wait3A_489, %dma_wait3A_490] : memref<10240x128xf32, #tpu.memory_space<vmem_shared>> -> memref<10240x128xf32, #tpu.memory_space<vmem_shared>>
      tpu.wait_indirect_dma semaphore(%arg47 : memref<!tpu.dma_semaphore, #tpu.memory_space<semaphore_mem>>) src(%arg37 : memref<64x128xf32, #tpu.memory_space<vmem>>) dst(%dma_wait3A_491 : memref<10240x128xf32, #tpu.memory_space<vmem_shared>>)
      %dma_wait3A_492 = arith.constant 0 : i32
      %dma_wait3A_493 = tpu.memref_slice %arg10[%dma_wait3A_492] : memref<10240xf32, #tpu.memory_space<vmem_shared>> -> memref<10240xf32, #tpu.memory_space<vmem_shared>>
      tpu.wait_indirect_dma semaphore(%arg14 : memref<!tpu.dma_semaphore, #tpu.memory_space<semaphore_mem>>) src(%arg33 : memref<64xf32, #tpu.memory_space<vmem>>) dst(%dma_wait3A_493 : memref<10240xf32, #tpu.memory_space<vmem_shared>>)
      %dma_wait3A_494 = arith.constant 0 : i32
      %dma_wait3A_495 = tpu.memref_slice %arg3[%dma_wait3A_494] : memref<320000xi32, #tpu.memory_space<hbm>> -> memref<64xi32, #tpu.memory_space<hbm>>
      %dma_wait3A_496 = arith.constant 0 : i32
      %dma_wait3A_497 = tpu.memref_slice %arg3[%dma_wait3A_496] : memref<320000xi32, #tpu.memory_space<hbm>> -> memref<64xi32, #tpu.memory_space<hbm>>
      tpu.wait_dma2 semaphore(%arg30 : memref<!tpu.dma_semaphore, #tpu.memory_space<semaphore_mem>>) src(%dma_wait3A_497 : memref<64xi32, #tpu.memory_space<hbm>>) dst(%arg41 : memref<64xi32, #tpu.memory_space<vmem>>)
      %dma_wait3A_498 = arith.constant 0 : i32
      %dma_wait3A_499 = tpu.memref_slice %arg4[%dma_wait3A_498] : memref<320000xi32, #tpu.memory_space<hbm>> -> memref<64xi32, #tpu.memory_space<hbm>>
      %dma_wait3A_500 = arith.constant 0 : i32
      %dma_wait3A_501 = tpu.memref_slice %arg4[%dma_wait3A_500] : memref<320000xi32, #tpu.memory_space<hbm>> -> memref<64xi32, #tpu.memory_space<hbm>>
      tpu.wait_dma2 semaphore(%arg30 : memref<!tpu.dma_semaphore, #tpu.memory_space<semaphore_mem>>) src(%dma_wait3A_501 : memref<64xi32, #tpu.memory_space<hbm>>) dst(%arg21 : memref<64xi32, #tpu.memory_space<vmem>>)
      %dma_start3A_502 = arith.constant 0 : i32
      %dma_start3A_503 = arith.constant 0 : i32
      %dma_start3A_504 = tpu.memref_slice %arg2[%dma_start3A_502, %dma_start3A_503] : memref<10000x128xf32, #tpu.memory_space<hbm>> -> memref<10000x128xf32, #tpu.memory_space<hbm>>
      tpu.enqueue_indirect_dma source(%dma_start3A_504 : memref<10000x128xf32, #tpu.memory_space<hbm>>) target(%arg36 : memref<64x128xf32, #tpu.memory_space<vmem>>) offsets(%arg41 : memref<64xi32, #tpu.memory_space<vmem>>) semaphore(%arg26 : memref<!tpu.dma_semaphore, #tpu.memory_space<semaphore_mem>>)
      %dma_wait3A_505 = arith.constant 0 : i32
      %dma_wait3A_506 = arith.constant 0 : i32
      %dma_wait3A_507 = tpu.memref_slice %arg2[%dma_wait3A_505, %dma_wait3A_506] : memref<10000x128xf32, #tpu.memory_space<hbm>> -> memref<10000x128xf32, #tpu.memory_space<hbm>>
      tpu.wait_indirect_dma semaphore(%arg24 : memref<!tpu.dma_semaphore, #tpu.memory_space<semaphore_mem>>) src(%dma_wait3A_507 : memref<10000x128xf32, #tpu.memory_space<hbm>>) dst(%arg34 : memref<64x128xf32, #tpu.memory_space<vmem>>)
      %dma_start3A_508 = arith.constant 0 : i32
      %dma_start3A_509 = arith.constant 0 : i32
      %dma_start3A_510 = tpu.memref_slice %arg9[%dma_start3A_508, %dma_start3A_509] : memref<10240x128xf32, #tpu.memory_space<vmem_shared>> -> memref<10240x128xf32, #tpu.memory_space<vmem_shared>>
      tpu.enqueue_indirect_dma source(%arg34 : memref<64x128xf32, #tpu.memory_space<vmem>>) target(%dma_start3A_510 : memref<10240x128xf32, #tpu.memory_space<vmem_shared>>) offsets(%arg19 : memref<64xi32, #tpu.memory_space<vmem>>) semaphore(%arg44 : memref<!tpu.dma_semaphore, #tpu.memory_space<semaphore_mem>>) {add = true}
      %dma_start3A_511 = arith.constant 0 : i32
      %dma_start3A_512 = tpu.memref_slice %arg10[%dma_start3A_511] : memref<10240xf32, #tpu.memory_space<vmem_shared>> -> memref<10240xf32, #tpu.memory_space<vmem_shared>>
      tpu.enqueue_indirect_dma source(%arg33 : memref<64xf32, #tpu.memory_space<vmem>>) target(%dma_start3A_512 : memref<10240xf32, #tpu.memory_space<vmem_shared>>) offsets(%arg19 : memref<64xi32, #tpu.memory_space<vmem>>) semaphore(%arg11 : memref<!tpu.dma_semaphore, #tpu.memory_space<semaphore_mem>>) {add = true}
      %add3A_513 = arith.constant 2 : i32
      %add3A_514 = arith.addi %add3A_488, %add3A_513 : i32
      %mul3A_515 = arith.constant 64 : i32
      %mul3A_516 = arith.muli %add3A_514, %mul3A_515 : i32
      %add3A_517 = arith.addi %add3A_20, %mul3A_516 : i32
      %multiple_of3A_518 = tpu.assume_multiple %add3A_517, 8 : i32
      %dma_start3A_519 = tpu.memref_slice %arg3[%multiple_of3A_518] : memref<320000xi32, #tpu.memory_space<hbm>> -> memref<64xi32, #tpu.memory_space<hbm>>
      %dma_start3A_520 = tpu.memref_slice %arg3[%multiple_of3A_518] : memref<320000xi32, #tpu.memory_space<hbm>> -> memref<64xi32, #tpu.memory_space<hbm>>
      tpu.enqueue_dma source(%dma_start3A_520 : memref<64xi32, #tpu.memory_space<hbm>>) target(%arg39 : memref<64xi32, #tpu.memory_space<vmem>>) target_semaphore(%arg28 : memref<!tpu.dma_semaphore, #tpu.memory_space<semaphore_mem>>)
      %dma_start3A_521 = tpu.memref_slice %arg4[%multiple_of3A_518] : memref<320000xi32, #tpu.memory_space<hbm>> -> memref<64xi32, #tpu.memory_space<hbm>>
      %dma_start3A_522 = tpu.memref_slice %arg4[%multiple_of3A_518] : memref<320000xi32, #tpu.memory_space<hbm>> -> memref<64xi32, #tpu.memory_space<hbm>>
      tpu.enqueue_dma source(%dma_start3A_522 : memref<64xi32, #tpu.memory_space<hbm>>) target(%arg15 : memref<64xi32, #tpu.memory_space<vmem>>) target_semaphore(%arg28 : memref<!tpu.dma_semaphore, #tpu.memory_space<semaphore_mem>>)
      %add3A_523 = arith.constant 3 : i32
      %add3A_524 = arith.addi %add3A_414, %add3A_523 : i32
      %dma_wait3A_525 = arith.constant 0 : i32
      %dma_wait3A_526 = arith.constant 0 : i32
      %dma_wait3A_527 = tpu.memref_slice %arg9[%dma_wait3A_525, %dma_wait3A_526] : memref<10240x128xf32, #tpu.memory_space<vmem_shared>> -> memref<10240x128xf32, #tpu.memory_space<vmem_shared>>
      tpu.wait_indirect_dma semaphore(%arg44 : memref<!tpu.dma_semaphore, #tpu.memory_space<semaphore_mem>>) src(%arg34 : memref<64x128xf32, #tpu.memory_space<vmem>>) dst(%dma_wait3A_527 : memref<10240x128xf32, #tpu.memory_space<vmem_shared>>)
      %dma_wait3A_528 = arith.constant 0 : i32
      %dma_wait3A_529 = tpu.memref_slice %arg10[%dma_wait3A_528] : memref<10240xf32, #tpu.memory_space<vmem_shared>> -> memref<10240xf32, #tpu.memory_space<vmem_shared>>
      tpu.wait_indirect_dma semaphore(%arg11 : memref<!tpu.dma_semaphore, #tpu.memory_space<semaphore_mem>>) src(%arg33 : memref<64xf32, #tpu.memory_space<vmem>>) dst(%dma_wait3A_529 : memref<10240xf32, #tpu.memory_space<vmem_shared>>)
      %dma_wait3A_530 = arith.constant 0 : i32
      %dma_wait3A_531 = tpu.memref_slice %arg3[%dma_wait3A_530] : memref<320000xi32, #tpu.memory_space<hbm>> -> memref<64xi32, #tpu.memory_space<hbm>>
      %dma_wait3A_532 = arith.constant 0 : i32
      %dma_wait3A_533 = tpu.memref_slice %arg3[%dma_wait3A_532] : memref<320000xi32, #tpu.memory_space<hbm>> -> memref<64xi32, #tpu.memory_space<hbm>>
      tpu.wait_dma2 semaphore(%arg31 : memref<!tpu.dma_semaphore, #tpu.memory_space<semaphore_mem>>) src(%dma_wait3A_533 : memref<64xi32, #tpu.memory_space<hbm>>) dst(%arg42 : memref<64xi32, #tpu.memory_space<vmem>>)
      %dma_wait3A_534 = arith.constant 0 : i32
      %dma_wait3A_535 = tpu.memref_slice %arg4[%dma_wait3A_534] : memref<320000xi32, #tpu.memory_space<hbm>> -> memref<64xi32, #tpu.memory_space<hbm>>
      %dma_wait3A_536 = arith.constant 0 : i32
      %dma_wait3A_537 = tpu.memref_slice %arg4[%dma_wait3A_536] : memref<320000xi32, #tpu.memory_space<hbm>> -> memref<64xi32, #tpu.memory_space<hbm>>
      tpu.wait_dma2 semaphore(%arg31 : memref<!tpu.dma_semaphore, #tpu.memory_space<semaphore_mem>>) src(%dma_wait3A_537 : memref<64xi32, #tpu.memory_space<hbm>>) dst(%arg22 : memref<64xi32, #tpu.memory_space<vmem>>)
      %dma_start3A_538 = arith.constant 0 : i32
      %dma_start3A_539 = arith.constant 0 : i32
      %dma_start3A_540 = tpu.memref_slice %arg2[%dma_start3A_538, %dma_start3A_539] : memref<10000x128xf32, #tpu.memory_space<hbm>> -> memref<10000x128xf32, #tpu.memory_space<hbm>>
      tpu.enqueue_indirect_dma source(%dma_start3A_540 : memref<10000x128xf32, #tpu.memory_space<hbm>>) target(%arg37 : memref<64x128xf32, #tpu.memory_space<vmem>>) offsets(%arg42 : memref<64xi32, #tpu.memory_space<vmem>>) semaphore(%arg27 : memref<!tpu.dma_semaphore, #tpu.memory_space<semaphore_mem>>)
      %dma_wait3A_541 = arith.constant 0 : i32
      %dma_wait3A_542 = arith.constant 0 : i32
      %dma_wait3A_543 = tpu.memref_slice %arg2[%dma_wait3A_541, %dma_wait3A_542] : memref<10000x128xf32, #tpu.memory_space<hbm>> -> memref<10000x128xf32, #tpu.memory_space<hbm>>
      tpu.wait_indirect_dma semaphore(%arg25 : memref<!tpu.dma_semaphore, #tpu.memory_space<semaphore_mem>>) src(%dma_wait3A_543 : memref<10000x128xf32, #tpu.memory_space<hbm>>) dst(%arg35 : memref<64x128xf32, #tpu.memory_space<vmem>>)
      %dma_start3A_544 = arith.constant 0 : i32
      %dma_start3A_545 = arith.constant 0 : i32
      %dma_start3A_546 = tpu.memref_slice %arg9[%dma_start3A_544, %dma_start3A_545] : memref<10240x128xf32, #tpu.memory_space<vmem_shared>> -> memref<10240x128xf32, #tpu.memory_space<vmem_shared>>
      tpu.enqueue_indirect_dma source(%arg35 : memref<64x128xf32, #tpu.memory_space<vmem>>) target(%dma_start3A_546 : memref<10240x128xf32, #tpu.memory_space<vmem_shared>>) offsets(%arg20 : memref<64xi32, #tpu.memory_space<vmem>>) semaphore(%arg45 : memref<!tpu.dma_semaphore, #tpu.memory_space<semaphore_mem>>) {add = true}
      %dma_start3A_547 = arith.constant 0 : i32
      %dma_start3A_548 = tpu.memref_slice %arg10[%dma_start3A_547] : memref<10240xf32, #tpu.memory_space<vmem_shared>> -> memref<10240xf32, #tpu.memory_space<vmem_shared>>
      tpu.enqueue_indirect_dma source(%arg33 : memref<64xf32, #tpu.memory_space<vmem>>) target(%dma_start3A_548 : memref<10240xf32, #tpu.memory_space<vmem_shared>>) offsets(%arg20 : memref<64xi32, #tpu.memory_space<vmem>>) semaphore(%arg12 : memref<!tpu.dma_semaphore, #tpu.memory_space<semaphore_mem>>) {add = true}
      %add3A_549 = arith.constant 2 : i32
      %add3A_550 = arith.addi %add3A_524, %add3A_549 : i32
      %mul3A_551 = arith.constant 64 : i32
      %mul3A_552 = arith.muli %add3A_550, %mul3A_551 : i32
      %add3A_553 = arith.addi %add3A_20, %mul3A_552 : i32
      %multiple_of3A_554 = tpu.assume_multiple %add3A_553, 8 : i32
      %dma_start3A_555 = tpu.memref_slice %arg3[%multiple_of3A_554] : memref<320000xi32, #tpu.memory_space<hbm>> -> memref<64xi32, #tpu.memory_space<hbm>>
      %dma_start3A_556 = tpu.memref_slice %arg3[%multiple_of3A_554] : memref<320000xi32, #tpu.memory_space<hbm>> -> memref<64xi32, #tpu.memory_space<hbm>>
      tpu.enqueue_dma source(%dma_start3A_556 : memref<64xi32, #tpu.memory_space<hbm>>) target(%arg40 : memref<64xi32, #tpu.memory_space<vmem>>) target_semaphore(%arg29 : memref<!tpu.dma_semaphore, #tpu.memory_space<semaphore_mem>>)
      %dma_start3A_557 = tpu.memref_slice %arg4[%multiple_of3A_554] : memref<320000xi32, #tpu.memory_space<hbm>> -> memref<64xi32, #tpu.memory_space<hbm>>
      %dma_start3A_558 = tpu.memref_slice %arg4[%multiple_of3A_554] : memref<320000xi32, #tpu.memory_space<hbm>> -> memref<64xi32, #tpu.memory_space<hbm>>
      tpu.enqueue_dma source(%dma_start3A_558 : memref<64xi32, #tpu.memory_space<hbm>>) target(%arg16 : memref<64xi32, #tpu.memory_space<vmem>>) target_semaphore(%arg29 : memref<!tpu.dma_semaphore, #tpu.memory_space<semaphore_mem>>)
      %add3A_559 = arith.constant 4 : i32
      %add3A_560 = arith.addi %add3A_414, %add3A_559 : i32
      %dma_wait3A_561 = arith.constant 0 : i32
      %dma_wait3A_562 = arith.constant 0 : i32
      %dma_wait3A_563 = tpu.memref_slice %arg9[%dma_wait3A_561, %dma_wait3A_562] : memref<10240x128xf32, #tpu.memory_space<vmem_shared>> -> memref<10240x128xf32, #tpu.memory_space<vmem_shared>>
      tpu.wait_indirect_dma semaphore(%arg45 : memref<!tpu.dma_semaphore, #tpu.memory_space<semaphore_mem>>) src(%arg35 : memref<64x128xf32, #tpu.memory_space<vmem>>) dst(%dma_wait3A_563 : memref<10240x128xf32, #tpu.memory_space<vmem_shared>>)
      %dma_wait3A_564 = arith.constant 0 : i32
      %dma_wait3A_565 = tpu.memref_slice %arg10[%dma_wait3A_564] : memref<10240xf32, #tpu.memory_space<vmem_shared>> -> memref<10240xf32, #tpu.memory_space<vmem_shared>>
      tpu.wait_indirect_dma semaphore(%arg12 : memref<!tpu.dma_semaphore, #tpu.memory_space<semaphore_mem>>) src(%arg33 : memref<64xf32, #tpu.memory_space<vmem>>) dst(%dma_wait3A_565 : memref<10240xf32, #tpu.memory_space<vmem_shared>>)
      %dma_wait3A_566 = arith.constant 0 : i32
      %dma_wait3A_567 = tpu.memref_slice %arg3[%dma_wait3A_566] : memref<320000xi32, #tpu.memory_space<hbm>> -> memref<64xi32, #tpu.memory_space<hbm>>
      %dma_wait3A_568 = arith.constant 0 : i32
      %dma_wait3A_569 = tpu.memref_slice %arg3[%dma_wait3A_568] : memref<320000xi32, #tpu.memory_space<hbm>> -> memref<64xi32, #tpu.memory_space<hbm>>
      tpu.wait_dma2 semaphore(%arg28 : memref<!tpu.dma_semaphore, #tpu.memory_space<semaphore_mem>>) src(%dma_wait3A_569 : memref<64xi32, #tpu.memory_space<hbm>>) dst(%arg39 : memref<64xi32, #tpu.memory_space<vmem>>)
      %dma_wait3A_570 = arith.constant 0 : i32
      %dma_wait3A_571 = tpu.memref_slice %arg4[%dma_wait3A_570] : memref<320000xi32, #tpu.memory_space<hbm>> -> memref<64xi32, #tpu.memory_space<hbm>>
      %dma_wait3A_572 = arith.constant 0 : i32
      %dma_wait3A_573 = tpu.memref_slice %arg4[%dma_wait3A_572] : memref<320000xi32, #tpu.memory_space<hbm>> -> memref<64xi32, #tpu.memory_space<hbm>>
      tpu.wait_dma2 semaphore(%arg28 : memref<!tpu.dma_semaphore, #tpu.memory_space<semaphore_mem>>) src(%dma_wait3A_573 : memref<64xi32, #tpu.memory_space<hbm>>) dst(%arg15 : memref<64xi32, #tpu.memory_space<vmem>>)
      %dma_start3A_574 = arith.constant 0 : i32
      %dma_start3A_575 = arith.constant 0 : i32
      %dma_start3A_576 = tpu.memref_slice %arg2[%dma_start3A_574, %dma_start3A_575] : memref<10000x128xf32, #tpu.memory_space<hbm>> -> memref<10000x128xf32, #tpu.memory_space<hbm>>
      tpu.enqueue_indirect_dma source(%dma_start3A_576 : memref<10000x128xf32, #tpu.memory_space<hbm>>) target(%arg34 : memref<64x128xf32, #tpu.memory_space<vmem>>) offsets(%arg39 : memref<64xi32, #tpu.memory_space<vmem>>) semaphore(%arg24 : memref<!tpu.dma_semaphore, #tpu.memory_space<semaphore_mem>>)
      %dma_wait3A_577 = arith.constant 0 : i32
      %dma_wait3A_578 = arith.constant 0 : i32
      %dma_wait3A_579 = tpu.memref_slice %arg2[%dma_wait3A_577, %dma_wait3A_578] : memref<10000x128xf32, #tpu.memory_space<hbm>> -> memref<10000x128xf32, #tpu.memory_space<hbm>>
      tpu.wait_indirect_dma semaphore(%arg26 : memref<!tpu.dma_semaphore, #tpu.memory_space<semaphore_mem>>) src(%dma_wait3A_579 : memref<10000x128xf32, #tpu.memory_space<hbm>>) dst(%arg36 : memref<64x128xf32, #tpu.memory_space<vmem>>)
      %dma_start3A_580 = arith.constant 0 : i32
      %dma_start3A_581 = arith.constant 0 : i32
      %dma_start3A_582 = tpu.memref_slice %arg9[%dma_start3A_580, %dma_start3A_581] : memref<10240x128xf32, #tpu.memory_space<vmem_shared>> -> memref<10240x128xf32, #tpu.memory_space<vmem_shared>>
      tpu.enqueue_indirect_dma source(%arg36 : memref<64x128xf32, #tpu.memory_space<vmem>>) target(%dma_start3A_582 : memref<10240x128xf32, #tpu.memory_space<vmem_shared>>) offsets(%arg21 : memref<64xi32, #tpu.memory_space<vmem>>) semaphore(%arg46 : memref<!tpu.dma_semaphore, #tpu.memory_space<semaphore_mem>>) {add = true}
      %dma_start3A_583 = arith.constant 0 : i32
      %dma_start3A_584 = tpu.memref_slice %arg10[%dma_start3A_583] : memref<10240xf32, #tpu.memory_space<vmem_shared>> -> memref<10240xf32, #tpu.memory_space<vmem_shared>>
      tpu.enqueue_indirect_dma source(%arg33 : memref<64xf32, #tpu.memory_space<vmem>>) target(%dma_start3A_584 : memref<10240xf32, #tpu.memory_space<vmem_shared>>) offsets(%arg21 : memref<64xi32, #tpu.memory_space<vmem>>) semaphore(%arg13 : memref<!tpu.dma_semaphore, #tpu.memory_space<semaphore_mem>>) {add = true}
      %add3A_585 = arith.constant 2 : i32
      %add3A_586 = arith.addi %add3A_560, %add3A_585 : i32
      %mul3A_587 = arith.constant 64 : i32
      %mul3A_588 = arith.muli %add3A_586, %mul3A_587 : i32
      %add3A_589 = arith.addi %add3A_20, %mul3A_588 : i32
      %multiple_of3A_590 = tpu.assume_multiple %add3A_589, 8 : i32
      %dma_start3A_591 = tpu.memref_slice %arg3[%multiple_of3A_590] : memref<320000xi32, #tpu.memory_space<hbm>> -> memref<64xi32, #tpu.memory_space<hbm>>
      %dma_start3A_592 = tpu.memref_slice %arg3[%multiple_of3A_590] : memref<320000xi32, #tpu.memory_space<hbm>> -> memref<64xi32, #tpu.memory_space<hbm>>
      tpu.enqueue_dma source(%dma_start3A_592 : memref<64xi32, #tpu.memory_space<hbm>>) target(%arg41 : memref<64xi32, #tpu.memory_space<vmem>>) target_semaphore(%arg30 : memref<!tpu.dma_semaphore, #tpu.memory_space<semaphore_mem>>)
      %dma_start3A_593 = tpu.memref_slice %arg4[%multiple_of3A_590] : memref<320000xi32, #tpu.memory_space<hbm>> -> memref<64xi32, #tpu.memory_space<hbm>>
      %dma_start3A_594 = tpu.memref_slice %arg4[%multiple_of3A_590] : memref<320000xi32, #tpu.memory_space<hbm>> -> memref<64xi32, #tpu.memory_space<hbm>>
      tpu.enqueue_dma source(%dma_start3A_594 : memref<64xi32, #tpu.memory_space<hbm>>) target(%arg17 : memref<64xi32, #tpu.memory_space<vmem>>) target_semaphore(%arg30 : memref<!tpu.dma_semaphore, #tpu.memory_space<semaphore_mem>>)
      %add3A_595 = arith.constant 5 : i32
      %add3A_596 = arith.addi %add3A_414, %add3A_595 : i32
      %dma_wait3A_597 = arith.constant 0 : i32
      %dma_wait3A_598 = arith.constant 0 : i32
      %dma_wait3A_599 = tpu.memref_slice %arg9[%dma_wait3A_597, %dma_wait3A_598] : memref<10240x128xf32, #tpu.memory_space<vmem_shared>> -> memref<10240x128xf32, #tpu.memory_space<vmem_shared>>
      tpu.wait_indirect_dma semaphore(%arg46 : memref<!tpu.dma_semaphore, #tpu.memory_space<semaphore_mem>>) src(%arg36 : memref<64x128xf32, #tpu.memory_space<vmem>>) dst(%dma_wait3A_599 : memref<10240x128xf32, #tpu.memory_space<vmem_shared>>)
      %dma_wait3A_600 = arith.constant 0 : i32
      %dma_wait3A_601 = tpu.memref_slice %arg10[%dma_wait3A_600] : memref<10240xf32, #tpu.memory_space<vmem_shared>> -> memref<10240xf32, #tpu.memory_space<vmem_shared>>
      tpu.wait_indirect_dma semaphore(%arg13 : memref<!tpu.dma_semaphore, #tpu.memory_space<semaphore_mem>>) src(%arg33 : memref<64xf32, #tpu.memory_space<vmem>>) dst(%dma_wait3A_601 : memref<10240xf32, #tpu.memory_space<vmem_shared>>)
      %dma_wait3A_602 = arith.constant 0 : i32
      %dma_wait3A_603 = tpu.memref_slice %arg3[%dma_wait3A_602] : memref<320000xi32, #tpu.memory_space<hbm>> -> memref<64xi32, #tpu.memory_space<hbm>>
      %dma_wait3A_604 = arith.constant 0 : i32
      %dma_wait3A_605 = tpu.memref_slice %arg3[%dma_wait3A_604] : memref<320000xi32, #tpu.memory_space<hbm>> -> memref<64xi32, #tpu.memory_space<hbm>>
      tpu.wait_dma2 semaphore(%arg29 : memref<!tpu.dma_semaphore, #tpu.memory_space<semaphore_mem>>) src(%dma_wait3A_605 : memref<64xi32, #tpu.memory_space<hbm>>) dst(%arg40 : memref<64xi32, #tpu.memory_space<vmem>>)
      %dma_wait3A_606 = arith.constant 0 : i32
      %dma_wait3A_607 = tpu.memref_slice %arg4[%dma_wait3A_606] : memref<320000xi32, #tpu.memory_space<hbm>> -> memref<64xi32, #tpu.memory_space<hbm>>
      %dma_wait3A_608 = arith.constant 0 : i32
      %dma_wait3A_609 = tpu.memref_slice %arg4[%dma_wait3A_608] : memref<320000xi32, #tpu.memory_space<hbm>> -> memref<64xi32, #tpu.memory_space<hbm>>
      tpu.wait_dma2 semaphore(%arg29 : memref<!tpu.dma_semaphore, #tpu.memory_space<semaphore_mem>>) src(%dma_wait3A_609 : memref<64xi32, #tpu.memory_space<hbm>>) dst(%arg16 : memref<64xi32, #tpu.memory_space<vmem>>)
      %dma_start3A_610 = arith.constant 0 : i32
      %dma_start3A_611 = arith.constant 0 : i32
      %dma_start3A_612 = tpu.memref_slice %arg2[%dma_start3A_610, %dma_start3A_611] : memref<10000x128xf32, #tpu.memory_space<hbm>> -> memref<10000x128xf32, #tpu.memory_space<hbm>>
      tpu.enqueue_indirect_dma source(%dma_start3A_612 : memref<10000x128xf32, #tpu.memory_space<hbm>>) target(%arg35 : memref<64x128xf32, #tpu.memory_space<vmem>>) offsets(%arg40 : memref<64xi32, #tpu.memory_space<vmem>>) semaphore(%arg25 : memref<!tpu.dma_semaphore, #tpu.memory_space<semaphore_mem>>)
      %dma_wait3A_613 = arith.constant 0 : i32
      %dma_wait3A_614 = arith.constant 0 : i32
      %dma_wait3A_615 = tpu.memref_slice %arg2[%dma_wait3A_613, %dma_wait3A_614] : memref<10000x128xf32, #tpu.memory_space<hbm>> -> memref<10000x128xf32, #tpu.memory_space<hbm>>
      tpu.wait_indirect_dma semaphore(%arg27 : memref<!tpu.dma_semaphore, #tpu.memory_space<semaphore_mem>>) src(%dma_wait3A_615 : memref<10000x128xf32, #tpu.memory_space<hbm>>) dst(%arg37 : memref<64x128xf32, #tpu.memory_space<vmem>>)
      %dma_start3A_616 = arith.constant 0 : i32
      %dma_start3A_617 = arith.constant 0 : i32
      %dma_start3A_618 = tpu.memref_slice %arg9[%dma_start3A_616, %dma_start3A_617] : memref<10240x128xf32, #tpu.memory_space<vmem_shared>> -> memref<10240x128xf32, #tpu.memory_space<vmem_shared>>
      tpu.enqueue_indirect_dma source(%arg37 : memref<64x128xf32, #tpu.memory_space<vmem>>) target(%dma_start3A_618 : memref<10240x128xf32, #tpu.memory_space<vmem_shared>>) offsets(%arg22 : memref<64xi32, #tpu.memory_space<vmem>>) semaphore(%arg47 : memref<!tpu.dma_semaphore, #tpu.memory_space<semaphore_mem>>) {add = true}
      %dma_start3A_619 = arith.constant 0 : i32
      %dma_start3A_620 = tpu.memref_slice %arg10[%dma_start3A_619] : memref<10240xf32, #tpu.memory_space<vmem_shared>> -> memref<10240xf32, #tpu.memory_space<vmem_shared>>
      tpu.enqueue_indirect_dma source(%arg33 : memref<64xf32, #tpu.memory_space<vmem>>) target(%dma_start3A_620 : memref<10240xf32, #tpu.memory_space<vmem_shared>>) offsets(%arg22 : memref<64xi32, #tpu.memory_space<vmem>>) semaphore(%arg14 : memref<!tpu.dma_semaphore, #tpu.memory_space<semaphore_mem>>) {add = true}
      %add3A_621 = arith.constant 2 : i32
      %add3A_622 = arith.addi %add3A_596, %add3A_621 : i32
      %mul3A_623 = arith.constant 64 : i32
      %mul3A_624 = arith.muli %add3A_622, %mul3A_623 : i32
      %add3A_625 = arith.addi %add3A_20, %mul3A_624 : i32
      %multiple_of3A_626 = tpu.assume_multiple %add3A_625, 8 : i32
      %dma_start3A_627 = tpu.memref_slice %arg3[%multiple_of3A_626] : memref<320000xi32, #tpu.memory_space<hbm>> -> memref<64xi32, #tpu.memory_space<hbm>>
      %dma_start3A_628 = tpu.memref_slice %arg3[%multiple_of3A_626] : memref<320000xi32, #tpu.memory_space<hbm>> -> memref<64xi32, #tpu.memory_space<hbm>>
      tpu.enqueue_dma source(%dma_start3A_628 : memref<64xi32, #tpu.memory_space<hbm>>) target(%arg42 : memref<64xi32, #tpu.memory_space<vmem>>) target_semaphore(%arg31 : memref<!tpu.dma_semaphore, #tpu.memory_space<semaphore_mem>>)
      %dma_start3A_629 = tpu.memref_slice %arg4[%multiple_of3A_626] : memref<320000xi32, #tpu.memory_space<hbm>> -> memref<64xi32, #tpu.memory_space<hbm>>
      %dma_start3A_630 = tpu.memref_slice %arg4[%multiple_of3A_626] : memref<320000xi32, #tpu.memory_space<hbm>> -> memref<64xi32, #tpu.memory_space<hbm>>
      tpu.enqueue_dma source(%dma_start3A_630 : memref<64xi32, #tpu.memory_space<hbm>>) target(%arg18 : memref<64xi32, #tpu.memory_space<vmem>>) target_semaphore(%arg31 : memref<!tpu.dma_semaphore, #tpu.memory_space<semaphore_mem>>)
      %add3A_631 = arith.constant 6 : i32
      %add3A_632 = arith.addi %add3A_414, %add3A_631 : i32
      %dma_wait3A_633 = arith.constant 0 : i32
      %dma_wait3A_634 = arith.constant 0 : i32
      %dma_wait3A_635 = tpu.memref_slice %arg9[%dma_wait3A_633, %dma_wait3A_634] : memref<10240x128xf32, #tpu.memory_space<vmem_shared>> -> memref<10240x128xf32, #tpu.memory_space<vmem_shared>>
      tpu.wait_indirect_dma semaphore(%arg47 : memref<!tpu.dma_semaphore, #tpu.memory_space<semaphore_mem>>) src(%arg37 : memref<64x128xf32, #tpu.memory_space<vmem>>) dst(%dma_wait3A_635 : memref<10240x128xf32, #tpu.memory_space<vmem_shared>>)
      %dma_wait3A_636 = arith.constant 0 : i32
      %dma_wait3A_637 = tpu.memref_slice %arg10[%dma_wait3A_636] : memref<10240xf32, #tpu.memory_space<vmem_shared>> -> memref<10240xf32, #tpu.memory_space<vmem_shared>>
      tpu.wait_indirect_dma semaphore(%arg14 : memref<!tpu.dma_semaphore, #tpu.memory_space<semaphore_mem>>) src(%arg33 : memref<64xf32, #tpu.memory_space<vmem>>) dst(%dma_wait3A_637 : memref<10240xf32, #tpu.memory_space<vmem_shared>>)
      %dma_wait3A_638 = arith.constant 0 : i32
      %dma_wait3A_639 = tpu.memref_slice %arg3[%dma_wait3A_638] : memref<320000xi32, #tpu.memory_space<hbm>> -> memref<64xi32, #tpu.memory_space<hbm>>
      %dma_wait3A_640 = arith.constant 0 : i32
      %dma_wait3A_641 = tpu.memref_slice %arg3[%dma_wait3A_640] : memref<320000xi32, #tpu.memory_space<hbm>> -> memref<64xi32, #tpu.memory_space<hbm>>
      tpu.wait_dma2 semaphore(%arg30 : memref<!tpu.dma_semaphore, #tpu.memory_space<semaphore_mem>>) src(%dma_wait3A_641 : memref<64xi32, #tpu.memory_space<hbm>>) dst(%arg41 : memref<64xi32, #tpu.memory_space<vmem>>)
      %dma_wait3A_642 = arith.constant 0 : i32
      %dma_wait3A_643 = tpu.memref_slice %arg4[%dma_wait3A_642] : memref<320000xi32, #tpu.memory_space<hbm>> -> memref<64xi32, #tpu.memory_space<hbm>>
      %dma_wait3A_644 = arith.constant 0 : i32
      %dma_wait3A_645 = tpu.memref_slice %arg4[%dma_wait3A_644] : memref<320000xi32, #tpu.memory_space<hbm>> -> memref<64xi32, #tpu.memory_space<hbm>>
      tpu.wait_dma2 semaphore(%arg30 : memref<!tpu.dma_semaphore, #tpu.memory_space<semaphore_mem>>) src(%dma_wait3A_645 : memref<64xi32, #tpu.memory_space<hbm>>) dst(%arg17 : memref<64xi32, #tpu.memory_space<vmem>>)
      %dma_start3A_646 = arith.constant 0 : i32
      %dma_start3A_647 = arith.constant 0 : i32
      %dma_start3A_648 = tpu.memref_slice %arg2[%dma_start3A_646, %dma_start3A_647] : memref<10000x128xf32, #tpu.memory_space<hbm>> -> memref<10000x128xf32, #tpu.memory_space<hbm>>
      tpu.enqueue_indirect_dma source(%dma_start3A_648 : memref<10000x128xf32, #tpu.memory_space<hbm>>) target(%arg36 : memref<64x128xf32, #tpu.memory_space<vmem>>) offsets(%arg41 : memref<64xi32, #tpu.memory_space<vmem>>) semaphore(%arg26 : memref<!tpu.dma_semaphore, #tpu.memory_space<semaphore_mem>>)
      %dma_wait3A_649 = arith.constant 0 : i32
      %dma_wait3A_650 = arith.constant 0 : i32
      %dma_wait3A_651 = tpu.memref_slice %arg2[%dma_wait3A_649, %dma_wait3A_650] : memref<10000x128xf32, #tpu.memory_space<hbm>> -> memref<10000x128xf32, #tpu.memory_space<hbm>>
      tpu.wait_indirect_dma semaphore(%arg24 : memref<!tpu.dma_semaphore, #tpu.memory_space<semaphore_mem>>) src(%dma_wait3A_651 : memref<10000x128xf32, #tpu.memory_space<hbm>>) dst(%arg34 : memref<64x128xf32, #tpu.memory_space<vmem>>)
      %dma_start3A_652 = arith.constant 0 : i32
      %dma_start3A_653 = arith.constant 0 : i32
      %dma_start3A_654 = tpu.memref_slice %arg9[%dma_start3A_652, %dma_start3A_653] : memref<10240x128xf32, #tpu.memory_space<vmem_shared>> -> memref<10240x128xf32, #tpu.memory_space<vmem_shared>>
      tpu.enqueue_indirect_dma source(%arg34 : memref<64x128xf32, #tpu.memory_space<vmem>>) target(%dma_start3A_654 : memref<10240x128xf32, #tpu.memory_space<vmem_shared>>) offsets(%arg15 : memref<64xi32, #tpu.memory_space<vmem>>) semaphore(%arg44 : memref<!tpu.dma_semaphore, #tpu.memory_space<semaphore_mem>>) {add = true}
      %dma_start3A_655 = arith.constant 0 : i32
      %dma_start3A_656 = tpu.memref_slice %arg10[%dma_start3A_655] : memref<10240xf32, #tpu.memory_space<vmem_shared>> -> memref<10240xf32, #tpu.memory_space<vmem_shared>>
      tpu.enqueue_indirect_dma source(%arg33 : memref<64xf32, #tpu.memory_space<vmem>>) target(%dma_start3A_656 : memref<10240xf32, #tpu.memory_space<vmem_shared>>) offsets(%arg15 : memref<64xi32, #tpu.memory_space<vmem>>) semaphore(%arg11 : memref<!tpu.dma_semaphore, #tpu.memory_space<semaphore_mem>>) {add = true}
      %add3A_657 = arith.constant 2 : i32
      %add3A_658 = arith.addi %add3A_632, %add3A_657 : i32
      %mul3A_659 = arith.constant 64 : i32
      %mul3A_660 = arith.muli %add3A_658, %mul3A_659 : i32
      %add3A_661 = arith.addi %add3A_20, %mul3A_660 : i32
      %multiple_of3A_662 = tpu.assume_multiple %add3A_661, 8 : i32
      %dma_start3A_663 = tpu.memref_slice %arg3[%multiple_of3A_662] : memref<320000xi32, #tpu.memory_space<hbm>> -> memref<64xi32, #tpu.memory_space<hbm>>
      %dma_start3A_664 = tpu.memref_slice %arg3[%multiple_of3A_662] : memref<320000xi32, #tpu.memory_space<hbm>> -> memref<64xi32, #tpu.memory_space<hbm>>
      tpu.enqueue_dma source(%dma_start3A_664 : memref<64xi32, #tpu.memory_space<hbm>>) target(%arg39 : memref<64xi32, #tpu.memory_space<vmem>>) target_semaphore(%arg28 : memref<!tpu.dma_semaphore, #tpu.memory_space<semaphore_mem>>)
      %dma_start3A_665 = tpu.memref_slice %arg4[%multiple_of3A_662] : memref<320000xi32, #tpu.memory_space<hbm>> -> memref<64xi32, #tpu.memory_space<hbm>>
      %dma_start3A_666 = tpu.memref_slice %arg4[%multiple_of3A_662] : memref<320000xi32, #tpu.memory_space<hbm>> -> memref<64xi32, #tpu.memory_space<hbm>>
      tpu.enqueue_dma source(%dma_start3A_666 : memref<64xi32, #tpu.memory_space<hbm>>) target(%arg19 : memref<64xi32, #tpu.memory_space<vmem>>) target_semaphore(%arg28 : memref<!tpu.dma_semaphore, #tpu.memory_space<semaphore_mem>>)
      %add3A_667 = arith.constant 7 : i32
      %add3A_668 = arith.addi %add3A_414, %add3A_667 : i32
      %dma_wait3A_669 = arith.constant 0 : i32
      %dma_wait3A_670 = arith.constant 0 : i32
      %dma_wait3A_671 = tpu.memref_slice %arg9[%dma_wait3A_669, %dma_wait3A_670] : memref<10240x128xf32, #tpu.memory_space<vmem_shared>> -> memref<10240x128xf32, #tpu.memory_space<vmem_shared>>
      tpu.wait_indirect_dma semaphore(%arg44 : memref<!tpu.dma_semaphore, #tpu.memory_space<semaphore_mem>>) src(%arg34 : memref<64x128xf32, #tpu.memory_space<vmem>>) dst(%dma_wait3A_671 : memref<10240x128xf32, #tpu.memory_space<vmem_shared>>)
      %dma_wait3A_672 = arith.constant 0 : i32
      %dma_wait3A_673 = tpu.memref_slice %arg10[%dma_wait3A_672] : memref<10240xf32, #tpu.memory_space<vmem_shared>> -> memref<10240xf32, #tpu.memory_space<vmem_shared>>
      tpu.wait_indirect_dma semaphore(%arg11 : memref<!tpu.dma_semaphore, #tpu.memory_space<semaphore_mem>>) src(%arg33 : memref<64xf32, #tpu.memory_space<vmem>>) dst(%dma_wait3A_673 : memref<10240xf32, #tpu.memory_space<vmem_shared>>)
      %dma_wait3A_674 = arith.constant 0 : i32
      %dma_wait3A_675 = tpu.memref_slice %arg3[%dma_wait3A_674] : memref<320000xi32, #tpu.memory_space<hbm>> -> memref<64xi32, #tpu.memory_space<hbm>>
      %dma_wait3A_676 = arith.constant 0 : i32
      %dma_wait3A_677 = tpu.memref_slice %arg3[%dma_wait3A_676] : memref<320000xi32, #tpu.memory_space<hbm>> -> memref<64xi32, #tpu.memory_space<hbm>>
      tpu.wait_dma2 semaphore(%arg31 : memref<!tpu.dma_semaphore, #tpu.memory_space<semaphore_mem>>) src(%dma_wait3A_677 : memref<64xi32, #tpu.memory_space<hbm>>) dst(%arg42 : memref<64xi32, #tpu.memory_space<vmem>>)
      %dma_wait3A_678 = arith.constant 0 : i32
      %dma_wait3A_679 = tpu.memref_slice %arg4[%dma_wait3A_678] : memref<320000xi32, #tpu.memory_space<hbm>> -> memref<64xi32, #tpu.memory_space<hbm>>
      %dma_wait3A_680 = arith.constant 0 : i32
      %dma_wait3A_681 = tpu.memref_slice %arg4[%dma_wait3A_680] : memref<320000xi32, #tpu.memory_space<hbm>> -> memref<64xi32, #tpu.memory_space<hbm>>
      tpu.wait_dma2 semaphore(%arg31 : memref<!tpu.dma_semaphore, #tpu.memory_space<semaphore_mem>>) src(%dma_wait3A_681 : memref<64xi32, #tpu.memory_space<hbm>>) dst(%arg18 : memref<64xi32, #tpu.memory_space<vmem>>)
      %dma_start3A_682 = arith.constant 0 : i32
      %dma_start3A_683 = arith.constant 0 : i32
      %dma_start3A_684 = tpu.memref_slice %arg2[%dma_start3A_682, %dma_start3A_683] : memref<10000x128xf32, #tpu.memory_space<hbm>> -> memref<10000x128xf32, #tpu.memory_space<hbm>>
      tpu.enqueue_indirect_dma source(%dma_start3A_684 : memref<10000x128xf32, #tpu.memory_space<hbm>>) target(%arg37 : memref<64x128xf32, #tpu.memory_space<vmem>>) offsets(%arg42 : memref<64xi32, #tpu.memory_space<vmem>>) semaphore(%arg27 : memref<!tpu.dma_semaphore, #tpu.memory_space<semaphore_mem>>)
      %dma_wait3A_685 = arith.constant 0 : i32
      %dma_wait3A_686 = arith.constant 0 : i32
      %dma_wait3A_687 = tpu.memref_slice %arg2[%dma_wait3A_685, %dma_wait3A_686] : memref<10000x128xf32, #tpu.memory_space<hbm>> -> memref<10000x128xf32, #tpu.memory_space<hbm>>
      tpu.wait_indirect_dma semaphore(%arg25 : memref<!tpu.dma_semaphore, #tpu.memory_space<semaphore_mem>>) src(%dma_wait3A_687 : memref<10000x128xf32, #tpu.memory_space<hbm>>) dst(%arg35 : memref<64x128xf32, #tpu.memory_space<vmem>>)
      %dma_start3A_688 = arith.constant 0 : i32
      %dma_start3A_689 = arith.constant 0 : i32
      %dma_start3A_690 = tpu.memref_slice %arg9[%dma_start3A_688, %dma_start3A_689] : memref<10240x128xf32, #tpu.memory_space<vmem_shared>> -> memref<10240x128xf32, #tpu.memory_space<vmem_shared>>
      tpu.enqueue_indirect_dma source(%arg35 : memref<64x128xf32, #tpu.memory_space<vmem>>) target(%dma_start3A_690 : memref<10240x128xf32, #tpu.memory_space<vmem_shared>>) offsets(%arg16 : memref<64xi32, #tpu.memory_space<vmem>>) semaphore(%arg45 : memref<!tpu.dma_semaphore, #tpu.memory_space<semaphore_mem>>) {add = true}
      %dma_start3A_691 = arith.constant 0 : i32
      %dma_start3A_692 = tpu.memref_slice %arg10[%dma_start3A_691] : memref<10240xf32, #tpu.memory_space<vmem_shared>> -> memref<10240xf32, #tpu.memory_space<vmem_shared>>
      tpu.enqueue_indirect_dma source(%arg33 : memref<64xf32, #tpu.memory_space<vmem>>) target(%dma_start3A_692 : memref<10240xf32, #tpu.memory_space<vmem_shared>>) offsets(%arg16 : memref<64xi32, #tpu.memory_space<vmem>>) semaphore(%arg12 : memref<!tpu.dma_semaphore, #tpu.memory_space<semaphore_mem>>) {add = true}
      %add3A_693 = arith.constant 2 : i32
      %add3A_694 = arith.addi %add3A_668, %add3A_693 : i32
      %mul3A_695 = arith.constant 64 : i32
      %mul3A_696 = arith.muli %add3A_694, %mul3A_695 : i32
      %add3A_697 = arith.addi %add3A_20, %mul3A_696 : i32
      %multiple_of3A_698 = tpu.assume_multiple %add3A_697, 8 : i32
      %dma_start3A_699 = tpu.memref_slice %arg3[%multiple_of3A_698] : memref<320000xi32, #tpu.memory_space<hbm>> -> memref<64xi32, #tpu.memory_space<hbm>>
      %dma_start3A_700 = tpu.memref_slice %arg3[%multiple_of3A_698] : memref<320000xi32, #tpu.memory_space<hbm>> -> memref<64xi32, #tpu.memory_space<hbm>>
      tpu.enqueue_dma source(%dma_start3A_700 : memref<64xi32, #tpu.memory_space<hbm>>) target(%arg40 : memref<64xi32, #tpu.memory_space<vmem>>) target_semaphore(%arg29 : memref<!tpu.dma_semaphore, #tpu.memory_space<semaphore_mem>>)
      %dma_start3A_701 = tpu.memref_slice %arg4[%multiple_of3A_698] : memref<320000xi32, #tpu.memory_space<hbm>> -> memref<64xi32, #tpu.memory_space<hbm>>
      %dma_start3A_702 = tpu.memref_slice %arg4[%multiple_of3A_698] : memref<320000xi32, #tpu.memory_space<hbm>> -> memref<64xi32, #tpu.memory_space<hbm>>
      tpu.enqueue_dma source(%dma_start3A_702 : memref<64xi32, #tpu.memory_space<hbm>>) target(%arg20 : memref<64xi32, #tpu.memory_space<vmem>>) target_semaphore(%arg29 : memref<!tpu.dma_semaphore, #tpu.memory_space<semaphore_mem>>)
    }
    %scan3A_129 = arith.constant 18 : i32
    %dma_wait3A_130 = arith.constant 0 : i32
    %dma_wait3A_131 = arith.constant 0 : i32
    %dma_wait3A_132 = tpu.memref_slice %arg9[%dma_wait3A_130, %dma_wait3A_131] : memref<10240x128xf32, #tpu.memory_space<vmem_shared>> -> memref<10240x128xf32, #tpu.memory_space<vmem_shared>>
    tpu.wait_indirect_dma semaphore(%arg45 : memref<!tpu.dma_semaphore, #tpu.memory_space<semaphore_mem>>) src(%arg35 : memref<64x128xf32, #tpu.memory_space<vmem>>) dst(%dma_wait3A_132 : memref<10240x128xf32, #tpu.memory_space<vmem_shared>>)
    %dma_wait3A_133 = arith.constant 0 : i32
    %dma_wait3A_134 = tpu.memref_slice %arg10[%dma_wait3A_133] : memref<10240xf32, #tpu.memory_space<vmem_shared>> -> memref<10240xf32, #tpu.memory_space<vmem_shared>>
    tpu.wait_indirect_dma semaphore(%arg12 : memref<!tpu.dma_semaphore, #tpu.memory_space<semaphore_mem>>) src(%arg33 : memref<64xf32, #tpu.memory_space<vmem>>) dst(%dma_wait3A_134 : memref<10240xf32, #tpu.memory_space<vmem_shared>>)
    %dma_wait3A_135 = arith.constant 0 : i32
    %dma_wait3A_136 = tpu.memref_slice %arg3[%dma_wait3A_135] : memref<320000xi32, #tpu.memory_space<hbm>> -> memref<64xi32, #tpu.memory_space<hbm>>
    %dma_wait3A_137 = arith.constant 0 : i32
    %dma_wait3A_138 = tpu.memref_slice %arg3[%dma_wait3A_137] : memref<320000xi32, #tpu.memory_space<hbm>> -> memref<64xi32, #tpu.memory_space<hbm>>
    tpu.wait_dma2 semaphore(%arg28 : memref<!tpu.dma_semaphore, #tpu.memory_space<semaphore_mem>>) src(%dma_wait3A_138 : memref<64xi32, #tpu.memory_space<hbm>>) dst(%arg39 : memref<64xi32, #tpu.memory_space<vmem>>)
    %dma_wait3A_139 = arith.constant 0 : i32
    %dma_wait3A_140 = tpu.memref_slice %arg4[%dma_wait3A_139] : memref<320000xi32, #tpu.memory_space<hbm>> -> memref<64xi32, #tpu.memory_space<hbm>>
    %dma_wait3A_141 = arith.constant 0 : i32
    %dma_wait3A_142 = tpu.memref_slice %arg4[%dma_wait3A_141] : memref<320000xi32, #tpu.memory_space<hbm>> -> memref<64xi32, #tpu.memory_space<hbm>>
    tpu.wait_dma2 semaphore(%arg28 : memref<!tpu.dma_semaphore, #tpu.memory_space<semaphore_mem>>) src(%dma_wait3A_142 : memref<64xi32, #tpu.memory_space<hbm>>) dst(%arg19 : memref<64xi32, #tpu.memory_space<vmem>>)
    %dma_start3A_143 = arith.constant 0 : i32
    %dma_start3A_144 = arith.constant 0 : i32
    %dma_start3A_145 = tpu.memref_slice %arg2[%dma_start3A_143, %dma_start3A_144] : memref<10000x128xf32, #tpu.memory_space<hbm>> -> memref<10000x128xf32, #tpu.memory_space<hbm>>
    tpu.enqueue_indirect_dma source(%dma_start3A_145 : memref<10000x128xf32, #tpu.memory_space<hbm>>) target(%arg34 : memref<64x128xf32, #tpu.memory_space<vmem>>) offsets(%arg39 : memref<64xi32, #tpu.memory_space<vmem>>) semaphore(%arg24 : memref<!tpu.dma_semaphore, #tpu.memory_space<semaphore_mem>>)
    %dma_wait3A_146 = arith.constant 0 : i32
    %dma_wait3A_147 = arith.constant 0 : i32
    %dma_wait3A_148 = tpu.memref_slice %arg2[%dma_wait3A_146, %dma_wait3A_147] : memref<10000x128xf32, #tpu.memory_space<hbm>> -> memref<10000x128xf32, #tpu.memory_space<hbm>>
    tpu.wait_indirect_dma semaphore(%arg26 : memref<!tpu.dma_semaphore, #tpu.memory_space<semaphore_mem>>) src(%dma_wait3A_148 : memref<10000x128xf32, #tpu.memory_space<hbm>>) dst(%arg36 : memref<64x128xf32, #tpu.memory_space<vmem>>)
    %dma_start3A_149 = arith.constant 0 : i32
    %dma_start3A_150 = arith.constant 0 : i32
    %dma_start3A_151 = tpu.memref_slice %arg9[%dma_start3A_149, %dma_start3A_150] : memref<10240x128xf32, #tpu.memory_space<vmem_shared>> -> memref<10240x128xf32, #tpu.memory_space<vmem_shared>>
    tpu.enqueue_indirect_dma source(%arg36 : memref<64x128xf32, #tpu.memory_space<vmem>>) target(%dma_start3A_151 : memref<10240x128xf32, #tpu.memory_space<vmem_shared>>) offsets(%arg17 : memref<64xi32, #tpu.memory_space<vmem>>) semaphore(%arg46 : memref<!tpu.dma_semaphore, #tpu.memory_space<semaphore_mem>>) {add = true}
    %dma_start3A_152 = arith.constant 0 : i32
    %dma_start3A_153 = tpu.memref_slice %arg10[%dma_start3A_152] : memref<10240xf32, #tpu.memory_space<vmem_shared>> -> memref<10240xf32, #tpu.memory_space<vmem_shared>>
    tpu.enqueue_indirect_dma source(%arg33 : memref<64xf32, #tpu.memory_space<vmem>>) target(%dma_start3A_153 : memref<10240xf32, #tpu.memory_space<vmem_shared>>) offsets(%arg17 : memref<64xi32, #tpu.memory_space<vmem>>) semaphore(%arg13 : memref<!tpu.dma_semaphore, #tpu.memory_space<semaphore_mem>>) {add = true}
    %add3A_154 = arith.constant 9600 : i32
    %add3A_155 = arith.addi %add3A_20, %add3A_154 : i32
    %multiple_of3A_156 = tpu.assume_multiple %add3A_155, 8 : i32
    %dma_start3A_157 = tpu.memref_slice %arg3[%multiple_of3A_156] : memref<320000xi32, #tpu.memory_space<hbm>> -> memref<64xi32, #tpu.memory_space<hbm>>
    %dma_start3A_158 = tpu.memref_slice %arg3[%multiple_of3A_156] : memref<320000xi32, #tpu.memory_space<hbm>> -> memref<64xi32, #tpu.memory_space<hbm>>
    tpu.enqueue_dma source(%dma_start3A_158 : memref<64xi32, #tpu.memory_space<hbm>>) target(%arg41 : memref<64xi32, #tpu.memory_space<vmem>>) target_semaphore(%arg30 : memref<!tpu.dma_semaphore, #tpu.memory_space<semaphore_mem>>)
    %dma_start3A_159 = tpu.memref_slice %arg4[%multiple_of3A_156] : memref<320000xi32, #tpu.memory_space<hbm>> -> memref<64xi32, #tpu.memory_space<hbm>>
    %dma_start3A_160 = tpu.memref_slice %arg4[%multiple_of3A_156] : memref<320000xi32, #tpu.memory_space<hbm>> -> memref<64xi32, #tpu.memory_space<hbm>>
    tpu.enqueue_dma source(%dma_start3A_160 : memref<64xi32, #tpu.memory_space<hbm>>) target(%arg21 : memref<64xi32, #tpu.memory_space<vmem>>) target_semaphore(%arg30 : memref<!tpu.dma_semaphore, #tpu.memory_space<semaphore_mem>>)
    %dma_wait3A_161 = arith.constant 0 : i32
    %dma_wait3A_162 = arith.constant 0 : i32
    %dma_wait3A_163 = tpu.memref_slice %arg9[%dma_wait3A_161, %dma_wait3A_162] : memref<10240x128xf32, #tpu.memory_space<vmem_shared>> -> memref<10240x128xf32, #tpu.memory_space<vmem_shared>>
    tpu.wait_indirect_dma semaphore(%arg46 : memref<!tpu.dma_semaphore, #tpu.memory_space<semaphore_mem>>) src(%arg36 : memref<64x128xf32, #tpu.memory_space<vmem>>) dst(%dma_wait3A_163 : memref<10240x128xf32, #tpu.memory_space<vmem_shared>>)
    %dma_wait3A_164 = arith.constant 0 : i32
    %dma_wait3A_165 = tpu.memref_slice %arg10[%dma_wait3A_164] : memref<10240xf32, #tpu.memory_space<vmem_shared>> -> memref<10240xf32, #tpu.memory_space<vmem_shared>>
    tpu.wait_indirect_dma semaphore(%arg13 : memref<!tpu.dma_semaphore, #tpu.memory_space<semaphore_mem>>) src(%arg33 : memref<64xf32, #tpu.memory_space<vmem>>) dst(%dma_wait3A_165 : memref<10240xf32, #tpu.memory_space<vmem_shared>>)
    %dma_wait3A_166 = arith.constant 0 : i32
    %dma_wait3A_167 = tpu.memref_slice %arg3[%dma_wait3A_166] : memref<320000xi32, #tpu.memory_space<hbm>> -> memref<64xi32, #tpu.memory_space<hbm>>
    %dma_wait3A_168 = arith.constant 0 : i32
    %dma_wait3A_169 = tpu.memref_slice %arg3[%dma_wait3A_168] : memref<320000xi32, #tpu.memory_space<hbm>> -> memref<64xi32, #tpu.memory_space<hbm>>
    tpu.wait_dma2 semaphore(%arg29 : memref<!tpu.dma_semaphore, #tpu.memory_space<semaphore_mem>>) src(%dma_wait3A_169 : memref<64xi32, #tpu.memory_space<hbm>>) dst(%arg40 : memref<64xi32, #tpu.memory_space<vmem>>)
    %dma_wait3A_170 = arith.constant 0 : i32
    %dma_wait3A_171 = tpu.memref_slice %arg4[%dma_wait3A_170] : memref<320000xi32, #tpu.memory_space<hbm>> -> memref<64xi32, #tpu.memory_space<hbm>>
    %dma_wait3A_172 = arith.constant 0 : i32
    %dma_wait3A_173 = tpu.memref_slice %arg4[%dma_wait3A_172] : memref<320000xi32, #tpu.memory_space<hbm>> -> memref<64xi32, #tpu.memory_space<hbm>>
    tpu.wait_dma2 semaphore(%arg29 : memref<!tpu.dma_semaphore, #tpu.memory_space<semaphore_mem>>) src(%dma_wait3A_173 : memref<64xi32, #tpu.memory_space<hbm>>) dst(%arg20 : memref<64xi32, #tpu.memory_space<vmem>>)
    %dma_start3A_174 = arith.constant 0 : i32
    %dma_start3A_175 = arith.constant 0 : i32
    %dma_start3A_176 = tpu.memref_slice %arg2[%dma_start3A_174, %dma_start3A_175] : memref<10000x128xf32, #tpu.memory_space<hbm>> -> memref<10000x128xf32, #tpu.memory_space<hbm>>
    tpu.enqueue_indirect_dma source(%dma_start3A_176 : memref<10000x128xf32, #tpu.memory_space<hbm>>) target(%arg35 : memref<64x128xf32, #tpu.memory_space<vmem>>) offsets(%arg40 : memref<64xi32, #tpu.memory_space<vmem>>) semaphore(%arg25 : memref<!tpu.dma_semaphore, #tpu.memory_space<semaphore_mem>>)
    %dma_wait3A_177 = arith.constant 0 : i32
    %dma_wait3A_178 = arith.constant 0 : i32
    %dma_wait3A_179 = tpu.memref_slice %arg2[%dma_wait3A_177, %dma_wait3A_178] : memref<10000x128xf32, #tpu.memory_space<hbm>> -> memref<10000x128xf32, #tpu.memory_space<hbm>>
    tpu.wait_indirect_dma semaphore(%arg27 : memref<!tpu.dma_semaphore, #tpu.memory_space<semaphore_mem>>) src(%dma_wait3A_179 : memref<10000x128xf32, #tpu.memory_space<hbm>>) dst(%arg37 : memref<64x128xf32, #tpu.memory_space<vmem>>)
    %dma_start3A_180 = arith.constant 0 : i32
    %dma_start3A_181 = arith.constant 0 : i32
    %dma_start3A_182 = tpu.memref_slice %arg9[%dma_start3A_180, %dma_start3A_181] : memref<10240x128xf32, #tpu.memory_space<vmem_shared>> -> memref<10240x128xf32, #tpu.memory_space<vmem_shared>>
    tpu.enqueue_indirect_dma source(%arg37 : memref<64x128xf32, #tpu.memory_space<vmem>>) target(%dma_start3A_182 : memref<10240x128xf32, #tpu.memory_space<vmem_shared>>) offsets(%arg18 : memref<64xi32, #tpu.memory_space<vmem>>) semaphore(%arg47 : memref<!tpu.dma_semaphore, #tpu.memory_space<semaphore_mem>>) {add = true}
    %dma_start3A_183 = arith.constant 0 : i32
    %dma_start3A_184 = tpu.memref_slice %arg10[%dma_start3A_183] : memref<10240xf32, #tpu.memory_space<vmem_shared>> -> memref<10240xf32, #tpu.memory_space<vmem_shared>>
    tpu.enqueue_indirect_dma source(%arg33 : memref<64xf32, #tpu.memory_space<vmem>>) target(%dma_start3A_184 : memref<10240xf32, #tpu.memory_space<vmem_shared>>) offsets(%arg18 : memref<64xi32, #tpu.memory_space<vmem>>) semaphore(%arg14 : memref<!tpu.dma_semaphore, #tpu.memory_space<semaphore_mem>>) {add = true}
    %add3A_185 = arith.constant 9664 : i32
    %add3A_186 = arith.addi %add3A_20, %add3A_185 : i32
    %multiple_of3A_187 = tpu.assume_multiple %add3A_186, 8 : i32
    %dma_start3A_188 = tpu.memref_slice %arg3[%multiple_of3A_187] : memref<320000xi32, #tpu.memory_space<hbm>> -> memref<64xi32, #tpu.memory_space<hbm>>
    %dma_start3A_189 = tpu.memref_slice %arg3[%multiple_of3A_187] : memref<320000xi32, #tpu.memory_space<hbm>> -> memref<64xi32, #tpu.memory_space<hbm>>
    tpu.enqueue_dma source(%dma_start3A_189 : memref<64xi32, #tpu.memory_space<hbm>>) target(%arg42 : memref<64xi32, #tpu.memory_space<vmem>>) target_semaphore(%arg31 : memref<!tpu.dma_semaphore, #tpu.memory_space<semaphore_mem>>)
    %dma_start3A_190 = tpu.memref_slice %arg4[%multiple_of3A_187] : memref<320000xi32, #tpu.memory_space<hbm>> -> memref<64xi32, #tpu.memory_space<hbm>>
    %dma_start3A_191 = tpu.memref_slice %arg4[%multiple_of3A_187] : memref<320000xi32, #tpu.memory_space<hbm>> -> memref<64xi32, #tpu.memory_space<hbm>>
    tpu.enqueue_dma source(%dma_start3A_191 : memref<64xi32, #tpu.memory_space<hbm>>) target(%arg22 : memref<64xi32, #tpu.memory_space<vmem>>) target_semaphore(%arg31 : memref<!tpu.dma_semaphore, #tpu.memory_space<semaphore_mem>>)
    %dma_wait3A_192 = arith.constant 0 : i32
    %dma_wait3A_193 = arith.constant 0 : i32
    %dma_wait3A_194 = tpu.memref_slice %arg9[%dma_wait3A_192, %dma_wait3A_193] : memref<10240x128xf32, #tpu.memory_space<vmem_shared>> -> memref<10240x128xf32, #tpu.memory_space<vmem_shared>>
    tpu.wait_indirect_dma semaphore(%arg47 : memref<!tpu.dma_semaphore, #tpu.memory_space<semaphore_mem>>) src(%arg37 : memref<64x128xf32, #tpu.memory_space<vmem>>) dst(%dma_wait3A_194 : memref<10240x128xf32, #tpu.memory_space<vmem_shared>>)
    %dma_wait3A_195 = arith.constant 0 : i32
    %dma_wait3A_196 = tpu.memref_slice %arg10[%dma_wait3A_195] : memref<10240xf32, #tpu.memory_space<vmem_shared>> -> memref<10240xf32, #tpu.memory_space<vmem_shared>>
    tpu.wait_indirect_dma semaphore(%arg14 : memref<!tpu.dma_semaphore, #tpu.memory_space<semaphore_mem>>) src(%arg33 : memref<64xf32, #tpu.memory_space<vmem>>) dst(%dma_wait3A_196 : memref<10240xf32, #tpu.memory_space<vmem_shared>>)
    %dma_wait3A_197 = arith.constant 0 : i32
    %dma_wait3A_198 = tpu.memref_slice %arg3[%dma_wait3A_197] : memref<320000xi32, #tpu.memory_space<hbm>> -> memref<64xi32, #tpu.memory_space<hbm>>
    %dma_wait3A_199 = arith.constant 0 : i32
    %dma_wait3A_200 = tpu.memref_slice %arg3[%dma_wait3A_199] : memref<320000xi32, #tpu.memory_space<hbm>> -> memref<64xi32, #tpu.memory_space<hbm>>
    tpu.wait_dma2 semaphore(%arg30 : memref<!tpu.dma_semaphore, #tpu.memory_space<semaphore_mem>>) src(%dma_wait3A_200 : memref<64xi32, #tpu.memory_space<hbm>>) dst(%arg41 : memref<64xi32, #tpu.memory_space<vmem>>)
    %dma_wait3A_201 = arith.constant 0 : i32
    %dma_wait3A_202 = tpu.memref_slice %arg4[%dma_wait3A_201] : memref<320000xi32, #tpu.memory_space<hbm>> -> memref<64xi32, #tpu.memory_space<hbm>>
    %dma_wait3A_203 = arith.constant 0 : i32
    %dma_wait3A_204 = tpu.memref_slice %arg4[%dma_wait3A_203] : memref<320000xi32, #tpu.memory_space<hbm>> -> memref<64xi32, #tpu.memory_space<hbm>>
    tpu.wait_dma2 semaphore(%arg30 : memref<!tpu.dma_semaphore, #tpu.memory_space<semaphore_mem>>) src(%dma_wait3A_204 : memref<64xi32, #tpu.memory_space<hbm>>) dst(%arg21 : memref<64xi32, #tpu.memory_space<vmem>>)
    %dma_start3A_205 = arith.constant 0 : i32
    %dma_start3A_206 = arith.constant 0 : i32
    %dma_start3A_207 = tpu.memref_slice %arg2[%dma_start3A_205, %dma_start3A_206] : memref<10000x128xf32, #tpu.memory_space<hbm>> -> memref<10000x128xf32, #tpu.memory_space<hbm>>
    tpu.enqueue_indirect_dma source(%dma_start3A_207 : memref<10000x128xf32, #tpu.memory_space<hbm>>) target(%arg36 : memref<64x128xf32, #tpu.memory_space<vmem>>) offsets(%arg41 : memref<64xi32, #tpu.memory_space<vmem>>) semaphore(%arg26 : memref<!tpu.dma_semaphore, #tpu.memory_space<semaphore_mem>>)
    %dma_wait3A_208 = arith.constant 0 : i32
    %dma_wait3A_209 = arith.constant 0 : i32
    %dma_wait3A_210 = tpu.memref_slice %arg2[%dma_wait3A_208, %dma_wait3A_209] : memref<10000x128xf32, #tpu.memory_space<hbm>> -> memref<10000x128xf32, #tpu.memory_space<hbm>>
    tpu.wait_indirect_dma semaphore(%arg24 : memref<!tpu.dma_semaphore, #tpu.memory_space<semaphore_mem>>) src(%dma_wait3A_210 : memref<10000x128xf32, #tpu.memory_space<hbm>>) dst(%arg34 : memref<64x128xf32, #tpu.memory_space<vmem>>)
    %dma_start3A_211 = arith.constant 0 : i32
    %dma_start3A_212 = arith.constant 0 : i32
    %dma_start3A_213 = tpu.memref_slice %arg9[%dma_start3A_211, %dma_start3A_212] : memref<10240x128xf32, #tpu.memory_space<vmem_shared>> -> memref<10240x128xf32, #tpu.memory_space<vmem_shared>>
    tpu.enqueue_indirect_dma source(%arg34 : memref<64x128xf32, #tpu.memory_space<vmem>>) target(%dma_start3A_213 : memref<10240x128xf32, #tpu.memory_space<vmem_shared>>) offsets(%arg19 : memref<64xi32, #tpu.memory_space<vmem>>) semaphore(%arg44 : memref<!tpu.dma_semaphore, #tpu.memory_space<semaphore_mem>>) {add = true}
    %dma_start3A_214 = arith.constant 0 : i32
    %dma_start3A_215 = tpu.memref_slice %arg10[%dma_start3A_214] : memref<10240xf32, #tpu.memory_space<vmem_shared>> -> memref<10240xf32, #tpu.memory_space<vmem_shared>>
    tpu.enqueue_indirect_dma source(%arg33 : memref<64xf32, #tpu.memory_space<vmem>>) target(%dma_start3A_215 : memref<10240xf32, #tpu.memory_space<vmem_shared>>) offsets(%arg19 : memref<64xi32, #tpu.memory_space<vmem>>) semaphore(%arg11 : memref<!tpu.dma_semaphore, #tpu.memory_space<semaphore_mem>>) {add = true}
    %add3A_216 = arith.constant 9728 : i32
    %add3A_217 = arith.addi %add3A_20, %add3A_216 : i32
    %multiple_of3A_218 = tpu.assume_multiple %add3A_217, 8 : i32
    %dma_start3A_219 = tpu.memref_slice %arg3[%multiple_of3A_218] : memref<320000xi32, #tpu.memory_space<hbm>> -> memref<64xi32, #tpu.memory_space<hbm>>
    %dma_start3A_220 = tpu.memref_slice %arg3[%multiple_of3A_218] : memref<320000xi32, #tpu.memory_space<hbm>> -> memref<64xi32, #tpu.memory_space<hbm>>
    tpu.enqueue_dma source(%dma_start3A_220 : memref<64xi32, #tpu.memory_space<hbm>>) target(%arg39 : memref<64xi32, #tpu.memory_space<vmem>>) target_semaphore(%arg28 : memref<!tpu.dma_semaphore, #tpu.memory_space<semaphore_mem>>)
    %dma_start3A_221 = tpu.memref_slice %arg4[%multiple_of3A_218] : memref<320000xi32, #tpu.memory_space<hbm>> -> memref<64xi32, #tpu.memory_space<hbm>>
    %dma_start3A_222 = tpu.memref_slice %arg4[%multiple_of3A_218] : memref<320000xi32, #tpu.memory_space<hbm>> -> memref<64xi32, #tpu.memory_space<hbm>>
    tpu.enqueue_dma source(%dma_start3A_222 : memref<64xi32, #tpu.memory_space<hbm>>) target(%arg15 : memref<64xi32, #tpu.memory_space<vmem>>) target_semaphore(%arg28 : memref<!tpu.dma_semaphore, #tpu.memory_space<semaphore_mem>>)
    %dma_wait3A_223 = arith.constant 0 : i32
    %dma_wait3A_224 = arith.constant 0 : i32
    %dma_wait3A_225 = tpu.memref_slice %arg9[%dma_wait3A_223, %dma_wait3A_224] : memref<10240x128xf32, #tpu.memory_space<vmem_shared>> -> memref<10240x128xf32, #tpu.memory_space<vmem_shared>>
    tpu.wait_indirect_dma semaphore(%arg44 : memref<!tpu.dma_semaphore, #tpu.memory_space<semaphore_mem>>) src(%arg34 : memref<64x128xf32, #tpu.memory_space<vmem>>) dst(%dma_wait3A_225 : memref<10240x128xf32, #tpu.memory_space<vmem_shared>>)
    %dma_wait3A_226 = arith.constant 0 : i32
    %dma_wait3A_227 = tpu.memref_slice %arg10[%dma_wait3A_226] : memref<10240xf32, #tpu.memory_space<vmem_shared>> -> memref<10240xf32, #tpu.memory_space<vmem_shared>>
    tpu.wait_indirect_dma semaphore(%arg11 : memref<!tpu.dma_semaphore, #tpu.memory_space<semaphore_mem>>) src(%arg33 : memref<64xf32, #tpu.memory_space<vmem>>) dst(%dma_wait3A_227 : memref<10240xf32, #tpu.memory_space<vmem_shared>>)
    %dma_wait3A_228 = arith.constant 0 : i32
    %dma_wait3A_229 = tpu.memref_slice %arg3[%dma_wait3A_228] : memref<320000xi32, #tpu.memory_space<hbm>> -> memref<64xi32, #tpu.memory_space<hbm>>
    %dma_wait3A_230 = arith.constant 0 : i32
    %dma_wait3A_231 = tpu.memref_slice %arg3[%dma_wait3A_230] : memref<320000xi32, #tpu.memory_space<hbm>> -> memref<64xi32, #tpu.memory_space<hbm>>
    tpu.wait_dma2 semaphore(%arg31 : memref<!tpu.dma_semaphore, #tpu.memory_space<semaphore_mem>>) src(%dma_wait3A_231 : memref<64xi32, #tpu.memory_space<hbm>>) dst(%arg42 : memref<64xi32, #tpu.memory_space<vmem>>)
    %dma_wait3A_232 = arith.constant 0 : i32
    %dma_wait3A_233 = tpu.memref_slice %arg4[%dma_wait3A_232] : memref<320000xi32, #tpu.memory_space<hbm>> -> memref<64xi32, #tpu.memory_space<hbm>>
    %dma_wait3A_234 = arith.constant 0 : i32
    %dma_wait3A_235 = tpu.memref_slice %arg4[%dma_wait3A_234] : memref<320000xi32, #tpu.memory_space<hbm>> -> memref<64xi32, #tpu.memory_space<hbm>>
    tpu.wait_dma2 semaphore(%arg31 : memref<!tpu.dma_semaphore, #tpu.memory_space<semaphore_mem>>) src(%dma_wait3A_235 : memref<64xi32, #tpu.memory_space<hbm>>) dst(%arg22 : memref<64xi32, #tpu.memory_space<vmem>>)
    %dma_start3A_236 = arith.constant 0 : i32
    %dma_start3A_237 = arith.constant 0 : i32
    %dma_start3A_238 = tpu.memref_slice %arg2[%dma_start3A_236, %dma_start3A_237] : memref<10000x128xf32, #tpu.memory_space<hbm>> -> memref<10000x128xf32, #tpu.memory_space<hbm>>
    tpu.enqueue_indirect_dma source(%dma_start3A_238 : memref<10000x128xf32, #tpu.memory_space<hbm>>) target(%arg37 : memref<64x128xf32, #tpu.memory_space<vmem>>) offsets(%arg42 : memref<64xi32, #tpu.memory_space<vmem>>) semaphore(%arg27 : memref<!tpu.dma_semaphore, #tpu.memory_space<semaphore_mem>>)
    %dma_wait3A_239 = arith.constant 0 : i32
    %dma_wait3A_240 = arith.constant 0 : i32
    %dma_wait3A_241 = tpu.memref_slice %arg2[%dma_wait3A_239, %dma_wait3A_240] : memref<10000x128xf32, #tpu.memory_space<hbm>> -> memref<10000x128xf32, #tpu.memory_space<hbm>>
    tpu.wait_indirect_dma semaphore(%arg25 : memref<!tpu.dma_semaphore, #tpu.memory_space<semaphore_mem>>) src(%dma_wait3A_241 : memref<10000x128xf32, #tpu.memory_space<hbm>>) dst(%arg35 : memref<64x128xf32, #tpu.memory_space<vmem>>)
    %dma_start3A_242 = arith.constant 0 : i32
    %dma_start3A_243 = arith.constant 0 : i32
    %dma_start3A_244 = tpu.memref_slice %arg9[%dma_start3A_242, %dma_start3A_243] : memref<10240x128xf32, #tpu.memory_space<vmem_shared>> -> memref<10240x128xf32, #tpu.memory_space<vmem_shared>>
    tpu.enqueue_indirect_dma source(%arg35 : memref<64x128xf32, #tpu.memory_space<vmem>>) target(%dma_start3A_244 : memref<10240x128xf32, #tpu.memory_space<vmem_shared>>) offsets(%arg20 : memref<64xi32, #tpu.memory_space<vmem>>) semaphore(%arg45 : memref<!tpu.dma_semaphore, #tpu.memory_space<semaphore_mem>>) {add = true}
    %dma_start3A_245 = arith.constant 0 : i32
    %dma_start3A_246 = tpu.memref_slice %arg10[%dma_start3A_245] : memref<10240xf32, #tpu.memory_space<vmem_shared>> -> memref<10240xf32, #tpu.memory_space<vmem_shared>>
    tpu.enqueue_indirect_dma source(%arg33 : memref<64xf32, #tpu.memory_space<vmem>>) target(%dma_start3A_246 : memref<10240xf32, #tpu.memory_space<vmem_shared>>) offsets(%arg20 : memref<64xi32, #tpu.memory_space<vmem>>) semaphore(%arg12 : memref<!tpu.dma_semaphore, #tpu.memory_space<semaphore_mem>>) {add = true}
    %add3A_247 = arith.constant 9792 : i32
    %add3A_248 = arith.addi %add3A_20, %add3A_247 : i32
    %multiple_of3A_249 = tpu.assume_multiple %add3A_248, 8 : i32
    %dma_start3A_250 = tpu.memref_slice %arg3[%multiple_of3A_249] : memref<320000xi32, #tpu.memory_space<hbm>> -> memref<64xi32, #tpu.memory_space<hbm>>
    %dma_start3A_251 = tpu.memref_slice %arg3[%multiple_of3A_249] : memref<320000xi32, #tpu.memory_space<hbm>> -> memref<64xi32, #tpu.memory_space<hbm>>
    tpu.enqueue_dma source(%dma_start3A_251 : memref<64xi32, #tpu.memory_space<hbm>>) target(%arg40 : memref<64xi32, #tpu.memory_space<vmem>>) target_semaphore(%arg29 : memref<!tpu.dma_semaphore, #tpu.memory_space<semaphore_mem>>)
    %dma_start3A_252 = tpu.memref_slice %arg4[%multiple_of3A_249] : memref<320000xi32, #tpu.memory_space<hbm>> -> memref<64xi32, #tpu.memory_space<hbm>>
    %dma_start3A_253 = tpu.memref_slice %arg4[%multiple_of3A_249] : memref<320000xi32, #tpu.memory_space<hbm>> -> memref<64xi32, #tpu.memory_space<hbm>>
    tpu.enqueue_dma source(%dma_start3A_253 : memref<64xi32, #tpu.memory_space<hbm>>) target(%arg16 : memref<64xi32, #tpu.memory_space<vmem>>) target_semaphore(%arg29 : memref<!tpu.dma_semaphore, #tpu.memory_space<semaphore_mem>>)
    %dma_wait3A_254 = arith.constant 0 : i32
    %dma_wait3A_255 = arith.constant 0 : i32
    %dma_wait3A_256 = tpu.memref_slice %arg9[%dma_wait3A_254, %dma_wait3A_255] : memref<10240x128xf32, #tpu.memory_space<vmem_shared>> -> memref<10240x128xf32, #tpu.memory_space<vmem_shared>>
    tpu.wait_indirect_dma semaphore(%arg45 : memref<!tpu.dma_semaphore, #tpu.memory_space<semaphore_mem>>) src(%arg35 : memref<64x128xf32, #tpu.memory_space<vmem>>) dst(%dma_wait3A_256 : memref<10240x128xf32, #tpu.memory_space<vmem_shared>>)
    %dma_wait3A_257 = arith.constant 0 : i32
    %dma_wait3A_258 = tpu.memref_slice %arg10[%dma_wait3A_257] : memref<10240xf32, #tpu.memory_space<vmem_shared>> -> memref<10240xf32, #tpu.memory_space<vmem_shared>>
    tpu.wait_indirect_dma semaphore(%arg12 : memref<!tpu.dma_semaphore, #tpu.memory_space<semaphore_mem>>) src(%arg33 : memref<64xf32, #tpu.memory_space<vmem>>) dst(%dma_wait3A_258 : memref<10240xf32, #tpu.memory_space<vmem_shared>>)
    %dma_wait3A_259 = arith.constant 0 : i32
    %dma_wait3A_260 = tpu.memref_slice %arg3[%dma_wait3A_259] : memref<320000xi32, #tpu.memory_space<hbm>> -> memref<64xi32, #tpu.memory_space<hbm>>
    %dma_wait3A_261 = arith.constant 0 : i32
    %dma_wait3A_262 = tpu.memref_slice %arg3[%dma_wait3A_261] : memref<320000xi32, #tpu.memory_space<hbm>> -> memref<64xi32, #tpu.memory_space<hbm>>
    tpu.wait_dma2 semaphore(%arg28 : memref<!tpu.dma_semaphore, #tpu.memory_space<semaphore_mem>>) src(%dma_wait3A_262 : memref<64xi32, #tpu.memory_space<hbm>>) dst(%arg39 : memref<64xi32, #tpu.memory_space<vmem>>)
    %dma_wait3A_263 = arith.constant 0 : i32
    %dma_wait3A_264 = tpu.memref_slice %arg4[%dma_wait3A_263] : memref<320000xi32, #tpu.memory_space<hbm>> -> memref<64xi32, #tpu.memory_space<hbm>>
    %dma_wait3A_265 = arith.constant 0 : i32
    %dma_wait3A_266 = tpu.memref_slice %arg4[%dma_wait3A_265] : memref<320000xi32, #tpu.memory_space<hbm>> -> memref<64xi32, #tpu.memory_space<hbm>>
    tpu.wait_dma2 semaphore(%arg28 : memref<!tpu.dma_semaphore, #tpu.memory_space<semaphore_mem>>) src(%dma_wait3A_266 : memref<64xi32, #tpu.memory_space<hbm>>) dst(%arg15 : memref<64xi32, #tpu.memory_space<vmem>>)
    %dma_start3A_267 = arith.constant 0 : i32
    %dma_start3A_268 = arith.constant 0 : i32
    %dma_start3A_269 = tpu.memref_slice %arg2[%dma_start3A_267, %dma_start3A_268] : memref<10000x128xf32, #tpu.memory_space<hbm>> -> memref<10000x128xf32, #tpu.memory_space<hbm>>
    tpu.enqueue_indirect_dma source(%dma_start3A_269 : memref<10000x128xf32, #tpu.memory_space<hbm>>) target(%arg34 : memref<64x128xf32, #tpu.memory_space<vmem>>) offsets(%arg39 : memref<64xi32, #tpu.memory_space<vmem>>) semaphore(%arg24 : memref<!tpu.dma_semaphore, #tpu.memory_space<semaphore_mem>>)
    %dma_wait3A_270 = arith.constant 0 : i32
    %dma_wait3A_271 = arith.constant 0 : i32
    %dma_wait3A_272 = tpu.memref_slice %arg2[%dma_wait3A_270, %dma_wait3A_271] : memref<10000x128xf32, #tpu.memory_space<hbm>> -> memref<10000x128xf32, #tpu.memory_space<hbm>>
    tpu.wait_indirect_dma semaphore(%arg26 : memref<!tpu.dma_semaphore, #tpu.memory_space<semaphore_mem>>) src(%dma_wait3A_272 : memref<10000x128xf32, #tpu.memory_space<hbm>>) dst(%arg36 : memref<64x128xf32, #tpu.memory_space<vmem>>)
    %dma_start3A_273 = arith.constant 0 : i32
    %dma_start3A_274 = arith.constant 0 : i32
    %dma_start3A_275 = tpu.memref_slice %arg9[%dma_start3A_273, %dma_start3A_274] : memref<10240x128xf32, #tpu.memory_space<vmem_shared>> -> memref<10240x128xf32, #tpu.memory_space<vmem_shared>>
    tpu.enqueue_indirect_dma source(%arg36 : memref<64x128xf32, #tpu.memory_space<vmem>>) target(%dma_start3A_275 : memref<10240x128xf32, #tpu.memory_space<vmem_shared>>) offsets(%arg21 : memref<64xi32, #tpu.memory_space<vmem>>) semaphore(%arg46 : memref<!tpu.dma_semaphore, #tpu.memory_space<semaphore_mem>>) {add = true}
    %dma_start3A_276 = arith.constant 0 : i32
    %dma_start3A_277 = tpu.memref_slice %arg10[%dma_start3A_276] : memref<10240xf32, #tpu.memory_space<vmem_shared>> -> memref<10240xf32, #tpu.memory_space<vmem_shared>>
    tpu.enqueue_indirect_dma source(%arg33 : memref<64xf32, #tpu.memory_space<vmem>>) target(%dma_start3A_277 : memref<10240xf32, #tpu.memory_space<vmem_shared>>) offsets(%arg21 : memref<64xi32, #tpu.memory_space<vmem>>) semaphore(%arg13 : memref<!tpu.dma_semaphore, #tpu.memory_space<semaphore_mem>>) {add = true}
    %add3A_278 = arith.constant 9856 : i32
    %add3A_279 = arith.addi %add3A_20, %add3A_278 : i32
    %multiple_of3A_280 = tpu.assume_multiple %add3A_279, 8 : i32
    %dma_start3A_281 = tpu.memref_slice %arg3[%multiple_of3A_280] : memref<320000xi32, #tpu.memory_space<hbm>> -> memref<64xi32, #tpu.memory_space<hbm>>
    %dma_start3A_282 = tpu.memref_slice %arg3[%multiple_of3A_280] : memref<320000xi32, #tpu.memory_space<hbm>> -> memref<64xi32, #tpu.memory_space<hbm>>
    tpu.enqueue_dma source(%dma_start3A_282 : memref<64xi32, #tpu.memory_space<hbm>>) target(%arg41 : memref<64xi32, #tpu.memory_space<vmem>>) target_semaphore(%arg30 : memref<!tpu.dma_semaphore, #tpu.memory_space<semaphore_mem>>)
    %dma_start3A_283 = tpu.memref_slice %arg4[%multiple_of3A_280] : memref<320000xi32, #tpu.memory_space<hbm>> -> memref<64xi32, #tpu.memory_space<hbm>>
    %dma_start3A_284 = tpu.memref_slice %arg4[%multiple_of3A_280] : memref<320000xi32, #tpu.memory_space<hbm>> -> memref<64xi32, #tpu.memory_space<hbm>>
    tpu.enqueue_dma source(%dma_start3A_284 : memref<64xi32, #tpu.memory_space<hbm>>) target(%arg17 : memref<64xi32, #tpu.memory_space<vmem>>) target_semaphore(%arg30 : memref<!tpu.dma_semaphore, #tpu.memory_space<semaphore_mem>>)
    %dma_wait3A_285 = arith.constant 0 : i32
    %dma_wait3A_286 = arith.constant 0 : i32
    %dma_wait3A_287 = tpu.memref_slice %arg9[%dma_wait3A_285, %dma_wait3A_286] : memref<10240x128xf32, #tpu.memory_space<vmem_shared>> -> memref<10240x128xf32, #tpu.memory_space<vmem_shared>>
    tpu.wait_indirect_dma semaphore(%arg46 : memref<!tpu.dma_semaphore, #tpu.memory_space<semaphore_mem>>) src(%arg36 : memref<64x128xf32, #tpu.memory_space<vmem>>) dst(%dma_wait3A_287 : memref<10240x128xf32, #tpu.memory_space<vmem_shared>>)
    %dma_wait3A_288 = arith.constant 0 : i32
    %dma_wait3A_289 = tpu.memref_slice %arg10[%dma_wait3A_288] : memref<10240xf32, #tpu.memory_space<vmem_shared>> -> memref<10240xf32, #tpu.memory_space<vmem_shared>>
    tpu.wait_indirect_dma semaphore(%arg13 : memref<!tpu.dma_semaphore, #tpu.memory_space<semaphore_mem>>) src(%arg33 : memref<64xf32, #tpu.memory_space<vmem>>) dst(%dma_wait3A_289 : memref<10240xf32, #tpu.memory_space<vmem_shared>>)
    %dma_wait3A_290 = arith.constant 0 : i32
    %dma_wait3A_291 = tpu.memref_slice %arg3[%dma_wait3A_290] : memref<320000xi32, #tpu.memory_space<hbm>> -> memref<64xi32, #tpu.memory_space<hbm>>
    %dma_wait3A_292 = arith.constant 0 : i32
    %dma_wait3A_293 = tpu.memref_slice %arg3[%dma_wait3A_292] : memref<320000xi32, #tpu.memory_space<hbm>> -> memref<64xi32, #tpu.memory_space<hbm>>
    tpu.wait_dma2 semaphore(%arg29 : memref<!tpu.dma_semaphore, #tpu.memory_space<semaphore_mem>>) src(%dma_wait3A_293 : memref<64xi32, #tpu.memory_space<hbm>>) dst(%arg40 : memref<64xi32, #tpu.memory_space<vmem>>)
    %dma_wait3A_294 = arith.constant 0 : i32
    %dma_wait3A_295 = tpu.memref_slice %arg4[%dma_wait3A_294] : memref<320000xi32, #tpu.memory_space<hbm>> -> memref<64xi32, #tpu.memory_space<hbm>>
    %dma_wait3A_296 = arith.constant 0 : i32
    %dma_wait3A_297 = tpu.memref_slice %arg4[%dma_wait3A_296] : memref<320000xi32, #tpu.memory_space<hbm>> -> memref<64xi32, #tpu.memory_space<hbm>>
    tpu.wait_dma2 semaphore(%arg29 : memref<!tpu.dma_semaphore, #tpu.memory_space<semaphore_mem>>) src(%dma_wait3A_297 : memref<64xi32, #tpu.memory_space<hbm>>) dst(%arg16 : memref<64xi32, #tpu.memory_space<vmem>>)
    %dma_start3A_298 = arith.constant 0 : i32
    %dma_start3A_299 = arith.constant 0 : i32
    %dma_start3A_300 = tpu.memref_slice %arg2[%dma_start3A_298, %dma_start3A_299] : memref<10000x128xf32, #tpu.memory_space<hbm>> -> memref<10000x128xf32, #tpu.memory_space<hbm>>
    tpu.enqueue_indirect_dma source(%dma_start3A_300 : memref<10000x128xf32, #tpu.memory_space<hbm>>) target(%arg35 : memref<64x128xf32, #tpu.memory_space<vmem>>) offsets(%arg40 : memref<64xi32, #tpu.memory_space<vmem>>) semaphore(%arg25 : memref<!tpu.dma_semaphore, #tpu.memory_space<semaphore_mem>>)
    %dma_wait3A_301 = arith.constant 0 : i32
    %dma_wait3A_302 = arith.constant 0 : i32
    %dma_wait3A_303 = tpu.memref_slice %arg2[%dma_wait3A_301, %dma_wait3A_302] : memref<10000x128xf32, #tpu.memory_space<hbm>> -> memref<10000x128xf32, #tpu.memory_space<hbm>>
    tpu.wait_indirect_dma semaphore(%arg27 : memref<!tpu.dma_semaphore, #tpu.memory_space<semaphore_mem>>) src(%dma_wait3A_303 : memref<10000x128xf32, #tpu.memory_space<hbm>>) dst(%arg37 : memref<64x128xf32, #tpu.memory_space<vmem>>)
    %dma_start3A_304 = arith.constant 0 : i32
    %dma_start3A_305 = arith.constant 0 : i32
    %dma_start3A_306 = tpu.memref_slice %arg9[%dma_start3A_304, %dma_start3A_305] : memref<10240x128xf32, #tpu.memory_space<vmem_shared>> -> memref<10240x128xf32, #tpu.memory_space<vmem_shared>>
    tpu.enqueue_indirect_dma source(%arg37 : memref<64x128xf32, #tpu.memory_space<vmem>>) target(%dma_start3A_306 : memref<10240x128xf32, #tpu.memory_space<vmem_shared>>) offsets(%arg22 : memref<64xi32, #tpu.memory_space<vmem>>) semaphore(%arg47 : memref<!tpu.dma_semaphore, #tpu.memory_space<semaphore_mem>>) {add = true}
    %dma_start3A_307 = arith.constant 0 : i32
    %dma_start3A_308 = tpu.memref_slice %arg10[%dma_start3A_307] : memref<10240xf32, #tpu.memory_space<vmem_shared>> -> memref<10240xf32, #tpu.memory_space<vmem_shared>>
    tpu.enqueue_indirect_dma source(%arg33 : memref<64xf32, #tpu.memory_space<vmem>>) target(%dma_start3A_308 : memref<10240xf32, #tpu.memory_space<vmem_shared>>) offsets(%arg22 : memref<64xi32, #tpu.memory_space<vmem>>) semaphore(%arg14 : memref<!tpu.dma_semaphore, #tpu.memory_space<semaphore_mem>>) {add = true}
    %add3A_309 = arith.constant 9920 : i32
    %add3A_310 = arith.addi %add3A_20, %add3A_309 : i32
    %multiple_of3A_311 = tpu.assume_multiple %add3A_310, 8 : i32
    %dma_start3A_312 = tpu.memref_slice %arg3[%multiple_of3A_311] : memref<320000xi32, #tpu.memory_space<hbm>> -> memref<64xi32, #tpu.memory_space<hbm>>
    %dma_start3A_313 = tpu.memref_slice %arg3[%multiple_of3A_311] : memref<320000xi32, #tpu.memory_space<hbm>> -> memref<64xi32, #tpu.memory_space<hbm>>
    tpu.enqueue_dma source(%dma_start3A_313 : memref<64xi32, #tpu.memory_space<hbm>>) target(%arg42 : memref<64xi32, #tpu.memory_space<vmem>>) target_semaphore(%arg31 : memref<!tpu.dma_semaphore, #tpu.memory_space<semaphore_mem>>)
    %dma_start3A_314 = tpu.memref_slice %arg4[%multiple_of3A_311] : memref<320000xi32, #tpu.memory_space<hbm>> -> memref<64xi32, #tpu.memory_space<hbm>>
    %dma_start3A_315 = tpu.memref_slice %arg4[%multiple_of3A_311] : memref<320000xi32, #tpu.memory_space<hbm>> -> memref<64xi32, #tpu.memory_space<hbm>>
    tpu.enqueue_dma source(%dma_start3A_315 : memref<64xi32, #tpu.memory_space<hbm>>) target(%arg18 : memref<64xi32, #tpu.memory_space<vmem>>) target_semaphore(%arg31 : memref<!tpu.dma_semaphore, #tpu.memory_space<semaphore_mem>>)
    %dma_wait3A_316 = arith.constant 0 : i32
    %dma_wait3A_317 = arith.constant 0 : i32
    %dma_wait3A_318 = tpu.memref_slice %arg9[%dma_wait3A_316, %dma_wait3A_317] : memref<10240x128xf32, #tpu.memory_space<vmem_shared>> -> memref<10240x128xf32, #tpu.memory_space<vmem_shared>>
    tpu.wait_indirect_dma semaphore(%arg47 : memref<!tpu.dma_semaphore, #tpu.memory_space<semaphore_mem>>) src(%arg37 : memref<64x128xf32, #tpu.memory_space<vmem>>) dst(%dma_wait3A_318 : memref<10240x128xf32, #tpu.memory_space<vmem_shared>>)
    %dma_wait3A_319 = arith.constant 0 : i32
    %dma_wait3A_320 = tpu.memref_slice %arg10[%dma_wait3A_319] : memref<10240xf32, #tpu.memory_space<vmem_shared>> -> memref<10240xf32, #tpu.memory_space<vmem_shared>>
    tpu.wait_indirect_dma semaphore(%arg14 : memref<!tpu.dma_semaphore, #tpu.memory_space<semaphore_mem>>) src(%arg33 : memref<64xf32, #tpu.memory_space<vmem>>) dst(%dma_wait3A_320 : memref<10240xf32, #tpu.memory_space<vmem_shared>>)
    %dma_wait3A_321 = arith.constant 0 : i32
    %dma_wait3A_322 = tpu.memref_slice %arg3[%dma_wait3A_321] : memref<320000xi32, #tpu.memory_space<hbm>> -> memref<64xi32, #tpu.memory_space<hbm>>
    %dma_wait3A_323 = arith.constant 0 : i32
    %dma_wait3A_324 = tpu.memref_slice %arg3[%dma_wait3A_323] : memref<320000xi32, #tpu.memory_space<hbm>> -> memref<64xi32, #tpu.memory_space<hbm>>
    tpu.wait_dma2 semaphore(%arg30 : memref<!tpu.dma_semaphore, #tpu.memory_space<semaphore_mem>>) src(%dma_wait3A_324 : memref<64xi32, #tpu.memory_space<hbm>>) dst(%arg41 : memref<64xi32, #tpu.memory_space<vmem>>)
    %dma_wait3A_325 = arith.constant 0 : i32
    %dma_wait3A_326 = tpu.memref_slice %arg4[%dma_wait3A_325] : memref<320000xi32, #tpu.memory_space<hbm>> -> memref<64xi32, #tpu.memory_space<hbm>>
    %dma_wait3A_327 = arith.constant 0 : i32
    %dma_wait3A_328 = tpu.memref_slice %arg4[%dma_wait3A_327] : memref<320000xi32, #tpu.memory_space<hbm>> -> memref<64xi32, #tpu.memory_space<hbm>>
    tpu.wait_dma2 semaphore(%arg30 : memref<!tpu.dma_semaphore, #tpu.memory_space<semaphore_mem>>) src(%dma_wait3A_328 : memref<64xi32, #tpu.memory_space<hbm>>) dst(%arg17 : memref<64xi32, #tpu.memory_space<vmem>>)
    %dma_start3A_329 = arith.constant 0 : i32
    %dma_start3A_330 = arith.constant 0 : i32
    %dma_start3A_331 = tpu.memref_slice %arg2[%dma_start3A_329, %dma_start3A_330] : memref<10000x128xf32, #tpu.memory_space<hbm>> -> memref<10000x128xf32, #tpu.memory_space<hbm>>
    tpu.enqueue_indirect_dma source(%dma_start3A_331 : memref<10000x128xf32, #tpu.memory_space<hbm>>) target(%arg36 : memref<64x128xf32, #tpu.memory_space<vmem>>) offsets(%arg41 : memref<64xi32, #tpu.memory_space<vmem>>) semaphore(%arg26 : memref<!tpu.dma_semaphore, #tpu.memory_space<semaphore_mem>>)
    %dma_wait3A_332 = arith.constant 0 : i32
    %dma_wait3A_333 = arith.constant 0 : i32
    %dma_wait3A_334 = tpu.memref_slice %arg2[%dma_wait3A_332, %dma_wait3A_333] : memref<10000x128xf32, #tpu.memory_space<hbm>> -> memref<10000x128xf32, #tpu.memory_space<hbm>>
    tpu.wait_indirect_dma semaphore(%arg24 : memref<!tpu.dma_semaphore, #tpu.memory_space<semaphore_mem>>) src(%dma_wait3A_334 : memref<10000x128xf32, #tpu.memory_space<hbm>>) dst(%arg34 : memref<64x128xf32, #tpu.memory_space<vmem>>)
    %dma_start3A_335 = arith.constant 0 : i32
    %dma_start3A_336 = arith.constant 0 : i32
    %dma_start3A_337 = tpu.memref_slice %arg9[%dma_start3A_335, %dma_start3A_336] : memref<10240x128xf32, #tpu.memory_space<vmem_shared>> -> memref<10240x128xf32, #tpu.memory_space<vmem_shared>>
    tpu.enqueue_indirect_dma source(%arg34 : memref<64x128xf32, #tpu.memory_space<vmem>>) target(%dma_start3A_337 : memref<10240x128xf32, #tpu.memory_space<vmem_shared>>) offsets(%arg15 : memref<64xi32, #tpu.memory_space<vmem>>) semaphore(%arg44 : memref<!tpu.dma_semaphore, #tpu.memory_space<semaphore_mem>>) {add = true}
    %dma_start3A_338 = arith.constant 0 : i32
    %dma_start3A_339 = tpu.memref_slice %arg10[%dma_start3A_338] : memref<10240xf32, #tpu.memory_space<vmem_shared>> -> memref<10240xf32, #tpu.memory_space<vmem_shared>>
    tpu.enqueue_indirect_dma source(%arg33 : memref<64xf32, #tpu.memory_space<vmem>>) target(%dma_start3A_339 : memref<10240xf32, #tpu.memory_space<vmem_shared>>) offsets(%arg15 : memref<64xi32, #tpu.memory_space<vmem>>) semaphore(%arg11 : memref<!tpu.dma_semaphore, #tpu.memory_space<semaphore_mem>>) {add = true}
    %dma_wait3A_340 = arith.constant 0 : i32
    %dma_wait3A_341 = arith.constant 0 : i32
    %dma_wait3A_342 = tpu.memref_slice %arg9[%dma_wait3A_340, %dma_wait3A_341] : memref<10240x128xf32, #tpu.memory_space<vmem_shared>> -> memref<10240x128xf32, #tpu.memory_space<vmem_shared>>
    tpu.wait_indirect_dma semaphore(%arg44 : memref<!tpu.dma_semaphore, #tpu.memory_space<semaphore_mem>>) src(%arg34 : memref<64x128xf32, #tpu.memory_space<vmem>>) dst(%dma_wait3A_342 : memref<10240x128xf32, #tpu.memory_space<vmem_shared>>)
    %dma_wait3A_343 = arith.constant 0 : i32
    %dma_wait3A_344 = tpu.memref_slice %arg10[%dma_wait3A_343] : memref<10240xf32, #tpu.memory_space<vmem_shared>> -> memref<10240xf32, #tpu.memory_space<vmem_shared>>
    tpu.wait_indirect_dma semaphore(%arg11 : memref<!tpu.dma_semaphore, #tpu.memory_space<semaphore_mem>>) src(%arg33 : memref<64xf32, #tpu.memory_space<vmem>>) dst(%dma_wait3A_344 : memref<10240xf32, #tpu.memory_space<vmem_shared>>)
    %dma_wait3A_345 = arith.constant 0 : i32
    %dma_wait3A_346 = tpu.memref_slice %arg3[%dma_wait3A_345] : memref<320000xi32, #tpu.memory_space<hbm>> -> memref<64xi32, #tpu.memory_space<hbm>>
    %dma_wait3A_347 = arith.constant 0 : i32
    %dma_wait3A_348 = tpu.memref_slice %arg3[%dma_wait3A_347] : memref<320000xi32, #tpu.memory_space<hbm>> -> memref<64xi32, #tpu.memory_space<hbm>>
    tpu.wait_dma2 semaphore(%arg31 : memref<!tpu.dma_semaphore, #tpu.memory_space<semaphore_mem>>) src(%dma_wait3A_348 : memref<64xi32, #tpu.memory_space<hbm>>) dst(%arg42 : memref<64xi32, #tpu.memory_space<vmem>>)
    %dma_wait3A_349 = arith.constant 0 : i32
    %dma_wait3A_350 = tpu.memref_slice %arg4[%dma_wait3A_349] : memref<320000xi32, #tpu.memory_space<hbm>> -> memref<64xi32, #tpu.memory_space<hbm>>
    %dma_wait3A_351 = arith.constant 0 : i32
    %dma_wait3A_352 = tpu.memref_slice %arg4[%dma_wait3A_351] : memref<320000xi32, #tpu.memory_space<hbm>> -> memref<64xi32, #tpu.memory_space<hbm>>
    tpu.wait_dma2 semaphore(%arg31 : memref<!tpu.dma_semaphore, #tpu.memory_space<semaphore_mem>>) src(%dma_wait3A_352 : memref<64xi32, #tpu.memory_space<hbm>>) dst(%arg18 : memref<64xi32, #tpu.memory_space<vmem>>)
    %dma_start3A_353 = arith.constant 0 : i32
    %dma_start3A_354 = arith.constant 0 : i32
    %dma_start3A_355 = tpu.memref_slice %arg2[%dma_start3A_353, %dma_start3A_354] : memref<10000x128xf32, #tpu.memory_space<hbm>> -> memref<10000x128xf32, #tpu.memory_space<hbm>>
    tpu.enqueue_indirect_dma source(%dma_start3A_355 : memref<10000x128xf32, #tpu.memory_space<hbm>>) target(%arg37 : memref<64x128xf32, #tpu.memory_space<vmem>>) offsets(%arg42 : memref<64xi32, #tpu.memory_space<vmem>>) semaphore(%arg27 : memref<!tpu.dma_semaphore, #tpu.memory_space<semaphore_mem>>)
    %dma_wait3A_356 = arith.constant 0 : i32
    %dma_wait3A_357 = arith.constant 0 : i32
    %dma_wait3A_358 = tpu.memref_slice %arg2[%dma_wait3A_356, %dma_wait3A_357] : memref<10000x128xf32, #tpu.memory_space<hbm>> -> memref<10000x128xf32, #tpu.memory_space<hbm>>
    tpu.wait_indirect_dma semaphore(%arg25 : memref<!tpu.dma_semaphore, #tpu.memory_space<semaphore_mem>>) src(%dma_wait3A_358 : memref<10000x128xf32, #tpu.memory_space<hbm>>) dst(%arg35 : memref<64x128xf32, #tpu.memory_space<vmem>>)
    %dma_start3A_359 = arith.constant 0 : i32
    %dma_start3A_360 = arith.constant 0 : i32
    %dma_start3A_361 = tpu.memref_slice %arg9[%dma_start3A_359, %dma_start3A_360] : memref<10240x128xf32, #tpu.memory_space<vmem_shared>> -> memref<10240x128xf32, #tpu.memory_space<vmem_shared>>
    tpu.enqueue_indirect_dma source(%arg35 : memref<64x128xf32, #tpu.memory_space<vmem>>) target(%dma_start3A_361 : memref<10240x128xf32, #tpu.memory_space<vmem_shared>>) offsets(%arg16 : memref<64xi32, #tpu.memory_space<vmem>>) semaphore(%arg45 : memref<!tpu.dma_semaphore, #tpu.memory_space<semaphore_mem>>) {add = true}
    %dma_start3A_362 = arith.constant 0 : i32
    %dma_start3A_363 = tpu.memref_slice %arg10[%dma_start3A_362] : memref<10240xf32, #tpu.memory_space<vmem_shared>> -> memref<10240xf32, #tpu.memory_space<vmem_shared>>
    tpu.enqueue_indirect_dma source(%arg33 : memref<64xf32, #tpu.memory_space<vmem>>) target(%dma_start3A_363 : memref<10240xf32, #tpu.memory_space<vmem_shared>>) offsets(%arg16 : memref<64xi32, #tpu.memory_space<vmem>>) semaphore(%arg12 : memref<!tpu.dma_semaphore, #tpu.memory_space<semaphore_mem>>) {add = true}
    %dma_wait3A_364 = arith.constant 0 : i32
    %dma_wait3A_365 = arith.constant 0 : i32
    %dma_wait3A_366 = tpu.memref_slice %arg9[%dma_wait3A_364, %dma_wait3A_365] : memref<10240x128xf32, #tpu.memory_space<vmem_shared>> -> memref<10240x128xf32, #tpu.memory_space<vmem_shared>>
    tpu.wait_indirect_dma semaphore(%arg45 : memref<!tpu.dma_semaphore, #tpu.memory_space<semaphore_mem>>) src(%arg35 : memref<64x128xf32, #tpu.memory_space<vmem>>) dst(%dma_wait3A_366 : memref<10240x128xf32, #tpu.memory_space<vmem_shared>>)
    %dma_wait3A_367 = arith.constant 0 : i32
    %dma_wait3A_368 = tpu.memref_slice %arg10[%dma_wait3A_367] : memref<10240xf32, #tpu.memory_space<vmem_shared>> -> memref<10240xf32, #tpu.memory_space<vmem_shared>>
    tpu.wait_indirect_dma semaphore(%arg12 : memref<!tpu.dma_semaphore, #tpu.memory_space<semaphore_mem>>) src(%arg33 : memref<64xf32, #tpu.memory_space<vmem>>) dst(%dma_wait3A_368 : memref<10240xf32, #tpu.memory_space<vmem_shared>>)
    %dma_wait3A_369 = arith.constant 0 : i32
    %dma_wait3A_370 = arith.constant 0 : i32
    %dma_wait3A_371 = tpu.memref_slice %arg2[%dma_wait3A_369, %dma_wait3A_370] : memref<10000x128xf32, #tpu.memory_space<hbm>> -> memref<10000x128xf32, #tpu.memory_space<hbm>>
    tpu.wait_indirect_dma semaphore(%arg26 : memref<!tpu.dma_semaphore, #tpu.memory_space<semaphore_mem>>) src(%dma_wait3A_371 : memref<10000x128xf32, #tpu.memory_space<hbm>>) dst(%arg36 : memref<64x128xf32, #tpu.memory_space<vmem>>)
    %dma_start3A_372 = arith.constant 0 : i32
    %dma_start3A_373 = arith.constant 0 : i32
    %dma_start3A_374 = tpu.memref_slice %arg9[%dma_start3A_372, %dma_start3A_373] : memref<10240x128xf32, #tpu.memory_space<vmem_shared>> -> memref<10240x128xf32, #tpu.memory_space<vmem_shared>>
    tpu.enqueue_indirect_dma source(%arg36 : memref<64x128xf32, #tpu.memory_space<vmem>>) target(%dma_start3A_374 : memref<10240x128xf32, #tpu.memory_space<vmem_shared>>) offsets(%arg17 : memref<64xi32, #tpu.memory_space<vmem>>) semaphore(%arg46 : memref<!tpu.dma_semaphore, #tpu.memory_space<semaphore_mem>>) {add = true}
    %dma_start3A_375 = arith.constant 0 : i32
    %dma_start3A_376 = tpu.memref_slice %arg10[%dma_start3A_375] : memref<10240xf32, #tpu.memory_space<vmem_shared>> -> memref<10240xf32, #tpu.memory_space<vmem_shared>>
    tpu.enqueue_indirect_dma source(%arg33 : memref<64xf32, #tpu.memory_space<vmem>>) target(%dma_start3A_376 : memref<10240xf32, #tpu.memory_space<vmem_shared>>) offsets(%arg17 : memref<64xi32, #tpu.memory_space<vmem>>) semaphore(%arg13 : memref<!tpu.dma_semaphore, #tpu.memory_space<semaphore_mem>>) {add = true}
    %dma_wait3A_377 = arith.constant 0 : i32
    %dma_wait3A_378 = arith.constant 0 : i32
    %dma_wait3A_379 = tpu.memref_slice %arg9[%dma_wait3A_377, %dma_wait3A_378] : memref<10240x128xf32, #tpu.memory_space<vmem_shared>> -> memref<10240x128xf32, #tpu.memory_space<vmem_shared>>
    tpu.wait_indirect_dma semaphore(%arg46 : memref<!tpu.dma_semaphore, #tpu.memory_space<semaphore_mem>>) src(%arg36 : memref<64x128xf32, #tpu.memory_space<vmem>>) dst(%dma_wait3A_379 : memref<10240x128xf32, #tpu.memory_space<vmem_shared>>)
    %dma_wait3A_380 = arith.constant 0 : i32
    %dma_wait3A_381 = tpu.memref_slice %arg10[%dma_wait3A_380] : memref<10240xf32, #tpu.memory_space<vmem_shared>> -> memref<10240xf32, #tpu.memory_space<vmem_shared>>
    tpu.wait_indirect_dma semaphore(%arg13 : memref<!tpu.dma_semaphore, #tpu.memory_space<semaphore_mem>>) src(%arg33 : memref<64xf32, #tpu.memory_space<vmem>>) dst(%dma_wait3A_381 : memref<10240xf32, #tpu.memory_space<vmem_shared>>)
    %dma_wait3A_382 = arith.constant 0 : i32
    %dma_wait3A_383 = arith.constant 0 : i32
    %dma_wait3A_384 = tpu.memref_slice %arg2[%dma_wait3A_382, %dma_wait3A_383] : memref<10000x128xf32, #tpu.memory_space<hbm>> -> memref<10000x128xf32, #tpu.memory_space<hbm>>
    tpu.wait_indirect_dma semaphore(%arg27 : memref<!tpu.dma_semaphore, #tpu.memory_space<semaphore_mem>>) src(%dma_wait3A_384 : memref<10000x128xf32, #tpu.memory_space<hbm>>) dst(%arg37 : memref<64x128xf32, #tpu.memory_space<vmem>>)
    %dma_start3A_385 = arith.constant 0 : i32
    %dma_start3A_386 = arith.constant 0 : i32
    %dma_start3A_387 = tpu.memref_slice %arg9[%dma_start3A_385, %dma_start3A_386] : memref<10240x128xf32, #tpu.memory_space<vmem_shared>> -> memref<10240x128xf32, #tpu.memory_space<vmem_shared>>
    tpu.enqueue_indirect_dma source(%arg37 : memref<64x128xf32, #tpu.memory_space<vmem>>) target(%dma_start3A_387 : memref<10240x128xf32, #tpu.memory_space<vmem_shared>>) offsets(%arg18 : memref<64xi32, #tpu.memory_space<vmem>>) semaphore(%arg47 : memref<!tpu.dma_semaphore, #tpu.memory_space<semaphore_mem>>) {add = true}
    %dma_start3A_388 = arith.constant 0 : i32
    %dma_start3A_389 = tpu.memref_slice %arg10[%dma_start3A_388] : memref<10240xf32, #tpu.memory_space<vmem_shared>> -> memref<10240xf32, #tpu.memory_space<vmem_shared>>
    tpu.enqueue_indirect_dma source(%arg33 : memref<64xf32, #tpu.memory_space<vmem>>) target(%dma_start3A_389 : memref<10240xf32, #tpu.memory_space<vmem_shared>>) offsets(%arg18 : memref<64xi32, #tpu.memory_space<vmem>>) semaphore(%arg14 : memref<!tpu.dma_semaphore, #tpu.memory_space<semaphore_mem>>) {add = true}
    %dma_wait3A_390 = arith.constant 0 : i32
    %dma_wait3A_391 = arith.constant 0 : i32
    %dma_wait3A_392 = tpu.memref_slice %arg9[%dma_wait3A_390, %dma_wait3A_391] : memref<10240x128xf32, #tpu.memory_space<vmem_shared>> -> memref<10240x128xf32, #tpu.memory_space<vmem_shared>>
    tpu.wait_indirect_dma semaphore(%arg47 : memref<!tpu.dma_semaphore, #tpu.memory_space<semaphore_mem>>) src(%arg37 : memref<64x128xf32, #tpu.memory_space<vmem>>) dst(%dma_wait3A_392 : memref<10240x128xf32, #tpu.memory_space<vmem_shared>>)
    %dma_wait3A_393 = arith.constant 0 : i32
    %dma_wait3A_394 = tpu.memref_slice %arg10[%dma_wait3A_393] : memref<10240xf32, #tpu.memory_space<vmem_shared>> -> memref<10240xf32, #tpu.memory_space<vmem_shared>>
    tpu.wait_indirect_dma semaphore(%arg14 : memref<!tpu.dma_semaphore, #tpu.memory_space<semaphore_mem>>) src(%arg33 : memref<64xf32, #tpu.memory_space<vmem>>) dst(%dma_wait3A_394 : memref<10240xf32, #tpu.memory_space<vmem_shared>>)
    %add3A_395 = arith.constant 9984 : i32
    %add3A_396 = arith.addi %add3A_20, %add3A_395 : i32
    "tpu.region"() ({
      %run_scoped3A = tpu.sem_alloc : memref<!tpu.dma_semaphore, #tpu.memory_space<semaphore_mem>>
      %dma_start3A_410 = tpu.memref_slice %arg3[%add3A_396] : memref<320000xi32, #tpu.memory_space<hbm>> -> memref<16xi32, #tpu.memory_space<hbm>>
      %dma_start3A_411 = tpu.memref_slice %arg3[%add3A_396] : memref<320000xi32, #tpu.memory_space<hbm>> -> memref<16xi32, #tpu.memory_space<hbm>>
      tpu.enqueue_dma source(%dma_start3A_411 : memref<16xi32, #tpu.memory_space<hbm>>) target(%arg43 : memref<16xi32, #tpu.memory_space<vmem>>) target_semaphore(%run_scoped3A : memref<!tpu.dma_semaphore, #tpu.memory_space<semaphore_mem>>)
      %dma_wait3A_412 = tpu.memref_slice %arg3[%add3A_396] : memref<320000xi32, #tpu.memory_space<hbm>> -> memref<16xi32, #tpu.memory_space<hbm>>
      %dma_wait3A_413 = tpu.memref_slice %arg3[%add3A_396] : memref<320000xi32, #tpu.memory_space<hbm>> -> memref<16xi32, #tpu.memory_space<hbm>>
      tpu.wait_dma2 semaphore(%run_scoped3A : memref<!tpu.dma_semaphore, #tpu.memory_space<semaphore_mem>>) src(%dma_wait3A_413 : memref<16xi32, #tpu.memory_space<hbm>>) dst(%arg43 : memref<16xi32, #tpu.memory_space<vmem>>)
      tpu.yield
    }) : () -> ()
    "tpu.region"() ({
      %run_scoped3A = tpu.sem_alloc : memref<!tpu.dma_semaphore, #tpu.memory_space<semaphore_mem>>
      %dma_start3A_410 = tpu.memref_slice %arg4[%add3A_396] : memref<320000xi32, #tpu.memory_space<hbm>> -> memref<16xi32, #tpu.memory_space<hbm>>
      %dma_start3A_411 = tpu.memref_slice %arg4[%add3A_396] : memref<320000xi32, #tpu.memory_space<hbm>> -> memref<16xi32, #tpu.memory_space<hbm>>
      tpu.enqueue_dma source(%dma_start3A_411 : memref<16xi32, #tpu.memory_space<hbm>>) target(%arg23 : memref<16xi32, #tpu.memory_space<vmem>>) target_semaphore(%run_scoped3A : memref<!tpu.dma_semaphore, #tpu.memory_space<semaphore_mem>>)
      %dma_wait3A_412 = tpu.memref_slice %arg4[%add3A_396] : memref<320000xi32, #tpu.memory_space<hbm>> -> memref<16xi32, #tpu.memory_space<hbm>>
      %dma_wait3A_413 = tpu.memref_slice %arg4[%add3A_396] : memref<320000xi32, #tpu.memory_space<hbm>> -> memref<16xi32, #tpu.memory_space<hbm>>
      tpu.wait_dma2 semaphore(%run_scoped3A : memref<!tpu.dma_semaphore, #tpu.memory_space<semaphore_mem>>) src(%dma_wait3A_413 : memref<16xi32, #tpu.memory_space<hbm>>) dst(%arg23 : memref<16xi32, #tpu.memory_space<vmem>>)
      tpu.yield
    }) : () -> ()
    %dma_start3A_397 = arith.constant 0 : i32
    %dma_start3A_398 = arith.constant 0 : i32
    %dma_start3A_399 = tpu.memref_slice %arg2[%dma_start3A_397, %dma_start3A_398] : memref<10000x128xf32, #tpu.memory_space<hbm>> -> memref<10000x128xf32, #tpu.memory_space<hbm>>
    tpu.enqueue_indirect_dma source(%dma_start3A_399 : memref<10000x128xf32, #tpu.memory_space<hbm>>) target(%arg38 : memref<16x128xf32, #tpu.memory_space<vmem>>) offsets(%arg43 : memref<16xi32, #tpu.memory_space<vmem>>) semaphore(%arg24 : memref<!tpu.dma_semaphore, #tpu.memory_space<semaphore_mem>>)
    %dma_wait3A_400 = arith.constant 0 : i32
    %dma_wait3A_401 = arith.constant 0 : i32
    %dma_wait3A_402 = tpu.memref_slice %arg2[%dma_wait3A_400, %dma_wait3A_401] : memref<10000x128xf32, #tpu.memory_space<hbm>> -> memref<10000x128xf32, #tpu.memory_space<hbm>>
    tpu.wait_indirect_dma semaphore(%arg24 : memref<!tpu.dma_semaphore, #tpu.memory_space<semaphore_mem>>) src(%dma_wait3A_402 : memref<10000x128xf32, #tpu.memory_space<hbm>>) dst(%arg38 : memref<16x128xf32, #tpu.memory_space<vmem>>)
    "tpu.region"() ({
      %run_scoped3A = tpu.sem_alloc : memref<!tpu.dma_semaphore, #tpu.memory_space<semaphore_mem>>
      %dma_start3A_410 = arith.constant 0 : i32
      %dma_start3A_411 = arith.constant 0 : i32
      %dma_start3A_412 = tpu.memref_slice %arg9[%dma_start3A_410, %dma_start3A_411] : memref<10240x128xf32, #tpu.memory_space<vmem_shared>> -> memref<10240x128xf32, #tpu.memory_space<vmem_shared>>
      tpu.enqueue_indirect_dma source(%arg38 : memref<16x128xf32, #tpu.memory_space<vmem>>) target(%dma_start3A_412 : memref<10240x128xf32, #tpu.memory_space<vmem_shared>>) offsets(%arg23 : memref<16xi32, #tpu.memory_space<vmem>>) semaphore(%run_scoped3A : memref<!tpu.dma_semaphore, #tpu.memory_space<semaphore_mem>>) {add = true}
      %dma_wait3A_413 = arith.constant 0 : i32
      %dma_wait3A_414 = arith.constant 0 : i32
      %dma_wait3A_415 = tpu.memref_slice %arg9[%dma_wait3A_413, %dma_wait3A_414] : memref<10240x128xf32, #tpu.memory_space<vmem_shared>> -> memref<10240x128xf32, #tpu.memory_space<vmem_shared>>
      tpu.wait_indirect_dma semaphore(%run_scoped3A : memref<!tpu.dma_semaphore, #tpu.memory_space<semaphore_mem>>) src(%arg38 : memref<16x128xf32, #tpu.memory_space<vmem>>) dst(%dma_wait3A_415 : memref<10240x128xf32, #tpu.memory_space<vmem_shared>>)
      tpu.yield
    }) : () -> ()
    "tpu.region"() ({
      %run_scoped3A = tpu.sem_alloc : memref<!tpu.dma_semaphore, #tpu.memory_space<semaphore_mem>>
      %dma_start3A_410 = arith.constant 0 : i32
      %dma_start3A_411 = tpu.memref_slice %arg10[%dma_start3A_410] : memref<10240xf32, #tpu.memory_space<vmem_shared>> -> memref<10240xf32, #tpu.memory_space<vmem_shared>>
      tpu.enqueue_indirect_dma source(%arg32 : memref<16xf32, #tpu.memory_space<vmem>>) target(%dma_start3A_411 : memref<10240xf32, #tpu.memory_space<vmem_shared>>) offsets(%arg23 : memref<16xi32, #tpu.memory_space<vmem>>) semaphore(%run_scoped3A : memref<!tpu.dma_semaphore, #tpu.memory_space<semaphore_mem>>) {add = true}
      %dma_wait3A_412 = arith.constant 0 : i32
      %dma_wait3A_413 = tpu.memref_slice %arg10[%dma_wait3A_412] : memref<10240xf32, #tpu.memory_space<vmem_shared>> -> memref<10240xf32, #tpu.memory_space<vmem_shared>>
      tpu.wait_indirect_dma semaphore(%run_scoped3A : memref<!tpu.dma_semaphore, #tpu.memory_space<semaphore_mem>>) src(%arg32 : memref<16xf32, #tpu.memory_space<vmem>>) dst(%dma_wait3A_413 : memref<10240xf32, #tpu.memory_space<vmem_shared>>)
      tpu.yield
    }) : () -> ()
    %barrier3A_403 = arith.constant 0 : index
    tpu.barrier barrier_id(%barrier3A_403)
    %mul3A_404 = arith.constant 10240 : i32
    %mul3A_405 = arith.muli %arg0, %mul3A_404 : i32
    %add3A_406 = arith.addi %mul3A_405, %mul3A_0 : i32
    "tpu.region"() ({
      %run_scoped3A = tpu.sem_alloc : memref<!tpu.dma_semaphore, #tpu.memory_space<semaphore_mem>>
      %dma_start3A_410 = arith.constant 0 : i32
      %dma_start3A_411 = tpu.memref_slice %arg7[%add3A_406, %dma_start3A_410] : memref<20480x128xf32, #tpu.memory_space<hbm>> -> memref<640x128xf32, #tpu.memory_space<hbm>>
      %dma_start3A_412 = arith.constant 0 : i32
      %dma_start3A_413 = tpu.memref_slice %arg9[%mul3A_0, %dma_start3A_412] : memref<10240x128xf32, #tpu.memory_space<vmem_shared>> -> memref<640x128xf32, #tpu.memory_space<vmem_shared>>
      tpu.enqueue_dma source(%dma_start3A_413 : memref<640x128xf32, #tpu.memory_space<vmem_shared>>) target(%dma_start3A_411 : memref<640x128xf32, #tpu.memory_space<hbm>>) target_semaphore(%run_scoped3A : memref<!tpu.dma_semaphore, #tpu.memory_space<semaphore_mem>>)
      %dma_wait3A_414 = arith.constant 0 : i32
      %dma_wait3A_415 = tpu.memref_slice %arg7[%add3A_406, %dma_wait3A_414] : memref<20480x128xf32, #tpu.memory_space<hbm>> -> memref<640x128xf32, #tpu.memory_space<hbm>>
      %dma_wait3A_416 = arith.constant 0 : i32
      %dma_wait3A_417 = tpu.memref_slice %arg9[%mul3A_0, %dma_wait3A_416] : memref<10240x128xf32, #tpu.memory_space<vmem_shared>> -> memref<640x128xf32, #tpu.memory_space<vmem_shared>>
      tpu.wait_dma2 semaphore(%run_scoped3A : memref<!tpu.dma_semaphore, #tpu.memory_space<semaphore_mem>>) src(%dma_wait3A_417 : memref<640x128xf32, #tpu.memory_space<vmem_shared>>) dst(%dma_wait3A_415 : memref<640x128xf32, #tpu.memory_space<hbm>>)
      tpu.yield
    }) : () -> ()
    %mul3A_407 = arith.constant 10240 : i32
    %mul3A_408 = arith.muli %arg0, %mul3A_407 : i32
    %add3A_409 = arith.addi %mul3A_408, %mul3A_0 : i32
    "tpu.region"() ({
      %run_scoped3A = tpu.sem_alloc : memref<!tpu.dma_semaphore, #tpu.memory_space<semaphore_mem>>
      %dma_start3A_410 = tpu.memref_slice %arg8[%add3A_409] : memref<20480xf32, #tpu.memory_space<hbm>> -> memref<640xf32, #tpu.memory_space<hbm>>
      %dma_start3A_411 = tpu.memref_slice %arg10[%mul3A_0] : memref<10240xf32, #tpu.memory_space<vmem_shared>> -> memref<640xf32, #tpu.memory_space<vmem_shared>>
      tpu.enqueue_dma source(%dma_start3A_411 : memref<640xf32, #tpu.memory_space<vmem_shared>>) target(%dma_start3A_410 : memref<640xf32, #tpu.memory_space<hbm>>) target_semaphore(%run_scoped3A : memref<!tpu.dma_semaphore, #tpu.memory_space<semaphore_mem>>)
      %dma_wait3A_412 = tpu.memref_slice %arg8[%add3A_409] : memref<20480xf32, #tpu.memory_space<hbm>> -> memref<640xf32, #tpu.memory_space<hbm>>
      %dma_wait3A_413 = tpu.memref_slice %arg10[%mul3A_0] : memref<10240xf32, #tpu.memory_space<vmem_shared>> -> memref<640xf32, #tpu.memory_space<vmem_shared>>
      tpu.wait_dma2 semaphore(%run_scoped3A : memref<!tpu.dma_semaphore, #tpu.memory_space<semaphore_mem>>) src(%dma_wait3A_413 : memref<640xf32, #tpu.memory_space<vmem_shared>>) dst(%dma_wait3A_412 : memref<640xf32, #tpu.memory_space<hbm>>)
      tpu.yield
    }) : () -> ()
    return
  }
}

#map = affine_map<(d0, d1) -> (0, 0)>
#map1 = affine_map<(d0, d1) -> (0)>
module attributes {stable_mosaic.version = 14 : i64} {
  func.func @k(%arg0: i32, %arg1: i32, %arg2: memref<10000x128xf32, #tpu.memory_space<hbm>>, %arg3: memref<320000xi32, #tpu.memory_space<hbm>>, %arg4: memref<320000xi32, #tpu.memory_space<hbm>>, %arg5: memref<320000x128xf32, #tpu.memory_space<hbm>>, %arg6: memref<320000x128xf32, #tpu.memory_space<hbm>>, %arg7: memref<!tpu.dma_semaphore, #tpu.memory_space<semaphore_mem>>, %arg8: memref<!tpu.dma_semaphore, #tpu.memory_space<semaphore_mem>>, %arg9: memref<!tpu.dma_semaphore, #tpu.memory_space<semaphore_mem>>, %arg10: memref<!tpu.dma_semaphore, #tpu.memory_space<semaphore_mem>>, %arg11: memref<80xi32, #tpu.memory_space<vmem>>, %arg12: memref<80xi32, #tpu.memory_space<vmem>>, %arg13: memref<80xi32, #tpu.memory_space<vmem>>, %arg14: memref<80xi32, #tpu.memory_space<vmem>>, %arg15: memref<!tpu.dma_semaphore, #tpu.memory_space<semaphore_mem>>, %arg16: memref<!tpu.dma_semaphore, #tpu.memory_space<semaphore_mem>>, %arg17: memref<!tpu.dma_semaphore, #tpu.memory_space<semaphore_mem>>, %arg18: memref<!tpu.dma_semaphore, #tpu.memory_space<semaphore_mem>>, %arg19: memref<80x128xf32, #tpu.memory_space<vmem>>, %arg20: memref<80x128xf32, #tpu.memory_space<vmem>>, %arg21: memref<80x128xf32, #tpu.memory_space<vmem>>, %arg22: memref<80x128xf32, #tpu.memory_space<vmem>>, %arg23: memref<!tpu.dma_semaphore, #tpu.memory_space<semaphore_mem>>, %arg24: memref<!tpu.dma_semaphore, #tpu.memory_space<semaphore_mem>>, %arg25: memref<!tpu.dma_semaphore, #tpu.memory_space<semaphore_mem>>, %arg26: memref<!tpu.dma_semaphore, #tpu.memory_space<semaphore_mem>>, %arg27: memref<10000x128xf32, #tpu.memory_space<vmem_shared>>) attributes {dimension_semantics = [#tpu.dimension_semantics<core_parallel>, #tpu.dimension_semantics<subcore_parallel>], iteration_bounds = array<i64: 2, 16>, scalar_prefetch = 0 : i64, scratch_operands = 21 : i64, tpu.core_type = #tpu.core_type<sc_vector_subcore>, window_params = [{transform_indices = #map}, {transform_indices = #map1}, {transform_indices = #map1}, {transform_indices = #map}, {transform_indices = #map}]} {
    %mul3A = arith.constant 16 : i32
    %mul3A_0 = arith.muli %arg0, %mul3A : i32
    %add3A = arith.addi %mul3A_0, %arg1 : i32
    %mul3A_1 = arith.constant 10000 : i32
    %mul3A_2 = arith.muli %add3A, %mul3A_1 : i32
    %mul3A_3 = arith.constant 624 : i32
    %mul3A_4 = arith.muli %arg1, %mul3A_3 : i32
    "tpu.region"() ({
      %run_scoped3A = tpu.sem_alloc : memref<!tpu.dma_semaphore, #tpu.memory_space<semaphore_mem>>
      %dma_start3A_288 = arith.constant 0 : i32
      %dma_start3A_289 = tpu.memref_slice %arg27[%mul3A_4, %dma_start3A_288] : memref<10000x128xf32, #tpu.memory_space<vmem_shared>> -> memref<624x128xf32, #tpu.memory_space<vmem_shared>>
      %dma_start3A_290 = arith.constant 0 : i32
      %dma_start3A_291 = tpu.memref_slice %arg2[%mul3A_4, %dma_start3A_290] : memref<10000x128xf32, #tpu.memory_space<hbm>> -> memref<624x128xf32, #tpu.memory_space<hbm>>
      tpu.enqueue_dma source(%dma_start3A_291 : memref<624x128xf32, #tpu.memory_space<hbm>>) target(%dma_start3A_289 : memref<624x128xf32, #tpu.memory_space<vmem_shared>>) target_semaphore(%run_scoped3A : memref<!tpu.dma_semaphore, #tpu.memory_space<semaphore_mem>>)
      %dma_wait3A_292 = arith.constant 0 : i32
      %dma_wait3A_293 = tpu.memref_slice %arg27[%mul3A_4, %dma_wait3A_292] : memref<10000x128xf32, #tpu.memory_space<vmem_shared>> -> memref<624x128xf32, #tpu.memory_space<vmem_shared>>
      %dma_wait3A_294 = arith.constant 0 : i32
      %dma_wait3A_295 = tpu.memref_slice %arg2[%mul3A_4, %dma_wait3A_294] : memref<10000x128xf32, #tpu.memory_space<hbm>> -> memref<624x128xf32, #tpu.memory_space<hbm>>
      tpu.wait_dma2 semaphore(%run_scoped3A : memref<!tpu.dma_semaphore, #tpu.memory_space<semaphore_mem>>) src(%dma_wait3A_295 : memref<624x128xf32, #tpu.memory_space<hbm>>) dst(%dma_wait3A_293 : memref<624x128xf32, #tpu.memory_space<vmem_shared>>)
      tpu.yield
    }) : () -> ()
    %eq3A = arith.constant 15 : i32
    %eq3A_5 = arith.cmpi eq, %arg1, %eq3A : i32
    %convert_element_type3A = arith.extui %eq3A_5 : i1 to i32
    %cond3A = arith.constant 0 : i32
    %cond3A_6 = arith.cmpi ne, %convert_element_type3A, %cond3A : i32
    scf.if %cond3A_6 {
      "tpu.region"() ({
        %run_scoped3A = tpu.sem_alloc : memref<!tpu.dma_semaphore, #tpu.memory_space<semaphore_mem>>
        %dma_start3A_288 = arith.constant 9984 : i32
        %dma_start3A_289 = arith.constant 0 : i32
        %dma_start3A_290 = tpu.memref_slice %arg27[%dma_start3A_288, %dma_start3A_289] : memref<10000x128xf32, #tpu.memory_space<vmem_shared>> -> memref<16x128xf32, #tpu.memory_space<vmem_shared>>
        %dma_start3A_291 = arith.constant 9984 : i32
        %dma_start3A_292 = arith.constant 0 : i32
        %dma_start3A_293 = tpu.memref_slice %arg2[%dma_start3A_291, %dma_start3A_292] : memref<10000x128xf32, #tpu.memory_space<hbm>> -> memref<16x128xf32, #tpu.memory_space<hbm>>
        tpu.enqueue_dma source(%dma_start3A_293 : memref<16x128xf32, #tpu.memory_space<hbm>>) target(%dma_start3A_290 : memref<16x128xf32, #tpu.memory_space<vmem_shared>>) target_semaphore(%run_scoped3A : memref<!tpu.dma_semaphore, #tpu.memory_space<semaphore_mem>>)
        %dma_wait3A_294 = arith.constant 9984 : i32
        %dma_wait3A_295 = arith.constant 0 : i32
        %dma_wait3A_296 = tpu.memref_slice %arg27[%dma_wait3A_294, %dma_wait3A_295] : memref<10000x128xf32, #tpu.memory_space<vmem_shared>> -> memref<16x128xf32, #tpu.memory_space<vmem_shared>>
        %dma_wait3A_297 = arith.constant 9984 : i32
        %dma_wait3A_298 = arith.constant 0 : i32
        %dma_wait3A_299 = tpu.memref_slice %arg2[%dma_wait3A_297, %dma_wait3A_298] : memref<10000x128xf32, #tpu.memory_space<hbm>> -> memref<16x128xf32, #tpu.memory_space<hbm>>
        tpu.wait_dma2 semaphore(%run_scoped3A : memref<!tpu.dma_semaphore, #tpu.memory_space<semaphore_mem>>) src(%dma_wait3A_299 : memref<16x128xf32, #tpu.memory_space<hbm>>) dst(%dma_wait3A_296 : memref<16x128xf32, #tpu.memory_space<vmem_shared>>)
        tpu.yield
      }) : () -> ()
    } else {
    }
    %barrier3A = arith.constant 0 : index
    tpu.barrier barrier_id(%barrier3A)
    %add3A_7 = arith.constant 0 : i32
    %add3A_8 = arith.addi %mul3A_2, %add3A_7 : i32
    %multiple_of3A = tpu.assume_multiple %add3A_8, 8 : i32
    %dma_start3A = tpu.memref_slice %arg3[%multiple_of3A] : memref<320000xi32, #tpu.memory_space<hbm>> -> memref<80xi32, #tpu.memory_space<hbm>>
    %dma_start3A_9 = tpu.memref_slice %arg3[%multiple_of3A] : memref<320000xi32, #tpu.memory_space<hbm>> -> memref<80xi32, #tpu.memory_space<hbm>>
    tpu.enqueue_dma source(%dma_start3A_9 : memref<80xi32, #tpu.memory_space<hbm>>) target(%arg11 : memref<80xi32, #tpu.memory_space<vmem>>) target_semaphore(%arg15 : memref<!tpu.dma_semaphore, #tpu.memory_space<semaphore_mem>>)
    %add3A_10 = arith.constant 0 : i32
    %add3A_11 = arith.addi %mul3A_2, %add3A_10 : i32
    %multiple_of3A_12 = tpu.assume_multiple %add3A_11, 8 : i32
    %dma_start3A_13 = tpu.memref_slice %arg4[%multiple_of3A_12] : memref<320000xi32, #tpu.memory_space<hbm>> -> memref<80xi32, #tpu.memory_space<hbm>>
    %dma_start3A_14 = tpu.memref_slice %arg4[%multiple_of3A_12] : memref<320000xi32, #tpu.memory_space<hbm>> -> memref<80xi32, #tpu.memory_space<hbm>>
    tpu.enqueue_dma source(%dma_start3A_14 : memref<80xi32, #tpu.memory_space<hbm>>) target(%arg12 : memref<80xi32, #tpu.memory_space<vmem>>) target_semaphore(%arg16 : memref<!tpu.dma_semaphore, #tpu.memory_space<semaphore_mem>>)
    %dma_wait3A = arith.constant 0 : i32
    %dma_wait3A_15 = tpu.memref_slice %arg3[%dma_wait3A] : memref<320000xi32, #tpu.memory_space<hbm>> -> memref<80xi32, #tpu.memory_space<hbm>>
    %dma_wait3A_16 = arith.constant 0 : i32
    %dma_wait3A_17 = tpu.memref_slice %arg3[%dma_wait3A_16] : memref<320000xi32, #tpu.memory_space<hbm>> -> memref<80xi32, #tpu.memory_space<hbm>>
    tpu.wait_dma2 semaphore(%arg15 : memref<!tpu.dma_semaphore, #tpu.memory_space<semaphore_mem>>) src(%dma_wait3A_17 : memref<80xi32, #tpu.memory_space<hbm>>) dst(%arg11 : memref<80xi32, #tpu.memory_space<vmem>>)
    %dma_start3A_18 = arith.constant 0 : i32
    %dma_start3A_19 = arith.constant 0 : i32
    %dma_start3A_20 = tpu.memref_slice %arg27[%dma_start3A_18, %dma_start3A_19] : memref<10000x128xf32, #tpu.memory_space<vmem_shared>> -> memref<10000x128xf32, #tpu.memory_space<vmem_shared>>
    tpu.enqueue_indirect_dma source(%dma_start3A_20 : memref<10000x128xf32, #tpu.memory_space<vmem_shared>>) target(%arg19 : memref<80x128xf32, #tpu.memory_space<vmem>>) offsets(%arg11 : memref<80xi32, #tpu.memory_space<vmem>>) semaphore(%arg7 : memref<!tpu.dma_semaphore, #tpu.memory_space<semaphore_mem>>)
    %add3A_21 = arith.constant 80 : i32
    %add3A_22 = arith.addi %mul3A_2, %add3A_21 : i32
    %multiple_of3A_23 = tpu.assume_multiple %add3A_22, 8 : i32
    %dma_start3A_24 = tpu.memref_slice %arg3[%multiple_of3A_23] : memref<320000xi32, #tpu.memory_space<hbm>> -> memref<80xi32, #tpu.memory_space<hbm>>
    %dma_start3A_25 = tpu.memref_slice %arg3[%multiple_of3A_23] : memref<320000xi32, #tpu.memory_space<hbm>> -> memref<80xi32, #tpu.memory_space<hbm>>
    tpu.enqueue_dma source(%dma_start3A_25 : memref<80xi32, #tpu.memory_space<hbm>>) target(%arg13 : memref<80xi32, #tpu.memory_space<vmem>>) target_semaphore(%arg17 : memref<!tpu.dma_semaphore, #tpu.memory_space<semaphore_mem>>)
    %dma_wait3A_26 = arith.constant 0 : i32
    %dma_wait3A_27 = tpu.memref_slice %arg3[%dma_wait3A_26] : memref<320000xi32, #tpu.memory_space<hbm>> -> memref<80xi32, #tpu.memory_space<hbm>>
    %dma_wait3A_28 = arith.constant 0 : i32
    %dma_wait3A_29 = tpu.memref_slice %arg3[%dma_wait3A_28] : memref<320000xi32, #tpu.memory_space<hbm>> -> memref<80xi32, #tpu.memory_space<hbm>>
    tpu.wait_dma2 semaphore(%arg16 : memref<!tpu.dma_semaphore, #tpu.memory_space<semaphore_mem>>) src(%dma_wait3A_29 : memref<80xi32, #tpu.memory_space<hbm>>) dst(%arg12 : memref<80xi32, #tpu.memory_space<vmem>>)
    %dma_start3A_30 = arith.constant 0 : i32
    %dma_start3A_31 = arith.constant 0 : i32
    %dma_start3A_32 = tpu.memref_slice %arg27[%dma_start3A_30, %dma_start3A_31] : memref<10000x128xf32, #tpu.memory_space<vmem_shared>> -> memref<10000x128xf32, #tpu.memory_space<vmem_shared>>
    tpu.enqueue_indirect_dma source(%dma_start3A_32 : memref<10000x128xf32, #tpu.memory_space<vmem_shared>>) target(%arg20 : memref<80x128xf32, #tpu.memory_space<vmem>>) offsets(%arg12 : memref<80xi32, #tpu.memory_space<vmem>>) semaphore(%arg8 : memref<!tpu.dma_semaphore, #tpu.memory_space<semaphore_mem>>)
    %add3A_33 = arith.constant 80 : i32
    %add3A_34 = arith.addi %mul3A_2, %add3A_33 : i32
    %multiple_of3A_35 = tpu.assume_multiple %add3A_34, 8 : i32
    %dma_start3A_36 = tpu.memref_slice %arg4[%multiple_of3A_35] : memref<320000xi32, #tpu.memory_space<hbm>> -> memref<80xi32, #tpu.memory_space<hbm>>
    %dma_start3A_37 = tpu.memref_slice %arg4[%multiple_of3A_35] : memref<320000xi32, #tpu.memory_space<hbm>> -> memref<80xi32, #tpu.memory_space<hbm>>
    tpu.enqueue_dma source(%dma_start3A_37 : memref<80xi32, #tpu.memory_space<hbm>>) target(%arg14 : memref<80xi32, #tpu.memory_space<vmem>>) target_semaphore(%arg18 : memref<!tpu.dma_semaphore, #tpu.memory_space<semaphore_mem>>)
    %dma_wait3A_38 = arith.constant 0 : i32
    %dma_wait3A_39 = tpu.memref_slice %arg3[%dma_wait3A_38] : memref<320000xi32, #tpu.memory_space<hbm>> -> memref<80xi32, #tpu.memory_space<hbm>>
    %dma_wait3A_40 = arith.constant 0 : i32
    %dma_wait3A_41 = tpu.memref_slice %arg3[%dma_wait3A_40] : memref<320000xi32, #tpu.memory_space<hbm>> -> memref<80xi32, #tpu.memory_space<hbm>>
    tpu.wait_dma2 semaphore(%arg17 : memref<!tpu.dma_semaphore, #tpu.memory_space<semaphore_mem>>) src(%dma_wait3A_41 : memref<80xi32, #tpu.memory_space<hbm>>) dst(%arg13 : memref<80xi32, #tpu.memory_space<vmem>>)
    %dma_start3A_42 = arith.constant 0 : i32
    %dma_start3A_43 = arith.constant 0 : i32
    %dma_start3A_44 = tpu.memref_slice %arg27[%dma_start3A_42, %dma_start3A_43] : memref<10000x128xf32, #tpu.memory_space<vmem_shared>> -> memref<10000x128xf32, #tpu.memory_space<vmem_shared>>
    tpu.enqueue_indirect_dma source(%dma_start3A_44 : memref<10000x128xf32, #tpu.memory_space<vmem_shared>>) target(%arg21 : memref<80x128xf32, #tpu.memory_space<vmem>>) offsets(%arg13 : memref<80xi32, #tpu.memory_space<vmem>>) semaphore(%arg9 : memref<!tpu.dma_semaphore, #tpu.memory_space<semaphore_mem>>)
    %dma_wait3A_45 = arith.constant 0 : i32
    %dma_wait3A_46 = arith.constant 0 : i32
    %dma_wait3A_47 = tpu.memref_slice %arg27[%dma_wait3A_45, %dma_wait3A_46] : memref<10000x128xf32, #tpu.memory_space<vmem_shared>> -> memref<10000x128xf32, #tpu.memory_space<vmem_shared>>
    tpu.wait_indirect_dma semaphore(%arg7 : memref<!tpu.dma_semaphore, #tpu.memory_space<semaphore_mem>>) src(%dma_wait3A_47 : memref<10000x128xf32, #tpu.memory_space<vmem_shared>>) dst(%arg19 : memref<80x128xf32, #tpu.memory_space<vmem>>)
    %add3A_48 = arith.constant 0 : i32
    %add3A_49 = arith.addi %mul3A_2, %add3A_48 : i32
    %multiple_of3A_50 = tpu.assume_multiple %add3A_49, 8 : i32
    %dma_start3A_51 = arith.constant 0 : i32
    %dma_start3A_52 = tpu.memref_slice %arg5[%multiple_of3A_50, %dma_start3A_51] : memref<320000x128xf32, #tpu.memory_space<hbm>> -> memref<80x128xf32, #tpu.memory_space<hbm>>
    %dma_start3A_53 = arith.constant 0 : i32
    %dma_start3A_54 = tpu.memref_slice %arg5[%multiple_of3A_50, %dma_start3A_53] : memref<320000x128xf32, #tpu.memory_space<hbm>> -> memref<80x128xf32, #tpu.memory_space<hbm>>
    tpu.enqueue_dma source(%arg19 : memref<80x128xf32, #tpu.memory_space<vmem>>) target(%dma_start3A_54 : memref<80x128xf32, #tpu.memory_space<hbm>>) target_semaphore(%arg23 : memref<!tpu.dma_semaphore, #tpu.memory_space<semaphore_mem>>)
    %add3A_55 = arith.constant 160 : i32
    %add3A_56 = arith.addi %mul3A_2, %add3A_55 : i32
    %multiple_of3A_57 = tpu.assume_multiple %add3A_56, 8 : i32
    %dma_start3A_58 = tpu.memref_slice %arg3[%multiple_of3A_57] : memref<320000xi32, #tpu.memory_space<hbm>> -> memref<80xi32, #tpu.memory_space<hbm>>
    %dma_start3A_59 = tpu.memref_slice %arg3[%multiple_of3A_57] : memref<320000xi32, #tpu.memory_space<hbm>> -> memref<80xi32, #tpu.memory_space<hbm>>
    tpu.enqueue_dma source(%dma_start3A_59 : memref<80xi32, #tpu.memory_space<hbm>>) target(%arg11 : memref<80xi32, #tpu.memory_space<vmem>>) target_semaphore(%arg15 : memref<!tpu.dma_semaphore, #tpu.memory_space<semaphore_mem>>)
    %dma_wait3A_60 = arith.constant 0 : i32
    %dma_wait3A_61 = tpu.memref_slice %arg3[%dma_wait3A_60] : memref<320000xi32, #tpu.memory_space<hbm>> -> memref<80xi32, #tpu.memory_space<hbm>>
    %dma_wait3A_62 = arith.constant 0 : i32
    %dma_wait3A_63 = tpu.memref_slice %arg3[%dma_wait3A_62] : memref<320000xi32, #tpu.memory_space<hbm>> -> memref<80xi32, #tpu.memory_space<hbm>>
    tpu.wait_dma2 semaphore(%arg18 : memref<!tpu.dma_semaphore, #tpu.memory_space<semaphore_mem>>) src(%dma_wait3A_63 : memref<80xi32, #tpu.memory_space<hbm>>) dst(%arg14 : memref<80xi32, #tpu.memory_space<vmem>>)
    %dma_start3A_64 = arith.constant 0 : i32
    %dma_start3A_65 = arith.constant 0 : i32
    %dma_start3A_66 = tpu.memref_slice %arg27[%dma_start3A_64, %dma_start3A_65] : memref<10000x128xf32, #tpu.memory_space<vmem_shared>> -> memref<10000x128xf32, #tpu.memory_space<vmem_shared>>
    tpu.enqueue_indirect_dma source(%dma_start3A_66 : memref<10000x128xf32, #tpu.memory_space<vmem_shared>>) target(%arg22 : memref<80x128xf32, #tpu.memory_space<vmem>>) offsets(%arg14 : memref<80xi32, #tpu.memory_space<vmem>>) semaphore(%arg10 : memref<!tpu.dma_semaphore, #tpu.memory_space<semaphore_mem>>)
    %dma_wait3A_67 = arith.constant 0 : i32
    %dma_wait3A_68 = arith.constant 0 : i32
    %dma_wait3A_69 = tpu.memref_slice %arg27[%dma_wait3A_67, %dma_wait3A_68] : memref<10000x128xf32, #tpu.memory_space<vmem_shared>> -> memref<10000x128xf32, #tpu.memory_space<vmem_shared>>
    tpu.wait_indirect_dma semaphore(%arg8 : memref<!tpu.dma_semaphore, #tpu.memory_space<semaphore_mem>>) src(%dma_wait3A_69 : memref<10000x128xf32, #tpu.memory_space<vmem_shared>>) dst(%arg20 : memref<80x128xf32, #tpu.memory_space<vmem>>)
    %add3A_70 = arith.constant 0 : i32
    %add3A_71 = arith.addi %mul3A_2, %add3A_70 : i32
    %multiple_of3A_72 = tpu.assume_multiple %add3A_71, 8 : i32
    %dma_start3A_73 = arith.constant 0 : i32
    %dma_start3A_74 = tpu.memref_slice %arg6[%multiple_of3A_72, %dma_start3A_73] : memref<320000x128xf32, #tpu.memory_space<hbm>> -> memref<80x128xf32, #tpu.memory_space<hbm>>
    %dma_start3A_75 = arith.constant 0 : i32
    %dma_start3A_76 = tpu.memref_slice %arg6[%multiple_of3A_72, %dma_start3A_75] : memref<320000x128xf32, #tpu.memory_space<hbm>> -> memref<80x128xf32, #tpu.memory_space<hbm>>
    tpu.enqueue_dma source(%arg20 : memref<80x128xf32, #tpu.memory_space<vmem>>) target(%dma_start3A_76 : memref<80x128xf32, #tpu.memory_space<hbm>>) target_semaphore(%arg24 : memref<!tpu.dma_semaphore, #tpu.memory_space<semaphore_mem>>)
    %add3A_77 = arith.constant 160 : i32
    %add3A_78 = arith.addi %mul3A_2, %add3A_77 : i32
    %multiple_of3A_79 = tpu.assume_multiple %add3A_78, 8 : i32
    %dma_start3A_80 = tpu.memref_slice %arg4[%multiple_of3A_79] : memref<320000xi32, #tpu.memory_space<hbm>> -> memref<80xi32, #tpu.memory_space<hbm>>
    %dma_start3A_81 = tpu.memref_slice %arg4[%multiple_of3A_79] : memref<320000xi32, #tpu.memory_space<hbm>> -> memref<80xi32, #tpu.memory_space<hbm>>
    tpu.enqueue_dma source(%dma_start3A_81 : memref<80xi32, #tpu.memory_space<hbm>>) target(%arg12 : memref<80xi32, #tpu.memory_space<vmem>>) target_semaphore(%arg16 : memref<!tpu.dma_semaphore, #tpu.memory_space<semaphore_mem>>)
    %scan3A = arith.constant 0 : i32
    %scan3A_82 = arith.constant 60 : i32
    %scan3A_83 = arith.addi %scan3A, %scan3A_82 : i32
    %scan3A_84 = arith.constant 1 : i32
    scf.for %scan3A_288 = %scan3A to %scan3A_83 step %scan3A_84  : i32 {
      %mul3A_289 = arith.constant 4 : i32
      %mul3A_290 = arith.muli %scan3A_288, %mul3A_289 : i32
      %add3A_291 = arith.constant 4 : i32
      %add3A_292 = arith.addi %add3A_291, %mul3A_290 : i32
      %add3A_293 = arith.constant 0 : i32
      %add3A_294 = arith.addi %add3A_292, %add3A_293 : i32
      %dma_wait3A_295 = arith.constant 0 : i32
      %dma_wait3A_296 = arith.constant 0 : i32
      %dma_wait3A_297 = tpu.memref_slice %arg5[%dma_wait3A_295, %dma_wait3A_296] : memref<320000x128xf32, #tpu.memory_space<hbm>> -> memref<80x128xf32, #tpu.memory_space<hbm>>
      %dma_wait3A_298 = arith.constant 0 : i32
      %dma_wait3A_299 = arith.constant 0 : i32
      %dma_wait3A_300 = tpu.memref_slice %arg5[%dma_wait3A_298, %dma_wait3A_299] : memref<320000x128xf32, #tpu.memory_space<hbm>> -> memref<80x128xf32, #tpu.memory_space<hbm>>
      tpu.wait_dma2 semaphore(%arg23 : memref<!tpu.dma_semaphore, #tpu.memory_space<semaphore_mem>>) src(%arg19 : memref<80x128xf32, #tpu.memory_space<vmem>>) dst(%dma_wait3A_300 : memref<80x128xf32, #tpu.memory_space<hbm>>)
      %dma_wait3A_301 = arith.constant 0 : i32
      %dma_wait3A_302 = tpu.memref_slice %arg3[%dma_wait3A_301] : memref<320000xi32, #tpu.memory_space<hbm>> -> memref<80xi32, #tpu.memory_space<hbm>>
      %dma_wait3A_303 = arith.constant 0 : i32
      %dma_wait3A_304 = tpu.memref_slice %arg3[%dma_wait3A_303] : memref<320000xi32, #tpu.memory_space<hbm>> -> memref<80xi32, #tpu.memory_space<hbm>>
      tpu.wait_dma2 semaphore(%arg15 : memref<!tpu.dma_semaphore, #tpu.memory_space<semaphore_mem>>) src(%dma_wait3A_304 : memref<80xi32, #tpu.memory_space<hbm>>) dst(%arg11 : memref<80xi32, #tpu.memory_space<vmem>>)
      %dma_start3A_305 = arith.constant 0 : i32
      %dma_start3A_306 = arith.constant 0 : i32
      %dma_start3A_307 = tpu.memref_slice %arg27[%dma_start3A_305, %dma_start3A_306] : memref<10000x128xf32, #tpu.memory_space<vmem_shared>> -> memref<10000x128xf32, #tpu.memory_space<vmem_shared>>
      tpu.enqueue_indirect_dma source(%dma_start3A_307 : memref<10000x128xf32, #tpu.memory_space<vmem_shared>>) target(%arg19 : memref<80x128xf32, #tpu.memory_space<vmem>>) offsets(%arg11 : memref<80xi32, #tpu.memory_space<vmem>>) semaphore(%arg7 : memref<!tpu.dma_semaphore, #tpu.memory_space<semaphore_mem>>)
      %dma_wait3A_308 = arith.constant 0 : i32
      %dma_wait3A_309 = arith.constant 0 : i32
      %dma_wait3A_310 = tpu.memref_slice %arg27[%dma_wait3A_308, %dma_wait3A_309] : memref<10000x128xf32, #tpu.memory_space<vmem_shared>> -> memref<10000x128xf32, #tpu.memory_space<vmem_shared>>
      tpu.wait_indirect_dma semaphore(%arg9 : memref<!tpu.dma_semaphore, #tpu.memory_space<semaphore_mem>>) src(%dma_wait3A_310 : memref<10000x128xf32, #tpu.memory_space<vmem_shared>>) dst(%arg21 : memref<80x128xf32, #tpu.memory_space<vmem>>)
      %sub3A = arith.constant 2 : i32
      %sub3A_311 = arith.subi %add3A_294, %sub3A : i32
      %jit3A = arith.constant 2 : i32
      %div3A = arith.divsi %sub3A_311, %jit3A : i32
      %sign3A = arith.constant 0 : i32
      %sign3A_312 = arith.cmpi sgt, %sub3A_311, %sign3A : i32
      %sign3A_313 = arith.extui %sign3A_312 : i1 to i32
      %sign3A_314 = arith.constant 0 : i32
      %sign3A_315 = arith.cmpi slt, %sub3A_311, %sign3A_314 : i32
      %sign3A_316 = arith.extui %sign3A_315 : i1 to i32
      %sign3A_317 = arith.subi %sign3A_313, %sign3A_316 : i32
      %sign3A_318 = arith.constant 0 : i32
      %sign3A_319 = arith.cmpi sgt, %jit3A, %sign3A_318 : i32
      %sign3A_320 = arith.extui %sign3A_319 : i1 to i32
      %sign3A_321 = arith.constant 0 : i32
      %sign3A_322 = arith.cmpi slt, %jit3A, %sign3A_321 : i32
      %sign3A_323 = arith.extui %sign3A_322 : i1 to i32
      %sign3A_324 = arith.subi %sign3A_320, %sign3A_323 : i32
      %ne3A = arith.cmpi ne, %sign3A_317, %sign3A_324 : i32
      %rem3A = arith.remsi %sub3A_311, %jit3A : i32
      %ne3A_325 = arith.constant 0 : i32
      %ne3A_326 = arith.cmpi ne, %rem3A, %ne3A_325 : i32
      %and3A = arith.andi %ne3A, %ne3A_326 : i1
      %sub3A_327 = arith.constant 1 : i32
      %sub3A_328 = arith.subi %div3A, %sub3A_327 : i32
      %select_n3A = arith.select %and3A, %sub3A_328, %div3A : i32
      %mul3A_329 = arith.constant 80 : i32
      %mul3A_330 = arith.muli %select_n3A, %mul3A_329 : i32
      %add3A_331 = arith.addi %mul3A_2, %mul3A_330 : i32
      %multiple_of3A_332 = tpu.assume_multiple %add3A_331, 8 : i32
      %dma_start3A_333 = arith.constant 0 : i32
      %dma_start3A_334 = tpu.memref_slice %arg5[%multiple_of3A_332, %dma_start3A_333] : memref<320000x128xf32, #tpu.memory_space<hbm>> -> memref<80x128xf32, #tpu.memory_space<hbm>>
      %dma_start3A_335 = arith.constant 0 : i32
      %dma_start3A_336 = tpu.memref_slice %arg5[%multiple_of3A_332, %dma_start3A_335] : memref<320000x128xf32, #tpu.memory_space<hbm>> -> memref<80x128xf32, #tpu.memory_space<hbm>>
      tpu.enqueue_dma source(%arg21 : memref<80x128xf32, #tpu.memory_space<vmem>>) target(%dma_start3A_336 : memref<80x128xf32, #tpu.memory_space<hbm>>) target_semaphore(%arg25 : memref<!tpu.dma_semaphore, #tpu.memory_space<semaphore_mem>>)
      %add3A_337 = arith.constant 2 : i32
      %add3A_338 = arith.addi %add3A_294, %add3A_337 : i32
      %jit3A_339 = arith.constant 2 : i32
      %div3A_340 = arith.divsi %add3A_338, %jit3A_339 : i32
      %sign3A_341 = arith.constant 0 : i32
      %sign3A_342 = arith.cmpi sgt, %add3A_338, %sign3A_341 : i32
      %sign3A_343 = arith.extui %sign3A_342 : i1 to i32
      %sign3A_344 = arith.constant 0 : i32
      %sign3A_345 = arith.cmpi slt, %add3A_338, %sign3A_344 : i32
      %sign3A_346 = arith.extui %sign3A_345 : i1 to i32
      %sign3A_347 = arith.subi %sign3A_343, %sign3A_346 : i32
      %sign3A_348 = arith.constant 0 : i32
      %sign3A_349 = arith.cmpi sgt, %jit3A_339, %sign3A_348 : i32
      %sign3A_350 = arith.extui %sign3A_349 : i1 to i32
      %sign3A_351 = arith.constant 0 : i32
      %sign3A_352 = arith.cmpi slt, %jit3A_339, %sign3A_351 : i32
      %sign3A_353 = arith.extui %sign3A_352 : i1 to i32
      %sign3A_354 = arith.subi %sign3A_350, %sign3A_353 : i32
      %ne3A_355 = arith.cmpi ne, %sign3A_347, %sign3A_354 : i32
      %rem3A_356 = arith.remsi %add3A_338, %jit3A_339 : i32
      %ne3A_357 = arith.constant 0 : i32
      %ne3A_358 = arith.cmpi ne, %rem3A_356, %ne3A_357 : i32
      %and3A_359 = arith.andi %ne3A_355, %ne3A_358 : i1
      %sub3A_360 = arith.constant 1 : i32
      %sub3A_361 = arith.subi %div3A_340, %sub3A_360 : i32
      %select_n3A_362 = arith.select %and3A_359, %sub3A_361, %div3A_340 : i32
      %mul3A_363 = arith.constant 80 : i32
      %mul3A_364 = arith.muli %select_n3A_362, %mul3A_363 : i32
      %add3A_365 = arith.addi %mul3A_2, %mul3A_364 : i32
      %multiple_of3A_366 = tpu.assume_multiple %add3A_365, 8 : i32
      %dma_start3A_367 = tpu.memref_slice %arg3[%multiple_of3A_366] : memref<320000xi32, #tpu.memory_space<hbm>> -> memref<80xi32, #tpu.memory_space<hbm>>
      %dma_start3A_368 = tpu.memref_slice %arg3[%multiple_of3A_366] : memref<320000xi32, #tpu.memory_space<hbm>> -> memref<80xi32, #tpu.memory_space<hbm>>
      tpu.enqueue_dma source(%dma_start3A_368 : memref<80xi32, #tpu.memory_space<hbm>>) target(%arg13 : memref<80xi32, #tpu.memory_space<vmem>>) target_semaphore(%arg17 : memref<!tpu.dma_semaphore, #tpu.memory_space<semaphore_mem>>)
      %add3A_369 = arith.constant 1 : i32
      %add3A_370 = arith.addi %add3A_292, %add3A_369 : i32
      %dma_wait3A_371 = arith.constant 0 : i32
      %dma_wait3A_372 = arith.constant 0 : i32
      %dma_wait3A_373 = tpu.memref_slice %arg6[%dma_wait3A_371, %dma_wait3A_372] : memref<320000x128xf32, #tpu.memory_space<hbm>> -> memref<80x128xf32, #tpu.memory_space<hbm>>
      %dma_wait3A_374 = arith.constant 0 : i32
      %dma_wait3A_375 = arith.constant 0 : i32
      %dma_wait3A_376 = tpu.memref_slice %arg6[%dma_wait3A_374, %dma_wait3A_375] : memref<320000x128xf32, #tpu.memory_space<hbm>> -> memref<80x128xf32, #tpu.memory_space<hbm>>
      tpu.wait_dma2 semaphore(%arg24 : memref<!tpu.dma_semaphore, #tpu.memory_space<semaphore_mem>>) src(%arg20 : memref<80x128xf32, #tpu.memory_space<vmem>>) dst(%dma_wait3A_376 : memref<80x128xf32, #tpu.memory_space<hbm>>)
      %dma_wait3A_377 = arith.constant 0 : i32
      %dma_wait3A_378 = tpu.memref_slice %arg3[%dma_wait3A_377] : memref<320000xi32, #tpu.memory_space<hbm>> -> memref<80xi32, #tpu.memory_space<hbm>>
      %dma_wait3A_379 = arith.constant 0 : i32
      %dma_wait3A_380 = tpu.memref_slice %arg3[%dma_wait3A_379] : memref<320000xi32, #tpu.memory_space<hbm>> -> memref<80xi32, #tpu.memory_space<hbm>>
      tpu.wait_dma2 semaphore(%arg16 : memref<!tpu.dma_semaphore, #tpu.memory_space<semaphore_mem>>) src(%dma_wait3A_380 : memref<80xi32, #tpu.memory_space<hbm>>) dst(%arg12 : memref<80xi32, #tpu.memory_space<vmem>>)
      %dma_start3A_381 = arith.constant 0 : i32
      %dma_start3A_382 = arith.constant 0 : i32
      %dma_start3A_383 = tpu.memref_slice %arg27[%dma_start3A_381, %dma_start3A_382] : memref<10000x128xf32, #tpu.memory_space<vmem_shared>> -> memref<10000x128xf32, #tpu.memory_space<vmem_shared>>
      tpu.enqueue_indirect_dma source(%dma_start3A_383 : memref<10000x128xf32, #tpu.memory_space<vmem_shared>>) target(%arg20 : memref<80x128xf32, #tpu.memory_space<vmem>>) offsets(%arg12 : memref<80xi32, #tpu.memory_space<vmem>>) semaphore(%arg8 : memref<!tpu.dma_semaphore, #tpu.memory_space<semaphore_mem>>)
      %dma_wait3A_384 = arith.constant 0 : i32
      %dma_wait3A_385 = arith.constant 0 : i32
      %dma_wait3A_386 = tpu.memref_slice %arg27[%dma_wait3A_384, %dma_wait3A_385] : memref<10000x128xf32, #tpu.memory_space<vmem_shared>> -> memref<10000x128xf32, #tpu.memory_space<vmem_shared>>
      tpu.wait_indirect_dma semaphore(%arg10 : memref<!tpu.dma_semaphore, #tpu.memory_space<semaphore_mem>>) src(%dma_wait3A_386 : memref<10000x128xf32, #tpu.memory_space<vmem_shared>>) dst(%arg22 : memref<80x128xf32, #tpu.memory_space<vmem>>)
      %sub3A_387 = arith.constant 2 : i32
      %sub3A_388 = arith.subi %add3A_370, %sub3A_387 : i32
      %jit3A_389 = arith.constant 2 : i32
      %div3A_390 = arith.divsi %sub3A_388, %jit3A_389 : i32
      %sign3A_391 = arith.constant 0 : i32
      %sign3A_392 = arith.cmpi sgt, %sub3A_388, %sign3A_391 : i32
      %sign3A_393 = arith.extui %sign3A_392 : i1 to i32
      %sign3A_394 = arith.constant 0 : i32
      %sign3A_395 = arith.cmpi slt, %sub3A_388, %sign3A_394 : i32
      %sign3A_396 = arith.extui %sign3A_395 : i1 to i32
      %sign3A_397 = arith.subi %sign3A_393, %sign3A_396 : i32
      %sign3A_398 = arith.constant 0 : i32
      %sign3A_399 = arith.cmpi sgt, %jit3A_389, %sign3A_398 : i32
      %sign3A_400 = arith.extui %sign3A_399 : i1 to i32
      %sign3A_401 = arith.constant 0 : i32
      %sign3A_402 = arith.cmpi slt, %jit3A_389, %sign3A_401 : i32
      %sign3A_403 = arith.extui %sign3A_402 : i1 to i32
      %sign3A_404 = arith.subi %sign3A_400, %sign3A_403 : i32
      %ne3A_405 = arith.cmpi ne, %sign3A_397, %sign3A_404 : i32
      %rem3A_406 = arith.remsi %sub3A_388, %jit3A_389 : i32
      %ne3A_407 = arith.constant 0 : i32
      %ne3A_408 = arith.cmpi ne, %rem3A_406, %ne3A_407 : i32
      %and3A_409 = arith.andi %ne3A_405, %ne3A_408 : i1
      %sub3A_410 = arith.constant 1 : i32
      %sub3A_411 = arith.subi %div3A_390, %sub3A_410 : i32
      %select_n3A_412 = arith.select %and3A_409, %sub3A_411, %div3A_390 : i32
      %mul3A_413 = arith.constant 80 : i32
      %mul3A_414 = arith.muli %select_n3A_412, %mul3A_413 : i32
      %add3A_415 = arith.addi %mul3A_2, %mul3A_414 : i32
      %multiple_of3A_416 = tpu.assume_multiple %add3A_415, 8 : i32
      %dma_start3A_417 = arith.constant 0 : i32
      %dma_start3A_418 = tpu.memref_slice %arg6[%multiple_of3A_416, %dma_start3A_417] : memref<320000x128xf32, #tpu.memory_space<hbm>> -> memref<80x128xf32, #tpu.memory_space<hbm>>
      %dma_start3A_419 = arith.constant 0 : i32
      %dma_start3A_420 = tpu.memref_slice %arg6[%multiple_of3A_416, %dma_start3A_419] : memref<320000x128xf32, #tpu.memory_space<hbm>> -> memref<80x128xf32, #tpu.memory_space<hbm>>
      tpu.enqueue_dma source(%arg22 : memref<80x128xf32, #tpu.memory_space<vmem>>) target(%dma_start3A_420 : memref<80x128xf32, #tpu.memory_space<hbm>>) target_semaphore(%arg26 : memref<!tpu.dma_semaphore, #tpu.memory_space<semaphore_mem>>)
      %add3A_421 = arith.constant 2 : i32
      %add3A_422 = arith.addi %add3A_370, %add3A_421 : i32
      %jit3A_423 = arith.constant 2 : i32
      %div3A_424 = arith.divsi %add3A_422, %jit3A_423 : i32
      %sign3A_425 = arith.constant 0 : i32
      %sign3A_426 = arith.cmpi sgt, %add3A_422, %sign3A_425 : i32
      %sign3A_427 = arith.extui %sign3A_426 : i1 to i32
      %sign3A_428 = arith.constant 0 : i32
      %sign3A_429 = arith.cmpi slt, %add3A_422, %sign3A_428 : i32
      %sign3A_430 = arith.extui %sign3A_429 : i1 to i32
      %sign3A_431 = arith.subi %sign3A_427, %sign3A_430 : i32
      %sign3A_432 = arith.constant 0 : i32
      %sign3A_433 = arith.cmpi sgt, %jit3A_423, %sign3A_432 : i32
      %sign3A_434 = arith.extui %sign3A_433 : i1 to i32
      %sign3A_435 = arith.constant 0 : i32
      %sign3A_436 = arith.cmpi slt, %jit3A_423, %sign3A_435 : i32
      %sign3A_437 = arith.extui %sign3A_436 : i1 to i32
      %sign3A_438 = arith.subi %sign3A_434, %sign3A_437 : i32
      %ne3A_439 = arith.cmpi ne, %sign3A_431, %sign3A_438 : i32
      %rem3A_440 = arith.remsi %add3A_422, %jit3A_423 : i32
      %ne3A_441 = arith.constant 0 : i32
      %ne3A_442 = arith.cmpi ne, %rem3A_440, %ne3A_441 : i32
      %and3A_443 = arith.andi %ne3A_439, %ne3A_442 : i1
      %sub3A_444 = arith.constant 1 : i32
      %sub3A_445 = arith.subi %div3A_424, %sub3A_444 : i32
      %select_n3A_446 = arith.select %and3A_443, %sub3A_445, %div3A_424 : i32
      %mul3A_447 = arith.constant 80 : i32
      %mul3A_448 = arith.muli %select_n3A_446, %mul3A_447 : i32
      %add3A_449 = arith.addi %mul3A_2, %mul3A_448 : i32
      %multiple_of3A_450 = tpu.assume_multiple %add3A_449, 8 : i32
      %dma_start3A_451 = tpu.memref_slice %arg4[%multiple_of3A_450] : memref<320000xi32, #tpu.memory_space<hbm>> -> memref<80xi32, #tpu.memory_space<hbm>>
      %dma_start3A_452 = tpu.memref_slice %arg4[%multiple_of3A_450] : memref<320000xi32, #tpu.memory_space<hbm>> -> memref<80xi32, #tpu.memory_space<hbm>>
      tpu.enqueue_dma source(%dma_start3A_452 : memref<80xi32, #tpu.memory_space<hbm>>) target(%arg14 : memref<80xi32, #tpu.memory_space<vmem>>) target_semaphore(%arg18 : memref<!tpu.dma_semaphore, #tpu.memory_space<semaphore_mem>>)
      %add3A_453 = arith.constant 2 : i32
      %add3A_454 = arith.addi %add3A_292, %add3A_453 : i32
      %dma_wait3A_455 = arith.constant 0 : i32
      %dma_wait3A_456 = arith.constant 0 : i32
      %dma_wait3A_457 = tpu.memref_slice %arg5[%dma_wait3A_455, %dma_wait3A_456] : memref<320000x128xf32, #tpu.memory_space<hbm>> -> memref<80x128xf32, #tpu.memory_space<hbm>>
      %dma_wait3A_458 = arith.constant 0 : i32
      %dma_wait3A_459 = arith.constant 0 : i32
      %dma_wait3A_460 = tpu.memref_slice %arg5[%dma_wait3A_458, %dma_wait3A_459] : memref<320000x128xf32, #tpu.memory_space<hbm>> -> memref<80x128xf32, #tpu.memory_space<hbm>>
      tpu.wait_dma2 semaphore(%arg25 : memref<!tpu.dma_semaphore, #tpu.memory_space<semaphore_mem>>) src(%arg21 : memref<80x128xf32, #tpu.memory_space<vmem>>) dst(%dma_wait3A_460 : memref<80x128xf32, #tpu.memory_space<hbm>>)
      %dma_wait3A_461 = arith.constant 0 : i32
      %dma_wait3A_462 = tpu.memref_slice %arg3[%dma_wait3A_461] : memref<320000xi32, #tpu.memory_space<hbm>> -> memref<80xi32, #tpu.memory_space<hbm>>
      %dma_wait3A_463 = arith.constant 0 : i32
      %dma_wait3A_464 = tpu.memref_slice %arg3[%dma_wait3A_463] : memref<320000xi32, #tpu.memory_space<hbm>> -> memref<80xi32, #tpu.memory_space<hbm>>
      tpu.wait_dma2 semaphore(%arg17 : memref<!tpu.dma_semaphore, #tpu.memory_space<semaphore_mem>>) src(%dma_wait3A_464 : memref<80xi32, #tpu.memory_space<hbm>>) dst(%arg13 : memref<80xi32, #tpu.memory_space<vmem>>)
      %dma_start3A_465 = arith.constant 0 : i32
      %dma_start3A_466 = arith.constant 0 : i32
      %dma_start3A_467 = tpu.memref_slice %arg27[%dma_start3A_465, %dma_start3A_466] : memref<10000x128xf32, #tpu.memory_space<vmem_shared>> -> memref<10000x128xf32, #tpu.memory_space<vmem_shared>>
      tpu.enqueue_indirect_dma source(%dma_start3A_467 : memref<10000x128xf32, #tpu.memory_space<vmem_shared>>) target(%arg21 : memref<80x128xf32, #tpu.memory_space<vmem>>) offsets(%arg13 : memref<80xi32, #tpu.memory_space<vmem>>) semaphore(%arg9 : memref<!tpu.dma_semaphore, #tpu.memory_space<semaphore_mem>>)
      %dma_wait3A_468 = arith.constant 0 : i32
      %dma_wait3A_469 = arith.constant 0 : i32
      %dma_wait3A_470 = tpu.memref_slice %arg27[%dma_wait3A_468, %dma_wait3A_469] : memref<10000x128xf32, #tpu.memory_space<vmem_shared>> -> memref<10000x128xf32, #tpu.memory_space<vmem_shared>>
      tpu.wait_indirect_dma semaphore(%arg7 : memref<!tpu.dma_semaphore, #tpu.memory_space<semaphore_mem>>) src(%dma_wait3A_470 : memref<10000x128xf32, #tpu.memory_space<vmem_shared>>) dst(%arg19 : memref<80x128xf32, #tpu.memory_space<vmem>>)
      %sub3A_471 = arith.constant 2 : i32
      %sub3A_472 = arith.subi %add3A_454, %sub3A_471 : i32
      %jit3A_473 = arith.constant 2 : i32
      %div3A_474 = arith.divsi %sub3A_472, %jit3A_473 : i32
      %sign3A_475 = arith.constant 0 : i32
      %sign3A_476 = arith.cmpi sgt, %sub3A_472, %sign3A_475 : i32
      %sign3A_477 = arith.extui %sign3A_476 : i1 to i32
      %sign3A_478 = arith.constant 0 : i32
      %sign3A_479 = arith.cmpi slt, %sub3A_472, %sign3A_478 : i32
      %sign3A_480 = arith.extui %sign3A_479 : i1 to i32
      %sign3A_481 = arith.subi %sign3A_477, %sign3A_480 : i32
      %sign3A_482 = arith.constant 0 : i32
      %sign3A_483 = arith.cmpi sgt, %jit3A_473, %sign3A_482 : i32
      %sign3A_484 = arith.extui %sign3A_483 : i1 to i32
      %sign3A_485 = arith.constant 0 : i32
      %sign3A_486 = arith.cmpi slt, %jit3A_473, %sign3A_485 : i32
      %sign3A_487 = arith.extui %sign3A_486 : i1 to i32
      %sign3A_488 = arith.subi %sign3A_484, %sign3A_487 : i32
      %ne3A_489 = arith.cmpi ne, %sign3A_481, %sign3A_488 : i32
      %rem3A_490 = arith.remsi %sub3A_472, %jit3A_473 : i32
      %ne3A_491 = arith.constant 0 : i32
      %ne3A_492 = arith.cmpi ne, %rem3A_490, %ne3A_491 : i32
      %and3A_493 = arith.andi %ne3A_489, %ne3A_492 : i1
      %sub3A_494 = arith.constant 1 : i32
      %sub3A_495 = arith.subi %div3A_474, %sub3A_494 : i32
      %select_n3A_496 = arith.select %and3A_493, %sub3A_495, %div3A_474 : i32
      %mul3A_497 = arith.constant 80 : i32
      %mul3A_498 = arith.muli %select_n3A_496, %mul3A_497 : i32
      %add3A_499 = arith.addi %mul3A_2, %mul3A_498 : i32
      %multiple_of3A_500 = tpu.assume_multiple %add3A_499, 8 : i32
      %dma_start3A_501 = arith.constant 0 : i32
      %dma_start3A_502 = tpu.memref_slice %arg5[%multiple_of3A_500, %dma_start3A_501] : memref<320000x128xf32, #tpu.memory_space<hbm>> -> memref<80x128xf32, #tpu.memory_space<hbm>>
      %dma_start3A_503 = arith.constant 0 : i32
      %dma_start3A_504 = tpu.memref_slice %arg5[%multiple_of3A_500, %dma_start3A_503] : memref<320000x128xf32, #tpu.memory_space<hbm>> -> memref<80x128xf32, #tpu.memory_space<hbm>>
      tpu.enqueue_dma source(%arg19 : memref<80x128xf32, #tpu.memory_space<vmem>>) target(%dma_start3A_504 : memref<80x128xf32, #tpu.memory_space<hbm>>) target_semaphore(%arg23 : memref<!tpu.dma_semaphore, #tpu.memory_space<semaphore_mem>>)
      %add3A_505 = arith.constant 2 : i32
      %add3A_506 = arith.addi %add3A_454, %add3A_505 : i32
      %jit3A_507 = arith.constant 2 : i32
      %div3A_508 = arith.divsi %add3A_506, %jit3A_507 : i32
      %sign3A_509 = arith.constant 0 : i32
      %sign3A_510 = arith.cmpi sgt, %add3A_506, %sign3A_509 : i32
      %sign3A_511 = arith.extui %sign3A_510 : i1 to i32
      %sign3A_512 = arith.constant 0 : i32
      %sign3A_513 = arith.cmpi slt, %add3A_506, %sign3A_512 : i32
      %sign3A_514 = arith.extui %sign3A_513 : i1 to i32
      %sign3A_515 = arith.subi %sign3A_511, %sign3A_514 : i32
      %sign3A_516 = arith.constant 0 : i32
      %sign3A_517 = arith.cmpi sgt, %jit3A_507, %sign3A_516 : i32
      %sign3A_518 = arith.extui %sign3A_517 : i1 to i32
      %sign3A_519 = arith.constant 0 : i32
      %sign3A_520 = arith.cmpi slt, %jit3A_507, %sign3A_519 : i32
      %sign3A_521 = arith.extui %sign3A_520 : i1 to i32
      %sign3A_522 = arith.subi %sign3A_518, %sign3A_521 : i32
      %ne3A_523 = arith.cmpi ne, %sign3A_515, %sign3A_522 : i32
      %rem3A_524 = arith.remsi %add3A_506, %jit3A_507 : i32
      %ne3A_525 = arith.constant 0 : i32
      %ne3A_526 = arith.cmpi ne, %rem3A_524, %ne3A_525 : i32
      %and3A_527 = arith.andi %ne3A_523, %ne3A_526 : i1
      %sub3A_528 = arith.constant 1 : i32
      %sub3A_529 = arith.subi %div3A_508, %sub3A_528 : i32
      %select_n3A_530 = arith.select %and3A_527, %sub3A_529, %div3A_508 : i32
      %mul3A_531 = arith.constant 80 : i32
      %mul3A_532 = arith.muli %select_n3A_530, %mul3A_531 : i32
      %add3A_533 = arith.addi %mul3A_2, %mul3A_532 : i32
      %multiple_of3A_534 = tpu.assume_multiple %add3A_533, 8 : i32
      %dma_start3A_535 = tpu.memref_slice %arg3[%multiple_of3A_534] : memref<320000xi32, #tpu.memory_space<hbm>> -> memref<80xi32, #tpu.memory_space<hbm>>
      %dma_start3A_536 = tpu.memref_slice %arg3[%multiple_of3A_534] : memref<320000xi32, #tpu.memory_space<hbm>> -> memref<80xi32, #tpu.memory_space<hbm>>
      tpu.enqueue_dma source(%dma_start3A_536 : memref<80xi32, #tpu.memory_space<hbm>>) target(%arg11 : memref<80xi32, #tpu.memory_space<vmem>>) target_semaphore(%arg15 : memref<!tpu.dma_semaphore, #tpu.memory_space<semaphore_mem>>)
      %add3A_537 = arith.constant 3 : i32
      %add3A_538 = arith.addi %add3A_292, %add3A_537 : i32
      %dma_wait3A_539 = arith.constant 0 : i32
      %dma_wait3A_540 = arith.constant 0 : i32
      %dma_wait3A_541 = tpu.memref_slice %arg6[%dma_wait3A_539, %dma_wait3A_540] : memref<320000x128xf32, #tpu.memory_space<hbm>> -> memref<80x128xf32, #tpu.memory_space<hbm>>
      %dma_wait3A_542 = arith.constant 0 : i32
      %dma_wait3A_543 = arith.constant 0 : i32
      %dma_wait3A_544 = tpu.memref_slice %arg6[%dma_wait3A_542, %dma_wait3A_543] : memref<320000x128xf32, #tpu.memory_space<hbm>> -> memref<80x128xf32, #tpu.memory_space<hbm>>
      tpu.wait_dma2 semaphore(%arg26 : memref<!tpu.dma_semaphore, #tpu.memory_space<semaphore_mem>>) src(%arg22 : memref<80x128xf32, #tpu.memory_space<vmem>>) dst(%dma_wait3A_544 : memref<80x128xf32, #tpu.memory_space<hbm>>)
      %dma_wait3A_545 = arith.constant 0 : i32
      %dma_wait3A_546 = tpu.memref_slice %arg3[%dma_wait3A_545] : memref<320000xi32, #tpu.memory_space<hbm>> -> memref<80xi32, #tpu.memory_space<hbm>>
      %dma_wait3A_547 = arith.constant 0 : i32
      %dma_wait3A_548 = tpu.memref_slice %arg3[%dma_wait3A_547] : memref<320000xi32, #tpu.memory_space<hbm>> -> memref<80xi32, #tpu.memory_space<hbm>>
      tpu.wait_dma2 semaphore(%arg18 : memref<!tpu.dma_semaphore, #tpu.memory_space<semaphore_mem>>) src(%dma_wait3A_548 : memref<80xi32, #tpu.memory_space<hbm>>) dst(%arg14 : memref<80xi32, #tpu.memory_space<vmem>>)
      %dma_start3A_549 = arith.constant 0 : i32
      %dma_start3A_550 = arith.constant 0 : i32
      %dma_start3A_551 = tpu.memref_slice %arg27[%dma_start3A_549, %dma_start3A_550] : memref<10000x128xf32, #tpu.memory_space<vmem_shared>> -> memref<10000x128xf32, #tpu.memory_space<vmem_shared>>
      tpu.enqueue_indirect_dma source(%dma_start3A_551 : memref<10000x128xf32, #tpu.memory_space<vmem_shared>>) target(%arg22 : memref<80x128xf32, #tpu.memory_space<vmem>>) offsets(%arg14 : memref<80xi32, #tpu.memory_space<vmem>>) semaphore(%arg10 : memref<!tpu.dma_semaphore, #tpu.memory_space<semaphore_mem>>)
      %dma_wait3A_552 = arith.constant 0 : i32
      %dma_wait3A_553 = arith.constant 0 : i32
      %dma_wait3A_554 = tpu.memref_slice %arg27[%dma_wait3A_552, %dma_wait3A_553] : memref<10000x128xf32, #tpu.memory_space<vmem_shared>> -> memref<10000x128xf32, #tpu.memory_space<vmem_shared>>
      tpu.wait_indirect_dma semaphore(%arg8 : memref<!tpu.dma_semaphore, #tpu.memory_space<semaphore_mem>>) src(%dma_wait3A_554 : memref<10000x128xf32, #tpu.memory_space<vmem_shared>>) dst(%arg20 : memref<80x128xf32, #tpu.memory_space<vmem>>)
      %sub3A_555 = arith.constant 2 : i32
      %sub3A_556 = arith.subi %add3A_538, %sub3A_555 : i32
      %jit3A_557 = arith.constant 2 : i32
      %div3A_558 = arith.divsi %sub3A_556, %jit3A_557 : i32
      %sign3A_559 = arith.constant 0 : i32
      %sign3A_560 = arith.cmpi sgt, %sub3A_556, %sign3A_559 : i32
      %sign3A_561 = arith.extui %sign3A_560 : i1 to i32
      %sign3A_562 = arith.constant 0 : i32
      %sign3A_563 = arith.cmpi slt, %sub3A_556, %sign3A_562 : i32
      %sign3A_564 = arith.extui %sign3A_563 : i1 to i32
      %sign3A_565 = arith.subi %sign3A_561, %sign3A_564 : i32
      %sign3A_566 = arith.constant 0 : i32
      %sign3A_567 = arith.cmpi sgt, %jit3A_557, %sign3A_566 : i32
      %sign3A_568 = arith.extui %sign3A_567 : i1 to i32
      %sign3A_569 = arith.constant 0 : i32
      %sign3A_570 = arith.cmpi slt, %jit3A_557, %sign3A_569 : i32
      %sign3A_571 = arith.extui %sign3A_570 : i1 to i32
      %sign3A_572 = arith.subi %sign3A_568, %sign3A_571 : i32
      %ne3A_573 = arith.cmpi ne, %sign3A_565, %sign3A_572 : i32
      %rem3A_574 = arith.remsi %sub3A_556, %jit3A_557 : i32
      %ne3A_575 = arith.constant 0 : i32
      %ne3A_576 = arith.cmpi ne, %rem3A_574, %ne3A_575 : i32
      %and3A_577 = arith.andi %ne3A_573, %ne3A_576 : i1
      %sub3A_578 = arith.constant 1 : i32
      %sub3A_579 = arith.subi %div3A_558, %sub3A_578 : i32
      %select_n3A_580 = arith.select %and3A_577, %sub3A_579, %div3A_558 : i32
      %mul3A_581 = arith.constant 80 : i32
      %mul3A_582 = arith.muli %select_n3A_580, %mul3A_581 : i32
      %add3A_583 = arith.addi %mul3A_2, %mul3A_582 : i32
      %multiple_of3A_584 = tpu.assume_multiple %add3A_583, 8 : i32
      %dma_start3A_585 = arith.constant 0 : i32
      %dma_start3A_586 = tpu.memref_slice %arg6[%multiple_of3A_584, %dma_start3A_585] : memref<320000x128xf32, #tpu.memory_space<hbm>> -> memref<80x128xf32, #tpu.memory_space<hbm>>
      %dma_start3A_587 = arith.constant 0 : i32
      %dma_start3A_588 = tpu.memref_slice %arg6[%multiple_of3A_584, %dma_start3A_587] : memref<320000x128xf32, #tpu.memory_space<hbm>> -> memref<80x128xf32, #tpu.memory_space<hbm>>
      tpu.enqueue_dma source(%arg20 : memref<80x128xf32, #tpu.memory_space<vmem>>) target(%dma_start3A_588 : memref<80x128xf32, #tpu.memory_space<hbm>>) target_semaphore(%arg24 : memref<!tpu.dma_semaphore, #tpu.memory_space<semaphore_mem>>)
      %add3A_589 = arith.constant 2 : i32
      %add3A_590 = arith.addi %add3A_538, %add3A_589 : i32
      %jit3A_591 = arith.constant 2 : i32
      %div3A_592 = arith.divsi %add3A_590, %jit3A_591 : i32
      %sign3A_593 = arith.constant 0 : i32
      %sign3A_594 = arith.cmpi sgt, %add3A_590, %sign3A_593 : i32
      %sign3A_595 = arith.extui %sign3A_594 : i1 to i32
      %sign3A_596 = arith.constant 0 : i32
      %sign3A_597 = arith.cmpi slt, %add3A_590, %sign3A_596 : i32
      %sign3A_598 = arith.extui %sign3A_597 : i1 to i32
      %sign3A_599 = arith.subi %sign3A_595, %sign3A_598 : i32
      %sign3A_600 = arith.constant 0 : i32
      %sign3A_601 = arith.cmpi sgt, %jit3A_591, %sign3A_600 : i32
      %sign3A_602 = arith.extui %sign3A_601 : i1 to i32
      %sign3A_603 = arith.constant 0 : i32
      %sign3A_604 = arith.cmpi slt, %jit3A_591, %sign3A_603 : i32
      %sign3A_605 = arith.extui %sign3A_604 : i1 to i32
      %sign3A_606 = arith.subi %sign3A_602, %sign3A_605 : i32
      %ne3A_607 = arith.cmpi ne, %sign3A_599, %sign3A_606 : i32
      %rem3A_608 = arith.remsi %add3A_590, %jit3A_591 : i32
      %ne3A_609 = arith.constant 0 : i32
      %ne3A_610 = arith.cmpi ne, %rem3A_608, %ne3A_609 : i32
      %and3A_611 = arith.andi %ne3A_607, %ne3A_610 : i1
      %sub3A_612 = arith.constant 1 : i32
      %sub3A_613 = arith.subi %div3A_592, %sub3A_612 : i32
      %select_n3A_614 = arith.select %and3A_611, %sub3A_613, %div3A_592 : i32
      %mul3A_615 = arith.constant 80 : i32
      %mul3A_616 = arith.muli %select_n3A_614, %mul3A_615 : i32
      %add3A_617 = arith.addi %mul3A_2, %mul3A_616 : i32
      %multiple_of3A_618 = tpu.assume_multiple %add3A_617, 8 : i32
      %dma_start3A_619 = tpu.memref_slice %arg4[%multiple_of3A_618] : memref<320000xi32, #tpu.memory_space<hbm>> -> memref<80xi32, #tpu.memory_space<hbm>>
      %dma_start3A_620 = tpu.memref_slice %arg4[%multiple_of3A_618] : memref<320000xi32, #tpu.memory_space<hbm>> -> memref<80xi32, #tpu.memory_space<hbm>>
      tpu.enqueue_dma source(%dma_start3A_620 : memref<80xi32, #tpu.memory_space<hbm>>) target(%arg12 : memref<80xi32, #tpu.memory_space<vmem>>) target_semaphore(%arg16 : memref<!tpu.dma_semaphore, #tpu.memory_space<semaphore_mem>>)
    }
    %scan3A_85 = arith.constant 60 : i32
    %dma_wait3A_86 = arith.constant 0 : i32
    %dma_wait3A_87 = arith.constant 0 : i32
    %dma_wait3A_88 = tpu.memref_slice %arg5[%dma_wait3A_86, %dma_wait3A_87] : memref<320000x128xf32, #tpu.memory_space<hbm>> -> memref<80x128xf32, #tpu.memory_space<hbm>>
    %dma_wait3A_89 = arith.constant 0 : i32
    %dma_wait3A_90 = arith.constant 0 : i32
    %dma_wait3A_91 = tpu.memref_slice %arg5[%dma_wait3A_89, %dma_wait3A_90] : memref<320000x128xf32, #tpu.memory_space<hbm>> -> memref<80x128xf32, #tpu.memory_space<hbm>>
    tpu.wait_dma2 semaphore(%arg23 : memref<!tpu.dma_semaphore, #tpu.memory_space<semaphore_mem>>) src(%arg19 : memref<80x128xf32, #tpu.memory_space<vmem>>) dst(%dma_wait3A_91 : memref<80x128xf32, #tpu.memory_space<hbm>>)
    %dma_wait3A_92 = arith.constant 0 : i32
    %dma_wait3A_93 = tpu.memref_slice %arg3[%dma_wait3A_92] : memref<320000xi32, #tpu.memory_space<hbm>> -> memref<80xi32, #tpu.memory_space<hbm>>
    %dma_wait3A_94 = arith.constant 0 : i32
    %dma_wait3A_95 = tpu.memref_slice %arg3[%dma_wait3A_94] : memref<320000xi32, #tpu.memory_space<hbm>> -> memref<80xi32, #tpu.memory_space<hbm>>
    tpu.wait_dma2 semaphore(%arg15 : memref<!tpu.dma_semaphore, #tpu.memory_space<semaphore_mem>>) src(%dma_wait3A_95 : memref<80xi32, #tpu.memory_space<hbm>>) dst(%arg11 : memref<80xi32, #tpu.memory_space<vmem>>)
    %dma_start3A_96 = arith.constant 0 : i32
    %dma_start3A_97 = arith.constant 0 : i32
    %dma_start3A_98 = tpu.memref_slice %arg27[%dma_start3A_96, %dma_start3A_97] : memref<10000x128xf32, #tpu.memory_space<vmem_shared>> -> memref<10000x128xf32, #tpu.memory_space<vmem_shared>>
    tpu.enqueue_indirect_dma source(%dma_start3A_98 : memref<10000x128xf32, #tpu.memory_space<vmem_shared>>) target(%arg19 : memref<80x128xf32, #tpu.memory_space<vmem>>) offsets(%arg11 : memref<80xi32, #tpu.memory_space<vmem>>) semaphore(%arg7 : memref<!tpu.dma_semaphore, #tpu.memory_space<semaphore_mem>>)
    %dma_wait3A_99 = arith.constant 0 : i32
    %dma_wait3A_100 = arith.constant 0 : i32
    %dma_wait3A_101 = tpu.memref_slice %arg27[%dma_wait3A_99, %dma_wait3A_100] : memref<10000x128xf32, #tpu.memory_space<vmem_shared>> -> memref<10000x128xf32, #tpu.memory_space<vmem_shared>>
    tpu.wait_indirect_dma semaphore(%arg9 : memref<!tpu.dma_semaphore, #tpu.memory_space<semaphore_mem>>) src(%dma_wait3A_101 : memref<10000x128xf32, #tpu.memory_space<vmem_shared>>) dst(%arg21 : memref<80x128xf32, #tpu.memory_space<vmem>>)
    %add3A_102 = arith.constant 9680 : i32
    %add3A_103 = arith.addi %mul3A_2, %add3A_102 : i32
    %multiple_of3A_104 = tpu.assume_multiple %add3A_103, 8 : i32
    %dma_start3A_105 = arith.constant 0 : i32
    %dma_start3A_106 = tpu.memref_slice %arg5[%multiple_of3A_104, %dma_start3A_105] : memref<320000x128xf32, #tpu.memory_space<hbm>> -> memref<80x128xf32, #tpu.memory_space<hbm>>
    %dma_start3A_107 = arith.constant 0 : i32
    %dma_start3A_108 = tpu.memref_slice %arg5[%multiple_of3A_104, %dma_start3A_107] : memref<320000x128xf32, #tpu.memory_space<hbm>> -> memref<80x128xf32, #tpu.memory_space<hbm>>
    tpu.enqueue_dma source(%arg21 : memref<80x128xf32, #tpu.memory_space<vmem>>) target(%dma_start3A_108 : memref<80x128xf32, #tpu.memory_space<hbm>>) target_semaphore(%arg25 : memref<!tpu.dma_semaphore, #tpu.memory_space<semaphore_mem>>)
    %add3A_109 = arith.constant 9840 : i32
    %add3A_110 = arith.addi %mul3A_2, %add3A_109 : i32
    %multiple_of3A_111 = tpu.assume_multiple %add3A_110, 8 : i32
    %dma_start3A_112 = tpu.memref_slice %arg3[%multiple_of3A_111] : memref<320000xi32, #tpu.memory_space<hbm>> -> memref<80xi32, #tpu.memory_space<hbm>>
    %dma_start3A_113 = tpu.memref_slice %arg3[%multiple_of3A_111] : memref<320000xi32, #tpu.memory_space<hbm>> -> memref<80xi32, #tpu.memory_space<hbm>>
    tpu.enqueue_dma source(%dma_start3A_113 : memref<80xi32, #tpu.memory_space<hbm>>) target(%arg13 : memref<80xi32, #tpu.memory_space<vmem>>) target_semaphore(%arg17 : memref<!tpu.dma_semaphore, #tpu.memory_space<semaphore_mem>>)
    %dma_wait3A_114 = arith.constant 0 : i32
    %dma_wait3A_115 = arith.constant 0 : i32
    %dma_wait3A_116 = tpu.memref_slice %arg6[%dma_wait3A_114, %dma_wait3A_115] : memref<320000x128xf32, #tpu.memory_space<hbm>> -> memref<80x128xf32, #tpu.memory_space<hbm>>
    %dma_wait3A_117 = arith.constant 0 : i32
    %dma_wait3A_118 = arith.constant 0 : i32
    %dma_wait3A_119 = tpu.memref_slice %arg6[%dma_wait3A_117, %dma_wait3A_118] : memref<320000x128xf32, #tpu.memory_space<hbm>> -> memref<80x128xf32, #tpu.memory_space<hbm>>
    tpu.wait_dma2 semaphore(%arg24 : memref<!tpu.dma_semaphore, #tpu.memory_space<semaphore_mem>>) src(%arg20 : memref<80x128xf32, #tpu.memory_space<vmem>>) dst(%dma_wait3A_119 : memref<80x128xf32, #tpu.memory_space<hbm>>)
    %dma_wait3A_120 = arith.constant 0 : i32
    %dma_wait3A_121 = tpu.memref_slice %arg3[%dma_wait3A_120] : memref<320000xi32, #tpu.memory_space<hbm>> -> memref<80xi32, #tpu.memory_space<hbm>>
    %dma_wait3A_122 = arith.constant 0 : i32
    %dma_wait3A_123 = tpu.memref_slice %arg3[%dma_wait3A_122] : memref<320000xi32, #tpu.memory_space<hbm>> -> memref<80xi32, #tpu.memory_space<hbm>>
    tpu.wait_dma2 semaphore(%arg16 : memref<!tpu.dma_semaphore, #tpu.memory_space<semaphore_mem>>) src(%dma_wait3A_123 : memref<80xi32, #tpu.memory_space<hbm>>) dst(%arg12 : memref<80xi32, #tpu.memory_space<vmem>>)
    %dma_start3A_124 = arith.constant 0 : i32
    %dma_start3A_125 = arith.constant 0 : i32
    %dma_start3A_126 = tpu.memref_slice %arg27[%dma_start3A_124, %dma_start3A_125] : memref<10000x128xf32, #tpu.memory_space<vmem_shared>> -> memref<10000x128xf32, #tpu.memory_space<vmem_shared>>
    tpu.enqueue_indirect_dma source(%dma_start3A_126 : memref<10000x128xf32, #tpu.memory_space<vmem_shared>>) target(%arg20 : memref<80x128xf32, #tpu.memory_space<vmem>>) offsets(%arg12 : memref<80xi32, #tpu.memory_space<vmem>>) semaphore(%arg8 : memref<!tpu.dma_semaphore, #tpu.memory_space<semaphore_mem>>)
    %dma_wait3A_127 = arith.constant 0 : i32
    %dma_wait3A_128 = arith.constant 0 : i32
    %dma_wait3A_129 = tpu.memref_slice %arg27[%dma_wait3A_127, %dma_wait3A_128] : memref<10000x128xf32, #tpu.memory_space<vmem_shared>> -> memref<10000x128xf32, #tpu.memory_space<vmem_shared>>
    tpu.wait_indirect_dma semaphore(%arg10 : memref<!tpu.dma_semaphore, #tpu.memory_space<semaphore_mem>>) src(%dma_wait3A_129 : memref<10000x128xf32, #tpu.memory_space<vmem_shared>>) dst(%arg22 : memref<80x128xf32, #tpu.memory_space<vmem>>)
    %add3A_130 = arith.constant 9680 : i32
    %add3A_131 = arith.addi %mul3A_2, %add3A_130 : i32
    %multiple_of3A_132 = tpu.assume_multiple %add3A_131, 8 : i32
    %dma_start3A_133 = arith.constant 0 : i32
    %dma_start3A_134 = tpu.memref_slice %arg6[%multiple_of3A_132, %dma_start3A_133] : memref<320000x128xf32, #tpu.memory_space<hbm>> -> memref<80x128xf32, #tpu.memory_space<hbm>>
    %dma_start3A_135 = arith.constant 0 : i32
    %dma_start3A_136 = tpu.memref_slice %arg6[%multiple_of3A_132, %dma_start3A_135] : memref<320000x128xf32, #tpu.memory_space<hbm>> -> memref<80x128xf32, #tpu.memory_space<hbm>>
    tpu.enqueue_dma source(%arg22 : memref<80x128xf32, #tpu.memory_space<vmem>>) target(%dma_start3A_136 : memref<80x128xf32, #tpu.memory_space<hbm>>) target_semaphore(%arg26 : memref<!tpu.dma_semaphore, #tpu.memory_space<semaphore_mem>>)
    %add3A_137 = arith.constant 9840 : i32
    %add3A_138 = arith.addi %mul3A_2, %add3A_137 : i32
    %multiple_of3A_139 = tpu.assume_multiple %add3A_138, 8 : i32
    %dma_start3A_140 = tpu.memref_slice %arg4[%multiple_of3A_139] : memref<320000xi32, #tpu.memory_space<hbm>> -> memref<80xi32, #tpu.memory_space<hbm>>
    %dma_start3A_141 = tpu.memref_slice %arg4[%multiple_of3A_139] : memref<320000xi32, #tpu.memory_space<hbm>> -> memref<80xi32, #tpu.memory_space<hbm>>
    tpu.enqueue_dma source(%dma_start3A_141 : memref<80xi32, #tpu.memory_space<hbm>>) target(%arg14 : memref<80xi32, #tpu.memory_space<vmem>>) target_semaphore(%arg18 : memref<!tpu.dma_semaphore, #tpu.memory_space<semaphore_mem>>)
    %dma_wait3A_142 = arith.constant 0 : i32
    %dma_wait3A_143 = arith.constant 0 : i32
    %dma_wait3A_144 = tpu.memref_slice %arg5[%dma_wait3A_142, %dma_wait3A_143] : memref<320000x128xf32, #tpu.memory_space<hbm>> -> memref<80x128xf32, #tpu.memory_space<hbm>>
    %dma_wait3A_145 = arith.constant 0 : i32
    %dma_wait3A_146 = arith.constant 0 : i32
    %dma_wait3A_147 = tpu.memref_slice %arg5[%dma_wait3A_145, %dma_wait3A_146] : memref<320000x128xf32, #tpu.memory_space<hbm>> -> memref<80x128xf32, #tpu.memory_space<hbm>>
    tpu.wait_dma2 semaphore(%arg25 : memref<!tpu.dma_semaphore, #tpu.memory_space<semaphore_mem>>) src(%arg21 : memref<80x128xf32, #tpu.memory_space<vmem>>) dst(%dma_wait3A_147 : memref<80x128xf32, #tpu.memory_space<hbm>>)
    %dma_wait3A_148 = arith.constant 0 : i32
    %dma_wait3A_149 = tpu.memref_slice %arg3[%dma_wait3A_148] : memref<320000xi32, #tpu.memory_space<hbm>> -> memref<80xi32, #tpu.memory_space<hbm>>
    %dma_wait3A_150 = arith.constant 0 : i32
    %dma_wait3A_151 = tpu.memref_slice %arg3[%dma_wait3A_150] : memref<320000xi32, #tpu.memory_space<hbm>> -> memref<80xi32, #tpu.memory_space<hbm>>
    tpu.wait_dma2 semaphore(%arg17 : memref<!tpu.dma_semaphore, #tpu.memory_space<semaphore_mem>>) src(%dma_wait3A_151 : memref<80xi32, #tpu.memory_space<hbm>>) dst(%arg13 : memref<80xi32, #tpu.memory_space<vmem>>)
    %dma_start3A_152 = arith.constant 0 : i32
    %dma_start3A_153 = arith.constant 0 : i32
    %dma_start3A_154 = tpu.memref_slice %arg27[%dma_start3A_152, %dma_start3A_153] : memref<10000x128xf32, #tpu.memory_space<vmem_shared>> -> memref<10000x128xf32, #tpu.memory_space<vmem_shared>>
    tpu.enqueue_indirect_dma source(%dma_start3A_154 : memref<10000x128xf32, #tpu.memory_space<vmem_shared>>) target(%arg21 : memref<80x128xf32, #tpu.memory_space<vmem>>) offsets(%arg13 : memref<80xi32, #tpu.memory_space<vmem>>) semaphore(%arg9 : memref<!tpu.dma_semaphore, #tpu.memory_space<semaphore_mem>>)
    %dma_wait3A_155 = arith.constant 0 : i32
    %dma_wait3A_156 = arith.constant 0 : i32
    %dma_wait3A_157 = tpu.memref_slice %arg27[%dma_wait3A_155, %dma_wait3A_156] : memref<10000x128xf32, #tpu.memory_space<vmem_shared>> -> memref<10000x128xf32, #tpu.memory_space<vmem_shared>>
    tpu.wait_indirect_dma semaphore(%arg7 : memref<!tpu.dma_semaphore, #tpu.memory_space<semaphore_mem>>) src(%dma_wait3A_157 : memref<10000x128xf32, #tpu.memory_space<vmem_shared>>) dst(%arg19 : memref<80x128xf32, #tpu.memory_space<vmem>>)
    %add3A_158 = arith.constant 9760 : i32
    %add3A_159 = arith.addi %mul3A_2, %add3A_158 : i32
    %multiple_of3A_160 = tpu.assume_multiple %add3A_159, 8 : i32
    %dma_start3A_161 = arith.constant 0 : i32
    %dma_start3A_162 = tpu.memref_slice %arg5[%multiple_of3A_160, %dma_start3A_161] : memref<320000x128xf32, #tpu.memory_space<hbm>> -> memref<80x128xf32, #tpu.memory_space<hbm>>
    %dma_start3A_163 = arith.constant 0 : i32
    %dma_start3A_164 = tpu.memref_slice %arg5[%multiple_of3A_160, %dma_start3A_163] : memref<320000x128xf32, #tpu.memory_space<hbm>> -> memref<80x128xf32, #tpu.memory_space<hbm>>
    tpu.enqueue_dma source(%arg19 : memref<80x128xf32, #tpu.memory_space<vmem>>) target(%dma_start3A_164 : memref<80x128xf32, #tpu.memory_space<hbm>>) target_semaphore(%arg23 : memref<!tpu.dma_semaphore, #tpu.memory_space<semaphore_mem>>)
    %add3A_165 = arith.constant 9920 : i32
    %add3A_166 = arith.addi %mul3A_2, %add3A_165 : i32
    %multiple_of3A_167 = tpu.assume_multiple %add3A_166, 8 : i32
    %dma_start3A_168 = tpu.memref_slice %arg3[%multiple_of3A_167] : memref<320000xi32, #tpu.memory_space<hbm>> -> memref<80xi32, #tpu.memory_space<hbm>>
    %dma_start3A_169 = tpu.memref_slice %arg3[%multiple_of3A_167] : memref<320000xi32, #tpu.memory_space<hbm>> -> memref<80xi32, #tpu.memory_space<hbm>>
    tpu.enqueue_dma source(%dma_start3A_169 : memref<80xi32, #tpu.memory_space<hbm>>) target(%arg11 : memref<80xi32, #tpu.memory_space<vmem>>) target_semaphore(%arg15 : memref<!tpu.dma_semaphore, #tpu.memory_space<semaphore_mem>>)
    %dma_wait3A_170 = arith.constant 0 : i32
    %dma_wait3A_171 = arith.constant 0 : i32
    %dma_wait3A_172 = tpu.memref_slice %arg6[%dma_wait3A_170, %dma_wait3A_171] : memref<320000x128xf32, #tpu.memory_space<hbm>> -> memref<80x128xf32, #tpu.memory_space<hbm>>
    %dma_wait3A_173 = arith.constant 0 : i32
    %dma_wait3A_174 = arith.constant 0 : i32
    %dma_wait3A_175 = tpu.memref_slice %arg6[%dma_wait3A_173, %dma_wait3A_174] : memref<320000x128xf32, #tpu.memory_space<hbm>> -> memref<80x128xf32, #tpu.memory_space<hbm>>
    tpu.wait_dma2 semaphore(%arg26 : memref<!tpu.dma_semaphore, #tpu.memory_space<semaphore_mem>>) src(%arg22 : memref<80x128xf32, #tpu.memory_space<vmem>>) dst(%dma_wait3A_175 : memref<80x128xf32, #tpu.memory_space<hbm>>)
    %dma_wait3A_176 = arith.constant 0 : i32
    %dma_wait3A_177 = tpu.memref_slice %arg3[%dma_wait3A_176] : memref<320000xi32, #tpu.memory_space<hbm>> -> memref<80xi32, #tpu.memory_space<hbm>>
    %dma_wait3A_178 = arith.constant 0 : i32
    %dma_wait3A_179 = tpu.memref_slice %arg3[%dma_wait3A_178] : memref<320000xi32, #tpu.memory_space<hbm>> -> memref<80xi32, #tpu.memory_space<hbm>>
    tpu.wait_dma2 semaphore(%arg18 : memref<!tpu.dma_semaphore, #tpu.memory_space<semaphore_mem>>) src(%dma_wait3A_179 : memref<80xi32, #tpu.memory_space<hbm>>) dst(%arg14 : memref<80xi32, #tpu.memory_space<vmem>>)
    %dma_start3A_180 = arith.constant 0 : i32
    %dma_start3A_181 = arith.constant 0 : i32
    %dma_start3A_182 = tpu.memref_slice %arg27[%dma_start3A_180, %dma_start3A_181] : memref<10000x128xf32, #tpu.memory_space<vmem_shared>> -> memref<10000x128xf32, #tpu.memory_space<vmem_shared>>
    tpu.enqueue_indirect_dma source(%dma_start3A_182 : memref<10000x128xf32, #tpu.memory_space<vmem_shared>>) target(%arg22 : memref<80x128xf32, #tpu.memory_space<vmem>>) offsets(%arg14 : memref<80xi32, #tpu.memory_space<vmem>>) semaphore(%arg10 : memref<!tpu.dma_semaphore, #tpu.memory_space<semaphore_mem>>)
    %dma_wait3A_183 = arith.constant 0 : i32
    %dma_wait3A_184 = arith.constant 0 : i32
    %dma_wait3A_185 = tpu.memref_slice %arg27[%dma_wait3A_183, %dma_wait3A_184] : memref<10000x128xf32, #tpu.memory_space<vmem_shared>> -> memref<10000x128xf32, #tpu.memory_space<vmem_shared>>
    tpu.wait_indirect_dma semaphore(%arg8 : memref<!tpu.dma_semaphore, #tpu.memory_space<semaphore_mem>>) src(%dma_wait3A_185 : memref<10000x128xf32, #tpu.memory_space<vmem_shared>>) dst(%arg20 : memref<80x128xf32, #tpu.memory_space<vmem>>)
    %add3A_186 = arith.constant 9760 : i32
    %add3A_187 = arith.addi %mul3A_2, %add3A_186 : i32
    %multiple_of3A_188 = tpu.assume_multiple %add3A_187, 8 : i32
    %dma_start3A_189 = arith.constant 0 : i32
    %dma_start3A_190 = tpu.memref_slice %arg6[%multiple_of3A_188, %dma_start3A_189] : memref<320000x128xf32, #tpu.memory_space<hbm>> -> memref<80x128xf32, #tpu.memory_space<hbm>>
    %dma_start3A_191 = arith.constant 0 : i32
    %dma_start3A_192 = tpu.memref_slice %arg6[%multiple_of3A_188, %dma_start3A_191] : memref<320000x128xf32, #tpu.memory_space<hbm>> -> memref<80x128xf32, #tpu.memory_space<hbm>>
    tpu.enqueue_dma source(%arg20 : memref<80x128xf32, #tpu.memory_space<vmem>>) target(%dma_start3A_192 : memref<80x128xf32, #tpu.memory_space<hbm>>) target_semaphore(%arg24 : memref<!tpu.dma_semaphore, #tpu.memory_space<semaphore_mem>>)
    %add3A_193 = arith.constant 9920 : i32
    %add3A_194 = arith.addi %mul3A_2, %add3A_193 : i32
    %multiple_of3A_195 = tpu.assume_multiple %add3A_194, 8 : i32
    %dma_start3A_196 = tpu.memref_slice %arg4[%multiple_of3A_195] : memref<320000xi32, #tpu.memory_space<hbm>> -> memref<80xi32, #tpu.memory_space<hbm>>
    %dma_start3A_197 = tpu.memref_slice %arg4[%multiple_of3A_195] : memref<320000xi32, #tpu.memory_space<hbm>> -> memref<80xi32, #tpu.memory_space<hbm>>
    tpu.enqueue_dma source(%dma_start3A_197 : memref<80xi32, #tpu.memory_space<hbm>>) target(%arg12 : memref<80xi32, #tpu.memory_space<vmem>>) target_semaphore(%arg16 : memref<!tpu.dma_semaphore, #tpu.memory_space<semaphore_mem>>)
    %dma_wait3A_198 = arith.constant 0 : i32
    %dma_wait3A_199 = arith.constant 0 : i32
    %dma_wait3A_200 = tpu.memref_slice %arg5[%dma_wait3A_198, %dma_wait3A_199] : memref<320000x128xf32, #tpu.memory_space<hbm>> -> memref<80x128xf32, #tpu.memory_space<hbm>>
    %dma_wait3A_201 = arith.constant 0 : i32
    %dma_wait3A_202 = arith.constant 0 : i32
    %dma_wait3A_203 = tpu.memref_slice %arg5[%dma_wait3A_201, %dma_wait3A_202] : memref<320000x128xf32, #tpu.memory_space<hbm>> -> memref<80x128xf32, #tpu.memory_space<hbm>>
    tpu.wait_dma2 semaphore(%arg23 : memref<!tpu.dma_semaphore, #tpu.memory_space<semaphore_mem>>) src(%arg19 : memref<80x128xf32, #tpu.memory_space<vmem>>) dst(%dma_wait3A_203 : memref<80x128xf32, #tpu.memory_space<hbm>>)
    %dma_wait3A_204 = arith.constant 0 : i32
    %dma_wait3A_205 = tpu.memref_slice %arg3[%dma_wait3A_204] : memref<320000xi32, #tpu.memory_space<hbm>> -> memref<80xi32, #tpu.memory_space<hbm>>
    %dma_wait3A_206 = arith.constant 0 : i32
    %dma_wait3A_207 = tpu.memref_slice %arg3[%dma_wait3A_206] : memref<320000xi32, #tpu.memory_space<hbm>> -> memref<80xi32, #tpu.memory_space<hbm>>
    tpu.wait_dma2 semaphore(%arg15 : memref<!tpu.dma_semaphore, #tpu.memory_space<semaphore_mem>>) src(%dma_wait3A_207 : memref<80xi32, #tpu.memory_space<hbm>>) dst(%arg11 : memref<80xi32, #tpu.memory_space<vmem>>)
    %dma_start3A_208 = arith.constant 0 : i32
    %dma_start3A_209 = arith.constant 0 : i32
    %dma_start3A_210 = tpu.memref_slice %arg27[%dma_start3A_208, %dma_start3A_209] : memref<10000x128xf32, #tpu.memory_space<vmem_shared>> -> memref<10000x128xf32, #tpu.memory_space<vmem_shared>>
    tpu.enqueue_indirect_dma source(%dma_start3A_210 : memref<10000x128xf32, #tpu.memory_space<vmem_shared>>) target(%arg19 : memref<80x128xf32, #tpu.memory_space<vmem>>) offsets(%arg11 : memref<80xi32, #tpu.memory_space<vmem>>) semaphore(%arg7 : memref<!tpu.dma_semaphore, #tpu.memory_space<semaphore_mem>>)
    %dma_wait3A_211 = arith.constant 0 : i32
    %dma_wait3A_212 = arith.constant 0 : i32
    %dma_wait3A_213 = tpu.memref_slice %arg27[%dma_wait3A_211, %dma_wait3A_212] : memref<10000x128xf32, #tpu.memory_space<vmem_shared>> -> memref<10000x128xf32, #tpu.memory_space<vmem_shared>>
    tpu.wait_indirect_dma semaphore(%arg9 : memref<!tpu.dma_semaphore, #tpu.memory_space<semaphore_mem>>) src(%dma_wait3A_213 : memref<10000x128xf32, #tpu.memory_space<vmem_shared>>) dst(%arg21 : memref<80x128xf32, #tpu.memory_space<vmem>>)
    %add3A_214 = arith.constant 9840 : i32
    %add3A_215 = arith.addi %mul3A_2, %add3A_214 : i32
    %multiple_of3A_216 = tpu.assume_multiple %add3A_215, 8 : i32
    %dma_start3A_217 = arith.constant 0 : i32
    %dma_start3A_218 = tpu.memref_slice %arg5[%multiple_of3A_216, %dma_start3A_217] : memref<320000x128xf32, #tpu.memory_space<hbm>> -> memref<80x128xf32, #tpu.memory_space<hbm>>
    %dma_start3A_219 = arith.constant 0 : i32
    %dma_start3A_220 = tpu.memref_slice %arg5[%multiple_of3A_216, %dma_start3A_219] : memref<320000x128xf32, #tpu.memory_space<hbm>> -> memref<80x128xf32, #tpu.memory_space<hbm>>
    tpu.enqueue_dma source(%arg21 : memref<80x128xf32, #tpu.memory_space<vmem>>) target(%dma_start3A_220 : memref<80x128xf32, #tpu.memory_space<hbm>>) target_semaphore(%arg25 : memref<!tpu.dma_semaphore, #tpu.memory_space<semaphore_mem>>)
    %dma_wait3A_221 = arith.constant 0 : i32
    %dma_wait3A_222 = arith.constant 0 : i32
    %dma_wait3A_223 = tpu.memref_slice %arg6[%dma_wait3A_221, %dma_wait3A_222] : memref<320000x128xf32, #tpu.memory_space<hbm>> -> memref<80x128xf32, #tpu.memory_space<hbm>>
    %dma_wait3A_224 = arith.constant 0 : i32
    %dma_wait3A_225 = arith.constant 0 : i32
    %dma_wait3A_226 = tpu.memref_slice %arg6[%dma_wait3A_224, %dma_wait3A_225] : memref<320000x128xf32, #tpu.memory_space<hbm>> -> memref<80x128xf32, #tpu.memory_space<hbm>>
    tpu.wait_dma2 semaphore(%arg24 : memref<!tpu.dma_semaphore, #tpu.memory_space<semaphore_mem>>) src(%arg20 : memref<80x128xf32, #tpu.memory_space<vmem>>) dst(%dma_wait3A_226 : memref<80x128xf32, #tpu.memory_space<hbm>>)
    %dma_wait3A_227 = arith.constant 0 : i32
    %dma_wait3A_228 = tpu.memref_slice %arg3[%dma_wait3A_227] : memref<320000xi32, #tpu.memory_space<hbm>> -> memref<80xi32, #tpu.memory_space<hbm>>
    %dma_wait3A_229 = arith.constant 0 : i32
    %dma_wait3A_230 = tpu.memref_slice %arg3[%dma_wait3A_229] : memref<320000xi32, #tpu.memory_space<hbm>> -> memref<80xi32, #tpu.memory_space<hbm>>
    tpu.wait_dma2 semaphore(%arg16 : memref<!tpu.dma_semaphore, #tpu.memory_space<semaphore_mem>>) src(%dma_wait3A_230 : memref<80xi32, #tpu.memory_space<hbm>>) dst(%arg12 : memref<80xi32, #tpu.memory_space<vmem>>)
    %dma_start3A_231 = arith.constant 0 : i32
    %dma_start3A_232 = arith.constant 0 : i32
    %dma_start3A_233 = tpu.memref_slice %arg27[%dma_start3A_231, %dma_start3A_232] : memref<10000x128xf32, #tpu.memory_space<vmem_shared>> -> memref<10000x128xf32, #tpu.memory_space<vmem_shared>>
    tpu.enqueue_indirect_dma source(%dma_start3A_233 : memref<10000x128xf32, #tpu.memory_space<vmem_shared>>) target(%arg20 : memref<80x128xf32, #tpu.memory_space<vmem>>) offsets(%arg12 : memref<80xi32, #tpu.memory_space<vmem>>) semaphore(%arg8 : memref<!tpu.dma_semaphore, #tpu.memory_space<semaphore_mem>>)
    %dma_wait3A_234 = arith.constant 0 : i32
    %dma_wait3A_235 = arith.constant 0 : i32
    %dma_wait3A_236 = tpu.memref_slice %arg27[%dma_wait3A_234, %dma_wait3A_235] : memref<10000x128xf32, #tpu.memory_space<vmem_shared>> -> memref<10000x128xf32, #tpu.memory_space<vmem_shared>>
    tpu.wait_indirect_dma semaphore(%arg10 : memref<!tpu.dma_semaphore, #tpu.memory_space<semaphore_mem>>) src(%dma_wait3A_236 : memref<10000x128xf32, #tpu.memory_space<vmem_shared>>) dst(%arg22 : memref<80x128xf32, #tpu.memory_space<vmem>>)
    %add3A_237 = arith.constant 9840 : i32
    %add3A_238 = arith.addi %mul3A_2, %add3A_237 : i32
    %multiple_of3A_239 = tpu.assume_multiple %add3A_238, 8 : i32
    %dma_start3A_240 = arith.constant 0 : i32
    %dma_start3A_241 = tpu.memref_slice %arg6[%multiple_of3A_239, %dma_start3A_240] : memref<320000x128xf32, #tpu.memory_space<hbm>> -> memref<80x128xf32, #tpu.memory_space<hbm>>
    %dma_start3A_242 = arith.constant 0 : i32
    %dma_start3A_243 = tpu.memref_slice %arg6[%multiple_of3A_239, %dma_start3A_242] : memref<320000x128xf32, #tpu.memory_space<hbm>> -> memref<80x128xf32, #tpu.memory_space<hbm>>
    tpu.enqueue_dma source(%arg22 : memref<80x128xf32, #tpu.memory_space<vmem>>) target(%dma_start3A_243 : memref<80x128xf32, #tpu.memory_space<hbm>>) target_semaphore(%arg26 : memref<!tpu.dma_semaphore, #tpu.memory_space<semaphore_mem>>)
    %dma_wait3A_244 = arith.constant 0 : i32
    %dma_wait3A_245 = arith.constant 0 : i32
    %dma_wait3A_246 = tpu.memref_slice %arg27[%dma_wait3A_244, %dma_wait3A_245] : memref<10000x128xf32, #tpu.memory_space<vmem_shared>> -> memref<10000x128xf32, #tpu.memory_space<vmem_shared>>
    tpu.wait_indirect_dma semaphore(%arg7 : memref<!tpu.dma_semaphore, #tpu.memory_space<semaphore_mem>>) src(%dma_wait3A_246 : memref<10000x128xf32, #tpu.memory_space<vmem_shared>>) dst(%arg19 : memref<80x128xf32, #tpu.memory_space<vmem>>)
    %add3A_247 = arith.constant 9920 : i32
    %add3A_248 = arith.addi %mul3A_2, %add3A_247 : i32
    %multiple_of3A_249 = tpu.assume_multiple %add3A_248, 8 : i32
    %dma_start3A_250 = arith.constant 0 : i32
    %dma_start3A_251 = tpu.memref_slice %arg5[%multiple_of3A_249, %dma_start3A_250] : memref<320000x128xf32, #tpu.memory_space<hbm>> -> memref<80x128xf32, #tpu.memory_space<hbm>>
    %dma_start3A_252 = arith.constant 0 : i32
    %dma_start3A_253 = tpu.memref_slice %arg5[%multiple_of3A_249, %dma_start3A_252] : memref<320000x128xf32, #tpu.memory_space<hbm>> -> memref<80x128xf32, #tpu.memory_space<hbm>>
    tpu.enqueue_dma source(%arg19 : memref<80x128xf32, #tpu.memory_space<vmem>>) target(%dma_start3A_253 : memref<80x128xf32, #tpu.memory_space<hbm>>) target_semaphore(%arg23 : memref<!tpu.dma_semaphore, #tpu.memory_space<semaphore_mem>>)
    %dma_wait3A_254 = arith.constant 0 : i32
    %dma_wait3A_255 = arith.constant 0 : i32
    %dma_wait3A_256 = tpu.memref_slice %arg27[%dma_wait3A_254, %dma_wait3A_255] : memref<10000x128xf32, #tpu.memory_space<vmem_shared>> -> memref<10000x128xf32, #tpu.memory_space<vmem_shared>>
    tpu.wait_indirect_dma semaphore(%arg8 : memref<!tpu.dma_semaphore, #tpu.memory_space<semaphore_mem>>) src(%dma_wait3A_256 : memref<10000x128xf32, #tpu.memory_space<vmem_shared>>) dst(%arg20 : memref<80x128xf32, #tpu.memory_space<vmem>>)
    %add3A_257 = arith.constant 9920 : i32
    %add3A_258 = arith.addi %mul3A_2, %add3A_257 : i32
    %multiple_of3A_259 = tpu.assume_multiple %add3A_258, 8 : i32
    %dma_start3A_260 = arith.constant 0 : i32
    %dma_start3A_261 = tpu.memref_slice %arg6[%multiple_of3A_259, %dma_start3A_260] : memref<320000x128xf32, #tpu.memory_space<hbm>> -> memref<80x128xf32, #tpu.memory_space<hbm>>
    %dma_start3A_262 = arith.constant 0 : i32
    %dma_start3A_263 = tpu.memref_slice %arg6[%multiple_of3A_259, %dma_start3A_262] : memref<320000x128xf32, #tpu.memory_space<hbm>> -> memref<80x128xf32, #tpu.memory_space<hbm>>
    tpu.enqueue_dma source(%arg20 : memref<80x128xf32, #tpu.memory_space<vmem>>) target(%dma_start3A_263 : memref<80x128xf32, #tpu.memory_space<hbm>>) target_semaphore(%arg24 : memref<!tpu.dma_semaphore, #tpu.memory_space<semaphore_mem>>)
    %dma_wait3A_264 = arith.constant 0 : i32
    %dma_wait3A_265 = arith.constant 0 : i32
    %dma_wait3A_266 = tpu.memref_slice %arg5[%dma_wait3A_264, %dma_wait3A_265] : memref<320000x128xf32, #tpu.memory_space<hbm>> -> memref<80x128xf32, #tpu.memory_space<hbm>>
    %dma_wait3A_267 = arith.constant 0 : i32
    %dma_wait3A_268 = arith.constant 0 : i32
    %dma_wait3A_269 = tpu.memref_slice %arg5[%dma_wait3A_267, %dma_wait3A_268] : memref<320000x128xf32, #tpu.memory_space<hbm>> -> memref<80x128xf32, #tpu.memory_space<hbm>>
    tpu.wait_dma2 semaphore(%arg25 : memref<!tpu.dma_semaphore, #tpu.memory_space<semaphore_mem>>) src(%arg21 : memref<80x128xf32, #tpu.memory_space<vmem>>) dst(%dma_wait3A_269 : memref<80x128xf32, #tpu.memory_space<hbm>>)
    %dma_wait3A_270 = arith.constant 0 : i32
    %dma_wait3A_271 = arith.constant 0 : i32
    %dma_wait3A_272 = tpu.memref_slice %arg6[%dma_wait3A_270, %dma_wait3A_271] : memref<320000x128xf32, #tpu.memory_space<hbm>> -> memref<80x128xf32, #tpu.memory_space<hbm>>
    %dma_wait3A_273 = arith.constant 0 : i32
    %dma_wait3A_274 = arith.constant 0 : i32
    %dma_wait3A_275 = tpu.memref_slice %arg6[%dma_wait3A_273, %dma_wait3A_274] : memref<320000x128xf32, #tpu.memory_space<hbm>> -> memref<80x128xf32, #tpu.memory_space<hbm>>
    tpu.wait_dma2 semaphore(%arg26 : memref<!tpu.dma_semaphore, #tpu.memory_space<semaphore_mem>>) src(%arg22 : memref<80x128xf32, #tpu.memory_space<vmem>>) dst(%dma_wait3A_275 : memref<80x128xf32, #tpu.memory_space<hbm>>)
    %dma_wait3A_276 = arith.constant 0 : i32
    %dma_wait3A_277 = arith.constant 0 : i32
    %dma_wait3A_278 = tpu.memref_slice %arg5[%dma_wait3A_276, %dma_wait3A_277] : memref<320000x128xf32, #tpu.memory_space<hbm>> -> memref<80x128xf32, #tpu.memory_space<hbm>>
    %dma_wait3A_279 = arith.constant 0 : i32
    %dma_wait3A_280 = arith.constant 0 : i32
    %dma_wait3A_281 = tpu.memref_slice %arg5[%dma_wait3A_279, %dma_wait3A_280] : memref<320000x128xf32, #tpu.memory_space<hbm>> -> memref<80x128xf32, #tpu.memory_space<hbm>>
    tpu.wait_dma2 semaphore(%arg23 : memref<!tpu.dma_semaphore, #tpu.memory_space<semaphore_mem>>) src(%arg19 : memref<80x128xf32, #tpu.memory_space<vmem>>) dst(%dma_wait3A_281 : memref<80x128xf32, #tpu.memory_space<hbm>>)
    %dma_wait3A_282 = arith.constant 0 : i32
    %dma_wait3A_283 = arith.constant 0 : i32
    %dma_wait3A_284 = tpu.memref_slice %arg6[%dma_wait3A_282, %dma_wait3A_283] : memref<320000x128xf32, #tpu.memory_space<hbm>> -> memref<80x128xf32, #tpu.memory_space<hbm>>
    %dma_wait3A_285 = arith.constant 0 : i32
    %dma_wait3A_286 = arith.constant 0 : i32
    %dma_wait3A_287 = tpu.memref_slice %arg6[%dma_wait3A_285, %dma_wait3A_286] : memref<320000x128xf32, #tpu.memory_space<hbm>> -> memref<80x128xf32, #tpu.memory_space<hbm>>
    tpu.wait_dma2 semaphore(%arg24 : memref<!tpu.dma_semaphore, #tpu.memory_space<semaphore_mem>>) src(%arg20 : memref<80x128xf32, #tpu.memory_space<vmem>>) dst(%dma_wait3A_287 : memref<80x128xf32, #tpu.memory_space<hbm>>)
    return
  }
}

module attributes {stable_mosaic.version = 14 : i64} {
  func.func @body(%arg0: i32, %arg1: memref<1000x128xf32, #tpu.memory_space<vmem>>, %arg2: memref<1x1000x128xf32, #tpu.memory_space<vmem>>, %arg3: memref<1x1000x128xf32, #tpu.memory_space<vmem>>, %arg4: memref<2x1000x1xf32, #tpu.memory_space<vmem>>, %arg5: memref<128x128xf32, #tpu.memory_space<vmem>>, %arg6: memref<128x128xf32, #tpu.memory_space<vmem>>, %arg7: memref<1x128xf32, #tpu.memory_space<vmem>>, %arg8: memref<1000x128xf32, #tpu.memory_space<vmem>>) attributes {dimension_semantics = [#tpu.dimension_semantics<arbitrary>], iteration_bounds = array<i64: 10>, scalar_prefetch = 0 : i64, scratch_operands = 0 : i64, tpu.core_type = #tpu.core_type<tc>, window_params = [{transform_indices = @transform_0, window_bounds = array<i64: 1000, 128>}, {transform_indices = @transform_1, window_bounds = array<i64: 1, 1000, 128>}, {transform_indices = @transform_2, window_bounds = array<i64: 1, 1000, 128>}, {transform_indices = @transform_3, window_bounds = array<i64: 2, 1000, 1>}, {pipeline_mode = #tpu.pipeline_mode<synchronous>, transform_indices = @transform_4, window_bounds = array<i64: 128, 128>}, {pipeline_mode = #tpu.pipeline_mode<synchronous>, transform_indices = @transform_5, window_bounds = array<i64: 128, 128>}, {pipeline_mode = #tpu.pipeline_mode<synchronous>, transform_indices = @transform_6, window_bounds = array<i64: 1, 128>}, {transform_indices = @transform_7, window_bounds = array<i64: 1000, 128>}]} {
    %get3A = arith.constant 0 : index
    %get3A_0 = arith.constant 0 : index
    %get3A_1 = arith.constant 0 : index
    %get3A_2 = vector.load %arg4[%get3A, %get3A_0, %get3A_1] : memref<2x1000x1xf32, #tpu.memory_space<vmem>>, vector<1x1000x1xf32>
    %get3A_3 = vector.shape_cast %get3A_2 : vector<1x1000x1xf32> to vector<1000x1xf32>
    %get3A_4 = arith.constant 1 : index
    %get3A_5 = arith.constant 0 : index
    %get3A_6 = arith.constant 0 : index
    %get3A_7 = vector.load %arg4[%get3A_4, %get3A_5, %get3A_6] : memref<2x1000x1xf32, #tpu.memory_space<vmem>>, vector<1x1000x1xf32>
    %get3A_8 = vector.shape_cast %get3A_7 : vector<1x1000x1xf32> to vector<1000x1xf32>
    %add3A = arith.addf %get3A_3, %get3A_8 : vector<1000x1xf32>
    %max3A = arith.constant 1.000000e+00 : f32
    %max3A_9 = vector.broadcast %max3A : f32 to vector<1000x1xf32>
    %max3A_10 = arith.maximumf %add3A, %max3A_9 : vector<1000x1xf32>
    %div3A = arith.constant 1.000000e+00 : f32
    %div3A_11 = vector.broadcast %div3A : f32 to vector<1000x1xf32>
    %div3A_12 = arith.divf %div3A_11, %max3A_10 : vector<1000x1xf32>
    %get3A_13 = arith.constant 0 : index
    %get3A_14 = arith.constant 0 : index
    %get3A_15 = arith.constant 0 : index
    %get3A_16 = vector.load %arg2[%get3A_13, %get3A_14, %get3A_15] : memref<1x1000x128xf32, #tpu.memory_space<vmem>>, vector<1x1000x128xf32>
    %get3A_17 = vector.shape_cast %get3A_16 : vector<1x1000x128xf32> to vector<1000x128xf32>
    %get3A_18 = arith.constant 0 : index
    %get3A_19 = arith.constant 0 : index
    %get3A_20 = arith.constant 0 : index
    %get3A_21 = vector.load %arg3[%get3A_18, %get3A_19, %get3A_20] : memref<1x1000x128xf32, #tpu.memory_space<vmem>>, vector<1x1000x128xf32>
    %get3A_22 = vector.shape_cast %get3A_21 : vector<1x1000x128xf32> to vector<1000x128xf32>
    %add3A_23 = arith.addf %get3A_17, %get3A_22 : vector<1000x128xf32>
    %mul3A = vector.broadcast %div3A_12 : vector<1000x1xf32> to vector<1000x128xf32>
    %mul3A_24 = arith.mulf %add3A_23, %mul3A : vector<1000x128xf32>
    %get3A_25 = arith.constant 0 : index
    %get3A_26 = arith.constant 0 : index
    %get3A_27 = vector.load %arg1[%get3A_25, %get3A_26] : memref<1000x128xf32, #tpu.memory_space<vmem>>, vector<1000x128xf32>
    %get3A_28 = arith.constant 0 : index
    %get3A_29 = arith.constant 0 : index
    %get3A_30 = vector.load %arg5[%get3A_28, %get3A_29] : memref<128x128xf32, #tpu.memory_space<vmem>>, vector<128x128xf32>
    %dot_general3A = arith.constant dense<0.000000e+00> : vector<1000x128xf32>
    %dot_general3A_31 = tpu.matmul %get3A_27, %get3A_30, %dot_general3A {dimension_numbers = #tpu.dot_dimension_numbers<[1], [0], [0], [1], [0, 0, 1, 1], [], []>, transpose_lhs_hint = false} : vector<1000x128xf32>, vector<128x128xf32>, vector<1000x128xf32> -> vector<1000x128xf32>
    %get3A_32 = arith.constant 0 : index
    %get3A_33 = arith.constant 0 : index
    %get3A_34 = vector.load %arg6[%get3A_32, %get3A_33] : memref<128x128xf32, #tpu.memory_space<vmem>>, vector<128x128xf32>
    %dot_general3A_35 = arith.constant dense<0.000000e+00> : vector<1000x128xf32>
    %dot_general3A_36 = tpu.matmul %mul3A_24, %get3A_34, %dot_general3A_35 {dimension_numbers = #tpu.dot_dimension_numbers<[1], [0], [0], [1], [0, 0, 1, 1], [], []>, transpose_lhs_hint = false} : vector<1000x128xf32>, vector<128x128xf32>, vector<1000x128xf32> -> vector<1000x128xf32>
    %add3A_37 = arith.addf %dot_general3A_31, %dot_general3A_36 : vector<1000x128xf32>
    %get3A_38 = arith.constant 0 : index
    %get3A_39 = arith.constant 0 : index
    %get3A_40 = vector.load %arg7[%get3A_38, %get3A_39] : memref<1x128xf32, #tpu.memory_space<vmem>>, vector<1x128xf32>
    %add3A_41 = vector.broadcast %get3A_40 : vector<1x128xf32> to vector<1000x128xf32>
    %add3A_42 = arith.addf %add3A_37, %add3A_41 : vector<1000x128xf32>
    %swap3A = arith.constant 0 : index
    %swap3A_43 = arith.constant 0 : index
    %swap3A_44 = vector.load %arg8[%swap3A, %swap3A_43] : memref<1000x128xf32, #tpu.memory_space<vmem>>, vector<1000x128xf32>
    tpu.vector_store %arg8[%swap3A, %swap3A_43], %add3A_42 {strides = array<i32>} : memref<1000x128xf32, #tpu.memory_space<vmem>>, vector<1000x128xf32>,
    return
  }
  func.func @transform_0(%arg0: i32) -> (i32, i32) {
    %c0_i32 = arith.constant 0 : i32
    %c0_i32_0 = arith.constant 0 : i32
    return %arg0, %c0_i32 : i32, i32
  }
  func.func @transform_1(%arg0: i32) -> (i32, i32, i32) {
    %c0_i32 = arith.constant 0 : i32
    %c0_i32_0 = arith.constant 0 : i32
    %c0_i32_1 = arith.constant 0 : i32
    return %c0_i32, %arg0, %c0_i32_0 : i32, i32, i32
  }
  func.func @transform_2(%arg0: i32) -> (i32, i32, i32) {
    %c1_i32 = arith.constant 1 : i32
    %c0_i32 = arith.constant 0 : i32
    %c0_i32_0 = arith.constant 0 : i32
    return %c1_i32, %arg0, %c0_i32 : i32, i32, i32
  }
  func.func @transform_3(%arg0: i32) -> (i32, i32, i32) {
    %c0_i32 = arith.constant 0 : i32
    %c0_i32_0 = arith.constant 0 : i32
    %c0_i32_1 = arith.constant 0 : i32
    return %c0_i32, %arg0, %c0_i32_0 : i32, i32, i32
  }
  func.func @transform_4(%arg0: i32) -> (i32, i32) {
    %c0_i32 = arith.constant 0 : i32
    %c0_i32_0 = arith.constant 0 : i32
    %c0_i32_1 = arith.constant 0 : i32
    return %c0_i32, %c0_i32_0 : i32, i32
  }
  func.func @transform_5(%arg0: i32) -> (i32, i32) {
    %c0_i32 = arith.constant 0 : i32
    %c0_i32_0 = arith.constant 0 : i32
    %c0_i32_1 = arith.constant 0 : i32
    return %c0_i32, %c0_i32_0 : i32, i32
  }
  func.func @transform_6(%arg0: i32) -> (i32, i32) {
    %c0_i32 = arith.constant 0 : i32
    %c0_i32_0 = arith.constant 0 : i32
    %c0_i32_1 = arith.constant 0 : i32
    return %c0_i32, %c0_i32_0 : i32, i32
  }
  func.func @transform_7(%arg0: i32) -> (i32, i32) {
    %c0_i32 = arith.constant 0 : i32
    %c0_i32_0 = arith.constant 0 : i32
    return %arg0, %c0_i32 : i32, i32
  }
}

module attributes {stable_mosaic.version = 14 : i64} {
  func.func @body(%arg0: i32, %arg1: memref<1000x128xf32, #tpu.memory_space<vmem>>, %arg2: memref<1x1000x128xf32, #tpu.memory_space<vmem>>, %arg3: memref<1x1000x128xf32, #tpu.memory_space<vmem>>, %arg4: memref<2x1000x1xf32, #tpu.memory_space<vmem>>, %arg5: memref<128x128xf32, #tpu.memory_space<vmem>>, %arg6: memref<128x128xf32, #tpu.memory_space<vmem>>, %arg7: memref<1x128xf32, #tpu.memory_space<vmem>>, %arg8: memref<1000x128xf32, #tpu.memory_space<vmem>>) attributes {dimension_semantics = [#tpu.dimension_semantics<arbitrary>], iteration_bounds = array<i64: 10>, scalar_prefetch = 0 : i64, scratch_operands = 0 : i64, tpu.core_type = #tpu.core_type<tc>, window_params = [{transform_indices = @transform_0, window_bounds = array<i64: 1000, 128>}, {transform_indices = @transform_1, window_bounds = array<i64: 1, 1000, 128>}, {transform_indices = @transform_2, window_bounds = array<i64: 1, 1000, 128>}, {transform_indices = @transform_3, window_bounds = array<i64: 2, 1000, 1>}, {pipeline_mode = #tpu.pipeline_mode<synchronous>, transform_indices = @transform_4, window_bounds = array<i64: 128, 128>}, {pipeline_mode = #tpu.pipeline_mode<synchronous>, transform_indices = @transform_5, window_bounds = array<i64: 128, 128>}, {pipeline_mode = #tpu.pipeline_mode<synchronous>, transform_indices = @transform_6, window_bounds = array<i64: 1, 128>}, {transform_indices = @transform_7, window_bounds = array<i64: 1000, 128>}]} {
    %get3A = arith.constant 0 : index
    %get3A_0 = arith.constant 0 : index
    %get3A_1 = arith.constant 0 : index
    %get3A_2 = vector.load %arg4[%get3A, %get3A_0, %get3A_1] : memref<2x1000x1xf32, #tpu.memory_space<vmem>>, vector<1x1000x1xf32>
    %get3A_3 = vector.shape_cast %get3A_2 : vector<1x1000x1xf32> to vector<1000x1xf32>
    %get3A_4 = arith.constant 1 : index
    %get3A_5 = arith.constant 0 : index
    %get3A_6 = arith.constant 0 : index
    %get3A_7 = vector.load %arg4[%get3A_4, %get3A_5, %get3A_6] : memref<2x1000x1xf32, #tpu.memory_space<vmem>>, vector<1x1000x1xf32>
    %get3A_8 = vector.shape_cast %get3A_7 : vector<1x1000x1xf32> to vector<1000x1xf32>
    %add3A = arith.addf %get3A_3, %get3A_8 : vector<1000x1xf32>
    %max3A = arith.constant 1.000000e+00 : f32
    %max3A_9 = vector.broadcast %max3A : f32 to vector<1000x1xf32>
    %max3A_10 = arith.maximumf %add3A, %max3A_9 : vector<1000x1xf32>
    %div3A = arith.constant 1.000000e+00 : f32
    %div3A_11 = vector.broadcast %div3A : f32 to vector<1000x1xf32>
    %div3A_12 = arith.divf %div3A_11, %max3A_10 : vector<1000x1xf32>
    %get3A_13 = arith.constant 0 : index
    %get3A_14 = arith.constant 0 : index
    %get3A_15 = arith.constant 0 : index
    %get3A_16 = vector.load %arg2[%get3A_13, %get3A_14, %get3A_15] : memref<1x1000x128xf32, #tpu.memory_space<vmem>>, vector<1x1000x128xf32>
    %get3A_17 = vector.shape_cast %get3A_16 : vector<1x1000x128xf32> to vector<1000x128xf32>
    %get3A_18 = arith.constant 0 : index
    %get3A_19 = arith.constant 0 : index
    %get3A_20 = arith.constant 0 : index
    %get3A_21 = vector.load %arg3[%get3A_18, %get3A_19, %get3A_20] : memref<1x1000x128xf32, #tpu.memory_space<vmem>>, vector<1x1000x128xf32>
    %get3A_22 = vector.shape_cast %get3A_21 : vector<1x1000x128xf32> to vector<1000x128xf32>
    %add3A_23 = arith.addf %get3A_17, %get3A_22 : vector<1000x128xf32>
    %mul3A = vector.broadcast %div3A_12 : vector<1000x1xf32> to vector<1000x128xf32>
    %mul3A_24 = arith.mulf %add3A_23, %mul3A : vector<1000x128xf32>
    %get3A_25 = arith.constant 0 : index
    %get3A_26 = arith.constant 0 : index
    %get3A_27 = vector.load %arg1[%get3A_25, %get3A_26] : memref<1000x128xf32, #tpu.memory_space<vmem>>, vector<1000x128xf32>
    %get3A_28 = arith.constant 0 : index
    %get3A_29 = arith.constant 0 : index
    %get3A_30 = vector.load %arg5[%get3A_28, %get3A_29] : memref<128x128xf32, #tpu.memory_space<vmem>>, vector<128x128xf32>
    %dot_general3A = arith.constant dense<0.000000e+00> : vector<1000x128xf32>
    %dot_general3A_31 = tpu.matmul %get3A_27, %get3A_30, %dot_general3A {dimension_numbers = #tpu.dot_dimension_numbers<[1], [0], [0], [1], [0, 0, 1, 1], [], []>, transpose_lhs_hint = false} : vector<1000x128xf32>, vector<128x128xf32>, vector<1000x128xf32> -> vector<1000x128xf32>
    %get3A_32 = arith.constant 0 : index
    %get3A_33 = arith.constant 0 : index
    %get3A_34 = vector.load %arg6[%get3A_32, %get3A_33] : memref<128x128xf32, #tpu.memory_space<vmem>>, vector<128x128xf32>
    %dot_general3A_35 = arith.constant dense<0.000000e+00> : vector<1000x128xf32>
    %dot_general3A_36 = tpu.matmul %mul3A_24, %get3A_34, %dot_general3A_35 {dimension_numbers = #tpu.dot_dimension_numbers<[1], [0], [0], [1], [0, 0, 1, 1], [], []>, transpose_lhs_hint = false} : vector<1000x128xf32>, vector<128x128xf32>, vector<1000x128xf32> -> vector<1000x128xf32>
    %add3A_37 = arith.addf %dot_general3A_31, %dot_general3A_36 : vector<1000x128xf32>
    %get3A_38 = arith.constant 0 : index
    %get3A_39 = arith.constant 0 : index
    %get3A_40 = vector.load %arg7[%get3A_38, %get3A_39] : memref<1x128xf32, #tpu.memory_space<vmem>>, vector<1x128xf32>
    %add3A_41 = vector.broadcast %get3A_40 : vector<1x128xf32> to vector<1000x128xf32>
    %add3A_42 = arith.addf %add3A_37, %add3A_41 : vector<1000x128xf32>
    %max3A_43 = arith.constant 0.000000e+00 : f32
    %max3A_44 = vector.broadcast %max3A_43 : f32 to vector<1000x128xf32>
    %max3A_45 = arith.maximumf %add3A_42, %max3A_44 : vector<1000x128xf32>
    %swap3A = arith.constant 0 : index
    %swap3A_46 = arith.constant 0 : index
    %swap3A_47 = vector.load %arg8[%swap3A, %swap3A_46] : memref<1000x128xf32, #tpu.memory_space<vmem>>, vector<1000x128xf32>
    tpu.vector_store %arg8[%swap3A, %swap3A_46], %max3A_45 {strides = array<i32>} : memref<1000x128xf32, #tpu.memory_space<vmem>>, vector<1000x128xf32>,
    return
  }
  func.func @transform_0(%arg0: i32) -> (i32, i32) {
    %c0_i32 = arith.constant 0 : i32
    %c0_i32_0 = arith.constant 0 : i32
    return %arg0, %c0_i32 : i32, i32
  }
  func.func @transform_1(%arg0: i32) -> (i32, i32, i32) {
    %c0_i32 = arith.constant 0 : i32
    %c0_i32_0 = arith.constant 0 : i32
    %c0_i32_1 = arith.constant 0 : i32
    return %c0_i32, %arg0, %c0_i32_0 : i32, i32, i32
  }
  func.func @transform_2(%arg0: i32) -> (i32, i32, i32) {
    %c1_i32 = arith.constant 1 : i32
    %c0_i32 = arith.constant 0 : i32
    %c0_i32_0 = arith.constant 0 : i32
    return %c1_i32, %arg0, %c0_i32 : i32, i32, i32
  }
  func.func @transform_3(%arg0: i32) -> (i32, i32, i32) {
    %c0_i32 = arith.constant 0 : i32
    %c0_i32_0 = arith.constant 0 : i32
    %c0_i32_1 = arith.constant 0 : i32
    return %c0_i32, %arg0, %c0_i32_0 : i32, i32, i32
  }
  func.func @transform_4(%arg0: i32) -> (i32, i32) {
    %c0_i32 = arith.constant 0 : i32
    %c0_i32_0 = arith.constant 0 : i32
    %c0_i32_1 = arith.constant 0 : i32
    return %c0_i32, %c0_i32_0 : i32, i32
  }
  func.func @transform_5(%arg0: i32) -> (i32, i32) {
    %c0_i32 = arith.constant 0 : i32
    %c0_i32_0 = arith.constant 0 : i32
    %c0_i32_1 = arith.constant 0 : i32
    return %c0_i32, %c0_i32_0 : i32, i32
  }
  func.func @transform_6(%arg0: i32) -> (i32, i32) {
    %c0_i32 = arith.constant 0 : i32
    %c0_i32_0 = arith.constant 0 : i32
    %c0_i32_1 = arith.constant 0 : i32
    return %c0_i32, %c0_i32_0 : i32, i32
  }
  func.func @transform_7(%arg0: i32) -> (i32, i32) {
    %c0_i32 = arith.constant 0 : i32
    %c0_i32_0 = arith.constant 0 : i32
    return %arg0, %c0_i32 : i32, i32
  }
}

</mosaic_0001>

<sc_bundles>
// kernel: kernel.10.cloned.1.call-start
scs
__scs_entry_jumppad:
0x0: {  	(pc) =	sbr.rel $0x88, $3  }
0x1: {  	(tag) =	ssettag $0x0;
	lr =	simm.s32 $0x1  }
0x2: {  	[smem:$0x3F99] =	sst lr;
	_ =	strace $0xD0000000  }
0x3: {  	_ = 	snop  }
0x4: {  	_ = 	snop  }
0x5: {  	_ = 	snop  }
0x6: {  	_ = 	snop  }
0x7: {  	_ = 	snop  }
__scs_overlays_trampoline_lowered:
0x8: {  	[smem:$0x3FA8] =	sst s0  }
0x9: {  	[smem:$0x3FA9] =	sst s1  }
0xa: {  	[smem:$0x3FAA] =	sst s2  }
0xb: {  	[smem:$0x3FAB] =	sst s3  }
0xc: {  	[smem:$0x3FAC] =	sst s4  }
0xd: {  	[smem:$0x3FAD] =	sst s5  }
0xe: {  	[smem:$0x3FAE] =	sst s6  }
0xf: {  	[smem:$0x3FAF] =	sst s7  }
0x10: {  	[smem:$0x3FB0] =	sst s8  }
0x11: {  	[smem:$0x3FB1] =	sst s9;
	s0 =	simm.s32 @!p0 $0x0  }
0x12: {  	s1 =	sld [smem:$0x3F97];
	s0 =	simm.s32 @p0 $0x1  }
0x13: {  	[smem:$0x3FB2] =	sst s0;
	s0 =	simm.s32 @!p1 $0x0  }
0x14: {  	s2 =	sld [smem:$0x3F96];
	s0 =	simm.s32 @p1 $0x1  }
0x15: {  	[smem:$0x3FB3] =	sst s0;
	s0 =	simm.s32 @!p2 $0x0  }
0x16: {  	s3 =	sld [smem:$0x3FDB];
	s0 =	simm.s32 @p2 $0x1  }
0x17: {  	s4 =	simm.s32 $0x1BF5;
	[smem:$0x3FB5] =	sst s0  }
0x18: {  	s0 =	sld [smem:$0x3F98];
	_ =	swait.ge [sflag:s4], $0x0  }
0x19: {  	s7 =	sld [smem:$0x3F99]  }
0x1a: {  	s8 =	sadd.s32 $0xFFFFE003, lr  }
0x1b: {  	s9 =	sadd.s32 $0xFFFFFEF7, lr;
	s5 =	simm.s32 $0xFFFFFFFF;
	p2 =	slt.u32 s8, $0xFFFFF086  }
0x1c: {  	p1 =	slt.u32 s9, $0xF7A;
	s5 =	simm.s32 @!p2 $0x0  }
0x1d: {  	s5 =	simm.s32 @p1 $0x1;
	p0 =	seq.s32 s7, s2  }
0x1e: {  	s7 =	smul.u32 @!p0 $0xF7A, s2;
	p2 =	seq.s32 @!p0 s5, $0x0  }
0x1f: {  	s9 =	smul.u32 $0xF7A, s1;
	s8 =	simm.s32 @!p0 $0x1BF5;
	p2 =	por !p2, p0  }
0x20: {  	[sflag:s8] =	ssyncset.s32 @!p0 $0xFFFFF086;
	s6 =	sadd.s32 @!p0 s3, s7;
	s7 =	simm.s32 @!p0 $0x108  }
0x21: {  	s3 =	sadd.s32 s3, s9;
	s6 =	sadd.s32 @!p0 $0x88, s6;
	s7 =	simm.s32 @p2 $0x1082  }
0x22: {  	[simem:s7], [sflag:s8] =	dma.local @!p0 [hbm:s6], $0xF7A  }
0x23: {  	s9 =	sor.u32 $0xD0000000, s2;
	s6 =	simm.s32 $0x108;
	_ =	swait.ge @!p0 [sflag:s8], $0x0  }
0x24: {  	s3 =	sadd.s32 $0x88, s3;
	s6 =	simm.s32 @!p1 $0x1082;
	[sflag:s4] =	ssyncset.s32 $0xFFFFF086  }
0x25: {  	[simem:s6], [sflag:s4] =	dma.local [hbm:s3], $0xF7A  }
0x26: {  	[smem:$0x3F99] =	sst s1;
	(tag) =	ssettag s2;
	_ =	strace s9  }
0x27: {  	s1 =	sld [smem:$0x3FA9]  }
0x28: {  	s2 =	sld [smem:$0x3FAA]  }
0x29: {  	s4 =	sld [smem:$0x3FAC]  }
0x2a: {  	p0 =	seq.s32 s5, $0x0;
	s5 =	sld [smem:$0x3FAD]  }
0x2b: {  	s6 =	sld [smem:$0x3FAE]  }
0x2c: {  	s7 =	sld [smem:$0x3FAF]  }
0x2d: {  	s3 =	simm.s32 $0x108;
	s8 =	sld [smem:$0x3FB0]  }
0x2e: {  	s3 =	simm.s32 @!p0 $0x1082;
	s9 =	sld [smem:$0x3FB1]  }
0x2f: {  	lr =	sadd.s32 s0, s3;
	s0 =	sld [smem:$0x3FA8]  }
0x30: {  	s3 =	sld [smem:$0x3FAB]  }
0x31: {  	[smem:$0x3FB4] =	sst s10  }
0x32: {  	s10 =	sld [smem:$0x3FB2];
	_ =	sdelay $0x3  }
0x33: {  	p0 =	seq.s32 s10, $0x1;
	s10 =	sld [smem:$0x3FB4];
	_ =	sdelay $0x3  }
0x34: {  	[smem:$0x3FB4] =	sst s10  }
0x35: {  	s10 =	sld [smem:$0x3FB3];
	_ =	sdelay $0x3  }
0x36: {  	p1 =	seq.s32 s10, $0x1;
	s10 =	sld [smem:$0x3FB4];
	_ =	sdelay $0x3  }
0x37: {  	[smem:$0x3FB4] =	sst s10  }
0x38: {  	s10 =	sld [smem:$0x3FB5]  }
0x39: {  	_ = 	snop;
	(pc) =	sbr.ind lr, $3  }
0x3a: {  	_ = 	snop  }
0x3b: {  	_ = 	snop  }
0x3c: {  	p2 =	seq.s32 s10, $0x1;
	s10 =	sld [smem:$0x3FB4]  }
0x3d: {  	_ =	shalt  }
0x3e: {  	_ =	shalt  }
0x3f: {  	_ =	shalt  }
0x40: {  	_ =	shalt  }
0x41: {  	_ =	shalt  }
0x42: {  	_ =	shalt  }
0x43: {  	_ =	shalt  }
0x44: {  	_ =	shalt  }
0x45: {  	_ =	shalt  }
0x46: {  	_ =	shalt  }
0x47: {  	_ =	shalt  }
0x48: {  	_ =	shalt  }
0x49: {  	_ =	shalt  }
0x4a: {  	_ =	shalt  }
0x4b: {  	_ =	shalt  }
0x4c: {  	_ =	shalt  }
0x4d: {  	_ =	shalt  }
0x4e: {  	_ =	shalt  }
0x4f: {  	_ =	shalt  }
0x50: {  	_ =	shalt  }
0x51: {  	_ =	shalt  }
0x52: {  	_ =	shalt  }
0x53: {  	_ =	shalt  }
0x54: {  	_ =	shalt  }
0x55: {  	_ =	shalt  }
0x56: {  	_ =	shalt  }
0x57: {  	_ =	shalt  }
0x58: {  	_ =	shalt  }
0x59: {  	_ =	shalt  }
0x5a: {  	_ =	shalt  }
0x5b: {  	_ =	shalt  }
0x5c: {  	_ =	shalt  }
0x5d: {  	_ =	shalt  }
0x5e: {  	_ =	shalt  }
0x5f: {  	_ =	shalt  }
0x60: {  	_ =	shalt  }
0x61: {  	_ =	shalt  }
0x62: {  	_ =	shalt  }
0x63: {  	_ =	shalt  }
0x64: {  	_ =	shalt  }
0x65: {  	_ =	shalt  }
0x66: {  	_ =	shalt  }
0x67: {  	_ =	shalt  }
0x68: {  	_ =	shalt  }
0x69: {  	_ =	shalt  }
0x6a: {  	_ =	shalt  }
0x6b: {  	_ =	shalt  }
0x6c: {  	_ =	shalt  }
0x6d: {  	_ =	shalt  }
0x6e: {  	_ =	shalt  }
0x6f: {  	_ =	shalt  }
0x70: {  	_ =	shalt  }
0x71: {  	_ =	shalt  }
0x72: {  	_ =	shalt  }
0x73: {  	_ =	shalt  }
0x74: {  	_ =	shalt  }
0x75: {  	_ =	shalt  }
0x76: {  	_ =	shalt  }
0x77: {  	_ =	shalt  }
0x78: {  	_ =	shalt  }
0x79: {  	_ =	shalt  }
0x7a: {  	_ =	shalt  }
0x7b: {  	_ =	shalt  }
0x7c: {  	_ =	shalt  }
0x7d: {  	_ =	shalt  }
0x7e: {  	_ =	shalt  }
0x7f: {  	_ =	shalt  }
0x80: {  	_ =	shalt  }
0x81: {  	_ =	shalt  }
0x82: {  	_ =	shalt  }
0x83: {  	_ =	shalt  }
0x84: {  	_ =	shalt  }
0x85: {  	_ =	shalt  }
0x86: {  	_ =	shalt  }
0x87: {  	_ =	shalt  }
.Lfunc_end0:
.L_simem_size_0:
called_computation.1_lowered:
.L_overlay_start_0:
0x88: {  	s2 =	sld [smem:$0x3FD9]  }
0x89: {  	s3 =	sld [smem:$0x3FFE];
	_ =	sdelay $0x1  }
0x8a: {  	s1 =	srdreg.scid  }
0x8b: {  	s0 =	sand.u32 $0x1, s1  }
0x8c: {  	s14 =	sshll.u32 s0, $0xA;
	s2 =	sadd.s32 s3, s2  }
0x8d: {  	s2 =	sadd.s32 s2, s14  }
0x8e: {  	[smem:$0x3FC0] =	sst s2  }
0x8f: {  	_ = 	snop  }
0x90: {  	s2 =	sld [smem:$0x3FD0];
	_ =	sdelay $0x2  }
0x91: {  	s15 =	simm.s32 $0xA;
	s4 =	simm.s32 $0x10  }
0x92: {  	[smem:s4], [sflag:s15] =	dma.local [hbm:s2], $0x1  }
0x93: {  	_ =	swait.eq [sflag:s15], $0x1  }
0x94: {  	[sflag:s15] =	ssyncset.done $0x0  }
0x95: {  	[sflag:s15] =	ssyncadd.s32 $0xFFFFFFFF  }
0x96: {  	s16 =	sld [smem:$0x10];
	(tm) =	ssettm $0x1  }
0x97: {  	s17 =	sld [smem:$0x3FFB];
	_ =	sdelay $0x3  }
0x98: {  	_ =	strace s17  }
0x99: {  	s3 =	sld [smem:$0x3FFC];
	_ =	sdelay $0x3  }
0x9a: {  	_ =	strace s3  }
0x9b: {  	s3 =	sld [smem:$0x3FFD];
	_ =	sdelay $0x3  }
0x9c: {  	_ =	strace s3  }
0x9d: {  	_ =	strace $0x8FFFFFFF  }
0x9e: {  	s18 =	sld [smem:$0x3FDB];
	_ =	sdelay $0x1  }
0x9f: {  	s19 =	simm.s32 $_scs_section_size  }
0xa0: {  	s5 =	simm.s32 $_size__tile_overlayer_lowered;
	s6 =	simm.s32 $_tile_overlayer_lowered  }
0xa1: {  	s22 =	simm.s32 $0x1BFF;
	s21 =	sshll.u32 s6, $0x1;
	s3 =	sadd.s32 s19, s18  }
0xa2: {  	s7 =	simm.s32 $0x0;
	s20 =	sshll.u32 s5, $0x1;
	s5 =	sadd.s32 s21, s3  }
0xa3: {  	[timem:s7], [sflag:s22] =	dma.local [hbm:s5], s20  }
0xa4: {  	_ =	swait.ge [sflag:s22], s20  }
0xa5: {  	s4 =	ssub.s32 $0x0, s20;
	[sflag:s22] =	ssyncset.done $0x0  }
0xa6: {  	[sflag:s22] =	ssyncadd.s32 s4;
	_ =	sdelay $0x1  }
0xa7: {  	s23 =	simm.s32 $0x1B8B  }
0xa8: {  	_ =	swait.ge [sflag:s23], $0x1  }
0xa9: {  	[sflag:s23] =	ssyncset.done $0x0  }
0xaa: {  	s25 =	simm.s32 $0x1B8E;
	s24 =	sld [smem:$0x3FFE];
	[sflag:s23] =	ssyncadd.s32 $0xFFFFFFFF  }
0xab: {  	s26 =	simm.s32 $execute0_lowered;
	[smem:$0x3FD2] =	sst s25  }
0xac: {  	s5 =	sshll.u32 s26, $0x1;
	_ =	strace $0x80000049;
	[dreg:$0x1] =	wrdreg $0xFFFFFFFF  }
0xad: {  	s28 =	simm.s32 $_size_execute0_lowered;
	s3 =	sadd.s32 s3, s5;
	[dreg:$0x0] =	wrdreg $0x0  }
0xae: {  	s5 =	sshll.u32 s28, $0x1;
	[dreg:$0x2] =	wrdreg s3  }
0xaf: {  	[dreg:$0x3] =	wrdreg s5  }
0xb0: {  	[dreg:$0x4] =	wrdreg $0xC0  }
0xb1: {  	_ =	task [dreg:s7], $0x5FFFF  }
0xb2: {  	[dreg:$0x1] =	wrdreg $0xFFFFFFFF  }
0xb3: {  	[dreg:$0x0] =	wrdreg $0x60  }
0xb4: {  	[dreg:$0x2] =	wrdreg s24  }
0xb5: {  	[dreg:$0x3] =	wrdreg s16  }
0xb6: {  	[dreg:$0x4] =	wrdreg $0x0  }
0xb7: {  	[dreg:$0x5] =	wrdreg $0x9  }
0xb8: {  	_ =	task.clear_ibuf [dreg:s7], $0x6FFFF;
	_ =	strace $0x90000049  }
0xb9: {  	s29 =	simm.s32 $0x9;
	_ =	strace $0x8000004B  }
0xba: {  	_ =	swait.ge [sflag:s29], $0x1  }
0xbb: {  	[sflag:s29] =	ssyncadd.s32 $0xFFFFFFFF  }
0xbc: {  	_ =	strace $0x9000004B  }
0xbd: {  	_ =	sfence  }
0xbe: {  	s30 =	sld [smem:$0x0];
	_ =	sdelay $0x2  }
0xbf: {  	s31 =	sshll.u32 s1, $0xD;
	s1 =	sshrl.u32 s1, $0x2  }
0xc0: {  	s3 =	sand.u32 $0x4000, s31;
	s1 =	sadd.s32 s1, s30  }
0xc1: {  	s0 =	sor.u32 s3, s0;
	s1 =	sshll.u32 s1, $0x11  }
0xc2: {  	s0 =	sor.u32 s1, s0  }
0xc3: {  	s0 =	sadd.s32 $0x8F2B, s0  }
0xc4: {  	[sflag:s0] =	ssyncadd.remote.s32 $0x1  }
0xc5: {  	_ =	sfence.sel $0xFFFF  }
0xc6: {  	[dreg:$0x0] =	wrdreg $0xFFFFFFFF;
	(pc) =	sbr.abs _section_cstart, $3  }
0xc7: {  	[dreg:$0x1] =	wrdreg $0xFFFFFFFF  }
0xc8: {  	_ =	task.clear_ibuf [dreg:s7], $0x2FFFF;
	_ =	strace $0x9FFFFFFF  }
0xc9: {  	(tm) =	ssettm $0x7FFFFFFF  }
tec
execute0_lowered:
.L_overlay_start_1:
0x0: {  	(tag) =	ssettag $0x1  }
0x1: {  	s0 =	rddreg [dreg:$0x0]  }
0x2: {  	s6 =	rddreg [dreg:$0x1]  }
0x3: {  	s13 =	rddreg [dreg:$0x2];
	s16 =	stileid.u32  }
0x4: {  	s2 =	simm.s32 $0x0;
	s1 =	srdreg.scid;
	s7 =	smul.u32 $0x2800, s16  }
0x5: {  	[smem:$0x7FF] =	sst s2;
	s29 =	smul.u32 $0x50000, s16  }
0x6: {  	s8 =	sand.u32 $0x1, s1;
	s4 =	sadd.s32 $0x3EA00, s0;
	s9 =	smul.u32 $0x2710, s16  }
0x7: {  	s15 =	sadd.s32 $0xC600, s0;
	s3 =	sadd.s32 $0x2800, s0;
	s5 =	smul.u32 $0x27100, s8  }
0x8: {  	_ =	strace $0x8000004A;
	s11 =	ssub.s32 $0x2, s8;
	s8 =	smul.u32 $0x28000, s8  }
0x9: {  	[dreg:$0x12] =	wrdreg s15;
	s10 =	sadd.s32 s7, s0;
	s14 =	sshrl.u32 s29, $0x2  }
0xa: {  	s12 =	sshrl.u32 s11, $0x1;
	s0 =	sadd.s32 s9, s5;
	s30 =	sadd.s32 s14, s13  }
0xb: {  	s1 =	ssub.s32 s11, s12;
	s31 =	sadd.s32 $0x16A00, s10;
	[dreg:$0x14] =	wrdreg s30  }
0xc: {  	s11 =	smov.u32 s3;
	s7 =	sadd.s32 s7, s8;
	[dreg:$0x15] =	wrdreg s31  }
0xd: {  	s10 =	sshll.u32 s16, $0x6;
	s6 =	sadd.s32 s6, s7;
	[dreg:$0x13] =	wrdreg s11  }
0xe: {  	s5 =	sshrl.u32 s0, $0x3;
	s1 =	smax.u32 s1, $0x1;
	[dreg:$0x1f] =	wrdreg s6  }
0xf: {  	s18 =	sor.u32 $0x1C0D, s10;
	s12 =	sadd.s32 $0x8, s5;
	[smem:$0x7FC] =	sst s1  }
0x10: {  	[dreg:$0x16] =	wrdreg s18;
	s13 =	sadd.s32 s15, s12  }
0x11: {  	s14 =	sadd.s32 $0x10, s5;
	s10 =	sadd.s32 s3, s12;
	[dreg:$0x17] =	wrdreg s13  }
0x12: {  	s16 =	sadd.s32 s15, s14;
	[dreg:$0x18] =	wrdreg s10  }
0x13: {  	s17 =	sadd.s32 $0x18, s5;
	s9 =	sadd.s32 s3, s14;
	[dreg:$0x19] =	wrdreg s16  }
0x14: {  	s22 =	sadd.s32 $0x340, s0;
	s19 =	sadd.s32 s15, s17;
	[dreg:$0x1a] =	wrdreg s9  }
0x15: {  	s21 =	sadd.s32 $0x20, s5;
	s20 =	sadd.s32 s3, s17;
	[dreg:$0x1b] =	wrdreg s19  }
0x16: {  	s24 =	sshrl.u32 s22, $0x3;
	s23 =	sadd.s32 s15, s21;
	[dreg:$0x1c] =	wrdreg s20  }
0x17: {  	s26 =	sadd.s32 $0x300, s0;
	s25 =	sadd.s32 s24, s3;
	[dreg:$0x1d] =	wrdreg s23  }
0x18: {  	s29 =	sshrl.u32 s26, $0x3;
	s28 =	sadd.s32 s24, s15;
	[dreg:$0x4] =	wrdreg s25  }
0x19: {  	s31 =	sadd.s32 $0x2C0, s0;
	s30 =	sadd.s32 s29, s3;
	[dreg:$0x5] =	wrdreg s28  }
0x1a: {  	s12 =	sadd.s32 s29, s15;
	s29 =	sadd.s32 $0x28, s5;
	[dreg:$0x6] =	wrdreg s30  }
0x1b: {  	s9 =	sadd.s32 s3, s21;
	s13 =	sshrl.u32 s31, $0x3;
	[dreg:$0x7] =	wrdreg s12  }
0x1c: {  	s16 =	sadd.s32 $0x280, s0;
	s8 =	sadd.s32 s15, s29;
	[dreg:$0x1e] =	wrdreg s9  }
0x1d: {  	s21 =	sadd.s32 $0x240, s0;
	s12 =	sadd.s32 s3, s29;
	[smem:$0x7EA] =	sst s8  }
0x1e: {  	s25 =	sadd.s32 $0x1C0, s0;
	s29 =	sadd.s32 s15, s5;
	[smem:$0x7EB] =	sst s12  }
0x1f: {  	s31 =	sadd.s32 $0x180, s0;
	s0 =	sadd.s32 $0x200, s0;
	[smem:$0x7F8] =	sst s29  }
0x20: {  	s14 =	sadd.s32 s13, s3;
	[smem:$0x7FD] =	sst s0  }
0x21: {  	s17 =	sadd.s32 s13, s15;
	s19 =	sshrl.u32 s16, $0x3;
	[dreg:$0x8] =	wrdreg s14  }
0x22: {  	[dreg:$0x9] =	wrdreg s17;
	s20 =	sadd.s32 s19, s3  }
0x23: {  	s23 =	sshrl.u32 s21, $0x3;
	s22 =	sadd.s32 s19, s15;
	[dreg:$0xa] =	wrdreg s20  }
0x24: {  	s24 =	sadd.s32 s23, s3;
	[dreg:$0xb] =	wrdreg s22  }
0x25: {  	s28 =	sshrl.u32 s25, $0x3;
	s26 =	sadd.s32 s23, s15;
	[dreg:$0xc] =	wrdreg s24  }
0x26: {  	s30 =	sadd.s32 s28, s3;
	[dreg:$0xd] =	wrdreg s26  }
0x27: {  	s6 =	sshrl.u32 s31, $0x3;
	s9 =	sadd.s32 s28, s15;
	[dreg:$0xe] =	wrdreg s30  }
0x28: {  	s13 =	sadd.s32 s6, s3;
	[dreg:$0xf] =	wrdreg s9  }
0x29: {  	s14 =	sadd.s32 $0x4B0, s5;
	s6 =	sadd.s32 s6, s15;
	[dreg:$0x10] =	wrdreg s13  }
0x2a: {  	[dreg:$0x11] =	wrdreg s6;
	s16 =	sadd.s32 s15, s14  }
0x2b: {  	s17 =	sadd.s32 $0x4B8, s5;
	s7 =	sadd.s32 s3, s14;
	[smem:$0x7EC] =	sst s16  }
0x2c: {  	s19 =	sadd.s32 s15, s17;
	[smem:$0x7ED] =	sst s7  }
0x2d: {  	s6 =	sadd.s32 s3, s17;
	[smem:$0x7EE] =	sst s19  }
0x2e: {  	s20 =	sadd.s32 $0x4C0, s5;
	s30 =	sadd.s32 s3, s5;
	[smem:$0x7EF] =	sst s6  }
0x2f: {  	s21 =	sadd.s32 s15, s20;
	[smem:$0x7F9] =	sst s30  }
0x30: {  	s22 =	sadd.s32 $0x4C8, s5;
	s7 =	sadd.s32 s3, s20;
	[smem:$0x7F0] =	sst s21  }
0x31: {  	s23 =	sadd.s32 s15, s22;
	[smem:$0x7F1] =	sst s7  }
0x32: {  	s24 =	sadd.s32 $0x4D0, s5;
	s6 =	sadd.s32 s3, s22;
	[smem:$0x7F2] =	sst s23  }
0x33: {  	s26 =	sadd.s32 $0x4D8, s5;
	s25 =	sadd.s32 s15, s24;
	[smem:$0x7F3] =	sst s6  }
0x34: {  	s5 =	sadd.s32 $0x4E0, s5;
	s28 =	sadd.s32 s15, s26;
	[smem:$0x7F4] =	sst s25  }
0x35: {  	s31 =	sadd.s32 s15, s5;
	[smem:$0x7F6] =	sst s28  }
0x36: {  	s5 =	sadd.s32 s3, s5;
	[smem:$0x7FA] =	sst s31  }
0x37: {  	s7 =	sadd.s32 s3, s24;
	[smem:$0x7FB] =	sst s5  }
0x38: {  	s1 =	simm.s32 $0x0;
	s6 =	sadd.s32 s3, s26;
	[smem:$0x7F5] =	sst s7  }
0x39: {  	s20 =	simm.s32 $0x40;
	s23 =	simm.s32 $0xD;
	[smem:$0x7F7] =	sst s6  }
.LBB2_1:
0x3a: {  	[smem:$0x7E8] =	sst s1  }
0x3b: {  	s0 =	rddreg [dreg:$0x14]  }
0x3c: {  	s22 =	rddreg [dreg:$0x15];
	s21 =	sshrl.u32 s0, $0x3  }
0x3d: {  	[smem:$0x7E9] =	sst s21  }
0x3e: {  	[spmem:s21], [sflag:s18] =	dma.local [hbm:s22], $0x2800  }
0x3f: {  	_ =	swait.ge [sflag:s23], $0x2800  }
0x40: {  	[sflag:s23] =	ssyncset.done $0x0  }
0x41: {  	[sflag:s23] =	ssyncadd.s32 $0xFFFFD800  }
0x42: {  	[bflag:$0x0] =	sbarrier.arrive $0xFFFF  }
0x43: {  	s23 =	sld [smem:$0x7F8];
	_ =	sdelay $0x1  }
0x44: {  	s17 =	simm.s32 $0x1CC80;
	s24 =	sld [smem:$0x7F9]  }
0x45: {  	[tilespmem:s17], [sflag:$0x5] =	stream.linear.gather [hbm4b:s23+s2], $0x40, $0x38;
	[tilespmem:$0x1CF00] =	vst v63  }
0x46: {  	s25 =	simm.s32 $0x14000  }
0x47: {  	[tilespmem:s25], [sflag:$0x5] =	stream.linear.gather [hbm4b:s24+s2], $0x40, $0x38;
	[tilespmem:$0x1CF00] =	vst v63  }
0x48: {  	s21 =	simm.s32 $0x1CD00;
	s26 =	rddreg [dreg:$0x17]  }
0x49: {  	[tilespmem:s21], [sflag:$0x6] =	stream.linear.gather [hbm4b:s26+s2], $0x40, $0x38;
	[tilespmem:$0x1CF00] =	vst v63  }
0x4a: {  	s30 =	simm.s32 $0x14080;
	s29 =	rddreg [dreg:$0x18];
	s24 =	simm.s32 $0x5  }
0x4b: {  	[tilespmem:s30], [sflag:$0x6] =	stream.linear.gather [hbm4b:s29+s2], $0x40, $0x38;
	[tilespmem:$0x1CF00] =	vst v63  }
0x4c: {  	_ =	swait.ge [sflag:s24], $0x40  }
0x4d: {  	[sflag:s24] =	ssyncset.done $0x0  }
0x4e: {  	[sflag:s24] =	ssyncadd.s32 $0xFFFFFFC0  }
0x4f: {  	_ =	swait.ge [sflag:s24], $0x40  }
0x50: {  	[sflag:s24] =	ssyncset.done $0x0  }
0x51: {  	s22 =	simm.s32 $0x14480;
	[sflag:s24] =	ssyncadd.s32 $0xFFFFFFC0  }
0x52: {  	[tilespmem:s22], [sflag:$0x1] =	stream.indirect.gather [hbm4b:s4+s20], $0x80, s17, s20, $0xb8;
	[tilespmem:$0x1CF00] =	vst v63  }
0x53: {  	s25 =	simm.s32 $0x1CD80;
	s31 =	rddreg [dreg:$0x19]  }
0x54: {  	[tilespmem:s25], [sflag:$0x7] =	stream.linear.gather [hbm4b:s31+s2], $0x40, $0x38;
	[tilespmem:$0x1CF00] =	vst v63  }
0x55: {  	s6 =	simm.s32 $0x14100;
	s29 =	simm.s32 $0x6;
	s1 =	rddreg [dreg:$0x1a]  }
0x56: {  	[tilespmem:s6], [sflag:$0x7] =	stream.linear.gather [hbm4b:s1+s2], $0x40, $0x38;
	[tilespmem:$0x1CF00] =	vst v63  }
0x57: {  	_ =	swait.ge [sflag:s29], $0x40  }
0x58: {  	[sflag:s29] =	ssyncset.done $0x0  }
0x59: {  	[sflag:s29] =	ssyncadd.s32 $0xFFFFFFC0  }
0x5a: {  	_ =	swait.ge [sflag:s29], $0x40  }
0x5b: {  	[sflag:s29] =	ssyncset.done $0x0  }
0x5c: {  	s26 =	simm.s32 $0x16480;
	[sflag:s29] =	ssyncadd.s32 $0xFFFFFFC0  }
0x5d: {  	[tilespmem:s26], [sflag:$0x2] =	stream.indirect.gather [hbm4b:s4+s20], $0x80, s21, s20, $0xb8;
	[tilespmem:$0x1CF00] =	vst v63  }
0x5e: {  	s30 =	simm.s32 $0x1CE00;
	s7 =	rddreg [dreg:$0x1b]  }
0x5f: {  	[tilespmem:s30], [sflag:$0x8] =	stream.linear.gather [hbm4b:s7+s2], $0x40, $0x38;
	[tilespmem:$0x1CF00] =	vst v63  }
0x60: {  	s9 =	simm.s32 $0x14180;
	s28 =	simm.s32 $0x7;
	s8 =	rddreg [dreg:$0x1c]  }
0x61: {  	[tilespmem:s9], [sflag:$0x8] =	stream.linear.gather [hbm4b:s8+s2], $0x40, $0x38;
	[tilespmem:$0x1CF00] =	vst v63  }
0x62: {  	_ =	swait.ge [sflag:s28], $0x40  }
0x63: {  	[sflag:s28] =	ssyncset.done $0x0  }
0x64: {  	[sflag:s28] =	ssyncadd.s32 $0xFFFFFFC0  }
0x65: {  	_ =	swait.ge [sflag:s28], $0x40  }
0x66: {  	[sflag:s28] =	ssyncset.done $0x0  }
0x67: {  	s31 =	simm.s32 $0x18480;
	s1 =	simm.s32 $0x1;
	[sflag:s28] =	ssyncadd.s32 $0xFFFFFFC0  }
0x68: {  	[tilespmem:s31], [sflag:$0x3] =	stream.indirect.gather [hbm4b:s4+s20], $0x80, s25, s20, $0xb8;
	[tilespmem:$0x1CF00] =	vst v63  }
0x69: {  	_ =	swait.ge [sflag:s1], $0x2000  }
0x6a: {  	[sflag:s1] =	ssyncset.done $0x0  }
0x6b: {  	[sflag:s1] =	ssyncadd.s32 $0xFFFFE000  }
0x6c: {  	s3 =	simm.s32 $0x14000;
	s19 =	rddreg [dreg:$0x2]  }
0x6d: {  	[spmem:s19] =	stream.indirect.scatter.add.f32 [tilespmem:s22], [sflag:$0x9], $0x80, s3, s20, $0xb8;
	[tilespmem:$0x1CF00] =	vst v63  }
0x6e: {  	s12 =	rddreg [dreg:$0x1d]  }
0x6f: {  	[tilespmem:s17], [sflag:$0x5] =	stream.linear.gather [hbm4b:s12+s2], $0x40, $0x38;
	[tilespmem:$0x1CF00] =	vst v63  }
0x70: {  	s16 =	simm.s32 $0x14200;
	s6 =	simm.s32 $0x9;
	s14 =	rddreg [dreg:$0x1e]  }
0x71: {  	[tilespmem:s16], [sflag:$0x5] =	stream.linear.gather [hbm4b:s14+s2], $0x40, $0x38;
	[tilespmem:$0x1CF00] =	vst v63  }
0x72: {  	_ =	swait.ge [sflag:s6], $0x2000  }
0x73: {  	[sflag:s6] =	ssyncset.done $0x0  }
0x74: {  	s3 =	simm.s32 $0x8;
	[sflag:s6] =	ssyncadd.s32 $0xFFFFE000  }
0x75: {  	_ =	swait.ge [sflag:s3], $0x40  }
0x76: {  	[sflag:s3] =	ssyncset.done $0x0  }
0x77: {  	[sflag:s3] =	ssyncadd.s32 $0xFFFFFFC0  }
0x78: {  	_ =	swait.ge [sflag:s3], $0x40  }
0x79: {  	[sflag:s3] =	ssyncset.done $0x0  }
0x7a: {  	s7 =	simm.s32 $0x2;
	s9 =	simm.s32 $0x1A480;
	[sflag:s3] =	ssyncadd.s32 $0xFFFFFFC0  }
0x7b: {  	[tilespmem:s9], [sflag:$0x4] =	stream.indirect.gather [hbm4b:s4+s20], $0x80, s30, s20, $0xb8;
	[tilespmem:$0x1CF00] =	vst v63  }
0x7c: {  	_ =	swait.ge [sflag:s7], $0x2000  }
0x7d: {  	[sflag:s7] =	ssyncset.done $0x0  }
0x7e: {  	s5 =	simm.s32 $0x14080;
	s18 =	sld [smem:$0x7EA];
	[sflag:s7] =	ssyncadd.s32 $0xFFFFE000  }
0x7f: {  	[spmem:s19] =	stream.indirect.scatter.add.f32 [tilespmem:s26], [sflag:$0xA], $0x80, s5, s20, $0xb8;
	[tilespmem:$0x1CF00] =	vst v63  }
0x80: {  	s23 =	sld [smem:$0x7EB]  }
0x81: {  	[tilespmem:s21], [sflag:$0x6] =	stream.linear.gather [hbm4b:s18+s2], $0x40, $0x38;
	[tilespmem:$0x1CF00] =	vst v63  }
0x82: {  	s8 =	simm.s32 $0x14280;
	s5 =	simm.s32 $0xA  }
0x83: {  	[tilespmem:s8], [sflag:$0x6] =	stream.linear.gather [hbm4b:s23+s2], $0x40, $0x38;
	[tilespmem:$0x1CF00] =	vst v63  }
0x84: {  	_ =	swait.ge [sflag:s5], $0x2000  }
0x85: {  	[sflag:s5] =	ssyncset.done $0x0  }
0x86: {  	[sflag:s5] =	ssyncadd.s32 $0xFFFFE000  }
0x87: {  	_ =	swait.ge [sflag:s24], $0x40  }
0x88: {  	[sflag:s24] =	ssyncset.done $0x0  }
0x89: {  	[sflag:s24] =	ssyncadd.s32 $0xFFFFFFC0  }
0x8a: {  	_ =	swait.ge [sflag:s24], $0x40  }
0x8b: {  	[sflag:s24] =	ssyncset.done $0x0  }
0x8c: {  	s16 =	simm.s32 $0x3;
	[sflag:s24] =	ssyncadd.s32 $0xFFFFFFC0  }
0x8d: {  	[tilespmem:s22], [sflag:$0x1] =	stream.indirect.gather [hbm4b:s4+s20], $0x80, s17, s20, $0xb8;
	[tilespmem:$0x1CF00] =	vst v63  }
0x8e: {  	_ =	swait.ge [sflag:s16], $0x2000  }
0x8f: {  	[sflag:s16] =	ssyncset.done $0x0  }
0x90: {  	s10 =	simm.s32 $0x14100;
	s0 =	rddreg [dreg:$0x11];
	[sflag:s16] =	ssyncadd.s32 $0xFFFFE000  }
0x91: {  	[spmem:s19] =	stream.indirect.scatter.add.f32 [tilespmem:s31], [sflag:$0xB], $0x80, s10, s20, $0xb8;
	[tilespmem:$0x1CF00] =	vst v63  }
0x92: {  	s12 =	rddreg [dreg:$0x10];
	s18 =	sadd.s32 $0x0, s0  }
0x93: {  	[tilespmem:s25], [sflag:$0x7] =	stream.linear.gather [hbm4b:s18+s2], $0x40, $0x38;
	[tilespmem:$0x1CF00] =	vst v63  }
0x94: {  	s14 =	sadd.s32 $0x0, s12;
	s12 =	simm.s32 $0x14300;
	s10 =	simm.s32 $0xB  }
0x95: {  	[tilespmem:s12], [sflag:$0x7] =	stream.linear.gather [hbm4b:s14+s2], $0x40, $0x38;
	[tilespmem:$0x1CF00] =	vst v63  }
0x96: {  	_ =	swait.ge [sflag:s10], $0x2000  }
0x97: {  	[sflag:s10] =	ssyncset.done $0x0  }
0x98: {  	[sflag:s10] =	ssyncadd.s32 $0xFFFFE000  }
0x99: {  	_ =	swait.ge [sflag:s29], $0x40  }
0x9a: {  	[sflag:s29] =	ssyncset.done $0x0  }
0x9b: {  	[sflag:s29] =	ssyncadd.s32 $0xFFFFFFC0  }
0x9c: {  	_ =	swait.ge [sflag:s29], $0x40  }
0x9d: {  	[sflag:s29] =	ssyncset.done $0x0  }
0x9e: {  	s14 =	simm.s32 $0x4;
	[sflag:s29] =	ssyncadd.s32 $0xFFFFFFC0  }
0x9f: {  	[tilespmem:s26], [sflag:$0x2] =	stream.indirect.gather [hbm4b:s4+s20], $0x80, s21, s20, $0xb8;
	[tilespmem:$0x1CF00] =	vst v63  }
0xa0: {  	_ =	swait.ge [sflag:s14], $0x2000  }
0xa1: {  	[sflag:s14] =	ssyncset.done $0x0  }
0xa2: {  	s13 =	simm.s32 $0x14180;
	s23 =	rddreg [dreg:$0xf];
	[sflag:s14] =	ssyncadd.s32 $0xFFFFE000  }
0xa3: {  	[spmem:s19] =	stream.indirect.scatter.add.f32 [tilespmem:s9], [sflag:$0xC], $0x80, s13, s20, $0xb8;
	[tilespmem:$0x1CF00] =	vst v63  }
0xa4: {  	s0 =	rddreg [dreg:$0xe];
	s18 =	sadd.s32 $0x0, s23  }
0xa5: {  	[tilespmem:s30], [sflag:$0x8] =	stream.linear.gather [hbm4b:s18+s2], $0x40, $0x38;
	[tilespmem:$0x1CF00] =	vst v63  }
0xa6: {  	s0 =	sadd.s32 $0x0, s0;
	s13 =	simm.s32 $0x14380  }
0xa7: {  	[tilespmem:s13], [sflag:$0x8] =	stream.linear.gather [hbm4b:s0+s2], $0x40, $0x38;
	[tilespmem:$0x1CF00] =	vst v63  }
0xa8: {  	s13 =	simm.s32 $0xC  }
0xa9: {  	_ =	swait.ge [sflag:s13], $0x2000  }
0xaa: {  	[sflag:s13] =	ssyncset.done $0x0  }
0xab: {  	[sflag:s13] =	ssyncadd.s32 $0xFFFFE000  }
0xac: {  	_ =	swait.ge [sflag:s28], $0x40  }
0xad: {  	[sflag:s28] =	ssyncset.done $0x0  }
0xae: {  	[sflag:s28] =	ssyncadd.s32 $0xFFFFFFC0  }
0xaf: {  	_ =	swait.ge [sflag:s28], $0x40  }
0xb0: {  	[sflag:s28] =	ssyncset.done $0x0  }
0xb1: {  	[sflag:s28] =	ssyncadd.s32 $0xFFFFFFC0  }
0xb2: {  	[tilespmem:s31], [sflag:$0x3] =	stream.indirect.gather [hbm4b:s4+s20], $0x80, s25, s20, $0xb8;
	[tilespmem:$0x1CF00] =	vst v63  }
0xb3: {  	_ =	swait.ge [sflag:s1], $0x2000  }
0xb4: {  	[sflag:s1] =	ssyncset.done $0x0;
	s0 =	sld [smem:$0x7FD]  }
0xb5: {  	s23 =	simm.s32 $0x14200;
	[sflag:s1] =	ssyncadd.s32 $0xFFFFE000  }
0xb6: {  	[spmem:s19] =	stream.indirect.scatter.add.f32 [tilespmem:s22], [sflag:$0x9], $0x80, s23, s20, $0xb8;
	[tilespmem:$0x1CF00] =	vst v63  }
0xb7: {  	s18 =	sshrl.u32 s0, $0x3  }
0xb8: {  	s15 =	sadd.s32 s15, s18  }
0xb9: {  	[tilespmem:s17], [sflag:$0x5] =	stream.linear.gather [hbm4b:s15+s2], $0x40, $0x38;
	[tilespmem:$0x1CF00] =	vst v63  }
0xba: {  	s18 =	sadd.s32 s11, s18;
	s15 =	simm.s32 $0x14000  }
0xbb: {  	[tilespmem:s15], [sflag:$0x5] =	stream.linear.gather [hbm4b:s18+s2], $0x40, $0x38;
	[tilespmem:$0x1CF00] =	vst v63  }
0xbc: {  	_ =	swait.ge [sflag:s6], $0x2000  }
0xbd: {  	[sflag:s6] =	ssyncset.done $0x0  }
0xbe: {  	[sflag:s6] =	ssyncadd.s32 $0xFFFFE000  }
0xbf: {  	_ =	swait.ge [sflag:s3], $0x40  }
0xc0: {  	[sflag:s3] =	ssyncset.done $0x0  }
0xc1: {  	[sflag:s3] =	ssyncadd.s32 $0xFFFFFFC0  }
0xc2: {  	_ =	swait.ge [sflag:s3], $0x40  }
0xc3: {  	[sflag:s3] =	ssyncset.done $0x0  }
0xc4: {  	[sflag:s3] =	ssyncadd.s32 $0xFFFFFFC0  }
0xc5: {  	[tilespmem:s9], [sflag:$0x4] =	stream.indirect.gather [hbm4b:s4+s20], $0x80, s30, s20, $0xb8;
	[tilespmem:$0x1CF00] =	vst v63  }
0xc6: {  	_ =	swait.ge [sflag:s7], $0x2000  }
0xc7: {  	[sflag:s7] =	ssyncset.done $0x0  }
0xc8: {  	s23 =	rddreg [dreg:$0xd];
	[sflag:s7] =	ssyncadd.s32 $0xFFFFE000  }
0xc9: {  	[spmem:s19] =	stream.indirect.scatter.add.f32 [tilespmem:s26], [sflag:$0xA], $0x80, s8, s20, $0xb8;
	[tilespmem:$0x1CF00] =	vst v63  }
0xca: {  	s15 =	rddreg [dreg:$0xc];
	s18 =	sadd.s32 $0x0, s23  }
0xcb: {  	[tilespmem:s21], [sflag:$0x6] =	stream.linear.gather [hbm4b:s18+s2], $0x40, $0x38;
	[tilespmem:$0x1CF00] =	vst v63  }
0xcc: {  	s15 =	sadd.s32 $0x0, s15;
	s23 =	simm.s32 $0x14080  }
0xcd: {  	[tilespmem:s23], [sflag:$0x6] =	stream.linear.gather [hbm4b:s15+s2], $0x40, $0x38;
	[tilespmem:$0x1CF00] =	vst v63  }
0xce: {  	_ =	swait.ge [sflag:s5], $0x2000  }
0xcf: {  	[sflag:s5] =	ssyncset.done $0x0  }
0xd0: {  	[sflag:s5] =	ssyncadd.s32 $0xFFFFE000  }
0xd1: {  	_ =	swait.ge [sflag:s24], $0x40  }
0xd2: {  	[sflag:s24] =	ssyncset.done $0x0  }
0xd3: {  	[sflag:s24] =	ssyncadd.s32 $0xFFFFFFC0  }
0xd4: {  	_ =	swait.ge [sflag:s24], $0x40  }
0xd5: {  	[sflag:s24] =	ssyncset.done $0x0  }
0xd6: {  	[sflag:s24] =	ssyncadd.s32 $0xFFFFFFC0  }
0xd7: {  	[tilespmem:s22], [sflag:$0x1] =	stream.indirect.gather [hbm4b:s4+s20], $0x80, s17, s20, $0xb8;
	[tilespmem:$0x1CF00] =	vst v63  }
0xd8: {  	_ =	swait.ge [sflag:s16], $0x2000  }
0xd9: {  	[sflag:s16] =	ssyncset.done $0x0  }
0xda: {  	s15 =	rddreg [dreg:$0xb];
	[sflag:s16] =	ssyncadd.s32 $0xFFFFE000  }
0xdb: {  	[spmem:s19] =	stream.indirect.scatter.add.f32 [tilespmem:s31], [sflag:$0xB], $0x80, s12, s20, $0xb8;
	[tilespmem:$0x1CF00] =	vst v63  }
0xdc: {  	s16 =	rddreg [dreg:$0xa];
	s18 =	sadd.s32 $0x0, s15  }
0xdd: {  	[tilespmem:s25], [sflag:$0x7] =	stream.linear.gather [hbm4b:s18+s2], $0x40, $0x38;
	[tilespmem:$0x1CF00] =	vst v63  }
0xde: {  	s24 =	simm.s32 $0x14100;
	s23 =	sadd.s32 $0x0, s16  }
0xdf: {  	[tilespmem:s24], [sflag:$0x7] =	stream.linear.gather [hbm4b:s23+s2], $0x40, $0x38;
	[tilespmem:$0x1CF00] =	vst v63  }
0xe0: {  	_ =	swait.ge [sflag:s10], $0x2000  }
0xe1: {  	[sflag:s10] =	ssyncset.done $0x0  }
0xe2: {  	[sflag:s10] =	ssyncadd.s32 $0xFFFFE000  }
0xe3: {  	_ =	swait.ge [sflag:s29], $0x40  }
0xe4: {  	[sflag:s29] =	ssyncset.done $0x0  }
0xe5: {  	[sflag:s29] =	ssyncadd.s32 $0xFFFFFFC0  }
0xe6: {  	_ =	swait.ge [sflag:s29], $0x40  }
0xe7: {  	[sflag:s29] =	ssyncset.done $0x0  }
0xe8: {  	[sflag:s29] =	ssyncadd.s32 $0xFFFFFFC0  }
0xe9: {  	[tilespmem:s26], [sflag:$0x2] =	stream.indirect.gather [hbm4b:s4+s20], $0x80, s21, s20, $0xb8;
	[tilespmem:$0x1CF00] =	vst v63  }
0xea: {  	_ =	swait.ge [sflag:s14], $0x2000  }
0xeb: {  	[sflag:s14] =	ssyncset.done $0x0  }
0xec: {  	s10 =	rddreg [dreg:$0x9];
	[sflag:s14] =	ssyncadd.s32 $0xFFFFE000;
	s14 =	simm.s32 $0x14380  }
0xed: {  	[spmem:s19] =	stream.indirect.scatter.add.f32 [tilespmem:s9], [sflag:$0xC], $0x80, s14, s20, $0xb8;
	[tilespmem:$0x1CF00] =	vst v63  }
0xee: {  	s12 =	rddreg [dreg:$0x8];
	s18 =	sadd.s32 $0x0, s10  }
0xef: {  	[tilespmem:s30], [sflag:$0x8] =	stream.linear.gather [hbm4b:s18+s2], $0x40, $0x38;
	[tilespmem:$0x1CF00] =	vst v63  }
0xf0: {  	s16 =	simm.s32 $0x14180;
	s15 =	sadd.s32 $0x0, s12  }
0xf1: {  	[tilespmem:s16], [sflag:$0x8] =	stream.linear.gather [hbm4b:s15+s2], $0x40, $0x38;
	[tilespmem:$0x1CF00] =	vst v63  }
0xf2: {  	_ =	swait.ge [sflag:s13], $0x2000  }
0xf3: {  	[sflag:s13] =	ssyncset.done $0x0  }
0xf4: {  	[sflag:s13] =	ssyncadd.s32 $0xFFFFE000  }
0xf5: {  	_ =	swait.ge [sflag:s28], $0x40  }
0xf6: {  	[sflag:s28] =	ssyncset.done $0x0  }
0xf7: {  	[sflag:s28] =	ssyncadd.s32 $0xFFFFFFC0  }
0xf8: {  	_ =	swait.ge [sflag:s28], $0x40  }
0xf9: {  	[sflag:s28] =	ssyncset.done $0x0  }
0xfa: {  	[sflag:s28] =	ssyncadd.s32 $0xFFFFFFC0  }
0xfb: {  	[tilespmem:s31], [sflag:$0x3] =	stream.indirect.gather [hbm4b:s4+s20], $0x80, s25, s20, $0xb8;
	[tilespmem:$0x1CF00] =	vst v63  }
0xfc: {  	_ =	swait.ge [sflag:s1], $0x2000  }
0xfd: {  	[sflag:s1] =	ssyncset.done $0x0  }
0xfe: {  	s11 =	simm.s32 $0x14000;
	s23 =	rddreg [dreg:$0x7];
	[sflag:s1] =	ssyncadd.s32 $0xFFFFE000  }
0xff: {  	[spmem:s19] =	stream.indirect.scatter.add.f32 [tilespmem:s22], [sflag:$0x9], $0x80, s11, s20, $0xb8;
	[tilespmem:$0x1CF00] =	vst v63  }
0x100: {  	s24 =	rddreg [dreg:$0x6];
	s18 =	sadd.s32 $0x0, s23  }
0x101: {  	[tilespmem:s17], [sflag:$0x5] =	stream.linear.gather [hbm4b:s18+s2], $0x40, $0x38;
	[tilespmem:$0x1CF00] =	vst v63  }
0x102: {  	s29 =	simm.s32 $0x14200;
	s25 =	sadd.s32 $0x0, s24  }
0x103: {  	[tilespmem:s29], [sflag:$0x5] =	stream.linear.gather [hbm4b:s25+s2], $0x40, $0x38;
	[tilespmem:$0x1CF00] =	vst v63  }
0x104: {  	_ =	swait.ge [sflag:s6], $0x2000  }
0x105: {  	[sflag:s6] =	ssyncset.done $0x0  }
0x106: {  	[sflag:s6] =	ssyncadd.s32 $0xFFFFE000  }
0x107: {  	_ =	swait.ge [sflag:s3], $0x40  }
0x108: {  	[sflag:s3] =	ssyncset.done $0x0  }
0x109: {  	[sflag:s3] =	ssyncadd.s32 $0xFFFFFFC0  }
0x10a: {  	_ =	swait.ge [sflag:s3], $0x40  }
0x10b: {  	[sflag:s3] =	ssyncset.done $0x0  }
0x10c: {  	[sflag:s3] =	ssyncadd.s32 $0xFFFFFFC0  }
0x10d: {  	[tilespmem:s9], [sflag:$0x4] =	stream.indirect.gather [hbm4b:s4+s20], $0x80, s30, s20, $0xb8;
	[tilespmem:$0x1CF00] =	vst v63  }
0x10e: {  	_ =	swait.ge [sflag:s7], $0x2000  }
0x10f: {  	[sflag:s7] =	ssyncset.done $0x0  }
0x110: {  	s8 =	simm.s32 $0x14080;
	s30 =	rddreg [dreg:$0x5];
	[sflag:s7] =	ssyncadd.s32 $0xFFFFE000  }
0x111: {  	[spmem:s19] =	stream.indirect.scatter.add.f32 [tilespmem:s26], [sflag:$0xA], $0x80, s8, s20, $0xb8;
	[tilespmem:$0x1CF00] =	vst v63  }
0x112: {  	s31 =	rddreg [dreg:$0x4];
	s18 =	sadd.s32 $0x0, s30  }
0x113: {  	[tilespmem:s21], [sflag:$0x6] =	stream.linear.gather [hbm4b:s18+s2], $0x40, $0x38;
	[tilespmem:$0x1CF00] =	vst v63  }
0x114: {  	s23 =	sadd.s32 $0x200, s0;
	s28 =	sadd.s32 $0x0, s31;
	s18 =	simm.s32 $0x40  }
.LBB2_2:
0x115: {  	s0 =	simm.s32 $0x14280;
	s5 =	simm.s32 $0xA  }
0x116: {  	[tilespmem:s0], [sflag:$0x6] =	stream.linear.gather [hbm4b:s28+s2], $0x40, $0x38;
	[tilespmem:$0x1CF00] =	vst v63  }
0x117: {  	_ =	swait.ge [sflag:s5], $0x2000  }
0x118: {  	[sflag:s5] =	ssyncset.done $0x0  }
0x119: {  	s24 =	simm.s32 $0x5;
	[sflag:s5] =	ssyncadd.s32 $0xFFFFE000  }
0x11a: {  	_ =	swait.ge [sflag:s24], $0x40  }
0x11b: {  	[sflag:s24] =	ssyncset.done $0x0  }
0x11c: {  	[sflag:s24] =	ssyncadd.s32 $0xFFFFFFC0  }
0x11d: {  	_ =	swait.ge [sflag:s24], $0x40  }
0x11e: {  	s17 =	simm.s32 $0x1CC80;
	[sflag:s24] =	ssyncset.done $0x0  }
0x11f: {  	s22 =	simm.s32 $0x14480;
	s16 =	simm.s32 $0x3;
	[sflag:s24] =	ssyncadd.s32 $0xFFFFFFC0  }
0x120: {  	[tilespmem:s22], [sflag:$0x1] =	stream.indirect.gather [hbm4b:s4+s20], $0x80, s17, s20, $0xb8;
	[tilespmem:$0x1CF00] =	vst v63  }
0x121: {  	_ =	swait.ge [sflag:s16], $0x2000  }
0x122: {  	[sflag:s16] =	ssyncset.done $0x0  }
0x123: {  	s1 =	simm.s32 $0x14100;
	s10 =	rddreg [dreg:$0x11];
	[sflag:s16] =	ssyncadd.s32 $0xFFFFE000  }
0x124: {  	s31 =	simm.s32 $0x18480;
	s28 =	smov.u32 s18;
	s19 =	rddreg [dreg:$0x2]  }
0x125: {  	[spmem:s19] =	stream.indirect.scatter.add.f32 [tilespmem:s31], [sflag:$0xB], $0x80, s1, s20, $0xb8;
	[tilespmem:$0x1CF00] =	vst v63  }
0x126: {  	s25 =	simm.s32 $0x1CD80;
	s11 =	rddreg [dreg:$0x10];
	s0 =	sadd.s32 s28, s10  }
0x127: {  	[tilespmem:s25], [sflag:$0x7] =	stream.linear.gather [hbm4b:s0+s2], $0x40, $0x38;
	[tilespmem:$0x1CF00] =	vst v63  }
0x128: {  	s13 =	simm.s32 $0x14300;
	s12 =	sadd.s32 s28, s11;
	s10 =	simm.s32 $0xB  }
0x129: {  	[tilespmem:s13], [sflag:$0x7] =	stream.linear.gather [hbm4b:s12+s2], $0x40, $0x38;
	[tilespmem:$0x1CF00] =	vst v63  }
0x12a: {  	_ =	swait.ge [sflag:s10], $0x2000  }
0x12b: {  	[sflag:s10] =	ssyncset.done $0x0  }
0x12c: {  	s29 =	simm.s32 $0x6;
	[sflag:s10] =	ssyncadd.s32 $0xFFFFE000  }
0x12d: {  	_ =	swait.ge [sflag:s29], $0x40  }
0x12e: {  	[sflag:s29] =	ssyncset.done $0x0  }
0x12f: {  	[sflag:s29] =	ssyncadd.s32 $0xFFFFFFC0  }
0x130: {  	_ =	swait.ge [sflag:s29], $0x40  }
0x131: {  	s21 =	simm.s32 $0x1CD00;
	[sflag:s29] =	ssyncset.done $0x0  }
0x132: {  	s26 =	simm.s32 $0x16480;
	s8 =	simm.s32 $0x4;
	[sflag:s29] =	ssyncadd.s32 $0xFFFFFFC0  }
0x133: {  	[tilespmem:s26], [sflag:$0x2] =	stream.indirect.gather [hbm4b:s4+s20], $0x80, s21, s20, $0xb8;
	[tilespmem:$0x1CF00] =	vst v63  }
0x134: {  	_ =	swait.ge [sflag:s8], $0x2000  }
0x135: {  	s30 =	simm.s32 $0x14180;
	[sflag:s8] =	ssyncset.done $0x0  }
0x136: {  	s9 =	simm.s32 $0x1A480;
	s14 =	rddreg [dreg:$0xf];
	[sflag:s8] =	ssyncadd.s32 $0xFFFFE000  }
0x137: {  	[spmem:s19] =	stream.indirect.scatter.add.f32 [tilespmem:s9], [sflag:$0xC], $0x80, s30, s20, $0xb8;
	[tilespmem:$0x1CF00] =	vst v63  }
0x138: {  	s15 =	rddreg [dreg:$0xe];
	s0 =	sadd.s32 s28, s14;
	s30 =	simm.s32 $0x1CE00  }
0x139: {  	[tilespmem:s30], [sflag:$0x8] =	stream.linear.gather [hbm4b:s0+s2], $0x40, $0x38;
	[tilespmem:$0x1CF00] =	vst v63  }
0x13a: {  	s13 =	simm.s32 $0xC;
	s3 =	sadd.s32 s28, s15;
	s15 =	simm.s32 $0x14380  }
0x13b: {  	[tilespmem:s15], [sflag:$0x8] =	stream.linear.gather [hbm4b:s3+s2], $0x40, $0x38;
	[tilespmem:$0x1CF00] =	vst v63  }
0x13c: {  	_ =	swait.ge [sflag:s13], $0x2000  }
0x13d: {  	[sflag:s13] =	ssyncset.done $0x0  }
0x13e: {  	s7 =	simm.s32 $0x7;
	[sflag:s13] =	ssyncadd.s32 $0xFFFFE000  }
0x13f: {  	_ =	swait.ge [sflag:s7], $0x40  }
0x140: {  	[sflag:s7] =	ssyncset.done $0x0  }
0x141: {  	[sflag:s7] =	ssyncadd.s32 $0xFFFFFFC0  }
0x142: {  	_ =	swait.ge [sflag:s7], $0x40  }
0x143: {  	[sflag:s7] =	ssyncset.done $0x0  }
0x144: {  	s1 =	simm.s32 $0x1;
	[sflag:s7] =	ssyncadd.s32 $0xFFFFFFC0  }
0x145: {  	[tilespmem:s31], [sflag:$0x3] =	stream.indirect.gather [hbm4b:s4+s20], $0x80, s25, s20, $0xb8;
	[tilespmem:$0x1CF00] =	vst v63  }
0x146: {  	_ =	swait.ge [sflag:s1], $0x2000  }
0x147: {  	s6 =	sshrl.u32 s23, $0x3;
	[sflag:s1] =	ssyncset.done $0x0  }
0x148: {  	s3 =	simm.s32 $0x14200;
	s11 =	rddreg [dreg:$0x12];
	[sflag:s1] =	ssyncadd.s32 $0xFFFFE000  }
0x149: {  	[spmem:s19] =	stream.indirect.scatter.add.f32 [tilespmem:s22], [sflag:$0x9], $0x80, s3, s20, $0xb8;
	[tilespmem:$0x1CF00] =	vst v63  }
0x14a: {  	s14 =	rddreg [dreg:$0x13];
	s12 =	sadd.s32 s11, s6  }
0x14b: {  	[tilespmem:s17], [sflag:$0x5] =	stream.linear.gather [hbm4b:s12+s2], $0x40, $0x38;
	[tilespmem:$0x1CF00] =	vst v63  }
0x14c: {  	s0 =	sadd.s32 s14, s6;
	s6 =	simm.s32 $0x14000;
	s12 =	simm.s32 $0x9  }
0x14d: {  	[tilespmem:s6], [sflag:$0x5] =	stream.linear.gather [hbm4b:s0+s2], $0x40, $0x38;
	[tilespmem:$0x1CF00] =	vst v63  }
0x14e: {  	_ =	swait.ge [sflag:s12], $0x2000  }
0x14f: {  	[sflag:s12] =	ssyncset.done $0x0  }
0x150: {  	s3 =	simm.s32 $0x8;
	[sflag:s12] =	ssyncadd.s32 $0xFFFFE000  }
0x151: {  	_ =	swait.ge [sflag:s3], $0x40  }
0x152: {  	[sflag:s3] =	ssyncset.done $0x0  }
0x153: {  	[sflag:s3] =	ssyncadd.s32 $0xFFFFFFC0  }
0x154: {  	_ =	swait.ge [sflag:s3], $0x40  }
0x155: {  	[sflag:s3] =	ssyncset.done $0x0  }
0x156: {  	s14 =	simm.s32 $0x2;
	[sflag:s3] =	ssyncadd.s32 $0xFFFFFFC0  }
0x157: {  	[tilespmem:s9], [sflag:$0x4] =	stream.indirect.gather [hbm4b:s4+s20], $0x80, s30, s20, $0xb8;
	[tilespmem:$0x1CF00] =	vst v63  }
0x158: {  	_ =	swait.ge [sflag:s14], $0x2000  }
0x159: {  	[sflag:s14] =	ssyncset.done $0x0  }
0x15a: {  	s6 =	simm.s32 $0x14280;
	s0 =	rddreg [dreg:$0xd];
	[sflag:s14] =	ssyncadd.s32 $0xFFFFE000  }
0x15b: {  	[spmem:s19] =	stream.indirect.scatter.add.f32 [tilespmem:s26], [sflag:$0xA], $0x80, s6, s20, $0xb8;
	[tilespmem:$0x1CF00] =	vst v63  }
0x15c: {  	s11 =	rddreg [dreg:$0xc];
	s0 =	sadd.s32 s28, s0  }
0x15d: {  	[tilespmem:s21], [sflag:$0x6] =	stream.linear.gather [hbm4b:s0+s2], $0x40, $0x38;
	[tilespmem:$0x1CF00] =	vst v63  }
0x15e: {  	s11 =	sadd.s32 s28, s11;
	s6 =	simm.s32 $0x14080  }
0x15f: {  	[tilespmem:s6], [sflag:$0x6] =	stream.linear.gather [hbm4b:s11+s2], $0x40, $0x38;
	[tilespmem:$0x1CF00] =	vst v63  }
0x160: {  	_ =	swait.ge [sflag:s5], $0x2000  }
0x161: {  	[sflag:s5] =	ssyncset.done $0x0  }
0x162: {  	[sflag:s5] =	ssyncadd.s32 $0xFFFFE000  }
0x163: {  	_ =	swait.ge [sflag:s24], $0x40  }
0x164: {  	[sflag:s24] =	ssyncset.done $0x0  }
0x165: {  	[sflag:s24] =	ssyncadd.s32 $0xFFFFFFC0  }
0x166: {  	_ =	swait.ge [sflag:s24], $0x40  }
0x167: {  	[sflag:s24] =	ssyncset.done $0x0  }
0x168: {  	[sflag:s24] =	ssyncadd.s32 $0xFFFFFFC0  }
0x169: {  	[tilespmem:s22], [sflag:$0x1] =	stream.indirect.gather [hbm4b:s4+s20], $0x80, s17, s20, $0xb8;
	[tilespmem:$0x1CF00] =	vst v63  }
0x16a: {  	_ =	swait.ge [sflag:s16], $0x2000  }
0x16b: {  	[sflag:s16] =	ssyncset.done $0x0  }
0x16c: {  	s24 =	simm.s32 $0x14300;
	s11 =	rddreg [dreg:$0xb];
	[sflag:s16] =	ssyncadd.s32 $0xFFFFE000  }
0x16d: {  	[spmem:s19] =	stream.indirect.scatter.add.f32 [tilespmem:s31], [sflag:$0xB], $0x80, s24, s20, $0xb8;
	[tilespmem:$0x1CF00] =	vst v63  }
0x16e: {  	s16 =	rddreg [dreg:$0xa];
	s0 =	sadd.s32 s28, s11  }
0x16f: {  	[tilespmem:s25], [sflag:$0x7] =	stream.linear.gather [hbm4b:s0+s2], $0x40, $0x38;
	[tilespmem:$0x1CF00] =	vst v63  }
0x170: {  	s16 =	sadd.s32 s28, s16;
	s24 =	simm.s32 $0x14100  }
0x171: {  	[tilespmem:s24], [sflag:$0x7] =	stream.linear.gather [hbm4b:s16+s2], $0x40, $0x38;
	[tilespmem:$0x1CF00] =	vst v63  }
0x172: {  	_ =	swait.ge [sflag:s10], $0x2000  }
0x173: {  	[sflag:s10] =	ssyncset.done $0x0  }
0x174: {  	[sflag:s10] =	ssyncadd.s32 $0xFFFFE000  }
0x175: {  	_ =	swait.ge [sflag:s29], $0x40  }
0x176: {  	[sflag:s29] =	ssyncset.done $0x0  }
0x177: {  	[sflag:s29] =	ssyncadd.s32 $0xFFFFFFC0  }
0x178: {  	_ =	swait.ge [sflag:s29], $0x40  }
0x179: {  	[sflag:s29] =	ssyncset.done $0x0  }
0x17a: {  	[sflag:s29] =	ssyncadd.s32 $0xFFFFFFC0  }
0x17b: {  	[tilespmem:s26], [sflag:$0x2] =	stream.indirect.gather [hbm4b:s4+s20], $0x80, s21, s20, $0xb8;
	[tilespmem:$0x1CF00] =	vst v63  }
0x17c: {  	_ =	swait.ge [sflag:s8], $0x2000  }
0x17d: {  	[sflag:s8] =	ssyncset.done $0x0  }
0x17e: {  	s5 =	rddreg [dreg:$0x9];
	[sflag:s8] =	ssyncadd.s32 $0xFFFFE000  }
0x17f: {  	[spmem:s19] =	stream.indirect.scatter.add.f32 [tilespmem:s9], [sflag:$0xC], $0x80, s15, s20, $0xb8;
	[tilespmem:$0x1CF00] =	vst v63  }
0x180: {  	s8 =	rddreg [dreg:$0x8];
	s0 =	sadd.s32 s28, s5  }
0x181: {  	[tilespmem:s30], [sflag:$0x8] =	stream.linear.gather [hbm4b:s0+s2], $0x40, $0x38;
	[tilespmem:$0x1CF00] =	vst v63  }
0x182: {  	s11 =	simm.s32 $0x14180;
	s10 =	sadd.s32 s28, s8  }
0x183: {  	[tilespmem:s11], [sflag:$0x8] =	stream.linear.gather [hbm4b:s10+s2], $0x40, $0x38;
	[tilespmem:$0x1CF00] =	vst v63  }
0x184: {  	_ =	swait.ge [sflag:s13], $0x2000  }
0x185: {  	[sflag:s13] =	ssyncset.done $0x0  }
0x186: {  	[sflag:s13] =	ssyncadd.s32 $0xFFFFE000  }
0x187: {  	_ =	swait.ge [sflag:s7], $0x40  }
0x188: {  	[sflag:s7] =	ssyncset.done $0x0  }
0x189: {  	[sflag:s7] =	ssyncadd.s32 $0xFFFFFFC0  }
0x18a: {  	_ =	swait.ge [sflag:s7], $0x40  }
0x18b: {  	[sflag:s7] =	ssyncset.done $0x0  }
0x18c: {  	[sflag:s7] =	ssyncadd.s32 $0xFFFFFFC0  }
0x18d: {  	[tilespmem:s31], [sflag:$0x3] =	stream.indirect.gather [hbm4b:s4+s20], $0x80, s25, s20, $0xb8;
	[tilespmem:$0x1CF00] =	vst v63  }
0x18e: {  	_ =	swait.ge [sflag:s1], $0x2000  }
0x18f: {  	[sflag:s1] =	ssyncset.done $0x0  }
0x190: {  	s16 =	simm.s32 $0x14000;
	s13 =	rddreg [dreg:$0x7];
	[sflag:s1] =	ssyncadd.s32 $0xFFFFE000  }
0x191: {  	[spmem:s19] =	stream.indirect.scatter.add.f32 [tilespmem:s22], [sflag:$0x9], $0x80, s16, s20, $0xb8;
	[tilespmem:$0x1CF00] =	vst v63  }
0x192: {  	s15 =	rddreg [dreg:$0x6];
	s0 =	sadd.s32 s28, s13  }
0x193: {  	[tilespmem:s17], [sflag:$0x5] =	stream.linear.gather [hbm4b:s0+s2], $0x40, $0x38;
	[tilespmem:$0x1CF00] =	vst v63  }
0x194: {  	s25 =	simm.s32 $0x14200;
	s24 =	sadd.s32 s28, s15  }
0x195: {  	[tilespmem:s25], [sflag:$0x5] =	stream.linear.gather [hbm4b:s24+s2], $0x40, $0x38;
	[tilespmem:$0x1CF00] =	vst v63  }
0x196: {  	_ =	swait.ge [sflag:s12], $0x2000  }
0x197: {  	[sflag:s12] =	ssyncset.done $0x0  }
0x198: {  	[sflag:s12] =	ssyncadd.s32 $0xFFFFE000  }
0x199: {  	_ =	swait.ge [sflag:s3], $0x40  }
0x19a: {  	[sflag:s3] =	ssyncset.done $0x0  }
0x19b: {  	[sflag:s3] =	ssyncadd.s32 $0xFFFFFFC0  }
0x19c: {  	_ =	swait.ge [sflag:s3], $0x40  }
0x19d: {  	[sflag:s3] =	ssyncset.done $0x0  }
0x19e: {  	p0 =	sne.s32 s18, $0x440;
	[sflag:s3] =	ssyncadd.s32 $0xFFFFFFC0  }
0x19f: {  	[tilespmem:s9], [sflag:$0x4] =	stream.indirect.gather [hbm4b:s4+s20], $0x80, s30, s20, $0xb8;
	[tilespmem:$0x1CF00] =	vst v63  }
0x1a0: {  	s23 =	sadd.s32 $0x200, s23;
	s18 =	sadd.s32 $0x40, s18;
	_ =	swait.ge [sflag:s14], $0x2000  }
.Ltmp0:
0x1a1: {  	[sflag:s14] =	ssyncset.done $0x0;
	s29 =	rddreg [dreg:$0x5];
	(pc) =	sbr.rel @p0 .LBB2_2-.Ltmp0, $4  }
0x1a2: {  	s6 =	simm.s32 $0x14080;
	s30 =	rddreg [dreg:$0x4];
	[sflag:s14] =	ssyncadd.s32 $0xFFFFE000  }
0x1a3: {  	[spmem:s19] =	stream.indirect.scatter.add.f32 [tilespmem:s26], [sflag:$0xA], $0x80, s6, s20, $0xb8;
	[tilespmem:$0x1CF00] =	vst v63  }
0x1a4: {  	s31 =	simm.s32 $0x14200;
	s0 =	sadd.s32 s28, s29;
	s28 =	sadd.s32 s28, s30  }
0x1a5: {  	[tilespmem:s21], [sflag:$0x6] =	stream.linear.gather [hbm4b:s0+s2], $0x40, $0x38;
	[tilespmem:$0x1CF00] =	vst v63  }
0x1a6: {  	s6 =	simm.s32 $0x14280;
	s5 =	simm.s32 $0xA  }
0x1a7: {  	[tilespmem:s6], [sflag:$0x6] =	stream.linear.gather [hbm4b:s28+s2], $0x40, $0x38;
	[tilespmem:$0x1CF00] =	vst v63  }
0x1a8: {  	_ =	swait.ge [sflag:s5], $0x2000  }
0x1a9: {  	[sflag:s5] =	ssyncset.done $0x0  }
0x1aa: {  	s19 =	simm.s32 $0x5;
	[sflag:s5] =	ssyncadd.s32 $0xFFFFE000  }
0x1ab: {  	_ =	swait.ge [sflag:s19], $0x40  }
0x1ac: {  	[sflag:s19] =	ssyncset.done $0x0  }
0x1ad: {  	[sflag:s19] =	ssyncadd.s32 $0xFFFFFFC0  }
0x1ae: {  	_ =	swait.ge [sflag:s19], $0x40  }
0x1af: {  	s29 =	simm.s32 $0x1CC80;
	[sflag:s19] =	ssyncset.done $0x0  }
0x1b0: {  	s18 =	simm.s32 $0x14480;
	s14 =	simm.s32 $0x3;
	[sflag:s19] =	ssyncadd.s32 $0xFFFFFFC0  }
0x1b1: {  	[tilespmem:s18], [sflag:$0x1] =	stream.indirect.gather [hbm4b:s4+s20], $0x80, s29, s20, $0xb8;
	[tilespmem:$0x1CF00] =	vst v63  }
0x1b2: {  	_ =	swait.ge [sflag:s14], $0x2000  }
0x1b3: {  	[sflag:s14] =	ssyncset.done $0x0  }
0x1b4: {  	s23 =	sld [smem:$0x7EC];
	[sflag:s14] =	ssyncadd.s32 $0xFFFFE000  }
0x1b5: {  	s0 =	simm.s32 $0x14100;
	s25 =	simm.s32 $0x18480;
	s16 =	rddreg [dreg:$0x2]  }
0x1b6: {  	[spmem:s16] =	stream.indirect.scatter.add.f32 [tilespmem:s25], [sflag:$0xB], $0x80, s0, s20, $0xb8;
	[tilespmem:$0x1CF00] =	vst v63  }
0x1b7: {  	s21 =	simm.s32 $0x1CD80;
	s24 =	sld [smem:$0x7ED]  }
0x1b8: {  	[tilespmem:s21], [sflag:$0x7] =	stream.linear.gather [hbm4b:s23+s2], $0x40, $0x38;
	[tilespmem:$0x1CF00] =	vst v63  }
0x1b9: {  	s3 =	simm.s32 $0x14300;
	s10 =	simm.s32 $0xB  }
0x1ba: {  	[tilespmem:s3], [sflag:$0x7] =	stream.linear.gather [hbm4b:s24+s2], $0x40, $0x38;
	[tilespmem:$0x1CF00] =	vst v63  }
0x1bb: {  	_ =	swait.ge [sflag:s10], $0x2000  }
0x1bc: {  	[sflag:s10] =	ssyncset.done $0x0  }
0x1bd: {  	s24 =	simm.s32 $0x6;
	[sflag:s10] =	ssyncadd.s32 $0xFFFFE000  }
0x1be: {  	_ =	swait.ge [sflag:s24], $0x40  }
0x1bf: {  	[sflag:s24] =	ssyncset.done $0x0  }
0x1c0: {  	[sflag:s24] =	ssyncadd.s32 $0xFFFFFFC0  }
0x1c1: {  	_ =	swait.ge [sflag:s24], $0x40  }
0x1c2: {  	s17 =	simm.s32 $0x1CD00;
	[sflag:s24] =	ssyncset.done $0x0  }
0x1c3: {  	s22 =	simm.s32 $0x16480;
	s8 =	simm.s32 $0x4;
	[sflag:s24] =	ssyncadd.s32 $0xFFFFFFC0  }
0x1c4: {  	[tilespmem:s22], [sflag:$0x2] =	stream.indirect.gather [hbm4b:s4+s20], $0x80, s17, s20, $0xb8;
	[tilespmem:$0x1CF00] =	vst v63  }
0x1c5: {  	_ =	swait.ge [sflag:s8], $0x2000  }
0x1c6: {  	s7 =	simm.s32 $0x14180;
	[sflag:s8] =	ssyncset.done $0x0  }
0x1c7: {  	s9 =	simm.s32 $0x1A480;
	s26 =	sld [smem:$0x7EE];
	[sflag:s8] =	ssyncadd.s32 $0xFFFFE000  }
0x1c8: {  	[spmem:s16] =	stream.indirect.scatter.add.f32 [tilespmem:s9], [sflag:$0xC], $0x80, s7, s20, $0xb8;
	[tilespmem:$0x1CF00] =	vst v63  }
0x1c9: {  	s23 =	simm.s32 $0x1CE00;
	s28 =	sld [smem:$0x7EF]  }
0x1ca: {  	[tilespmem:s23], [sflag:$0x8] =	stream.linear.gather [hbm4b:s26+s2], $0x40, $0x38;
	[tilespmem:$0x1CF00] =	vst v63  }
0x1cb: {  	s15 =	simm.s32 $0x14380;
	s13 =	simm.s32 $0xC  }
0x1cc: {  	[tilespmem:s15], [sflag:$0x8] =	stream.linear.gather [hbm4b:s28+s2], $0x40, $0x38;
	[tilespmem:$0x1CF00] =	vst v63  }
0x1cd: {  	_ =	swait.ge [sflag:s13], $0x2000  }
0x1ce: {  	[sflag:s13] =	ssyncset.done $0x0  }
0x1cf: {  	s28 =	simm.s32 $0x7;
	[sflag:s13] =	ssyncadd.s32 $0xFFFFE000  }
0x1d0: {  	_ =	swait.ge [sflag:s28], $0x40  }
0x1d1: {  	[sflag:s28] =	ssyncset.done $0x0  }
0x1d2: {  	[sflag:s28] =	ssyncadd.s32 $0xFFFFFFC0  }
0x1d3: {  	_ =	swait.ge [sflag:s28], $0x40  }
0x1d4: {  	[sflag:s28] =	ssyncset.done $0x0  }
0x1d5: {  	s1 =	simm.s32 $0x1;
	[sflag:s28] =	ssyncadd.s32 $0xFFFFFFC0  }
0x1d6: {  	[tilespmem:s25], [sflag:$0x3] =	stream.indirect.gather [hbm4b:s4+s20], $0x80, s21, s20, $0xb8;
	[tilespmem:$0x1CF00] =	vst v63  }
0x1d7: {  	_ =	swait.ge [sflag:s1], $0x2000  }
0x1d8: {  	[sflag:s1] =	ssyncset.done $0x0  }
0x1d9: {  	s30 =	sld [smem:$0x7F0];
	[sflag:s1] =	ssyncadd.s32 $0xFFFFE000  }
0x1da: {  	[spmem:s16] =	stream.indirect.scatter.add.f32 [tilespmem:s18], [sflag:$0x9], $0x80, s31, s20, $0xb8;
	[tilespmem:$0x1CF00] =	vst v63  }
0x1db: {  	s31 =	sld [smem:$0x7F1]  }
0x1dc: {  	[tilespmem:s29], [sflag:$0x5] =	stream.linear.gather [hbm4b:s30+s2], $0x40, $0x38;
	[tilespmem:$0x1CF00] =	vst v63  }
0x1dd: {  	s11 =	simm.s32 $0x14000;
	s26 =	simm.s32 $0x9  }
0x1de: {  	[tilespmem:s11], [sflag:$0x5] =	stream.linear.gather [hbm4b:s31+s2], $0x40, $0x38;
	[tilespmem:$0x1CF00] =	vst v63  }
0x1df: {  	_ =	swait.ge [sflag:s26], $0x2000  }
0x1e0: {  	[sflag:s26] =	ssyncset.done $0x0  }
0x1e1: {  	s30 =	simm.s32 $0x8;
	[sflag:s26] =	ssyncadd.s32 $0xFFFFE000  }
0x1e2: {  	_ =	swait.ge [sflag:s30], $0x40  }
0x1e3: {  	[sflag:s30] =	ssyncset.done $0x0  }
0x1e4: {  	[sflag:s30] =	ssyncadd.s32 $0xFFFFFFC0  }
0x1e5: {  	_ =	swait.ge [sflag:s30], $0x40  }
0x1e6: {  	[sflag:s30] =	ssyncset.done $0x0  }
0x1e7: {  	s12 =	simm.s32 $0x2;
	[sflag:s30] =	ssyncadd.s32 $0xFFFFFFC0  }
0x1e8: {  	[tilespmem:s9], [sflag:$0x4] =	stream.indirect.gather [hbm4b:s4+s20], $0x80, s23, s20, $0xb8;
	[tilespmem:$0x1CF00] =	vst v63  }
0x1e9: {  	_ =	swait.ge [sflag:s12], $0x2000  }
0x1ea: {  	[sflag:s12] =	ssyncset.done $0x0  }
0x1eb: {  	[sflag:s12] =	ssyncadd.s32 $0xFFFFE000  }
0x1ec: {  	[spmem:s16] =	stream.indirect.scatter.add.f32 [tilespmem:s22], [sflag:$0xA], $0x80, s6, s20, $0xb8;
	[tilespmem:$0x1CF00] =	vst v63  }
0x1ed: {  	s6 =	sld [smem:$0x7F2];
	_ =	sdelay $0x1  }
0x1ee: {  	s31 =	sld [smem:$0x7F3]  }
0x1ef: {  	[tilespmem:s17], [sflag:$0x6] =	stream.linear.gather [hbm4b:s6+s2], $0x40, $0x38;
	[tilespmem:$0x1CF00] =	vst v63  }
0x1f0: {  	s6 =	simm.s32 $0x14080  }
0x1f1: {  	[tilespmem:s6], [sflag:$0x6] =	stream.linear.gather [hbm4b:s31+s2], $0x40, $0x38;
	[tilespmem:$0x1CF00] =	vst v63  }
0x1f2: {  	_ =	swait.ge [sflag:s5], $0x2000  }
0x1f3: {  	[sflag:s5] =	ssyncset.done $0x0  }
0x1f4: {  	[sflag:s5] =	ssyncadd.s32 $0xFFFFE000  }
0x1f5: {  	_ =	swait.ge [sflag:s19], $0x40  }
0x1f6: {  	[sflag:s19] =	ssyncset.done $0x0  }
0x1f7: {  	[sflag:s19] =	ssyncadd.s32 $0xFFFFFFC0  }
0x1f8: {  	_ =	swait.ge [sflag:s19], $0x40  }
0x1f9: {  	[sflag:s19] =	ssyncset.done $0x0  }
0x1fa: {  	[sflag:s19] =	ssyncadd.s32 $0xFFFFFFC0  }
0x1fb: {  	[tilespmem:s18], [sflag:$0x1] =	stream.indirect.gather [hbm4b:s4+s20], $0x80, s29, s20, $0xb8;
	[tilespmem:$0x1CF00] =	vst v63  }
0x1fc: {  	_ =	swait.ge [sflag:s14], $0x2000  }
0x1fd: {  	[sflag:s14] =	ssyncset.done $0x0  }
0x1fe: {  	s19 =	sld [smem:$0x7F4];
	[sflag:s14] =	ssyncadd.s32 $0xFFFFE000  }
0x1ff: {  	[spmem:s16] =	stream.indirect.scatter.add.f32 [tilespmem:s25], [sflag:$0xB], $0x80, s3, s20, $0xb8;
	[tilespmem:$0x1CF00] =	vst v63  }
0x200: {  	s29 =	sld [smem:$0x7F5]  }
0x201: {  	[tilespmem:s21], [sflag:$0x7] =	stream.linear.gather [hbm4b:s19+s2], $0x40, $0x38;
	[tilespmem:$0x1CF00] =	vst v63  }
0x202: {  	s31 =	simm.s32 $0x14100  }
0x203: {  	[tilespmem:s31], [sflag:$0x7] =	stream.linear.gather [hbm4b:s29+s2], $0x40, $0x38;
	[tilespmem:$0x1CF00] =	vst v63  }
0x204: {  	_ =	swait.ge [sflag:s10], $0x2000  }
0x205: {  	[sflag:s10] =	ssyncset.done $0x0  }
0x206: {  	[sflag:s10] =	ssyncadd.s32 $0xFFFFE000  }
0x207: {  	_ =	swait.ge [sflag:s24], $0x40  }
0x208: {  	[sflag:s24] =	ssyncset.done $0x0  }
0x209: {  	[sflag:s24] =	ssyncadd.s32 $0xFFFFFFC0  }
0x20a: {  	_ =	swait.ge [sflag:s24], $0x40  }
0x20b: {  	[sflag:s24] =	ssyncset.done $0x0  }
0x20c: {  	[sflag:s24] =	ssyncadd.s32 $0xFFFFFFC0  }
0x20d: {  	[tilespmem:s22], [sflag:$0x2] =	stream.indirect.gather [hbm4b:s4+s20], $0x80, s17, s20, $0xb8;
	[tilespmem:$0x1CF00] =	vst v63  }
0x20e: {  	_ =	swait.ge [sflag:s8], $0x2000  }
0x20f: {  	[sflag:s8] =	ssyncset.done $0x0  }
0x210: {  	[sflag:s8] =	ssyncadd.s32 $0xFFFFE000  }
0x211: {  	[spmem:s16] =	stream.indirect.scatter.add.f32 [tilespmem:s9], [sflag:$0xC], $0x80, s15, s20, $0xb8;
	[tilespmem:$0x1CF00] =	vst v63  }
0x212: {  	s15 =	sld [smem:$0x7F6];
	_ =	sdelay $0x1  }
0x213: {  	s17 =	sld [smem:$0x7F7]  }
0x214: {  	[tilespmem:s23], [sflag:$0x8] =	stream.linear.gather [hbm4b:s15+s2], $0x40, $0x38;
	[tilespmem:$0x1CF00] =	vst v63  }
0x215: {  	_ = 	snop  }
0x216: {  	[tilespmem:s7], [sflag:$0x8] =	stream.linear.gather [hbm4b:s17+s2], $0x40, $0x38;
	[tilespmem:$0x1CF00] =	vst v63  }
0x217: {  	_ =	swait.ge [sflag:s13], $0x2000  }
0x218: {  	[sflag:s13] =	ssyncset.done $0x0  }
0x219: {  	[sflag:s13] =	ssyncadd.s32 $0xFFFFE000  }
0x21a: {  	_ =	swait.ge [sflag:s28], $0x40  }
0x21b: {  	[sflag:s28] =	ssyncset.done $0x0  }
0x21c: {  	[sflag:s28] =	ssyncadd.s32 $0xFFFFFFC0  }
0x21d: {  	_ =	swait.ge [sflag:s28], $0x40  }
0x21e: {  	[sflag:s28] =	ssyncset.done $0x0  }
0x21f: {  	[sflag:s28] =	ssyncadd.s32 $0xFFFFFFC0  }
0x220: {  	[tilespmem:s25], [sflag:$0x3] =	stream.indirect.gather [hbm4b:s4+s20], $0x80, s21, s20, $0xb8;
	[tilespmem:$0x1CF00] =	vst v63  }
0x221: {  	_ =	swait.ge [sflag:s1], $0x2000  }
0x222: {  	[sflag:s1] =	ssyncset.done $0x0  }
0x223: {  	[sflag:s1] =	ssyncadd.s32 $0xFFFFE000  }
0x224: {  	[spmem:s16] =	stream.indirect.scatter.add.f32 [tilespmem:s18], [sflag:$0x9], $0x80, s11, s20, $0xb8;
	[tilespmem:$0x1CF00] =	vst v63  }
0x225: {  	_ =	swait.ge [sflag:s26], $0x2000  }
0x226: {  	[sflag:s26] =	ssyncset.done $0x0  }
0x227: {  	[sflag:s26] =	ssyncadd.s32 $0xFFFFE000  }
0x228: {  	_ =	swait.ge [sflag:s30], $0x40  }
0x229: {  	[sflag:s30] =	ssyncset.done $0x0  }
0x22a: {  	[sflag:s30] =	ssyncadd.s32 $0xFFFFFFC0  }
0x22b: {  	_ =	swait.ge [sflag:s30], $0x40  }
0x22c: {  	[sflag:s30] =	ssyncset.done $0x0  }
0x22d: {  	[sflag:s30] =	ssyncadd.s32 $0xFFFFFFC0  }
0x22e: {  	[tilespmem:s9], [sflag:$0x4] =	stream.indirect.gather [hbm4b:s4+s20], $0x80, s23, s20, $0xb8;
	[tilespmem:$0x1CF00] =	vst v63  }
0x22f: {  	_ =	swait.ge [sflag:s12], $0x2000  }
0x230: {  	[sflag:s12] =	ssyncset.done $0x0  }
0x231: {  	[sflag:s12] =	ssyncadd.s32 $0xFFFFE000  }
0x232: {  	[spmem:s16] =	stream.indirect.scatter.add.f32 [tilespmem:s22], [sflag:$0xA], $0x80, s6, s20, $0xb8;
	[tilespmem:$0x1CF00] =	vst v63  }
0x233: {  	_ =	swait.ge [sflag:s5], $0x2000  }
0x234: {  	[sflag:s5] =	ssyncset.done $0x0  }
0x235: {  	[sflag:s5] =	ssyncadd.s32 $0xFFFFE000  }
0x236: {  	_ =	swait.ge [sflag:s14], $0x2000  }
0x237: {  	[sflag:s14] =	ssyncset.done $0x0  }
0x238: {  	[sflag:s14] =	ssyncadd.s32 $0xFFFFE000  }
0x239: {  	[spmem:s16] =	stream.indirect.scatter.add.f32 [tilespmem:s25], [sflag:$0xB], $0x80, s31, s20, $0xb8;
	[tilespmem:$0x1CF00] =	vst v63  }
0x23a: {  	_ =	swait.ge [sflag:s10], $0x2000  }
0x23b: {  	[sflag:s10] =	ssyncset.done $0x0  }
0x23c: {  	[sflag:s10] =	ssyncadd.s32 $0xFFFFE000  }
0x23d: {  	_ =	swait.ge [sflag:s8], $0x2000  }
0x23e: {  	[sflag:s8] =	ssyncset.done $0x0  }
0x23f: {  	[sflag:s8] =	ssyncadd.s32 $0xFFFFE000  }
0x240: {  	[spmem:s16] =	stream.indirect.scatter.add.f32 [tilespmem:s9], [sflag:$0xC], $0x80, s7, s20, $0xb8;
	[tilespmem:$0x1CF00] =	vst v63  }
0x241: {  	_ =	swait.ge [sflag:s13], $0x2000  }
0x242: {  	s19 =	sld [smem:$0x7FA]  }
0x243: {  	[sflag:s13] =	ssyncset.done $0x0  }
0x244: {  	s21 =	simm.s32 $0x1CE80;
	s23 =	simm.s32 $0xD;
	[sflag:s13] =	ssyncadd.s32 $0xFFFFE000  }
0x245: {  	[tilespmem:s21], [sflag:$0xD] =	stream.linear.gather [hbm4b:s19+s2], $0x10, $0x38;
	[tilespmem:$0x1CF00] =	vst v63  }
0x246: {  	_ =	swait.ge [sflag:s23], $0x10  }
0x247: {  	s22 =	sld [smem:$0x7FB]  }
0x248: {  	[sflag:s23] =	ssyncset.done $0x0  }
0x249: {  	s24 =	simm.s32 $0x14400;
	[sflag:s23] =	ssyncadd.s32 $0xFFFFFFF0  }
0x24a: {  	[tilespmem:s24], [sflag:$0xD] =	stream.linear.gather [hbm4b:s22+s2], $0x10, $0x38;
	[tilespmem:$0x1CF00] =	vst v63  }
0x24b: {  	_ =	swait.ge [sflag:s23], $0x10  }
0x24c: {  	[sflag:s23] =	ssyncset.done $0x0  }
0x24d: {  	s26 =	simm.s32 $0x1C480;
	s25 =	simm.s32 $0x10;
	[sflag:s23] =	ssyncadd.s32 $0xFFFFFFF0  }
0x24e: {  	[tilespmem:s26], [sflag:$0x1] =	stream.indirect.gather [hbm4b:s4+s25], $0x80, s21, s25, $0xb8;
	[tilespmem:$0x1CF00] =	vst v63  }
0x24f: {  	_ =	swait.ge [sflag:s1], $0x800  }
0x250: {  	[sflag:s1] =	ssyncset.done $0x0  }
0x251: {  	[sflag:s1] =	ssyncadd.s32 $0xFFFFF800  }
0x252: {  	[spmem:s16] =	stream.indirect.scatter.add.f32 [tilespmem:s26], [sflag:$0xD], $0x80, s24, s25, $0xb8;
	[tilespmem:$0x1CF00] =	vst v63  }
0x253: {  	_ =	swait.ge [sflag:s23], $0x800  }
0x254: {  	[sflag:s23] =	ssyncset.done $0x0  }
0x255: {  	[sflag:s23] =	ssyncadd.s32 $0xFFFFF800  }
0x256: {  	[bflag:$0x0] =	sbarrier.arrive $0xFFFF  }
0x257: {  	s29 =	sld [smem:$0x7E9]  }
0x258: {  	s18 =	rddreg [dreg:$0x16]  }
0x259: {  	s28 =	rddreg [dreg:$0x1f]  }
0x25a: {  	[hbm:s28], [sflag:s18] =	dma.local [spmem:s29], $0x2800  }
0x25b: {  	_ =	swait.ge [sflag:s23], $0x2800  }
0x25c: {  	s30 =	sld [smem:$0x7E8]  }
0x25d: {  	s31 =	sld [smem:$0x7FC];
	_ =	sdelay $0x1  }
0x25e: {  	s1 =	sadd.s32 $0x1, s30  }
0x25f: {  	p0 =	sne.s32 s1, s31  }
.Ltmp1:
0x260: {  	_ = 	snop;
	(pc) =	sbr.rel @p0 .LBB2_1-.Ltmp1, $3  }
0x261: {  	_ =	sdelay $0x1  }
0x262: {  	[sflag:s23] =	ssyncset.done $0x0;
	s15 =	rddreg [dreg:$0x12]  }
0x263: {  	s11 =	rddreg [dreg:$0x13];
	[sflag:s23] =	ssyncadd.s32 $0xFFFFD800  }
0x264: {  	_ =	sfence.sel $0x180000  }
0x265: {  	[bflag:$0x0] =	sbarrier.arrive $0xFFFF  }
0x266: {  	_ =	strace $0x9000004A  }
0x267: {  	s0 =	stileid.u32;
	[bflag:$0x2] =	sbarrier.arrive $0xFFFF  }
0x268: {  	p0 =	sne.s32 s0, $0x0;
	s0 =	rddreg [dreg:$0x3]  }
0x269: {  	s0 =	sadd.s32 @!p0 $0x100000, s0  }
0x26a: {  	[sflag:s0] =	ssyncadd.tile.s32 @!p0 $0x1;
	_ =	shalt  }
.Lfunc_end2:
_tile_overlayer_lowered:
.L_overlay_start_2:
0x26b: {  	(tag) =	ssettag $0x2  }
0x26c: {  	s0 =	rddreg [dreg:$0x0];
	s2 =	stileid.u32  }
0x26d: {  	s1 =	rddreg [dreg:$0x1];
	p0 =	sne.s32 s2, $0x0  }
0x26e: {  	s3 =	rddreg [dreg:$0x2];
	[bflag:$0x3] =	sbarrier.arrive $0xFFFF;
	s2 =	simm.s32 @!p0 $0x1C0D  }
0x26f: {  	[timem:s3], [sflag:s2] =	dma.local @!p0 [hbm:s0], s1  }
0x270: {  	s0 =	simm.s32 @!p0 $0xD  }
0x271: {  	_ =	swait.ge @!p0 [sflag:s0], s1  }
0x272: {  	s1 =	ssub.s32 @!p0 $0x0, s1;
	[sflag:s0] =	ssyncset.done @!p0 $0x0  }
0x273: {  	[sflag:s0] =	ssyncadd.s32 @!p0 s1  }
0x274: {  	[bflag:$0x3] =	sbarrier.arrive $0xFFFF  }
0x275: {  	_ =	shalt  }

// kernel: kernel.13.cloned.1.call-start
scs
__scs_entry_jumppad:
0x0: {  	(pc) =	sbr.rel $0x88, $3  }
0x1: {  	(tag) =	ssettag $0x0;
	lr =	simm.s32 $0x1  }
0x2: {  	[smem:$0x3F99] =	sst lr;
	_ =	strace $0xD0000000  }
0x3: {  	_ = 	snop  }
0x4: {  	_ = 	snop  }
0x5: {  	_ = 	snop  }
0x6: {  	_ = 	snop  }
0x7: {  	_ = 	snop  }
__scs_overlays_trampoline_lowered:
0x8: {  	[smem:$0x3FA8] =	sst s0  }
0x9: {  	[smem:$0x3FA9] =	sst s1  }
0xa: {  	[smem:$0x3FAA] =	sst s2  }
0xb: {  	[smem:$0x3FAB] =	sst s3  }
0xc: {  	[smem:$0x3FAC] =	sst s4  }
0xd: {  	[smem:$0x3FAD] =	sst s5  }
0xe: {  	[smem:$0x3FAE] =	sst s6  }
0xf: {  	[smem:$0x3FAF] =	sst s7  }
0x10: {  	[smem:$0x3FB0] =	sst s8  }
0x11: {  	[smem:$0x3FB1] =	sst s9;
	s0 =	simm.s32 @!p0 $0x0  }
0x12: {  	s1 =	sld [smem:$0x3F97];
	s0 =	simm.s32 @p0 $0x1  }
0x13: {  	[smem:$0x3FB2] =	sst s0;
	s0 =	simm.s32 @!p1 $0x0  }
0x14: {  	s2 =	sld [smem:$0x3F96];
	s0 =	simm.s32 @p1 $0x1  }
0x15: {  	[smem:$0x3FB3] =	sst s0;
	s0 =	simm.s32 @!p2 $0x0  }
0x16: {  	s3 =	sld [smem:$0x3FDB];
	s0 =	simm.s32 @p2 $0x1  }
0x17: {  	s4 =	simm.s32 $0x1BF5;
	[smem:$0x3FB5] =	sst s0  }
0x18: {  	s0 =	sld [smem:$0x3F98];
	_ =	swait.ge [sflag:s4], $0x0  }
0x19: {  	s7 =	sld [smem:$0x3F99]  }
0x1a: {  	s8 =	sadd.s32 $0xFFFFE003, lr  }
0x1b: {  	s9 =	sadd.s32 $0xFFFFFEF7, lr;
	s5 =	simm.s32 $0xFFFFFFFF;
	p2 =	slt.u32 s8, $0xFFFFF086  }
0x1c: {  	p1 =	slt.u32 s9, $0xF7A;
	s5 =	simm.s32 @!p2 $0x0  }
0x1d: {  	s5 =	simm.s32 @p1 $0x1;
	p0 =	seq.s32 s7, s2  }
0x1e: {  	s7 =	smul.u32 @!p0 $0xF7A, s2;
	p2 =	seq.s32 @!p0 s5, $0x0  }
0x1f: {  	s9 =	smul.u32 $0xF7A, s1;
	s8 =	simm.s32 @!p0 $0x1BF5;
	p2 =	por !p2, p0  }
0x20: {  	[sflag:s8] =	ssyncset.s32 @!p0 $0xFFFFF086;
	s6 =	sadd.s32 @!p0 s3, s7;
	s7 =	simm.s32 @!p0 $0x108  }
0x21: {  	s3 =	sadd.s32 s3, s9;
	s6 =	sadd.s32 @!p0 $0x88, s6;
	s7 =	simm.s32 @p2 $0x1082  }
0x22: {  	[simem:s7], [sflag:s8] =	dma.local @!p0 [hbm:s6], $0xF7A  }
0x23: {  	s9 =	sor.u32 $0xD0000000, s2;
	s6 =	simm.s32 $0x108;
	_ =	swait.ge @!p0 [sflag:s8], $0x0  }
0x24: {  	s3 =	sadd.s32 $0x88, s3;
	s6 =	simm.s32 @!p1 $0x1082;
	[sflag:s4] =	ssyncset.s32 $0xFFFFF086  }
0x25: {  	[simem:s6], [sflag:s4] =	dma.local [hbm:s3], $0xF7A  }
0x26: {  	[smem:$0x3F99] =	sst s1;
	(tag) =	ssettag s2;
	_ =	strace s9  }
0x27: {  	s1 =	sld [smem:$0x3FA9]  }
0x28: {  	s2 =	sld [smem:$0x3FAA]  }
0x29: {  	s4 =	sld [smem:$0x3FAC]  }
0x2a: {  	p0 =	seq.s32 s5, $0x0;
	s5 =	sld [smem:$0x3FAD]  }
0x2b: {  	s6 =	sld [smem:$0x3FAE]  }
0x2c: {  	s7 =	sld [smem:$0x3FAF]  }
0x2d: {  	s3 =	simm.s32 $0x108;
	s8 =	sld [smem:$0x3FB0]  }
0x2e: {  	s3 =	simm.s32 @!p0 $0x1082;
	s9 =	sld [smem:$0x3FB1]  }
0x2f: {  	lr =	sadd.s32 s0, s3;
	s0 =	sld [smem:$0x3FA8]  }
0x30: {  	s3 =	sld [smem:$0x3FAB]  }
0x31: {  	[smem:$0x3FB4] =	sst s10  }
0x32: {  	s10 =	sld [smem:$0x3FB2];
	_ =	sdelay $0x3  }
0x33: {  	p0 =	seq.s32 s10, $0x1;
	s10 =	sld [smem:$0x3FB4];
	_ =	sdelay $0x3  }
0x34: {  	[smem:$0x3FB4] =	sst s10  }
0x35: {  	s10 =	sld [smem:$0x3FB3];
	_ =	sdelay $0x3  }
0x36: {  	p1 =	seq.s32 s10, $0x1;
	s10 =	sld [smem:$0x3FB4];
	_ =	sdelay $0x3  }
0x37: {  	[smem:$0x3FB4] =	sst s10  }
0x38: {  	s10 =	sld [smem:$0x3FB5]  }
0x39: {  	_ = 	snop;
	(pc) =	sbr.ind lr, $3  }
0x3a: {  	_ = 	snop  }
0x3b: {  	_ = 	snop  }
0x3c: {  	p2 =	seq.s32 s10, $0x1;
	s10 =	sld [smem:$0x3FB4]  }
0x3d: {  	_ =	shalt  }
0x3e: {  	_ =	shalt  }
0x3f: {  	_ =	shalt  }
0x40: {  	_ =	shalt  }
0x41: {  	_ =	shalt  }
0x42: {  	_ =	shalt  }
0x43: {  	_ =	shalt  }
0x44: {  	_ =	shalt  }
0x45: {  	_ =	shalt  }
0x46: {  	_ =	shalt  }
0x47: {  	_ =	shalt  }
0x48: {  	_ =	shalt  }
0x49: {  	_ =	shalt  }
0x4a: {  	_ =	shalt  }
0x4b: {  	_ =	shalt  }
0x4c: {  	_ =	shalt  }
0x4d: {  	_ =	shalt  }
0x4e: {  	_ =	shalt  }
0x4f: {  	_ =	shalt  }
0x50: {  	_ =	shalt  }
0x51: {  	_ =	shalt  }
0x52: {  	_ =	shalt  }
0x53: {  	_ =	shalt  }
0x54: {  	_ =	shalt  }
0x55: {  	_ =	shalt  }
0x56: {  	_ =	shalt  }
0x57: {  	_ =	shalt  }
0x58: {  	_ =	shalt  }
0x59: {  	_ =	shalt  }
0x5a: {  	_ =	shalt  }
0x5b: {  	_ =	shalt  }
0x5c: {  	_ =	shalt  }
0x5d: {  	_ =	shalt  }
0x5e: {  	_ =	shalt  }
0x5f: {  	_ =	shalt  }
0x60: {  	_ =	shalt  }
0x61: {  	_ =	shalt  }
0x62: {  	_ =	shalt  }
0x63: {  	_ =	shalt  }
0x64: {  	_ =	shalt  }
0x65: {  	_ =	shalt  }
0x66: {  	_ =	shalt  }
0x67: {  	_ =	shalt  }
0x68: {  	_ =	shalt  }
0x69: {  	_ =	shalt  }
0x6a: {  	_ =	shalt  }
0x6b: {  	_ =	shalt  }
0x6c: {  	_ =	shalt  }
0x6d: {  	_ =	shalt  }
0x6e: {  	_ =	shalt  }
0x6f: {  	_ =	shalt  }
0x70: {  	_ =	shalt  }
0x71: {  	_ =	shalt  }
0x72: {  	_ =	shalt  }
0x73: {  	_ =	shalt  }
0x74: {  	_ =	shalt  }
0x75: {  	_ =	shalt  }
0x76: {  	_ =	shalt  }
0x77: {  	_ =	shalt  }
0x78: {  	_ =	shalt  }
0x79: {  	_ =	shalt  }
0x7a: {  	_ =	shalt  }
0x7b: {  	_ =	shalt  }
0x7c: {  	_ =	shalt  }
0x7d: {  	_ =	shalt  }
0x7e: {  	_ =	shalt  }
0x7f: {  	_ =	shalt  }
0x80: {  	_ =	shalt  }
0x81: {  	_ =	shalt  }
0x82: {  	_ =	shalt  }
0x83: {  	_ =	shalt  }
0x84: {  	_ =	shalt  }
0x85: {  	_ =	shalt  }
0x86: {  	_ =	shalt  }
0x87: {  	_ =	shalt  }
.Lfunc_end0:
.L_simem_size_0:
called_computation.2_lowered:
.L_overlay_start_0:
0x88: {  	s2 =	sld [smem:$0x3FD9]  }
0x89: {  	s3 =	sld [smem:$0x3FFE];
	_ =	sdelay $0x1  }
0x8a: {  	s1 =	srdreg.scid  }
0x8b: {  	s0 =	sand.u32 $0x1, s1  }
0x8c: {  	s14 =	sshll.u32 s0, $0xA;
	s2 =	sadd.s32 s3, s2  }
0x8d: {  	s2 =	sadd.s32 s2, s14  }
0x8e: {  	[smem:$0x3FC0] =	sst s2  }
0x8f: {  	_ = 	snop  }
0x90: {  	s2 =	sld [smem:$0x3FD0];
	_ =	sdelay $0x2  }
0x91: {  	s15 =	simm.s32 $0xA;
	s4 =	simm.s32 $0x10  }
0x92: {  	[smem:s4], [sflag:s15] =	dma.local [hbm:s2], $0x1  }
0x93: {  	_ =	swait.eq [sflag:s15], $0x1  }
0x94: {  	[sflag:s15] =	ssyncset.done $0x0  }
0x95: {  	s16 =	sld [smem:$0x10];
	[sflag:s15] =	ssyncadd.s32 $0xFFFFFFFF  }
0x96: {  	s17 =	sld [smem:$0x11];
	(tm) =	ssettm $0x1  }
0x97: {  	s18 =	sld [smem:$0x3FFB];
	_ =	sdelay $0x3  }
0x98: {  	_ =	strace s18  }
0x99: {  	s4 =	sld [smem:$0x3FFC];
	_ =	sdelay $0x3  }
0x9a: {  	_ =	strace s4  }
0x9b: {  	s4 =	sld [smem:$0x3FFD];
	_ =	sdelay $0x3  }
0x9c: {  	_ =	strace s4  }
0x9d: {  	_ =	strace $0x8FFFFFFF  }
0x9e: {  	s19 =	sld [smem:$0x3FDB];
	_ =	sdelay $0x1  }
0x9f: {  	s5 =	simm.s32 $_scs_section_size  }
0xa0: {  	s6 =	simm.s32 $_size__tile_overlayer_lowered;
	s7 =	simm.s32 $_tile_overlayer_lowered  }
0xa1: {  	s22 =	simm.s32 $0x1BFF;
	s21 =	sshll.u32 s7, $0x1;
	s4 =	sadd.s32 s5, s19  }
0xa2: {  	s8 =	simm.s32 $0x0;
	s20 =	sshll.u32 s6, $0x1;
	s6 =	sadd.s32 s21, s4  }
0xa3: {  	[timem:s8], [sflag:s22] =	dma.local [hbm:s6], s20  }
0xa4: {  	_ =	swait.ge [sflag:s22], s20  }
0xa5: {  	s5 =	ssub.s32 $0x0, s20;
	[sflag:s22] =	ssyncset.done $0x0  }
0xa6: {  	[sflag:s22] =	ssyncadd.s32 s5;
	_ =	sdelay $0x1  }
0xa7: {  	s23 =	simm.s32 $0x1B8B  }
0xa8: {  	_ =	swait.ge [sflag:s23], $0x1  }
0xa9: {  	[sflag:s23] =	ssyncset.done $0x0  }
0xaa: {  	s25 =	simm.s32 $0x1B8E;
	s24 =	sld [smem:$0x3FFE];
	[sflag:s23] =	ssyncadd.s32 $0xFFFFFFFF  }
0xab: {  	s26 =	simm.s32 $execute0_lowered;
	[smem:$0x3FD2] =	sst s25  }
0xac: {  	s6 =	sshll.u32 s26, $0x1;
	_ =	strace $0x8000004C;
	[dreg:$0x1] =	wrdreg $0xFFFFFFFF  }
0xad: {  	s28 =	simm.s32 $_size_execute0_lowered;
	s4 =	sadd.s32 s4, s6;
	[dreg:$0x0] =	wrdreg $0x0  }
0xae: {  	s6 =	sshll.u32 s28, $0x1;
	[dreg:$0x2] =	wrdreg s4  }
0xaf: {  	[dreg:$0x3] =	wrdreg s6  }
0xb0: {  	[dreg:$0x4] =	wrdreg $0xC0  }
0xb1: {  	_ =	task [dreg:s8], $0x5FFFF  }
0xb2: {  	[dreg:$0x1] =	wrdreg $0xFFFFFFFF  }
0xb3: {  	[dreg:$0x0] =	wrdreg $0x60  }
0xb4: {  	[dreg:$0x2] =	wrdreg s24  }
0xb5: {  	[dreg:$0x3] =	wrdreg s16  }
0xb6: {  	[dreg:$0x4] =	wrdreg s17  }
0xb7: {  	[dreg:$0x5] =	wrdreg $0xA2000  }
0xb8: {  	[dreg:$0x6] =	wrdreg $0x9  }
0xb9: {  	_ =	task.clear_ibuf [dreg:s8], $0x7FFFF;
	_ =	strace $0x9000004C  }
0xba: {  	s29 =	simm.s32 $0x9;
	_ =	strace $0x8000004E  }
0xbb: {  	_ =	swait.ge [sflag:s29], $0x1  }
0xbc: {  	[sflag:s29] =	ssyncadd.s32 $0xFFFFFFFF  }
0xbd: {  	_ =	strace $0x9000004E  }
0xbe: {  	_ =	sfence  }
0xbf: {  	s30 =	sld [smem:$0x0];
	_ =	sdelay $0x2  }
0xc0: {  	s31 =	sshll.u32 s1, $0xD;
	s1 =	sshrl.u32 s1, $0x2  }
0xc1: {  	s3 =	sand.u32 $0x4000, s31;
	s1 =	sadd.s32 s1, s30  }
0xc2: {  	s0 =	sor.u32 s3, s0;
	s1 =	sshll.u32 s1, $0x11  }
0xc3: {  	s0 =	sor.u32 s1, s0  }
0xc4: {  	s0 =	sadd.s32 $0x8F2B, s0  }
0xc5: {  	[sflag:s0] =	ssyncadd.remote.s32 $0x1  }
0xc6: {  	_ =	sfence.sel $0xFFFF  }
0xc7: {  	[dreg:$0x0] =	wrdreg $0xFFFFFFFF;
	(pc) =	sbr.abs _section_cstart, $3  }
0xc8: {  	[dreg:$0x1] =	wrdreg $0xFFFFFFFF  }
0xc9: {  	_ =	task.clear_ibuf [dreg:s8], $0x2FFFF;
	_ =	strace $0x9FFFFFFF  }
0xca: {  	(tm) =	ssettm $0x7FFFFFFF  }
0xcb: {  	_ =	shalt  }
tec
execute0_lowered:
.L_overlay_start_1:
0x0: {  	(tag) =	ssettag $0x1  }
0x1: {  	s0 =	rddreg [dreg:$0x0]  }
0x2: {  	s1 =	rddreg [dreg:$0x1]  }
0x3: {  	s5 =	rddreg [dreg:$0x2]  }
0x4: {  	s2 =	rddreg [dreg:$0x3]  }
0x5: {  	s4 =	srdreg.scid;
	s3 =	simm.s32 $0x0;
	s18 =	stileid.u32  }
0x6: {  	s28 =	simm.s32 $0xB;
	s29 =	simm.s32 $0xC;
	s21 =	smul.u32 $0x2700, s18  }
0x7: {  	s30 =	simm.s32 $0x0;
	s6 =	sand.u32 $0x1, s4;
	s12 =	smul.u32 $0x4E000, s18  }
0x8: {  	[smem:$0x7FF] =	sst s3;
	s4 =	sadd.s32 $0xC600, s0;
	s26 =	smul.u32 $0x27100, s18  }
0x9: {  	p0 =	sne.s32 s18, $0xF;
	s7 =	sshll.u32 s6, $0x4;
	s24 =	smul.u32 $0x271000, s6  }
0xa: {  	_ =	strace $0x8000004D;
	s9 =	ssub.s32 $0x2, s6;
	s6 =	smul.u32 $0x27100, s6  }
0xb: {  	[dreg:$0x7] =	wrdreg s4;
	s7 =	sor.u32 s18, s7;
	s8 =	sadd.s32 s21, s0  }
0xc: {  	s11 =	sshrl.u32 s9, $0x1;
	s12 =	sshrl.u32 s12, $0x2;
	s10 =	smul.u32 $0x138800, s7  }
0xd: {  	s22 =	smul.u32 $0x27100, s7;
	s17 =	sadd.s32 s24, s5;
	s8 =	sadd.s32 $0x16400, s8  }
0xe: {  	s9 =	ssub.s32 s9, s11;
	s20 =	sadd.s32 s26, s17;
	[dreg:$0x13] =	wrdreg s8  }
0xf: {  	s7 =	smul.u32 $0x2710, s7;
	s14 =	sadd.s32 s1, s22;
	[dreg:$0x5] =	wrdreg s20  }
0x10: {  	s10 =	sshrl.u32 s10, $0x3;
	s11 =	sadd.s32 s5, s22;
	[dreg:$0x8] =	wrdreg s14  }
0x11: {  	s16 =	sadd.s32 $0x26C0, s7;
	s13 =	sadd.s32 $0x25D00, s10;
	[dreg:$0x9] =	wrdreg s11  }
0x12: {  	s11 =	sadd.s32 $0x2670, s7;
	s10 =	sadd.s32 $0x26200, s10;
	s21 =	sshll.u32 s16, $0x4  }
0x13: {  	s7 =	sshrl.u32 s7, $0x3;
	s23 =	sadd.s32 s1, s13;
	s13 =	sadd.s32 s5, s13  }
0x14: {  	s25 =	sadd.s32 s1, s10;
	s15 =	sshll.u32 s11, $0x4;
	[dreg:$0xa] =	wrdreg s23  }
0x15: {  	s10 =	sadd.s32 s5, s10;
	s22 =	sadd.s32 s1, s21;
	[dreg:$0xb] =	wrdreg s13  }
0x16: {  	s8 =	sadd.s32 $0xA, s7;
	s14 =	sadd.s32 s4, s7;
	[dreg:$0xc] =	wrdreg s25  }
0x17: {  	s17 =	sadd.s32 $0x14, s7;
	s20 =	sshrl.u32 s11, $0x3;
	[dreg:$0xd] =	wrdreg s10  }
0x18: {  	s11 =	simm.s32 $0x100;
	s19 =	sadd.s32 s1, s15;
	[dreg:$0x11] =	wrdreg s22  }
0x19: {  	s15 =	sadd.s32 s5, s15;
	s5 =	sadd.s32 s5, s21;
	[dreg:$0x18] =	wrdreg s14  }
0x1a: {  	s1 =	sadd.s32 s24, s1;
	s23 =	sadd.s32 $0x2800, s0;
	[dreg:$0xe] =	wrdreg s19  }
0x1b: {  	s24 =	smul.u32 $0x2710, s18;
	s25 =	sshll.u32 s18, $0x6;
	[dreg:$0xf] =	wrdreg s15  }
0x1c: {  	s0 =	sadd.s32 $0x3D400, s0;
	s21 =	sadd.s32 s4, s20;
	[dreg:$0x10] =	wrdreg s5  }
0x1d: {  	s22 =	sshrl.u32 s16, $0x3;
	s10 =	simm.s32 $0x200;
	[dreg:$0x15] =	wrdreg s0  }
0x1e: {  	s14 =	simm.s32 $0x180;
	s16 =	simm.s32 $0x7;
	[dreg:$0x1c] =	wrdreg s21  }
0x1f: {  	s18 =	simm.s32 $0x5200;
	s1 =	sadd.s32 s26, s1;
	[dreg:$0x12] =	wrdreg s23  }
0x20: {  	s5 =	sadd.s32 s12, s2;
	s12 =	sadd.s32 s4, s8;
	[dreg:$0x6] =	wrdreg s1  }
0x21: {  	s13 =	sadd.s32 s23, s8;
	s15 =	sadd.s32 s23, s7;
	[dreg:$0x16] =	wrdreg s12  }
0x22: {  	s19 =	sadd.s32 s4, s17;
	s0 =	sadd.s32 s23, s17;
	[dreg:$0x17] =	wrdreg s13  }
0x23: {  	s4 =	sadd.s32 s4, s22;
	s7 =	simm.s32 $0x80;
	[dreg:$0x19] =	wrdreg s15  }
0x24: {  	s8 =	simm.s32 $0x5;
	s21 =	simm.s32 $0x7A00;
	[dreg:$0x1a] =	wrdreg s19  }
0x25: {  	s1 =	sor.u32 $0x1C0D, s25;
	s26 =	sadd.s32 s24, s6;
	[dreg:$0x1b] =	wrdreg s0  }
0x26: {  	s0 =	sadd.s32 s23, s20;
	[dreg:$0x1e] =	wrdreg s4;
	s24 =	smax.u32 s9, $0x1  }
0x27: {  	s9 =	simm.s32 $0x50;
	s12 =	simm.s32 $0x6;
	s13 =	simm.s32 $0x2A00  }
0x28: {  	s19 =	simm.s32 $0x1;
	s20 =	simm.s32 $0x8;
	[dreg:$0x14] =	wrdreg s1  }
0x29: {  	[dreg:$0x1d] =	wrdreg s0;
	s0 =	sadd.s32 s23, s22;
	s23 =	sadd.s32 $0xF0, s26  }
0x2a: {  	[smem:$0x7FB] =	sst s24;
	s25 =	sadd.s32 $0x140, s26;
	s1 =	sadd.s32 $0x138000, s2  }
0x2b: {  	s26 =	sshrl.u32 s5, $0x3;
	s22 =	simm.s32 $0x2;
	s24 =	simm.s32 $0x3  }
0x2c: {  	[dreg:$0x1f] =	wrdreg s0;
	s31 =	sshrl.u32 s23, $0x3;
	s0 =	sshrl.u32 s25, $0x3  }
0x2d: {  	[smem:$0x7FC] =	sst s26;
	s1 =	sshrl.u32 @!p0 s1, $0x3;
	s23 =	simm.s32 $0x9  }
0x2e: {  	s25 =	simm.s32 $0xA;
	s26 =	simm.s32 $0x4;
	[smem:$0x7FD] =	sst s1  }
.LBB2_1:
0x2f: {  	s5 =	sld [smem:$0x7FC]  }
0x30: {  	s1 =	rddreg [dreg:$0x13]  }
0x31: {  	s4 =	rddreg [dreg:$0x14];
	s17 =	simm.s32 $0xD  }
0x32: {  	[spmem:s5], [sflag:s4] =	dma.local [hbm:s1], $0x2700  }
0x33: {  	_ =	swait.ge [sflag:s17], $0x2700  }
0x34: {  	s5 =	sld [smem:$0x7FD]  }
0x35: {  	[sflag:s17] =	ssyncset.done $0x0  }
0x36: {  	s1 =	rddreg [dreg:$0x15];
	[sflag:s17] =	ssyncadd.s32 $0xFFFFD900  }
0x37: {  	[spmem:s5], [sflag:s4] =	dma.local @!p0 [hbm:s1], $0x100  }
0x38: {  	s1 =	simm.s32 @!p0 $0xD  }
0x39: {  	_ =	swait.ge @!p0 [sflag:s1], $0x100  }
0x3a: {  	[sflag:s1] =	ssyncset.done @!p0 $0x0  }
0x3b: {  	[sflag:s1] =	ssyncadd.s32 @!p0 $0xFFFFFF00  }
0x3c: {  	[bflag:$0x0] =	sbarrier.arrive $0xFFFF  }
0x3d: {  	s5 =	rddreg [dreg:$0x18]  }
0x3e: {  	[tilespmem:s3], [sflag:$0x5] =	stream.linear.gather [hbm4b:s5+s3], $0x50, $0x38;
	[tilespmem:$0x1DA80] =	vst v63  }
0x3f: {  	s6 =	rddreg [dreg:$0x19]  }
0x40: {  	[tilespmem:s7], [sflag:$0x6] =	stream.linear.gather [hbm4b:s6+s3], $0x50, $0x38;
	[tilespmem:$0x1DA80] =	vst v63  }
0x41: {  	_ =	swait.ge [sflag:s8], $0x50  }
0x42: {  	[sflag:s8] =	ssyncset.done $0x0  }
0x43: {  	[sflag:s8] =	ssyncadd.s32 $0xFFFFFFB0  }
0x44: {  	[tilespmem:s10], [sflag:$0x1] =	stream.indirect.gather [spmem:s2], $0x80, s3, s9, $0xb8;
	[tilespmem:$0x1DA80] =	vst v63  }
0x45: {  	s15 =	rddreg [dreg:$0x16]  }
0x46: {  	[tilespmem:s11], [sflag:$0x7] =	stream.linear.gather [hbm4b:s15+s3], $0x50, $0x38;
	[tilespmem:$0x1DA80] =	vst v63  }
0x47: {  	_ =	swait.ge [sflag:s12], $0x50  }
0x48: {  	[sflag:s12] =	ssyncset.done $0x0  }
0x49: {  	[sflag:s12] =	ssyncadd.s32 $0xFFFFFFB0  }
0x4a: {  	[tilespmem:s13], [sflag:$0x2] =	stream.indirect.gather [spmem:s2], $0x80, s7, s9, $0xb8;
	[tilespmem:$0x1DA80] =	vst v63  }
0x4b: {  	s17 =	rddreg [dreg:$0x17]  }
0x4c: {  	[tilespmem:s14], [sflag:$0x8] =	stream.linear.gather [hbm4b:s17+s3], $0x50, $0x38;
	[tilespmem:$0x1DA80] =	vst v63  }
0x4d: {  	_ =	swait.ge [sflag:s16], $0x50  }
0x4e: {  	[sflag:s16] =	ssyncset.done $0x0  }
0x4f: {  	[sflag:s16] =	ssyncadd.s32 $0xFFFFFFB0  }
0x50: {  	[tilespmem:s18], [sflag:$0x3] =	stream.indirect.gather [spmem:s2], $0x80, s11, s9, $0xb8;
	[tilespmem:$0x1DA80] =	vst v63  }
0x51: {  	_ =	swait.ge [sflag:s19], $0x2800  }
0x52: {  	[sflag:s19] =	ssyncset.done $0x0  }
0x53: {  	s4 =	rddreg [dreg:$0x8];
	[sflag:s19] =	ssyncadd.s32 $0xFFFFD800  }
0x54: {  	[hbm4b:s4+s3] =	stream.linear.scatter [tilespmem:s10], [sflag:$0x9], $0x2800, $0x38;
	[tilespmem:$0x1DA80] =	vst v63  }
0x55: {  	s5 =	rddreg [dreg:$0x1a]  }
0x56: {  	[tilespmem:s3], [sflag:$0x5] =	stream.linear.gather [hbm4b:s5+s3], $0x50, $0x38;
	[tilespmem:$0x1DA80] =	vst v63  }
0x57: {  	_ =	swait.ge [sflag:s20], $0x50  }
0x58: {  	[sflag:s20] =	ssyncset.done $0x0  }
0x59: {  	[sflag:s20] =	ssyncadd.s32 $0xFFFFFFB0  }
0x5a: {  	[tilespmem:s21], [sflag:$0x4] =	stream.indirect.gather [spmem:s2], $0x80, s14, s9, $0xb8;
	[tilespmem:$0x1DA80] =	vst v63  }
0x5b: {  	_ =	swait.ge [sflag:s22], $0x2800  }
0x5c: {  	[sflag:s22] =	ssyncset.done $0x0  }
0x5d: {  	s6 =	rddreg [dreg:$0x9];
	[sflag:s22] =	ssyncadd.s32 $0xFFFFD800  }
0x5e: {  	[hbm4b:s6+s3] =	stream.linear.scatter [tilespmem:s13], [sflag:$0xA], $0x2800, $0x38;
	[tilespmem:$0x1DA80] =	vst v63  }
0x5f: {  	s15 =	rddreg [dreg:$0x1b]  }
0x60: {  	[tilespmem:s7], [sflag:$0x6] =	stream.linear.gather [hbm4b:s15+s3], $0x50, $0x38;
	[tilespmem:$0x1DA80] =	vst v63  }
0x61: {  	_ =	swait.ge [sflag:s23], $0x2800  }
0x62: {  	[sflag:s23] =	ssyncset.done $0x0  }
0x63: {  	[sflag:s23] =	ssyncadd.s32 $0xFFFFD800  }
0x64: {  	_ =	swait.ge [sflag:s8], $0x50  }
0x65: {  	[sflag:s8] =	ssyncset.done $0x0  }
0x66: {  	[sflag:s8] =	ssyncadd.s32 $0xFFFFFFB0  }
0x67: {  	[tilespmem:s10], [sflag:$0x1] =	stream.indirect.gather [spmem:s2], $0x80, s3, s9, $0xb8;
	[tilespmem:$0x1DA80] =	vst v63  }
0x68: {  	_ =	swait.ge [sflag:s24], $0x2800  }
0x69: {  	s17 =	rddreg [dreg:$0x6]  }
0x6a: {  	[sflag:s24] =	ssyncset.done $0x0;
	s1 =	sadd.s32 $0x0, s17  }
0x6b: {  	[sflag:s24] =	ssyncadd.s32 $0xFFFFD800;
	s4 =	sadd.s32 $0x500, s1  }
0x6c: {  	[hbm4b:s4+s3] =	stream.linear.scatter [tilespmem:s18], [sflag:$0xB], $0x2800, $0x38;
	[tilespmem:$0x1DA80] =	vst v63  }
0x6d: {  	s4 =	rddreg [dreg:$0x7]  }
0x6e: {  	s6 =	sadd.s32 s4, s31  }
0x6f: {  	[tilespmem:s11], [sflag:$0x7] =	stream.linear.gather [hbm4b:s6+s3], $0x50, $0x38;
	[tilespmem:$0x1DA80] =	vst v63  }
0x70: {  	_ =	swait.ge [sflag:s25], $0x2800  }
0x71: {  	[sflag:s25] =	ssyncset.done $0x0  }
0x72: {  	[sflag:s25] =	ssyncadd.s32 $0xFFFFD800  }
0x73: {  	_ =	swait.ge [sflag:s12], $0x50  }
0x74: {  	[sflag:s12] =	ssyncset.done $0x0  }
0x75: {  	[sflag:s12] =	ssyncadd.s32 $0xFFFFFFB0  }
0x76: {  	[tilespmem:s13], [sflag:$0x2] =	stream.indirect.gather [spmem:s2], $0x80, s7, s9, $0xb8;
	[tilespmem:$0x1DA80] =	vst v63  }
0x77: {  	_ =	swait.ge [sflag:s26], $0x2800  }
0x78: {  	s15 =	rddreg [dreg:$0x5]  }
0x79: {  	[sflag:s26] =	ssyncset.done $0x0;
	s5 =	sadd.s32 $0x0, s15  }
0x7a: {  	[sflag:s26] =	ssyncadd.s32 $0xFFFFD800;
	s15 =	rddreg [dreg:$0x12];
	s6 =	sadd.s32 $0x500, s5  }
0x7b: {  	[hbm4b:s6+s3] =	stream.linear.scatter [tilespmem:s21], [sflag:$0xC], $0x2800, $0x38;
	[tilespmem:$0x1DA80] =	vst v63  }
0x7c: {  	s17 =	sadd.s32 s15, s31  }
0x7d: {  	[tilespmem:s14], [sflag:$0x8] =	stream.linear.gather [hbm4b:s17+s3], $0x50, $0x38;
	[tilespmem:$0x1DA80] =	vst v63  }
0x7e: {  	_ =	swait.ge [sflag:s28], $0x2800  }
0x7f: {  	[sflag:s28] =	ssyncset.done $0x0  }
0x80: {  	[sflag:s28] =	ssyncadd.s32 $0xFFFFD800  }
0x81: {  	_ =	swait.ge [sflag:s16], $0x50  }
0x82: {  	[sflag:s16] =	ssyncset.done $0x0  }
0x83: {  	[sflag:s16] =	ssyncadd.s32 $0xFFFFFFB0  }
0x84: {  	[tilespmem:s18], [sflag:$0x3] =	stream.indirect.gather [spmem:s2], $0x80, s11, s9, $0xb8;
	[tilespmem:$0x1DA80] =	vst v63  }
0x85: {  	_ =	swait.ge [sflag:s19], $0x2800  }
0x86: {  	[sflag:s19] =	ssyncset.done $0x0  }
0x87: {  	s1 =	sadd.s32 $0xA00, s1;
	[sflag:s19] =	ssyncadd.s32 $0xFFFFD800  }
0x88: {  	[hbm4b:s1+s3] =	stream.linear.scatter [tilespmem:s10], [sflag:$0x9], $0x2800, $0x38;
	[tilespmem:$0x1DA80] =	vst v63  }
0x89: {  	s6 =	sadd.s32 s4, s0  }
0x8a: {  	[tilespmem:s3], [sflag:$0x5] =	stream.linear.gather [hbm4b:s6+s3], $0x50, $0x38;
	[tilespmem:$0x1DA80] =	vst v63  }
0x8b: {  	_ =	swait.ge [sflag:s29], $0x2800  }
0x8c: {  	[sflag:s29] =	ssyncset.done $0x0  }
0x8d: {  	[sflag:s29] =	ssyncadd.s32 $0xFFFFD800  }
0x8e: {  	_ =	swait.ge [sflag:s20], $0x50  }
0x8f: {  	[sflag:s20] =	ssyncset.done $0x0  }
0x90: {  	[sflag:s20] =	ssyncadd.s32 $0xFFFFFFB0  }
0x91: {  	[tilespmem:s21], [sflag:$0x4] =	stream.indirect.gather [spmem:s2], $0x80, s14, s9, $0xb8;
	[tilespmem:$0x1DA80] =	vst v63  }
0x92: {  	_ =	swait.ge [sflag:s22], $0x2800  }
0x93: {  	[sflag:s22] =	ssyncset.done $0x0  }
0x94: {  	s17 =	sadd.s32 $0xA00, s5;
	s5 =	sadd.s32 $0x14, s15;
	[sflag:s22] =	ssyncadd.s32 $0xFFFFD800  }
0x95: {  	[hbm4b:s17+s3] =	stream.linear.scatter [tilespmem:s13], [sflag:$0xA], $0x2800, $0x38;
	[tilespmem:$0x1DA80] =	vst v63  }
0x96: {  	s1 =	simm.s32 $0xA00;
	s6 =	sadd.s32 $0x14, s4;
	s17 =	sadd.s32 s15, s0  }
.LBB2_2:
0x97: {  	[tilespmem:s7], [sflag:$0x6] =	stream.linear.gather [hbm4b:s17+s3], $0x50, $0x38;
	[tilespmem:$0x1DA80] =	vst v63  }
0x98: {  	_ =	swait.ge [sflag:s23], $0x2800  }
0x99: {  	[sflag:s23] =	ssyncset.done $0x0  }
0x9a: {  	[sflag:s23] =	ssyncadd.s32 $0xFFFFD800  }
0x9b: {  	_ =	swait.ge [sflag:s8], $0x50  }
0x9c: {  	[sflag:s8] =	ssyncset.done $0x0  }
0x9d: {  	[sflag:s8] =	ssyncadd.s32 $0xFFFFFFB0  }
0x9e: {  	[tilespmem:s10], [sflag:$0x1] =	stream.indirect.gather [spmem:s2], $0x80, s3, s9, $0xb8;
	[tilespmem:$0x1DA80] =	vst v63  }
0x9f: {  	_ =	swait.ge [sflag:s24], $0x2800  }
0xa0: {  	s17 =	smov.u32 s1;
	s4 =	rddreg [dreg:$0x6]  }
0xa1: {  	[sflag:s24] =	ssyncset.done $0x0;
	s4 =	sadd.s32 s17, s4  }
0xa2: {  	[sflag:s24] =	ssyncadd.s32 $0xFFFFD800;
	s15 =	sadd.s32 $0x500, s4  }
0xa3: {  	[hbm4b:s15+s3] =	stream.linear.scatter [tilespmem:s18], [sflag:$0xB], $0x2800, $0x38;
	[tilespmem:$0x1DA80] =	vst v63  }
0xa4: {  	s15 =	sadd.s32 s6, s31  }
0xa5: {  	[tilespmem:s11], [sflag:$0x7] =	stream.linear.gather [hbm4b:s15+s3], $0x50, $0x38;
	[tilespmem:$0x1DA80] =	vst v63  }
0xa6: {  	_ =	swait.ge [sflag:s25], $0x2800  }
0xa7: {  	[sflag:s25] =	ssyncset.done $0x0  }
0xa8: {  	[sflag:s25] =	ssyncadd.s32 $0xFFFFD800  }
0xa9: {  	_ =	swait.ge [sflag:s12], $0x50  }
0xaa: {  	[sflag:s12] =	ssyncset.done $0x0  }
0xab: {  	[sflag:s12] =	ssyncadd.s32 $0xFFFFFFB0  }
0xac: {  	[tilespmem:s13], [sflag:$0x2] =	stream.indirect.gather [spmem:s2], $0x80, s7, s9, $0xb8;
	[tilespmem:$0x1DA80] =	vst v63  }
0xad: {  	_ =	swait.ge [sflag:s26], $0x2800  }
0xae: {  	s15 =	rddreg [dreg:$0x5]  }
0xaf: {  	[sflag:s26] =	ssyncset.done $0x0;
	s15 =	sadd.s32 s17, s15  }
0xb0: {  	[sflag:s26] =	ssyncadd.s32 $0xFFFFD800;
	s17 =	sadd.s32 $0x500, s15  }
0xb1: {  	[hbm4b:s17+s3] =	stream.linear.scatter [tilespmem:s21], [sflag:$0xC], $0x2800, $0x38;
	[tilespmem:$0x1DA80] =	vst v63  }
0xb2: {  	s17 =	sadd.s32 s5, s31  }
0xb3: {  	[tilespmem:s14], [sflag:$0x8] =	stream.linear.gather [hbm4b:s17+s3], $0x50, $0x38;
	[tilespmem:$0x1DA80] =	vst v63  }
0xb4: {  	_ =	swait.ge [sflag:s28], $0x2800  }
0xb5: {  	[sflag:s28] =	ssyncset.done $0x0  }
0xb6: {  	[sflag:s28] =	ssyncadd.s32 $0xFFFFD800  }
0xb7: {  	_ =	swait.ge [sflag:s16], $0x50  }
0xb8: {  	[sflag:s16] =	ssyncset.done $0x0  }
0xb9: {  	[sflag:s16] =	ssyncadd.s32 $0xFFFFFFB0  }
0xba: {  	[tilespmem:s18], [sflag:$0x3] =	stream.indirect.gather [spmem:s2], $0x80, s11, s9, $0xb8;
	[tilespmem:$0x1DA80] =	vst v63  }
0xbb: {  	_ =	swait.ge [sflag:s19], $0x2800  }
0xbc: {  	[sflag:s19] =	ssyncset.done $0x0  }
0xbd: {  	s4 =	sadd.s32 $0xA00, s4;
	[sflag:s19] =	ssyncadd.s32 $0xFFFFD800  }
0xbe: {  	[hbm4b:s4+s3] =	stream.linear.scatter [tilespmem:s10], [sflag:$0x9], $0x2800, $0x38;
	[tilespmem:$0x1DA80] =	vst v63  }
0xbf: {  	s17 =	sadd.s32 s6, s0  }
0xc0: {  	[tilespmem:s3], [sflag:$0x5] =	stream.linear.gather [hbm4b:s17+s3], $0x50, $0x38;
	[tilespmem:$0x1DA80] =	vst v63  }
0xc1: {  	_ =	swait.ge [sflag:s29], $0x2800  }
0xc2: {  	[sflag:s29] =	ssyncset.done $0x0  }
0xc3: {  	[sflag:s29] =	ssyncadd.s32 $0xFFFFD800  }
0xc4: {  	_ =	swait.ge [sflag:s20], $0x50  }
0xc5: {  	[sflag:s20] =	ssyncset.done $0x0  }
0xc6: {  	p1 =	sne.s32 s1, $0x24E00;
	[sflag:s20] =	ssyncadd.s32 $0xFFFFFFB0  }
0xc7: {  	[tilespmem:s21], [sflag:$0x4] =	stream.indirect.gather [spmem:s2], $0x80, s14, s9, $0xb8;
	[tilespmem:$0x1DA80] =	vst v63  }
.Ltmp0:
0xc8: {  	_ =	swait.ge [sflag:s22], $0x2800;
	(pc) =	sbr.rel @p1 .LBB2_2-.Ltmp0, $4  }
0xc9: {  	[sflag:s22] =	ssyncset.done $0x0  }
0xca: {  	s1 =	sadd.s32 $0xA00, s1;
	s17 =	sadd.s32 $0xA00, s15;
	[sflag:s22] =	ssyncadd.s32 $0xFFFFD800  }
0xcb: {  	[hbm4b:s17+s3] =	stream.linear.scatter [tilespmem:s13], [sflag:$0xA], $0x2800, $0x38;
	[tilespmem:$0x1DA80] =	vst v63  }
0xcc: {  	s6 =	sadd.s32 $0x14, s6;
	s17 =	sadd.s32 s5, s0;
	s5 =	sadd.s32 $0x14, s5  }
0xcd: {  	[tilespmem:s7], [sflag:$0x6] =	stream.linear.gather [hbm4b:s17+s3], $0x50, $0x38;
	[tilespmem:$0x1DA80] =	vst v63  }
0xce: {  	_ =	swait.ge [sflag:s23], $0x2800  }
0xcf: {  	[sflag:s23] =	ssyncset.done $0x0  }
0xd0: {  	[sflag:s23] =	ssyncadd.s32 $0xFFFFD800  }
0xd1: {  	_ =	swait.ge [sflag:s8], $0x50  }
0xd2: {  	[sflag:s8] =	ssyncset.done $0x0  }
0xd3: {  	[sflag:s8] =	ssyncadd.s32 $0xFFFFFFB0  }
0xd4: {  	[tilespmem:s10], [sflag:$0x1] =	stream.indirect.gather [spmem:s2], $0x80, s3, s9, $0xb8;
	[tilespmem:$0x1DA80] =	vst v63  }
0xd5: {  	_ =	swait.ge [sflag:s24], $0x2800  }
0xd6: {  	[sflag:s24] =	ssyncset.done $0x0  }
0xd7: {  	s1 =	rddreg [dreg:$0xa];
	[sflag:s24] =	ssyncadd.s32 $0xFFFFD800  }
0xd8: {  	[hbm4b:s1+s3] =	stream.linear.scatter [tilespmem:s18], [sflag:$0xB], $0x2800, $0x38;
	[tilespmem:$0x1DA80] =	vst v63  }
0xd9: {  	s15 =	rddreg [dreg:$0x1c]  }
0xda: {  	[tilespmem:s11], [sflag:$0x7] =	stream.linear.gather [hbm4b:s15+s3], $0x50, $0x38;
	[tilespmem:$0x1DA80] =	vst v63  }
0xdb: {  	_ =	swait.ge [sflag:s25], $0x2800  }
0xdc: {  	[sflag:s25] =	ssyncset.done $0x0  }
0xdd: {  	[sflag:s25] =	ssyncadd.s32 $0xFFFFD800  }
0xde: {  	_ =	swait.ge [sflag:s12], $0x50  }
0xdf: {  	[sflag:s12] =	ssyncset.done $0x0  }
0xe0: {  	[sflag:s12] =	ssyncadd.s32 $0xFFFFFFB0  }
0xe1: {  	[tilespmem:s13], [sflag:$0x2] =	stream.indirect.gather [spmem:s2], $0x80, s7, s9, $0xb8;
	[tilespmem:$0x1DA80] =	vst v63  }
0xe2: {  	_ =	swait.ge [sflag:s26], $0x2800  }
0xe3: {  	[sflag:s26] =	ssyncset.done $0x0  }
0xe4: {  	s17 =	rddreg [dreg:$0xb];
	[sflag:s26] =	ssyncadd.s32 $0xFFFFD800  }
0xe5: {  	[hbm4b:s17+s3] =	stream.linear.scatter [tilespmem:s21], [sflag:$0xC], $0x2800, $0x38;
	[tilespmem:$0x1DA80] =	vst v63  }
0xe6: {  	s4 =	rddreg [dreg:$0x1d]  }
0xe7: {  	[tilespmem:s14], [sflag:$0x8] =	stream.linear.gather [hbm4b:s4+s3], $0x50, $0x38;
	[tilespmem:$0x1DA80] =	vst v63  }
0xe8: {  	_ =	swait.ge [sflag:s28], $0x2800  }
0xe9: {  	[sflag:s28] =	ssyncset.done $0x0  }
0xea: {  	[sflag:s28] =	ssyncadd.s32 $0xFFFFD800  }
0xeb: {  	_ =	swait.ge [sflag:s16], $0x50  }
0xec: {  	[sflag:s16] =	ssyncset.done $0x0  }
0xed: {  	[sflag:s16] =	ssyncadd.s32 $0xFFFFFFB0  }
0xee: {  	[tilespmem:s18], [sflag:$0x3] =	stream.indirect.gather [spmem:s2], $0x80, s11, s9, $0xb8;
	[tilespmem:$0x1DA80] =	vst v63  }
0xef: {  	_ =	swait.ge [sflag:s19], $0x2800  }
0xf0: {  	[sflag:s19] =	ssyncset.done $0x0  }
0xf1: {  	s5 =	rddreg [dreg:$0xc];
	[sflag:s19] =	ssyncadd.s32 $0xFFFFD800  }
0xf2: {  	[hbm4b:s5+s3] =	stream.linear.scatter [tilespmem:s10], [sflag:$0x9], $0x2800, $0x38;
	[tilespmem:$0x1DA80] =	vst v63  }
0xf3: {  	s6 =	rddreg [dreg:$0x1e]  }
0xf4: {  	[tilespmem:s3], [sflag:$0x5] =	stream.linear.gather [hbm4b:s6+s3], $0x50, $0x38;
	[tilespmem:$0x1DA80] =	vst v63  }
0xf5: {  	_ =	swait.ge [sflag:s29], $0x2800  }
0xf6: {  	[sflag:s29] =	ssyncset.done $0x0  }
0xf7: {  	[sflag:s29] =	ssyncadd.s32 $0xFFFFD800  }
0xf8: {  	_ =	swait.ge [sflag:s20], $0x50  }
0xf9: {  	[sflag:s20] =	ssyncset.done $0x0  }
0xfa: {  	[sflag:s20] =	ssyncadd.s32 $0xFFFFFFB0  }
0xfb: {  	[tilespmem:s21], [sflag:$0x4] =	stream.indirect.gather [spmem:s2], $0x80, s14, s9, $0xb8;
	[tilespmem:$0x1DA80] =	vst v63  }
0xfc: {  	_ =	swait.ge [sflag:s22], $0x2800  }
0xfd: {  	[sflag:s22] =	ssyncset.done $0x0  }
0xfe: {  	s15 =	rddreg [dreg:$0xd];
	[sflag:s22] =	ssyncadd.s32 $0xFFFFD800  }
0xff: {  	[hbm4b:s15+s3] =	stream.linear.scatter [tilespmem:s13], [sflag:$0xA], $0x2800, $0x38;
	[tilespmem:$0x1DA80] =	vst v63  }
0x100: {  	s17 =	rddreg [dreg:$0x1f]  }
0x101: {  	[tilespmem:s7], [sflag:$0x6] =	stream.linear.gather [hbm4b:s17+s3], $0x50, $0x38;
	[tilespmem:$0x1DA80] =	vst v63  }
0x102: {  	_ =	swait.ge [sflag:s23], $0x2800  }
0x103: {  	[sflag:s23] =	ssyncset.done $0x0  }
0x104: {  	[sflag:s23] =	ssyncadd.s32 $0xFFFFD800  }
0x105: {  	_ =	swait.ge [sflag:s8], $0x50  }
0x106: {  	[sflag:s8] =	ssyncset.done $0x0  }
0x107: {  	[sflag:s8] =	ssyncadd.s32 $0xFFFFFFB0  }
0x108: {  	[tilespmem:s10], [sflag:$0x1] =	stream.indirect.gather [spmem:s2], $0x80, s3, s9, $0xb8;
	[tilespmem:$0x1DA80] =	vst v63  }
0x109: {  	_ =	swait.ge [sflag:s24], $0x2800  }
0x10a: {  	[sflag:s24] =	ssyncset.done $0x0  }
0x10b: {  	s4 =	rddreg [dreg:$0xe];
	[sflag:s24] =	ssyncadd.s32 $0xFFFFD800  }
0x10c: {  	[hbm4b:s4+s3] =	stream.linear.scatter [tilespmem:s18], [sflag:$0xB], $0x2800, $0x38;
	[tilespmem:$0x1DA80] =	vst v63  }
0x10d: {  	_ =	swait.ge [sflag:s25], $0x2800  }
0x10e: {  	[sflag:s25] =	ssyncset.done $0x0  }
0x10f: {  	[sflag:s25] =	ssyncadd.s32 $0xFFFFD800  }
0x110: {  	_ =	swait.ge [sflag:s12], $0x50  }
0x111: {  	[sflag:s12] =	ssyncset.done $0x0  }
0x112: {  	[sflag:s12] =	ssyncadd.s32 $0xFFFFFFB0  }
0x113: {  	[tilespmem:s13], [sflag:$0x2] =	stream.indirect.gather [spmem:s2], $0x80, s7, s9, $0xb8;
	[tilespmem:$0x1DA80] =	vst v63  }
0x114: {  	_ =	swait.ge [sflag:s26], $0x2800  }
0x115: {  	[sflag:s26] =	ssyncset.done $0x0  }
0x116: {  	s5 =	rddreg [dreg:$0xf];
	[sflag:s26] =	ssyncadd.s32 $0xFFFFD800  }
0x117: {  	[hbm4b:s5+s3] =	stream.linear.scatter [tilespmem:s21], [sflag:$0xC], $0x2800, $0x38;
	[tilespmem:$0x1DA80] =	vst v63  }
0x118: {  	_ =	swait.ge [sflag:s19], $0x2800  }
0x119: {  	[sflag:s19] =	ssyncset.done $0x0  }
0x11a: {  	s6 =	rddreg [dreg:$0x11];
	[sflag:s19] =	ssyncadd.s32 $0xFFFFD800  }
0x11b: {  	[hbm4b:s6+s3] =	stream.linear.scatter [tilespmem:s10], [sflag:$0x9], $0x2800, $0x38;
	[tilespmem:$0x1DA80] =	vst v63  }
0x11c: {  	_ =	swait.ge [sflag:s22], $0x2800  }
0x11d: {  	[sflag:s22] =	ssyncset.done $0x0  }
0x11e: {  	s15 =	rddreg [dreg:$0x10];
	[sflag:s22] =	ssyncadd.s32 $0xFFFFD800  }
0x11f: {  	[hbm4b:s15+s3] =	stream.linear.scatter [tilespmem:s13], [sflag:$0xA], $0x2800, $0x38;
	[tilespmem:$0x1DA80] =	vst v63  }
0x120: {  	_ =	swait.ge [sflag:s28], $0x2800  }
0x121: {  	[sflag:s28] =	ssyncset.done $0x0  }
0x122: {  	[sflag:s28] =	ssyncadd.s32 $0xFFFFD800  }
0x123: {  	_ =	swait.ge [sflag:s29], $0x2800  }
0x124: {  	[sflag:s29] =	ssyncset.done $0x0  }
0x125: {  	[sflag:s29] =	ssyncadd.s32 $0xFFFFD800  }
0x126: {  	_ =	swait.ge [sflag:s23], $0x2800  }
0x127: {  	[sflag:s23] =	ssyncset.done $0x0  }
0x128: {  	[sflag:s23] =	ssyncadd.s32 $0xFFFFD800  }
0x129: {  	_ =	swait.ge [sflag:s25], $0x2800  }
0x12a: {  	s17 =	sld [smem:$0x7FB];
	_ =	sdelay $0x1  }
0x12b: {  	s30 =	sadd.s32 $0x1, s30  }
0x12c: {  	p1 =	sne.s32 s30, s17  }
.Ltmp1:
0x12d: {  	_ = 	snop;
	(pc) =	sbr.rel @p1 .LBB2_1-.Ltmp1, $3  }
0x12e: {  	_ =	sdelay $0x1  }
0x12f: {  	[sflag:s25] =	ssyncset.done $0x0  }
0x130: {  	[sflag:s25] =	ssyncadd.s32 $0xFFFFD800  }
0x131: {  	_ =	sfence.sel $0x180000  }
0x132: {  	[bflag:$0x0] =	sbarrier.arrive $0xFFFF  }
0x133: {  	_ =	strace $0x9000004D  }
0x134: {  	s0 =	stileid.u32;
	[bflag:$0x2] =	sbarrier.arrive $0xFFFF  }
0x135: {  	p0 =	sne.s32 s0, $0x0;
	s0 =	rddreg [dreg:$0x4]  }
0x136: {  	s0 =	sadd.s32 @!p0 $0x100000, s0  }
0x137: {  	[sflag:s0] =	ssyncadd.tile.s32 @!p0 $0x1;
	_ =	shalt  }
.Lfunc_end2:
_tile_overlayer_lowered:
.L_overlay_start_2:
0x138: {  	(tag) =	ssettag $0x2  }
0x139: {  	s0 =	rddreg [dreg:$0x0];
	s2 =	stileid.u32  }
0x13a: {  	s1 =	rddreg [dreg:$0x1];
	p0 =	sne.s32 s2, $0x0  }
0x13b: {  	s3 =	rddreg [dreg:$0x2];
	[bflag:$0x3] =	sbarrier.arrive $0xFFFF;
	s2 =	simm.s32 @!p0 $0x1C0D  }
0x13c: {  	[timem:s3], [sflag:s2] =	dma.local @!p0 [hbm:s0], s1  }
0x13d: {  	s0 =	simm.s32 @!p0 $0xD  }
0x13e: {  	_ =	swait.ge @!p0 [sflag:s0], s1  }
0x13f: {  	s1 =	ssub.s32 @!p0 $0x0, s1;
	[sflag:s0] =	ssyncset.done @!p0 $0x0  }
0x140: {  	[sflag:s0] =	ssyncadd.s32 @!p0 s1  }
0x141: {  	[bflag:$0x3] =	sbarrier.arrive $0xFFFF  }
0x142: {  	_ =	shalt  }

// kernel: kernel.7.cloned.1.call-start
scs
__scs_entry_jumppad:
0x0: {  	(pc) =	sbr.rel $0x88, $3  }
0x1: {  	(tag) =	ssettag $0x0;
	lr =	simm.s32 $0x1  }
0x2: {  	[smem:$0x3F99] =	sst lr;
	_ =	strace $0xD0000000  }
0x3: {  	_ = 	snop  }
0x4: {  	_ = 	snop  }
0x5: {  	_ = 	snop  }
0x6: {  	_ = 	snop  }
0x7: {  	_ = 	snop  }
__scs_overlays_trampoline_lowered:
0x8: {  	[smem:$0x3FA8] =	sst s0  }
0x9: {  	[smem:$0x3FA9] =	sst s1  }
0xa: {  	[smem:$0x3FAA] =	sst s2  }
0xb: {  	[smem:$0x3FAB] =	sst s3  }
0xc: {  	[smem:$0x3FAC] =	sst s4  }
0xd: {  	[smem:$0x3FAD] =	sst s5  }
0xe: {  	[smem:$0x3FAE] =	sst s6  }
0xf: {  	[smem:$0x3FAF] =	sst s7  }
0x10: {  	[smem:$0x3FB0] =	sst s8  }
0x11: {  	[smem:$0x3FB1] =	sst s9;
	s0 =	simm.s32 @!p0 $0x0  }
0x12: {  	s1 =	sld [smem:$0x3F97];
	s0 =	simm.s32 @p0 $0x1  }
0x13: {  	[smem:$0x3FB2] =	sst s0;
	s0 =	simm.s32 @!p1 $0x0  }
0x14: {  	s2 =	sld [smem:$0x3F96];
	s0 =	simm.s32 @p1 $0x1  }
0x15: {  	[smem:$0x3FB3] =	sst s0;
	s0 =	simm.s32 @!p2 $0x0  }
0x16: {  	s3 =	sld [smem:$0x3FDB];
	s0 =	simm.s32 @p2 $0x1  }
0x17: {  	s4 =	simm.s32 $0x1BF5;
	[smem:$0x3FB5] =	sst s0  }
0x18: {  	s0 =	sld [smem:$0x3F98];
	_ =	swait.ge [sflag:s4], $0x0  }
0x19: {  	s7 =	sld [smem:$0x3F99]  }
0x1a: {  	s8 =	sadd.s32 $0xFFFFE003, lr  }
0x1b: {  	s9 =	sadd.s32 $0xFFFFFEF7, lr;
	s5 =	simm.s32 $0xFFFFFFFF;
	p2 =	slt.u32 s8, $0xFFFFF086  }
0x1c: {  	p1 =	slt.u32 s9, $0xF7A;
	s5 =	simm.s32 @!p2 $0x0  }
0x1d: {  	s5 =	simm.s32 @p1 $0x1;
	p0 =	seq.s32 s7, s2  }
0x1e: {  	s7 =	smul.u32 @!p0 $0xF7A, s2;
	p2 =	seq.s32 @!p0 s5, $0x0  }
0x1f: {  	s9 =	smul.u32 $0xF7A, s1;
	s8 =	simm.s32 @!p0 $0x1BF5;
	p2 =	por !p2, p0  }
0x20: {  	[sflag:s8] =	ssyncset.s32 @!p0 $0xFFFFF086;
	s6 =	sadd.s32 @!p0 s3, s7;
	s7 =	simm.s32 @!p0 $0x108  }
0x21: {  	s3 =	sadd.s32 s3, s9;
	s6 =	sadd.s32 @!p0 $0x88, s6;
	s7 =	simm.s32 @p2 $0x1082  }
0x22: {  	[simem:s7], [sflag:s8] =	dma.local @!p0 [hbm:s6], $0xF7A  }
0x23: {  	s9 =	sor.u32 $0xD0000000, s2;
	s6 =	simm.s32 $0x108;
	_ =	swait.ge @!p0 [sflag:s8], $0x0  }
0x24: {  	s3 =	sadd.s32 $0x88, s3;
	s6 =	simm.s32 @!p1 $0x1082;
	[sflag:s4] =	ssyncset.s32 $0xFFFFF086  }
0x25: {  	[simem:s6], [sflag:s4] =	dma.local [hbm:s3], $0xF7A  }
0x26: {  	[smem:$0x3F99] =	sst s1;
	(tag) =	ssettag s2;
	_ =	strace s9  }
0x27: {  	s1 =	sld [smem:$0x3FA9]  }
0x28: {  	s2 =	sld [smem:$0x3FAA]  }
0x29: {  	s4 =	sld [smem:$0x3FAC]  }
0x2a: {  	p0 =	seq.s32 s5, $0x0;
	s5 =	sld [smem:$0x3FAD]  }
0x2b: {  	s6 =	sld [smem:$0x3FAE]  }
0x2c: {  	s7 =	sld [smem:$0x3FAF]  }
0x2d: {  	s3 =	simm.s32 $0x108;
	s8 =	sld [smem:$0x3FB0]  }
0x2e: {  	s3 =	simm.s32 @!p0 $0x1082;
	s9 =	sld [smem:$0x3FB1]  }
0x2f: {  	lr =	sadd.s32 s0, s3;
	s0 =	sld [smem:$0x3FA8]  }
0x30: {  	s3 =	sld [smem:$0x3FAB]  }
0x31: {  	[smem:$0x3FB4] =	sst s10  }
0x32: {  	s10 =	sld [smem:$0x3FB2];
	_ =	sdelay $0x3  }
0x33: {  	p0 =	seq.s32 s10, $0x1;
	s10 =	sld [smem:$0x3FB4];
	_ =	sdelay $0x3  }
0x34: {  	[smem:$0x3FB4] =	sst s10  }
0x35: {  	s10 =	sld [smem:$0x3FB3];
	_ =	sdelay $0x3  }
0x36: {  	p1 =	seq.s32 s10, $0x1;
	s10 =	sld [smem:$0x3FB4];
	_ =	sdelay $0x3  }
0x37: {  	[smem:$0x3FB4] =	sst s10  }
0x38: {  	s10 =	sld [smem:$0x3FB5]  }
0x39: {  	_ = 	snop;
	(pc) =	sbr.ind lr, $3  }
0x3a: {  	_ = 	snop  }
0x3b: {  	_ = 	snop  }
0x3c: {  	p2 =	seq.s32 s10, $0x1;
	s10 =	sld [smem:$0x3FB4]  }
0x3d: {  	_ =	shalt  }
0x3e: {  	_ =	shalt  }
0x3f: {  	_ =	shalt  }
0x40: {  	_ =	shalt  }
0x41: {  	_ =	shalt  }
0x42: {  	_ =	shalt  }
0x43: {  	_ =	shalt  }
0x44: {  	_ =	shalt  }
0x45: {  	_ =	shalt  }
0x46: {  	_ =	shalt  }
0x47: {  	_ =	shalt  }
0x48: {  	_ =	shalt  }
0x49: {  	_ =	shalt  }
0x4a: {  	_ =	shalt  }
0x4b: {  	_ =	shalt  }
0x4c: {  	_ =	shalt  }
0x4d: {  	_ =	shalt  }
0x4e: {  	_ =	shalt  }
0x4f: {  	_ =	shalt  }
0x50: {  	_ =	shalt  }
0x51: {  	_ =	shalt  }
0x52: {  	_ =	shalt  }
0x53: {  	_ =	shalt  }
0x54: {  	_ =	shalt  }
0x55: {  	_ =	shalt  }
0x56: {  	_ =	shalt  }
0x57: {  	_ =	shalt  }
0x58: {  	_ =	shalt  }
0x59: {  	_ =	shalt  }
0x5a: {  	_ =	shalt  }
0x5b: {  	_ =	shalt  }
0x5c: {  	_ =	shalt  }
0x5d: {  	_ =	shalt  }
0x5e: {  	_ =	shalt  }
0x5f: {  	_ =	shalt  }
0x60: {  	_ =	shalt  }
0x61: {  	_ =	shalt  }
0x62: {  	_ =	shalt  }
0x63: {  	_ =	shalt  }
0x64: {  	_ =	shalt  }
0x65: {  	_ =	shalt  }
0x66: {  	_ =	shalt  }
0x67: {  	_ =	shalt  }
0x68: {  	_ =	shalt  }
0x69: {  	_ =	shalt  }
0x6a: {  	_ =	shalt  }
0x6b: {  	_ =	shalt  }
0x6c: {  	_ =	shalt  }
0x6d: {  	_ =	shalt  }
0x6e: {  	_ =	shalt  }
0x6f: {  	_ =	shalt  }
0x70: {  	_ =	shalt  }
0x71: {  	_ =	shalt  }
0x72: {  	_ =	shalt  }
0x73: {  	_ =	shalt  }
0x74: {  	_ =	shalt  }
0x75: {  	_ =	shalt  }
0x76: {  	_ =	shalt  }
0x77: {  	_ =	shalt  }
0x78: {  	_ =	shalt  }
0x79: {  	_ =	shalt  }
0x7a: {  	_ =	shalt  }
0x7b: {  	_ =	shalt  }
0x7c: {  	_ =	shalt  }
0x7d: {  	_ =	shalt  }
0x7e: {  	_ =	shalt  }
0x7f: {  	_ =	shalt  }
0x80: {  	_ =	shalt  }
0x81: {  	_ =	shalt  }
0x82: {  	_ =	shalt  }
0x83: {  	_ =	shalt  }
0x84: {  	_ =	shalt  }
0x85: {  	_ =	shalt  }
0x86: {  	_ =	shalt  }
0x87: {  	_ =	shalt  }
.Lfunc_end0:
.L_simem_size_0:
called_computation_lowered:
.L_overlay_start_0:
0x88: {  	s2 =	sld [smem:$0x3FD9]  }
0x89: {  	s3 =	sld [smem:$0x3FFE];
	_ =	sdelay $0x1  }
0x8a: {  	s1 =	srdreg.scid  }
0x8b: {  	s0 =	sand.u32 $0x1, s1  }
0x8c: {  	s14 =	sshll.u32 s0, $0xA;
	s2 =	sadd.s32 s3, s2  }
0x8d: {  	s2 =	sadd.s32 s2, s14  }
0x8e: {  	[smem:$0x3FC0] =	sst s2  }
0x8f: {  	_ = 	snop  }
0x90: {  	s2 =	sld [smem:$0x3FD0];
	_ =	sdelay $0x2  }
0x91: {  	s4 =	simm.s32 $0xA;
	s5 =	simm.s32 $0x10;
	s15 =	sld [smem:$0x3FC9]  }
0x92: {  	[smem:s5], [sflag:s4] =	dma.local [hbm:s2], $0x1  }
0x93: {  	_ =	swait.eq [sflag:s4], $0x1  }
0x94: {  	[sflag:s4] =	ssyncset.done $0x0  }
0x95: {  	[sflag:s4] =	ssyncadd.s32 $0xFFFFFFFF  }
0x96: {  	s16 =	sld [smem:$0x10];
	(tm) =	ssettm $0x1  }
0x97: {  	s17 =	sld [smem:$0x3FFB];
	_ =	sdelay $0x3  }
0x98: {  	_ =	strace s17  }
0x99: {  	s4 =	sld [smem:$0x3FFC];
	_ =	sdelay $0x3  }
0x9a: {  	_ =	strace s4  }
0x9b: {  	s4 =	sld [smem:$0x3FFD];
	_ =	sdelay $0x3  }
0x9c: {  	_ =	strace s4  }
0x9d: {  	_ =	strace $0x8FFFFFFF  }
0x9e: {  	s18 =	sld [smem:$0x3FDB];
	_ =	sdelay $0x1  }
0x9f: {  	s19 =	simm.s32 $_scs_section_size  }
0xa0: {  	s6 =	simm.s32 $_size__tile_overlayer_lowered;
	s7 =	simm.s32 $_tile_overlayer_lowered  }
0xa1: {  	s22 =	simm.s32 $0x1BFF;
	s21 =	sshll.u32 s7, $0x1;
	s4 =	sadd.s32 s19, s18  }
0xa2: {  	s8 =	simm.s32 $0x0;
	s20 =	sshll.u32 s6, $0x1;
	s6 =	sadd.s32 s21, s4  }
0xa3: {  	[timem:s8], [sflag:s22] =	dma.local [hbm:s6], s20  }
0xa4: {  	_ =	swait.ge [sflag:s22], s20  }
0xa5: {  	s5 =	ssub.s32 $0x0, s20;
	[sflag:s22] =	ssyncset.done $0x0  }
0xa6: {  	[sflag:s22] =	ssyncadd.s32 s5;
	_ =	sdelay $0x1  }
0xa7: {  	s23 =	simm.s32 $0x1B8B  }
0xa8: {  	_ =	swait.ge [sflag:s23], $0x1  }
0xa9: {  	[sflag:s23] =	ssyncset.done $0x0  }
0xaa: {  	s25 =	simm.s32 $0x1B8E;
	s24 =	sld [smem:$0x3FFE];
	[sflag:s23] =	ssyncadd.s32 $0xFFFFFFFF  }
0xab: {  	s26 =	simm.s32 $execute0_lowered;
	[smem:$0x3FD2] =	sst s25  }
0xac: {  	s6 =	sshll.u32 s26, $0x1;
	_ =	strace $0x80000046;
	[dreg:$0x1] =	wrdreg $0xFFFFFFFF  }
0xad: {  	s28 =	simm.s32 $_size_execute0_lowered;
	s4 =	sadd.s32 s4, s6;
	[dreg:$0x0] =	wrdreg $0x0  }
0xae: {  	s6 =	sshll.u32 s28, $0x1;
	[dreg:$0x2] =	wrdreg s4  }
0xaf: {  	[dreg:$0x3] =	wrdreg s6  }
0xb0: {  	[dreg:$0x4] =	wrdreg $0xC0  }
0xb1: {  	_ =	task [dreg:s8], $0x5FFFF  }
0xb2: {  	[dreg:$0x1] =	wrdreg $0xFFFFFFFF  }
0xb3: {  	[dreg:$0x0] =	wrdreg $0x60  }
0xb4: {  	[dreg:$0x2] =	wrdreg s15  }
0xb5: {  	[dreg:$0x3] =	wrdreg s24  }
0xb6: {  	[dreg:$0x4] =	wrdreg s16  }
0xb7: {  	[dreg:$0x5] =	wrdreg $0x0  }
0xb8: {  	[dreg:$0x6] =	wrdreg $0x140000  }
0xb9: {  	[dreg:$0x7] =	wrdreg $0x9  }
0xba: {  	_ =	task.clear_ibuf [dreg:s8], $0x8FFFF;
	_ =	strace $0x90000046  }
0xbb: {  	s29 =	simm.s32 $0x9;
	_ =	strace $0x80000048  }
0xbc: {  	_ =	swait.ge [sflag:s29], $0x1  }
0xbd: {  	[sflag:s29] =	ssyncadd.s32 $0xFFFFFFFF  }
0xbe: {  	_ =	strace $0x90000048  }
0xbf: {  	_ =	sfence  }
0xc0: {  	s30 =	sld [smem:$0x0];
	_ =	sdelay $0x2  }
0xc1: {  	s31 =	sshll.u32 s1, $0xD;
	s1 =	sshrl.u32 s1, $0x2  }
0xc2: {  	s3 =	sand.u32 $0x4000, s31;
	s1 =	sadd.s32 s1, s30  }
0xc3: {  	s0 =	sor.u32 s3, s0;
	s1 =	sshll.u32 s1, $0x11  }
0xc4: {  	s0 =	sor.u32 s1, s0  }
0xc5: {  	s0 =	sadd.s32 $0x8F2B, s0  }
0xc6: {  	[sflag:s0] =	ssyncadd.remote.s32 $0x1  }
0xc7: {  	_ =	sfence.sel $0xFFFF  }
0xc8: {  	[dreg:$0x0] =	wrdreg $0xFFFFFFFF;
	(pc) =	sbr.abs _section_cstart, $3  }
0xc9: {  	[dreg:$0x1] =	wrdreg $0xFFFFFFFF  }
0xca: {  	_ =	task.clear_ibuf [dreg:s8], $0x2FFFF;
	_ =	strace $0x9FFFFFFF  }
0xcb: {  	(tm) =	ssettm $0x7FFFFFFF  }
tec
execute0_lowered:
.L_overlay_start_1:
0x0: {  	(tag) =	ssettag $0x1  }
0x1: {  	s0 =	rddreg [dreg:$0x1]  }
0x2: {  	s8 =	rddreg [dreg:$0x2]  }
0x3: {  	s1 =	rddreg [dreg:$0x3]  }
0x4: {  	s3 =	rddreg [dreg:$0x4];
	s17 =	stileid.u32  }
0x5: {  	s4 =	simm.s32 $0x0;
	s6 =	srdreg.scid;
	s2 =	smul.u32 $0x2800, s17  }
0x6: {  	[smem:$0x7FF] =	sst s4;
	s7 =	smul.u32 $0x280, s17;
	s26 =	sand.u32 $0x1, s6  }
0x7: {  	s22 =	sadd.s32 $0xC600, s0;
	s18 =	sadd.s32 $0x2800, s0;
	s31 =	smul.u32 $0x50000, s17  }
0x8: {  	s16 =	smul.u32 $0x2710, s17;
	s6 =	sshll.u32 s17, $0x6;
	_ =	strace $0x80000047  }
0x9: {  	s9 =	smul.u32 $0x2800, s26;
	s13 =	ssub.s32 $0x2, s26;
	[dreg:$0x14] =	wrdreg s22  }
0xa: {  	s4 =	smul.u32 $0x27100, s26;
	s20 =	sor.u32 $0x1C11, s6;
	[dreg:$0x15] =	wrdreg s18  }
0xb: {  	s10 =	sadd.s32 s2, s0;
	s30 =	sshrl.u32 s7, $0x3;
	s14 =	sshrl.u32 s13, $0x1  }
0xc: {  	s15 =	sshrl.u32 s31, $0x2;
	[dreg:$0x18] =	wrdreg s20;
	s11 =	sadd.s32 s30, s0  }
0xd: {  	s9 =	sadd.s32 s7, s9;
	s2 =	ssub.s32 s13, s14;
	s5 =	sadd.s32 s15, s1  }
0xe: {  	s10 =	sadd.s32 $0x16A00, s10;
	s1 =	sadd.s32 s16, s4;
	[dreg:$0x16] =	wrdreg s5  }
0xf: {  	s7 =	sadd.s32 s7, s3;
	s12 =	sshrl.u32 s9, $0x3;
	[dreg:$0x17] =	wrdreg s10  }
0x10: {  	[dreg:$0x19] =	wrdreg s7;
	s7 =	sshrl.u32 s1, $0x3;
	s14 =	sadd.s32 $0x340, s1  }
0x11: {  	s9 =	sshll.u32 s9, $0x4;
	s0 =	sadd.s32 s12, s0;
	s12 =	sadd.s32 $0x16400, s11  }
0x12: {  	s13 =	sadd.s32 $0x8, s7;
	s8 =	sadd.s32 s8, s9;
	[dreg:$0x1a] =	wrdreg s12  }
0x13: {  	s19 =	sadd.s32 $0x300, s1;
	s15 =	sadd.s32 s22, s13;
	[dreg:$0x1f] =	wrdreg s8  }
0x14: {  	s16 =	sshrl.u32 s14, $0x3;
	s10 =	sadd.s32 s18, s13;
	[dreg:$0x1b] =	wrdreg s15  }
0x15: {  	s21 =	sshrl.u32 s19, $0x3;
	s17 =	sadd.s32 s16, s18;
	[dreg:$0x1c] =	wrdreg s10  }
0x16: {  	s24 =	sadd.s32 $0x2C0, s1;
	s23 =	sadd.s32 s21, s18;
	[dreg:$0x6] =	wrdreg s17  }
0x17: {  	s26 =	sshrl.u32 s24, $0x3;
	s25 =	sadd.s32 s21, s22;
	[dreg:$0x8] =	wrdreg s23  }
0x18: {  	s31 =	sadd.s32 $0x280, s1;
	s30 =	sadd.s32 s26, s18;
	[dreg:$0x9] =	wrdreg s25  }
0x19: {  	s4 =	sshrl.u32 s31, $0x3;
	s3 =	sadd.s32 s26, s22;
	[dreg:$0xa] =	wrdreg s30  }
0x1a: {  	s5 =	sadd.s32 s4, s18;
	[dreg:$0xb] =	wrdreg s3  }
0x1b: {  	s19 =	sadd.s32 $0x18, s7;
	s12 =	sadd.s32 s4, s22;
	[dreg:$0xc] =	wrdreg s5  }
0x1c: {  	s24 =	sadd.s32 s22, s19;
	[dreg:$0xd] =	wrdreg s12  }
0x1d: {  	s31 =	sadd.s32 $0x20, s7;
	s26 =	sadd.s32 s18, s19;
	[smem:$0x7E5] =	sst s24  }
0x1e: {  	s9 =	sadd.s32 s18, s31;
	[smem:$0x7E6] =	sst s26  }
0x1f: {  	s0 =	sadd.s32 $0x3EA00, s0;
	[smem:$0x7E8] =	sst s9  }
0x20: {  	s11 =	sadd.s32 $0x10, s7;
	s10 =	sadd.s32 s16, s22;
	[smem:$0x7FB] =	sst s0  }
0x21: {  	s6 =	sadd.s32 $0x240, s1;
	s15 =	sadd.s32 s22, s11;
	[dreg:$0x7] =	wrdreg s10  }
0x22: {  	s14 =	sshrl.u32 s6, $0x3;
	s11 =	sadd.s32 s18, s11;
	[dreg:$0x1d] =	wrdreg s15  }
0x23: {  	s16 =	sadd.s32 s14, s18;
	[dreg:$0x1e] =	wrdreg s11  }
0x24: {  	s12 =	sadd.s32 s14, s22;
	[dreg:$0xe] =	wrdreg s16  }
0x25: {  	s4 =	sadd.s32 $0x28, s7;
	s3 =	sadd.s32 s22, s31;
	[dreg:$0xf] =	wrdreg s12  }
0x26: {  	s6 =	sadd.s32 $0x4B0, s7;
	s5 =	sadd.s32 s22, s4;
	[smem:$0x7E7] =	sst s3  }
0x27: {  	s13 =	sadd.s32 $0x4C0, s7;
	s9 =	sadd.s32 s18, s6;
	[smem:$0x7E9] =	sst s5  }
0x28: {  	s14 =	sadd.s32 s22, s13;
	[smem:$0x7EC] =	sst s9  }
0x29: {  	s24 =	sadd.s32 s22, s7;
	[smem:$0x7EF] =	sst s14  }
0x2a: {  	s17 =	sadd.s32 $0x1C0, s1;
	s31 =	sadd.s32 $0x200, s1;
	[smem:$0x7F7] =	sst s24  }
0x2b: {  	s10 =	sshrl.u32 s17, $0x3;
	s9 =	sadd.s32 s18, s13;
	[smem:$0x7FD] =	sst s31  }
0x2c: {  	s23 =	sadd.s32 $0x180, s1;
	s21 =	sadd.s32 s10, s18;
	[smem:$0x7F0] =	sst s9  }
0x2d: {  	s8 =	sshrl.u32 s23, $0x3;
	s25 =	sadd.s32 s10, s22;
	[dreg:$0x10] =	wrdreg s21  }
0x2e: {  	s30 =	sadd.s32 s8, s18;
	[dreg:$0x11] =	wrdreg s25  }
0x2f: {  	s8 =	sadd.s32 s8, s22;
	[dreg:$0x12] =	wrdreg s30  }
0x30: {  	s11 =	sadd.s32 $0x4B8, s7;
	s10 =	sadd.s32 s22, s6;
	[dreg:$0x13] =	wrdreg s8  }
0x31: {  	s15 =	sadd.s32 $0x4C8, s7;
	s12 =	sadd.s32 s22, s11;
	[smem:$0x7EB] =	sst s10  }
0x32: {  	s17 =	sadd.s32 $0x4D0, s7;
	s16 =	sadd.s32 s22, s15;
	[smem:$0x7ED] =	sst s12  }
0x33: {  	s19 =	sadd.s32 s22, s17;
	[smem:$0x7F1] =	sst s16  }
0x34: {  	s9 =	sadd.s32 s18, s17;
	[smem:$0x7F3] =	sst s19  }
0x35: {  	s8 =	sadd.s32 s18, s4;
	[smem:$0x7F4] =	sst s9  }
0x36: {  	s25 =	sadd.s32 s18, s7;
	[smem:$0x7EA] =	sst s8  }
0x37: {  	s30 =	smax.u32 s2, $0x1;
	[smem:$0x7F8] =	sst s25  }
0x38: {  	s21 =	sadd.s32 $0x4D8, s7;
	s8 =	sadd.s32 s18, s11;
	[smem:$0x7FC] =	sst s30  }
0x39: {  	s7 =	sadd.s32 $0x4E0, s7;
	s23 =	sadd.s32 s22, s21;
	[smem:$0x7EE] =	sst s8  }
0x3a: {  	s26 =	sadd.s32 s22, s7;
	[smem:$0x7F5] =	sst s23  }
0x3b: {  	s7 =	sadd.s32 s18, s7;
	[smem:$0x7F9] =	sst s26  }
0x3c: {  	s8 =	sadd.s32 s18, s15;
	[smem:$0x7FA] =	sst s7  }
0x3d: {  	s28 =	simm.s32 $0x11;
	[smem:$0x7F2] =	sst s8;
	s8 =	sadd.s32 s18, s21  }
0x3e: {  	s29 =	simm.s32 $0x40;
	v0 =	vimm.f32 $1.000000000e+00;
	s0 =	simm.s32 $0x0;
	[smem:$0x7F6] =	sst s8  }
.LBB2_1:
0x3f: {  	[smem:$0x7E2] =	sst s0  }
0x40: {  	s13 =	rddreg [dreg:$0x16]  }
0x41: {  	s7 =	rddreg [dreg:$0x17];
	s6 =	sshrl.u32 s13, $0x3  }
0x42: {  	[smem:$0x7E3] =	sst s6  }
0x43: {  	[spmem:s6], [sflag:s20] =	dma.local [hbm:s7], $0x2800  }
0x44: {  	_ =	swait.ge [sflag:s28], $0x2800  }
0x45: {  	s8 =	rddreg [dreg:$0x19]  }
0x46: {  	[sflag:s28] =	ssyncset.done $0x0;
	s10 =	rddreg [dreg:$0x1a];
	s9 =	sshrl.u32 s8, $0x3  }
0x47: {  	[sflag:s28] =	ssyncadd.s32 $0xFFFFD800;
	[smem:$0x7E4] =	sst s9  }
0x48: {  	[spmem:s9], [sflag:s20] =	dma.local [hbm:s10], $0x50  }
0x49: {  	_ =	swait.ge [sflag:s28], $0x50  }
0x4a: {  	[sflag:s28] =	ssyncset.done $0x0  }
0x4b: {  	[sflag:s28] =	ssyncadd.s32 $0xFFFFFFB0  }
0x4c: {  	[tilespmem:$0x14780] =	vst v0  }
0x4d: {  	[tilespmem:$0x14790] =	vst v0  }
0x4e: {  	[tilespmem:$0x147A0] =	vst v0  }
0x4f: {  	[tilespmem:$0x147B0] =	vst v0  }
0x50: {  	[tilespmem:$0x14700] =	vst v0  }
0x51: {  	[bflag:$0x0] =	sbarrier.arrive $0xFFFF  }
0x52: {  	s11 =	sld [smem:$0x7F7];
	_ =	sdelay $0x1  }
0x53: {  	s12 =	simm.s32 $0x1D000;
	s30 =	simm.s32 $0x0;
	s14 =	sld [smem:$0x7F8]  }
0x54: {  	[tilespmem:s12], [sflag:$0x9] =	stream.linear.gather [hbm4b:s11+s30], $0x40, $0x38;
	[tilespmem:$0x1D280] =	vst v63  }
0x55: {  	s15 =	simm.s32 $0x14280  }
0x56: {  	[tilespmem:s15], [sflag:$0x9] =	stream.linear.gather [hbm4b:s14+s30], $0x40, $0x38;
	[tilespmem:$0x1D280] =	vst v63  }
0x57: {  	s17 =	simm.s32 $0x1D080;
	s16 =	rddreg [dreg:$0x1b]  }
0x58: {  	[tilespmem:s17], [sflag:$0xA] =	stream.linear.gather [hbm4b:s16+s30], $0x40, $0x38;
	[tilespmem:$0x1D280] =	vst v63  }
0x59: {  	s1 =	simm.s32 $0x14300;
	s20 =	rddreg [dreg:$0x1c];
	s15 =	simm.s32 $0x9  }
0x5a: {  	[tilespmem:s1], [sflag:$0xA] =	stream.linear.gather [hbm4b:s20+s30], $0x40, $0x38;
	[tilespmem:$0x1D280] =	vst v63  }
0x5b: {  	_ =	swait.ge [sflag:s15], $0x40  }
0x5c: {  	[sflag:s15] =	ssyncset.done $0x0  }
0x5d: {  	[sflag:s15] =	ssyncadd.s32 $0xFFFFFFC0  }
0x5e: {  	_ =	swait.ge [sflag:s15], $0x40  }
0x5f: {  	[sflag:s15] =	ssyncset.done $0x0  }
0x60: {  	[sflag:s15] =	ssyncadd.s32 $0xFFFFFFC0  }
0x61: {  	s2 =	simm.s32 $0x1D000;
	s21 =	simm.s32 $0x14800;
	s7 =	rddreg [dreg:$0x0]  }
0x62: {  	[tilespmem:s21], [sflag:$0x5] =	stream.indirect.gather [hbm4b:s7+s29], $0x80, s2, s29, $0xb8;
	[tilespmem:$0x1D280] =	vst v63  }
0x63: {  	s25 =	simm.s32 $0x1D100;
	s24 =	rddreg [dreg:$0x1d]  }
0x64: {  	[tilespmem:s25], [sflag:$0xB] =	stream.linear.gather [hbm4b:s24+s30], $0x40, $0x38;
	[tilespmem:$0x1D280] =	vst v63  }
0x65: {  	s8 =	simm.s32 $0xA;
	s28 =	simm.s32 $0x14380;
	s26 =	rddreg [dreg:$0x1e]  }
0x66: {  	[tilespmem:s28], [sflag:$0xB] =	stream.linear.gather [hbm4b:s26+s30], $0x40, $0x38;
	[tilespmem:$0x1D280] =	vst v63  }
0x67: {  	_ =	swait.ge [sflag:s8], $0x40  }
0x68: {  	[sflag:s8] =	ssyncset.done $0x0  }
0x69: {  	[sflag:s8] =	ssyncadd.s32 $0xFFFFFFC0  }
0x6a: {  	_ =	swait.ge [sflag:s8], $0x40  }
0x6b: {  	s19 =	simm.s32 $0x1D080;
	[sflag:s8] =	ssyncset.done $0x0  }
0x6c: {  	s31 =	simm.s32 $0x16800;
	s4 =	sld [smem:$0x7E5];
	[sflag:s8] =	ssyncadd.s32 $0xFFFFFFC0  }
0x6d: {  	[tilespmem:s31], [sflag:$0x6] =	stream.indirect.gather [hbm4b:s7+s29], $0x80, s19, s29, $0xb8;
	[tilespmem:$0x1D280] =	vst v63  }
0x6e: {  	s5 =	simm.s32 $0x1D180;
	s14 =	sld [smem:$0x7E6]  }
0x6f: {  	[tilespmem:s5], [sflag:$0xC] =	stream.linear.gather [hbm4b:s4+s30], $0x40, $0x38;
	[tilespmem:$0x1D280] =	vst v63  }
0x70: {  	s16 =	simm.s32 $0x14400  }
0x71: {  	[tilespmem:s16], [sflag:$0xC] =	stream.linear.gather [hbm4b:s14+s30], $0x40, $0x38;
	[tilespmem:$0x1D280] =	vst v63  }
0x72: {  	s16 =	simm.s32 $0xB  }
0x73: {  	_ =	swait.ge [sflag:s16], $0x40  }
0x74: {  	[sflag:s16] =	ssyncset.done $0x0  }
0x75: {  	[sflag:s16] =	ssyncadd.s32 $0xFFFFFFC0  }
0x76: {  	_ =	swait.ge [sflag:s16], $0x40  }
0x77: {  	s3 =	simm.s32 $0x1D100;
	[sflag:s16] =	ssyncset.done $0x0  }
0x78: {  	s17 =	simm.s32 $0x18800;
	s14 =	simm.s32 $0x5;
	[sflag:s16] =	ssyncadd.s32 $0xFFFFFFC0  }
0x79: {  	[tilespmem:s17], [sflag:$0x7] =	stream.indirect.gather [hbm4b:s7+s29], $0x80, s3, s29, $0xb8;
	[tilespmem:$0x1D280] =	vst v63  }
0x7a: {  	_ =	swait.ge [sflag:s14], $0x2000  }
0x7b: {  	[sflag:s14] =	ssyncset.done $0x0  }
0x7c: {  	s21 =	sld [smem:$0x7E7];
	[sflag:s14] =	ssyncadd.s32 $0xFFFFE000  }
0x7d: {  	s23 =	simm.s32 $0x14800;
	s19 =	simm.s32 $0x14280;
	s9 =	rddreg [dreg:$0x3]  }
0x7e: {  	[spmem:s9] =	stream.indirect.scatter.add.f32 [tilespmem:s23], [sflag:$0xD], $0x80, s19, s29, $0xb8;
	[tilespmem:$0x1D280] =	vst v63  }
0x7f: {  	s24 =	simm.s32 $0x14780;
	s12 =	rddreg [dreg:$0x4]  }
0x80: {  	[spmem:s12] =	stream.indirect.scatter.add.f32 [tilespmem:s24], [sflag:$0x1], $0x1, s19, s29, $0xb8;
	[tilespmem:$0x1D280] =	vst v63  }
0x81: {  	s10 =	simm.s32 $0x1D000;
	s23 =	sld [smem:$0x7E8]  }
0x82: {  	[tilespmem:s10], [sflag:$0x9] =	stream.linear.gather [hbm4b:s21+s30], $0x40, $0x38;
	[tilespmem:$0x1D280] =	vst v63  }
0x83: {  	s11 =	simm.s32 $0xD;
	s25 =	simm.s32 $0x14480  }
0x84: {  	[tilespmem:s25], [sflag:$0x9] =	stream.linear.gather [hbm4b:s23+s30], $0x40, $0x38;
	[tilespmem:$0x1D280] =	vst v63  }
0x85: {  	_ =	swait.ge [sflag:s11], $0x2000  }
0x86: {  	[sflag:s11] =	ssyncset.done $0x0  }
0x87: {  	s10 =	simm.s32 $0x1;
	[sflag:s11] =	ssyncadd.s32 $0xFFFFE000  }
0x88: {  	_ =	swait.ge [sflag:s10], $0x40  }
0x89: {  	[sflag:s10] =	ssyncset.done $0x0  }
0x8a: {  	s5 =	simm.s32 $0xC;
	[sflag:s10] =	ssyncadd.s32 $0xFFFFFFC0  }
0x8b: {  	_ =	swait.ge [sflag:s5], $0x40  }
0x8c: {  	[sflag:s5] =	ssyncset.done $0x0  }
0x8d: {  	[sflag:s5] =	ssyncadd.s32 $0xFFFFFFC0  }
0x8e: {  	_ =	swait.ge [sflag:s5], $0x40  }
0x8f: {  	s6 =	simm.s32 $0x1D180;
	[sflag:s5] =	ssyncset.done $0x0  }
0x90: {  	s26 =	simm.s32 $0x1A800;
	s17 =	simm.s32 $0x6;
	[sflag:s5] =	ssyncadd.s32 $0xFFFFFFC0  }
0x91: {  	[tilespmem:s26], [sflag:$0x8] =	stream.indirect.gather [hbm4b:s7+s29], $0x80, s6, s29, $0xb8;
	[tilespmem:$0x1D280] =	vst v63  }
0x92: {  	_ =	swait.ge [sflag:s17], $0x2000  }
0x93: {  	[sflag:s17] =	ssyncset.done $0x0  }
0x94: {  	s31 =	simm.s32 $0x14300;
	s4 =	simm.s32 $0x16800;
	[sflag:s17] =	ssyncadd.s32 $0xFFFFE000  }
0x95: {  	[spmem:s9] =	stream.indirect.scatter.add.f32 [tilespmem:s4], [sflag:$0xE], $0x80, s31, s29, $0xb8;
	[tilespmem:$0x1D280] =	vst v63  }
0x96: {  	s1 =	sld [smem:$0x7E9]  }
0x97: {  	[spmem:s12] =	stream.indirect.scatter.add.f32 [tilespmem:s24], [sflag:$0x2], $0x1, s31, s29, $0xb8;
	[tilespmem:$0x1D280] =	vst v63  }
0x98: {  	s3 =	simm.s32 $0x1D080;
	s6 =	sld [smem:$0x7EA]  }
0x99: {  	[tilespmem:s3], [sflag:$0xA] =	stream.linear.gather [hbm4b:s1+s30], $0x40, $0x38;
	[tilespmem:$0x1D280] =	vst v63  }
0x9a: {  	s23 =	simm.s32 $0xE;
	s26 =	simm.s32 $0x14500  }
0x9b: {  	[tilespmem:s26], [sflag:$0xA] =	stream.linear.gather [hbm4b:s6+s30], $0x40, $0x38;
	[tilespmem:$0x1D280] =	vst v63  }
0x9c: {  	_ =	swait.ge [sflag:s23], $0x2000  }
0x9d: {  	[sflag:s23] =	ssyncset.done $0x0  }
0x9e: {  	s6 =	simm.s32 $0x2;
	[sflag:s23] =	ssyncadd.s32 $0xFFFFE000  }
0x9f: {  	_ =	swait.ge [sflag:s6], $0x40  }
0xa0: {  	[sflag:s6] =	ssyncset.done $0x0  }
0xa1: {  	[sflag:s6] =	ssyncadd.s32 $0xFFFFFFC0  }
0xa2: {  	_ =	swait.ge [sflag:s15], $0x40  }
0xa3: {  	[sflag:s15] =	ssyncset.done $0x0  }
0xa4: {  	[sflag:s15] =	ssyncadd.s32 $0xFFFFFFC0  }
0xa5: {  	_ =	swait.ge [sflag:s15], $0x40  }
0xa6: {  	s0 =	simm.s32 $0x7;
	[sflag:s15] =	ssyncset.done $0x0  }
0xa7: {  	s2 =	simm.s32 $0x14800;
	s19 =	simm.s32 $0x1D000;
	[sflag:s15] =	ssyncadd.s32 $0xFFFFFFC0  }
0xa8: {  	[tilespmem:s2], [sflag:$0x5] =	stream.indirect.gather [hbm4b:s7+s29], $0x80, s19, s29, $0xb8;
	[tilespmem:$0x1D280] =	vst v63  }
0xa9: {  	_ =	swait.ge [sflag:s0], $0x2000  }
0xaa: {  	[sflag:s0] =	ssyncset.done $0x0  }
0xab: {  	s20 =	simm.s32 $0x18800;
	s31 =	simm.s32 $0x14380;
	[sflag:s0] =	ssyncadd.s32 $0xFFFFE000  }
0xac: {  	[spmem:s9] =	stream.indirect.scatter.add.f32 [tilespmem:s20], [sflag:$0xF], $0x80, s31, s29, $0xb8;
	[tilespmem:$0x1D280] =	vst v63  }
0xad: {  	s19 =	rddreg [dreg:$0x13]  }
0xae: {  	[spmem:s12] =	stream.indirect.scatter.add.f32 [tilespmem:s24], [sflag:$0x3], $0x1, s31, s29, $0xb8;
	[tilespmem:$0x1D280] =	vst v63  }
0xaf: {  	s28 =	simm.s32 $0x1D100;
	s2 =	rddreg [dreg:$0x12];
	s13 =	sadd.s32 $0x0, s19  }
0xb0: {  	[tilespmem:s28], [sflag:$0xB] =	stream.linear.gather [hbm4b:s13+s30], $0x40, $0x38;
	[tilespmem:$0x1D280] =	vst v63  }
0xb1: {  	s1 =	simm.s32 $0xF;
	s19 =	sadd.s32 $0x0, s2;
	s31 =	simm.s32 $0x14580  }
0xb2: {  	[tilespmem:s31], [sflag:$0xB] =	stream.linear.gather [hbm4b:s19+s30], $0x40, $0x38;
	[tilespmem:$0x1D280] =	vst v63  }
0xb3: {  	_ =	swait.ge [sflag:s1], $0x2000  }
0xb4: {  	[sflag:s1] =	ssyncset.done $0x0  }
0xb5: {  	s2 =	simm.s32 $0x3;
	[sflag:s1] =	ssyncadd.s32 $0xFFFFE000  }
0xb6: {  	_ =	swait.ge [sflag:s2], $0x40  }
0xb7: {  	[sflag:s2] =	ssyncset.done $0x0  }
0xb8: {  	[sflag:s2] =	ssyncadd.s32 $0xFFFFFFC0  }
0xb9: {  	_ =	swait.ge [sflag:s8], $0x40  }
0xba: {  	[sflag:s8] =	ssyncset.done $0x0  }
0xbb: {  	[sflag:s8] =	ssyncadd.s32 $0xFFFFFFC0  }
0xbc: {  	_ =	swait.ge [sflag:s8], $0x40  }
0xbd: {  	[sflag:s8] =	ssyncset.done $0x0  }
0xbe: {  	[sflag:s8] =	ssyncadd.s32 $0xFFFFFFC0  }
0xbf: {  	[tilespmem:s4], [sflag:$0x6] =	stream.indirect.gather [hbm4b:s7+s29], $0x80, s3, s29, $0xb8;
	[tilespmem:$0x1D280] =	vst v63  }
0xc0: {  	s3 =	simm.s32 $0x8  }
0xc1: {  	_ =	swait.ge [sflag:s3], $0x2000  }
0xc2: {  	[sflag:s3] =	ssyncset.done $0x0  }
0xc3: {  	s25 =	simm.s32 $0x1A800;
	s20 =	simm.s32 $0x14400;
	[sflag:s3] =	ssyncadd.s32 $0xFFFFE000  }
0xc4: {  	[spmem:s9] =	stream.indirect.scatter.add.f32 [tilespmem:s25], [sflag:$0x10], $0x80, s20, s29, $0xb8;
	[tilespmem:$0x1D280] =	vst v63  }
0xc5: {  	s13 =	rddreg [dreg:$0x11]  }
0xc6: {  	[spmem:s12] =	stream.indirect.scatter.add.f32 [tilespmem:s24], [sflag:$0x4], $0x1, s20, s29, $0xb8;
	[tilespmem:$0x1D280] =	vst v63  }
0xc7: {  	s19 =	rddreg [dreg:$0x10];
	s13 =	sadd.s32 $0x0, s13;
	s25 =	simm.s32 $0x1D180  }
0xc8: {  	[tilespmem:s25], [sflag:$0xC] =	stream.linear.gather [hbm4b:s13+s30], $0x40, $0x38;
	[tilespmem:$0x1D280] =	vst v63  }
0xc9: {  	s19 =	sadd.s32 $0x0, s19;
	s25 =	simm.s32 $0x14600  }
0xca: {  	[tilespmem:s25], [sflag:$0xC] =	stream.linear.gather [hbm4b:s19+s30], $0x40, $0x38;
	[tilespmem:$0x1D280] =	vst v63  }
0xcb: {  	s19 =	simm.s32 $0x10  }
0xcc: {  	_ =	swait.ge [sflag:s19], $0x2000  }
0xcd: {  	[sflag:s19] =	ssyncset.done $0x0  }
0xce: {  	s4 =	simm.s32 $0x4;
	[sflag:s19] =	ssyncadd.s32 $0xFFFFE000  }
0xcf: {  	_ =	swait.ge [sflag:s4], $0x40  }
0xd0: {  	[sflag:s4] =	ssyncset.done $0x0  }
0xd1: {  	[sflag:s4] =	ssyncadd.s32 $0xFFFFFFC0  }
0xd2: {  	_ =	swait.ge [sflag:s16], $0x40  }
0xd3: {  	[sflag:s16] =	ssyncset.done $0x0  }
0xd4: {  	[sflag:s16] =	ssyncadd.s32 $0xFFFFFFC0  }
0xd5: {  	_ =	swait.ge [sflag:s16], $0x40  }
0xd6: {  	[sflag:s16] =	ssyncset.done $0x0  }
0xd7: {  	s21 =	simm.s32 $0x18800;
	[sflag:s16] =	ssyncadd.s32 $0xFFFFFFC0  }
0xd8: {  	[tilespmem:s21], [sflag:$0x7] =	stream.indirect.gather [hbm4b:s7+s29], $0x80, s28, s29, $0xb8;
	[tilespmem:$0x1D280] =	vst v63  }
0xd9: {  	_ =	swait.ge [sflag:s14], $0x2000  }
0xda: {  	[sflag:s14] =	ssyncset.done $0x0;
	s28 =	sld [smem:$0x7FD]  }
0xdb: {  	s20 =	simm.s32 $0x14480;
	s21 =	simm.s32 $0x14800;
	[sflag:s14] =	ssyncadd.s32 $0xFFFFE000  }
0xdc: {  	[spmem:s9] =	stream.indirect.scatter.add.f32 [tilespmem:s21], [sflag:$0xD], $0x80, s20, s29, $0xb8;
	[tilespmem:$0x1D280] =	vst v63  }
0xdd: {  	s13 =	sshrl.u32 s28, $0x3  }
0xde: {  	[spmem:s12] =	stream.indirect.scatter.add.f32 [tilespmem:s24], [sflag:$0x1], $0x1, s20, s29, $0xb8;
	[tilespmem:$0x1D280] =	vst v63  }
0xdf: {  	s20 =	sadd.s32 s22, s13;
	s22 =	simm.s32 $0x1D000  }
0xe0: {  	[tilespmem:s22], [sflag:$0x9] =	stream.linear.gather [hbm4b:s20+s30], $0x40, $0x38;
	[tilespmem:$0x1D280] =	vst v63  }
0xe1: {  	s13 =	sadd.s32 s18, s13;
	s20 =	simm.s32 $0x14280  }
0xe2: {  	[tilespmem:s20], [sflag:$0x9] =	stream.linear.gather [hbm4b:s13+s30], $0x40, $0x38;
	[tilespmem:$0x1D280] =	vst v63  }
0xe3: {  	_ =	swait.ge [sflag:s11], $0x2000  }
0xe4: {  	[sflag:s11] =	ssyncset.done $0x0  }
0xe5: {  	[sflag:s11] =	ssyncadd.s32 $0xFFFFE000  }
0xe6: {  	_ =	swait.ge [sflag:s10], $0x40  }
0xe7: {  	[sflag:s10] =	ssyncset.done $0x0  }
0xe8: {  	[sflag:s10] =	ssyncadd.s32 $0xFFFFFFC0  }
0xe9: {  	_ =	swait.ge [sflag:s5], $0x40  }
0xea: {  	[sflag:s5] =	ssyncset.done $0x0  }
0xeb: {  	[sflag:s5] =	ssyncadd.s32 $0xFFFFFFC0  }
0xec: {  	_ =	swait.ge [sflag:s5], $0x40  }
0xed: {  	[sflag:s5] =	ssyncset.done $0x0  }
0xee: {  	s18 =	simm.s32 $0x1A800;
	s20 =	simm.s32 $0x1D180;
	[sflag:s5] =	ssyncadd.s32 $0xFFFFFFC0  }
0xef: {  	[tilespmem:s18], [sflag:$0x8] =	stream.indirect.gather [hbm4b:s7+s29], $0x80, s20, s29, $0xb8;
	[tilespmem:$0x1D280] =	vst v63  }
0xf0: {  	_ =	swait.ge [sflag:s17], $0x2000  }
0xf1: {  	[sflag:s17] =	ssyncset.done $0x0  }
0xf2: {  	s18 =	simm.s32 $0x16800;
	[sflag:s17] =	ssyncadd.s32 $0xFFFFE000  }
0xf3: {  	[spmem:s9] =	stream.indirect.scatter.add.f32 [tilespmem:s18], [sflag:$0xE], $0x80, s26, s29, $0xb8;
	[tilespmem:$0x1D280] =	vst v63  }
0xf4: {  	s13 =	rddreg [dreg:$0xf]  }
0xf5: {  	[spmem:s12] =	stream.indirect.scatter.add.f32 [tilespmem:s24], [sflag:$0x2], $0x1, s26, s29, $0xb8;
	[tilespmem:$0x1D280] =	vst v63  }
0xf6: {  	s20 =	rddreg [dreg:$0xe];
	s13 =	sadd.s32 $0x0, s13;
	s26 =	simm.s32 $0x1D080  }
0xf7: {  	[tilespmem:s26], [sflag:$0xA] =	stream.linear.gather [hbm4b:s13+s30], $0x40, $0x38;
	[tilespmem:$0x1D280] =	vst v63  }
0xf8: {  	s20 =	sadd.s32 $0x0, s20;
	s26 =	simm.s32 $0x14300  }
0xf9: {  	[tilespmem:s26], [sflag:$0xA] =	stream.linear.gather [hbm4b:s20+s30], $0x40, $0x38;
	[tilespmem:$0x1D280] =	vst v63  }
0xfa: {  	_ =	swait.ge [sflag:s23], $0x2000  }
0xfb: {  	[sflag:s23] =	ssyncset.done $0x0  }
0xfc: {  	[sflag:s23] =	ssyncadd.s32 $0xFFFFE000  }
0xfd: {  	_ =	swait.ge [sflag:s6], $0x40  }
0xfe: {  	[sflag:s6] =	ssyncset.done $0x0  }
0xff: {  	[sflag:s6] =	ssyncadd.s32 $0xFFFFFFC0  }
0x100: {  	_ =	swait.ge [sflag:s15], $0x40  }
0x101: {  	[sflag:s15] =	ssyncset.done $0x0  }
0x102: {  	[sflag:s15] =	ssyncadd.s32 $0xFFFFFFC0  }
0x103: {  	_ =	swait.ge [sflag:s15], $0x40  }
0x104: {  	[sflag:s15] =	ssyncset.done $0x0  }
0x105: {  	[sflag:s15] =	ssyncadd.s32 $0xFFFFFFC0  }
0x106: {  	[tilespmem:s21], [sflag:$0x5] =	stream.indirect.gather [hbm4b:s7+s29], $0x80, s22, s29, $0xb8;
	[tilespmem:$0x1D280] =	vst v63  }
0x107: {  	_ =	swait.ge [sflag:s0], $0x2000  }
0x108: {  	[sflag:s0] =	ssyncset.done $0x0  }
0x109: {  	s15 =	simm.s32 $0x18800;
	[sflag:s0] =	ssyncadd.s32 $0xFFFFE000  }
0x10a: {  	[spmem:s9] =	stream.indirect.scatter.add.f32 [tilespmem:s15], [sflag:$0xF], $0x80, s31, s29, $0xb8;
	[tilespmem:$0x1D280] =	vst v63  }
0x10b: {  	s26 =	rddreg [dreg:$0xd]  }
0x10c: {  	[spmem:s12] =	stream.indirect.scatter.add.f32 [tilespmem:s24], [sflag:$0x3], $0x1, s31, s29, $0xb8;
	[tilespmem:$0x1D280] =	vst v63  }
0x10d: {  	s6 =	simm.s32 $0x1D100;
	s0 =	rddreg [dreg:$0xc];
	s13 =	sadd.s32 $0x0, s26  }
0x10e: {  	[tilespmem:s6], [sflag:$0xB] =	stream.linear.gather [hbm4b:s13+s30], $0x40, $0x38;
	[tilespmem:$0x1D280] =	vst v63  }
0x10f: {  	s26 =	simm.s32 $0x14380;
	s23 =	sadd.s32 $0x0, s0  }
0x110: {  	[tilespmem:s26], [sflag:$0xB] =	stream.linear.gather [hbm4b:s23+s30], $0x40, $0x38;
	[tilespmem:$0x1D280] =	vst v63  }
0x111: {  	_ =	swait.ge [sflag:s1], $0x2000  }
0x112: {  	[sflag:s1] =	ssyncset.done $0x0  }
0x113: {  	[sflag:s1] =	ssyncadd.s32 $0xFFFFE000  }
0x114: {  	_ =	swait.ge [sflag:s2], $0x40  }
0x115: {  	[sflag:s2] =	ssyncset.done $0x0  }
0x116: {  	[sflag:s2] =	ssyncadd.s32 $0xFFFFFFC0  }
0x117: {  	_ =	swait.ge [sflag:s8], $0x40  }
0x118: {  	[sflag:s8] =	ssyncset.done $0x0  }
0x119: {  	[sflag:s8] =	ssyncadd.s32 $0xFFFFFFC0  }
0x11a: {  	_ =	swait.ge [sflag:s8], $0x40  }
0x11b: {  	[sflag:s8] =	ssyncset.done $0x0  }
0x11c: {  	[sflag:s8] =	ssyncadd.s32 $0xFFFFFFC0;
	s8 =	simm.s32 $0x1D080  }
0x11d: {  	[tilespmem:s18], [sflag:$0x6] =	stream.indirect.gather [hbm4b:s7+s29], $0x80, s8, s29, $0xb8;
	[tilespmem:$0x1D280] =	vst v63  }
0x11e: {  	_ =	swait.ge [sflag:s3], $0x2000  }
0x11f: {  	[sflag:s3] =	ssyncset.done $0x0  }
0x120: {  	s0 =	simm.s32 $0x1A800;
	[sflag:s3] =	ssyncadd.s32 $0xFFFFE000  }
0x121: {  	[spmem:s9] =	stream.indirect.scatter.add.f32 [tilespmem:s0], [sflag:$0x10], $0x80, s25, s29, $0xb8;
	[tilespmem:$0x1D280] =	vst v63  }
0x122: {  	s31 =	rddreg [dreg:$0xb]  }
0x123: {  	[spmem:s12] =	stream.indirect.scatter.add.f32 [tilespmem:s24], [sflag:$0x4], $0x1, s25, s29, $0xb8;
	[tilespmem:$0x1D280] =	vst v63  }
0x124: {  	s26 =	rddreg [dreg:$0xa];
	s13 =	sadd.s32 $0x0, s31;
	s31 =	simm.s32 $0x1D180  }
0x125: {  	[tilespmem:s31], [sflag:$0xC] =	stream.linear.gather [hbm4b:s13+s30], $0x40, $0x38;
	[tilespmem:$0x1D280] =	vst v63  }
0x126: {  	s2 =	sadd.s32 $0x0, s26;
	s3 =	simm.s32 $0x14400  }
0x127: {  	[tilespmem:s3], [sflag:$0xC] =	stream.linear.gather [hbm4b:s2+s30], $0x40, $0x38;
	[tilespmem:$0x1D280] =	vst v63  }
0x128: {  	_ =	swait.ge [sflag:s19], $0x2000  }
0x129: {  	[sflag:s19] =	ssyncset.done $0x0  }
0x12a: {  	[sflag:s19] =	ssyncadd.s32 $0xFFFFE000  }
0x12b: {  	_ =	swait.ge [sflag:s4], $0x40  }
0x12c: {  	[sflag:s4] =	ssyncset.done $0x0  }
0x12d: {  	[sflag:s4] =	ssyncadd.s32 $0xFFFFFFC0  }
0x12e: {  	_ =	swait.ge [sflag:s16], $0x40  }
0x12f: {  	[sflag:s16] =	ssyncset.done $0x0  }
0x130: {  	[sflag:s16] =	ssyncadd.s32 $0xFFFFFFC0  }
0x131: {  	_ =	swait.ge [sflag:s16], $0x40  }
0x132: {  	[sflag:s16] =	ssyncset.done $0x0  }
0x133: {  	[sflag:s16] =	ssyncadd.s32 $0xFFFFFFC0  }
0x134: {  	[tilespmem:s15], [sflag:$0x7] =	stream.indirect.gather [hbm4b:s7+s29], $0x80, s6, s29, $0xb8;
	[tilespmem:$0x1D280] =	vst v63  }
0x135: {  	_ =	swait.ge [sflag:s14], $0x2000  }
0x136: {  	[sflag:s14] =	ssyncset.done $0x0  }
0x137: {  	s22 =	simm.s32 $0x14800;
	s16 =	simm.s32 $0x14280;
	[sflag:s14] =	ssyncadd.s32 $0xFFFFE000  }
0x138: {  	[spmem:s9] =	stream.indirect.scatter.add.f32 [tilespmem:s22], [sflag:$0xD], $0x80, s16, s29, $0xb8;
	[tilespmem:$0x1D280] =	vst v63  }
0x139: {  	s15 =	rddreg [dreg:$0x9]  }
0x13a: {  	[spmem:s12] =	stream.indirect.scatter.add.f32 [tilespmem:s24], [sflag:$0x1], $0x1, s16, s29, $0xb8;
	[tilespmem:$0x1D280] =	vst v63  }
0x13b: {  	s21 =	simm.s32 $0x1D000;
	s19 =	rddreg [dreg:$0x8];
	s13 =	sadd.s32 $0x0, s15  }
0x13c: {  	[tilespmem:s21], [sflag:$0x9] =	stream.linear.gather [hbm4b:s13+s30], $0x40, $0x38;
	[tilespmem:$0x1D280] =	vst v63  }
0x13d: {  	s23 =	simm.s32 $0x14480;
	s22 =	sadd.s32 $0x0, s19  }
0x13e: {  	[tilespmem:s23], [sflag:$0x9] =	stream.linear.gather [hbm4b:s22+s30], $0x40, $0x38;
	[tilespmem:$0x1D280] =	vst v63  }
0x13f: {  	_ =	swait.ge [sflag:s11], $0x2000  }
0x140: {  	[sflag:s11] =	ssyncset.done $0x0  }
0x141: {  	[sflag:s11] =	ssyncadd.s32 $0xFFFFE000  }
0x142: {  	_ =	swait.ge [sflag:s10], $0x40  }
0x143: {  	[sflag:s10] =	ssyncset.done $0x0  }
0x144: {  	[sflag:s10] =	ssyncadd.s32 $0xFFFFFFC0  }
0x145: {  	_ =	swait.ge [sflag:s5], $0x40  }
0x146: {  	[sflag:s5] =	ssyncset.done $0x0  }
0x147: {  	[sflag:s5] =	ssyncadd.s32 $0xFFFFFFC0  }
0x148: {  	_ =	swait.ge [sflag:s5], $0x40  }
0x149: {  	[sflag:s5] =	ssyncset.done $0x0  }
0x14a: {  	[sflag:s5] =	ssyncadd.s32 $0xFFFFFFC0  }
0x14b: {  	[tilespmem:s0], [sflag:$0x8] =	stream.indirect.gather [hbm4b:s7+s29], $0x80, s31, s29, $0xb8;
	[tilespmem:$0x1D280] =	vst v63  }
0x14c: {  	_ =	swait.ge [sflag:s17], $0x2000  }
0x14d: {  	[sflag:s17] =	ssyncset.done $0x0  }
0x14e: {  	s18 =	simm.s32 $0x16800;
	s26 =	simm.s32 $0x14300;
	[sflag:s17] =	ssyncadd.s32 $0xFFFFE000  }
0x14f: {  	[spmem:s9] =	stream.indirect.scatter.add.f32 [tilespmem:s18], [sflag:$0xE], $0x80, s26, s29, $0xb8;
	[tilespmem:$0x1D280] =	vst v63  }
0x150: {  	s25 =	rddreg [dreg:$0x7]  }
0x151: {  	[spmem:s12] =	stream.indirect.scatter.add.f32 [tilespmem:s24], [sflag:$0x2], $0x1, s26, s29, $0xb8;
	[tilespmem:$0x1D280] =	vst v63  }
0x152: {  	s31 =	rddreg [dreg:$0x6];
	s13 =	sadd.s32 $0x0, s25  }
0x153: {  	[tilespmem:s8], [sflag:$0xA] =	stream.linear.gather [hbm4b:s13+s30], $0x40, $0x38;
	[tilespmem:$0x1D280] =	vst v63  }
0x154: {  	s20 =	sadd.s32 $0x200, s28;
	s22 =	sadd.s32 $0x0, s31;
	s13 =	simm.s32 $0x40  }
.LBB2_2:
0x155: {  	s0 =	simm.s32 $0x0;
	s1 =	simm.s32 $0x14500;
	s6 =	simm.s32 $0xE  }
0x156: {  	[tilespmem:s1], [sflag:$0xA] =	stream.linear.gather [hbm4b:s22+s0], $0x40, $0x38;
	[tilespmem:$0x1D280] =	vst v63  }
0x157: {  	_ =	swait.ge [sflag:s6], $0x2000  }
0x158: {  	[sflag:s6] =	ssyncset.done $0x0  }
0x159: {  	s25 =	simm.s32 $0x2;
	[sflag:s6] =	ssyncadd.s32 $0xFFFFE000  }
0x15a: {  	_ =	swait.ge [sflag:s25], $0x40  }
0x15b: {  	[sflag:s25] =	ssyncset.done $0x0  }
0x15c: {  	s30 =	simm.s32 $0x9;
	[sflag:s25] =	ssyncadd.s32 $0xFFFFFFC0  }
0x15d: {  	_ =	swait.ge [sflag:s30], $0x40  }
0x15e: {  	[sflag:s30] =	ssyncset.done $0x0  }
0x15f: {  	[sflag:s30] =	ssyncadd.s32 $0xFFFFFFC0  }
0x160: {  	_ =	swait.ge [sflag:s30], $0x40  }
0x161: {  	[sflag:s30] =	ssyncset.done $0x0  }
0x162: {  	s18 =	simm.s32 $0x1D000;
	[sflag:s30] =	ssyncadd.s32 $0xFFFFFFC0  }
0x163: {  	s2 =	simm.s32 $0x14800;
	s31 =	simm.s32 $0x7;
	s7 =	rddreg [dreg:$0x0]  }
0x164: {  	[tilespmem:s2], [sflag:$0x5] =	stream.indirect.gather [hbm4b:s7+s29], $0x80, s18, s29, $0xb8;
	[tilespmem:$0x1D280] =	vst v63  }
0x165: {  	_ =	swait.ge [sflag:s31], $0x2000  }
0x166: {  	[sflag:s31] =	ssyncset.done $0x0  }
0x167: {  	s26 =	rddreg [dreg:$0x13];
	[sflag:s31] =	ssyncadd.s32 $0xFFFFE000  }
0x168: {  	s19 =	simm.s32 $0x14380;
	s21 =	simm.s32 $0x18800;
	s9 =	rddreg [dreg:$0x3]  }
0x169: {  	[spmem:s9] =	stream.indirect.scatter.add.f32 [tilespmem:s21], [sflag:$0xF], $0x80, s19, s29, $0xb8;
	[tilespmem:$0x1D280] =	vst v63  }
0x16a: {  	s24 =	simm.s32 $0x14780;
	s22 =	smov.u32 s13;
	s12 =	rddreg [dreg:$0x4]  }
0x16b: {  	[spmem:s12] =	stream.indirect.scatter.add.f32 [tilespmem:s24], [sflag:$0x3], $0x1, s19, s29, $0xb8;
	[tilespmem:$0x1D280] =	vst v63  }
0x16c: {  	s23 =	simm.s32 $0x1D100;
	s28 =	rddreg [dreg:$0x12];
	s26 =	sadd.s32 s22, s26  }
0x16d: {  	[tilespmem:s23], [sflag:$0xB] =	stream.linear.gather [hbm4b:s26+s0], $0x40, $0x38;
	[tilespmem:$0x1D280] =	vst v63  }
0x16e: {  	s11 =	simm.s32 $0x14580;
	s18 =	simm.s32 $0xF;
	s2 =	sadd.s32 s22, s28  }
0x16f: {  	[tilespmem:s11], [sflag:$0xB] =	stream.linear.gather [hbm4b:s2+s0], $0x40, $0x38;
	[tilespmem:$0x1D280] =	vst v63  }
0x170: {  	_ =	swait.ge [sflag:s18], $0x2000  }
0x171: {  	[sflag:s18] =	ssyncset.done $0x0  }
0x172: {  	s21 =	simm.s32 $0x3;
	[sflag:s18] =	ssyncadd.s32 $0xFFFFE000  }
0x173: {  	_ =	swait.ge [sflag:s21], $0x40  }
0x174: {  	[sflag:s21] =	ssyncset.done $0x0  }
0x175: {  	s8 =	simm.s32 $0xA;
	[sflag:s21] =	ssyncadd.s32 $0xFFFFFFC0  }
0x176: {  	_ =	swait.ge [sflag:s8], $0x40  }
0x177: {  	[sflag:s8] =	ssyncset.done $0x0  }
0x178: {  	[sflag:s8] =	ssyncadd.s32 $0xFFFFFFC0  }
0x179: {  	_ =	swait.ge [sflag:s8], $0x40  }
0x17a: {  	[sflag:s8] =	ssyncset.done $0x0  }
0x17b: {  	s3 =	simm.s32 $0x1D080;
	s14 =	simm.s32 $0x16800;
	[sflag:s8] =	ssyncadd.s32 $0xFFFFFFC0  }
0x17c: {  	[tilespmem:s14], [sflag:$0x6] =	stream.indirect.gather [hbm4b:s7+s29], $0x80, s3, s29, $0xb8;
	[tilespmem:$0x1D280] =	vst v63  }
0x17d: {  	s14 =	simm.s32 $0x8  }
0x17e: {  	_ =	swait.ge [sflag:s14], $0x2000  }
0x17f: {  	[sflag:s14] =	ssyncset.done $0x0  }
0x180: {  	s16 =	simm.s32 $0x14400;
	s17 =	simm.s32 $0x1A800;
	[sflag:s14] =	ssyncadd.s32 $0xFFFFE000  }
0x181: {  	[spmem:s9] =	stream.indirect.scatter.add.f32 [tilespmem:s17], [sflag:$0x10], $0x80, s16, s29, $0xb8;
	[tilespmem:$0x1D280] =	vst v63  }
0x182: {  	s15 =	rddreg [dreg:$0x11]  }
0x183: {  	[spmem:s12] =	stream.indirect.scatter.add.f32 [tilespmem:s24], [sflag:$0x4], $0x1, s16, s29, $0xb8;
	[tilespmem:$0x1D280] =	vst v63  }
0x184: {  	s23 =	simm.s32 $0x1D180;
	s19 =	rddreg [dreg:$0x10];
	s26 =	sadd.s32 s22, s15  }
0x185: {  	[tilespmem:s23], [sflag:$0xC] =	stream.linear.gather [hbm4b:s26+s0], $0x40, $0x38;
	[tilespmem:$0x1D280] =	vst v63  }
0x186: {  	s2 =	sadd.s32 s22, s19;
	s19 =	simm.s32 $0x10;
	s17 =	simm.s32 $0x14600  }
0x187: {  	[tilespmem:s17], [sflag:$0xC] =	stream.linear.gather [hbm4b:s2+s0], $0x40, $0x38;
	[tilespmem:$0x1D280] =	vst v63  }
0x188: {  	_ =	swait.ge [sflag:s19], $0x2000  }
0x189: {  	[sflag:s19] =	ssyncset.done $0x0  }
0x18a: {  	s15 =	simm.s32 $0x4;
	[sflag:s19] =	ssyncadd.s32 $0xFFFFE000  }
0x18b: {  	_ =	swait.ge [sflag:s15], $0x40  }
0x18c: {  	[sflag:s15] =	ssyncset.done $0x0  }
0x18d: {  	s16 =	simm.s32 $0xB;
	[sflag:s15] =	ssyncadd.s32 $0xFFFFFFC0  }
0x18e: {  	_ =	swait.ge [sflag:s16], $0x40  }
0x18f: {  	[sflag:s16] =	ssyncset.done $0x0  }
0x190: {  	[sflag:s16] =	ssyncadd.s32 $0xFFFFFFC0  }
0x191: {  	_ =	swait.ge [sflag:s16], $0x40  }
0x192: {  	s4 =	simm.s32 $0x18800;
	[sflag:s16] =	ssyncset.done $0x0  }
0x193: {  	s10 =	simm.s32 $0x1D100;
	s23 =	simm.s32 $0x5;
	[sflag:s16] =	ssyncadd.s32 $0xFFFFFFC0  }
0x194: {  	[tilespmem:s4], [sflag:$0x7] =	stream.indirect.gather [hbm4b:s7+s29], $0x80, s10, s29, $0xb8;
	[tilespmem:$0x1D280] =	vst v63  }
0x195: {  	_ =	swait.ge [sflag:s23], $0x2000  }
0x196: {  	[sflag:s23] =	ssyncset.done $0x0  }
0x197: {  	s5 =	simm.s32 $0x14800;
	s4 =	simm.s32 $0x14480;
	[sflag:s23] =	ssyncadd.s32 $0xFFFFE000  }
0x198: {  	[spmem:s9] =	stream.indirect.scatter.add.f32 [tilespmem:s5], [sflag:$0xD], $0x80, s4, s29, $0xb8;
	[tilespmem:$0x1D280] =	vst v63  }
0x199: {  	s10 =	sshrl.u32 s20, $0x3;
	s28 =	rddreg [dreg:$0x14]  }
0x19a: {  	[spmem:s12] =	stream.indirect.scatter.add.f32 [tilespmem:s24], [sflag:$0x1], $0x1, s4, s29, $0xb8;
	[tilespmem:$0x1D280] =	vst v63  }
0x19b: {  	s2 =	sadd.s32 s28, s10;
	s5 =	rddreg [dreg:$0x15];
	s4 =	simm.s32 $0x1D000  }
0x19c: {  	[tilespmem:s4], [sflag:$0x9] =	stream.linear.gather [hbm4b:s2+s0], $0x40, $0x38;
	[tilespmem:$0x1D280] =	vst v63  }
0x19d: {  	s26 =	sadd.s32 s5, s10;
	s10 =	simm.s32 $0x14280;
	s2 =	simm.s32 $0xD  }
0x19e: {  	[tilespmem:s10], [sflag:$0x9] =	stream.linear.gather [hbm4b:s26+s0], $0x40, $0x38;
	[tilespmem:$0x1D280] =	vst v63  }
0x19f: {  	_ =	swait.ge [sflag:s2], $0x2000  }
0x1a0: {  	[sflag:s2] =	ssyncset.done $0x0  }
0x1a1: {  	s10 =	simm.s32 $0x1;
	[sflag:s2] =	ssyncadd.s32 $0xFFFFE000  }
0x1a2: {  	_ =	swait.ge [sflag:s10], $0x40  }
0x1a3: {  	[sflag:s10] =	ssyncset.done $0x0  }
0x1a4: {  	s5 =	simm.s32 $0xC;
	[sflag:s10] =	ssyncadd.s32 $0xFFFFFFC0  }
0x1a5: {  	_ =	swait.ge [sflag:s5], $0x40  }
0x1a6: {  	[sflag:s5] =	ssyncset.done $0x0  }
0x1a7: {  	[sflag:s5] =	ssyncadd.s32 $0xFFFFFFC0  }
0x1a8: {  	_ =	swait.ge [sflag:s5], $0x40  }
0x1a9: {  	s1 =	simm.s32 $0x6;
	[sflag:s5] =	ssyncset.done $0x0  }
0x1aa: {  	s3 =	simm.s32 $0x1D180;
	s28 =	simm.s32 $0x1A800;
	[sflag:s5] =	ssyncadd.s32 $0xFFFFFFC0  }
0x1ab: {  	[tilespmem:s28], [sflag:$0x8] =	stream.indirect.gather [hbm4b:s7+s29], $0x80, s3, s29, $0xb8;
	[tilespmem:$0x1D280] =	vst v63  }
0x1ac: {  	_ =	swait.ge [sflag:s1], $0x2000  }
0x1ad: {  	[sflag:s1] =	ssyncset.done $0x0  }
0x1ae: {  	s3 =	simm.s32 $0x14500;
	s28 =	simm.s32 $0x16800;
	[sflag:s1] =	ssyncadd.s32 $0xFFFFE000  }
0x1af: {  	[spmem:s9] =	stream.indirect.scatter.add.f32 [tilespmem:s28], [sflag:$0xE], $0x80, s3, s29, $0xb8;
	[tilespmem:$0x1D280] =	vst v63  }
0x1b0: {  	s26 =	rddreg [dreg:$0xf]  }
0x1b1: {  	[spmem:s12] =	stream.indirect.scatter.add.f32 [tilespmem:s24], [sflag:$0x2], $0x1, s3, s29, $0xb8;
	[tilespmem:$0x1D280] =	vst v63  }
0x1b2: {  	s26 =	sadd.s32 s22, s26;
	s28 =	rddreg [dreg:$0xe];
	s3 =	simm.s32 $0x1D080  }
0x1b3: {  	[tilespmem:s3], [sflag:$0xA] =	stream.linear.gather [hbm4b:s26+s0], $0x40, $0x38;
	[tilespmem:$0x1D280] =	vst v63  }
0x1b4: {  	s26 =	sadd.s32 s22, s28;
	s28 =	simm.s32 $0x14300  }
0x1b5: {  	[tilespmem:s28], [sflag:$0xA] =	stream.linear.gather [hbm4b:s26+s0], $0x40, $0x38;
	[tilespmem:$0x1D280] =	vst v63  }
0x1b6: {  	_ =	swait.ge [sflag:s6], $0x2000  }
0x1b7: {  	[sflag:s6] =	ssyncset.done $0x0  }
0x1b8: {  	[sflag:s6] =	ssyncadd.s32 $0xFFFFE000  }
0x1b9: {  	_ =	swait.ge [sflag:s25], $0x40  }
0x1ba: {  	[sflag:s25] =	ssyncset.done $0x0  }
0x1bb: {  	[sflag:s25] =	ssyncadd.s32 $0xFFFFFFC0  }
0x1bc: {  	_ =	swait.ge [sflag:s30], $0x40  }
0x1bd: {  	[sflag:s30] =	ssyncset.done $0x0  }
0x1be: {  	[sflag:s30] =	ssyncadd.s32 $0xFFFFFFC0  }
0x1bf: {  	_ =	swait.ge [sflag:s30], $0x40  }
0x1c0: {  	[sflag:s30] =	ssyncset.done $0x0  }
0x1c1: {  	[sflag:s30] =	ssyncadd.s32 $0xFFFFFFC0;
	s30 =	simm.s32 $0x14800  }
0x1c2: {  	[tilespmem:s30], [sflag:$0x5] =	stream.indirect.gather [hbm4b:s7+s29], $0x80, s4, s29, $0xb8;
	[tilespmem:$0x1D280] =	vst v63  }
0x1c3: {  	_ =	swait.ge [sflag:s31], $0x2000  }
0x1c4: {  	[sflag:s31] =	ssyncset.done $0x0  }
0x1c5: {  	s6 =	simm.s32 $0x18800;
	[sflag:s31] =	ssyncadd.s32 $0xFFFFE000  }
0x1c6: {  	[spmem:s9] =	stream.indirect.scatter.add.f32 [tilespmem:s6], [sflag:$0xF], $0x80, s11, s29, $0xb8;
	[tilespmem:$0x1D280] =	vst v63  }
0x1c7: {  	s31 =	rddreg [dreg:$0xd]  }
0x1c8: {  	[spmem:s12] =	stream.indirect.scatter.add.f32 [tilespmem:s24], [sflag:$0x3], $0x1, s11, s29, $0xb8;
	[tilespmem:$0x1D280] =	vst v63  }
0x1c9: {  	s4 =	rddreg [dreg:$0xc];
	s26 =	sadd.s32 s22, s31;
	s31 =	simm.s32 $0x1D100  }
0x1ca: {  	[tilespmem:s31], [sflag:$0xB] =	stream.linear.gather [hbm4b:s26+s0], $0x40, $0x38;
	[tilespmem:$0x1D280] =	vst v63  }
0x1cb: {  	s4 =	sadd.s32 s22, s4;
	s11 =	simm.s32 $0x14380  }
0x1cc: {  	[tilespmem:s11], [sflag:$0xB] =	stream.linear.gather [hbm4b:s4+s0], $0x40, $0x38;
	[tilespmem:$0x1D280] =	vst v63  }
0x1cd: {  	_ =	swait.ge [sflag:s18], $0x2000  }
0x1ce: {  	[sflag:s18] =	ssyncset.done $0x0  }
0x1cf: {  	[sflag:s18] =	ssyncadd.s32 $0xFFFFE000  }
0x1d0: {  	_ =	swait.ge [sflag:s21], $0x40  }
0x1d1: {  	[sflag:s21] =	ssyncset.done $0x0  }
0x1d2: {  	[sflag:s21] =	ssyncadd.s32 $0xFFFFFFC0  }
0x1d3: {  	_ =	swait.ge [sflag:s8], $0x40  }
0x1d4: {  	[sflag:s8] =	ssyncset.done $0x0  }
0x1d5: {  	[sflag:s8] =	ssyncadd.s32 $0xFFFFFFC0  }
0x1d6: {  	_ =	swait.ge [sflag:s8], $0x40  }
0x1d7: {  	[sflag:s8] =	ssyncset.done $0x0  }
0x1d8: {  	s4 =	simm.s32 $0x16800;
	[sflag:s8] =	ssyncadd.s32 $0xFFFFFFC0  }
0x1d9: {  	[tilespmem:s4], [sflag:$0x6] =	stream.indirect.gather [hbm4b:s7+s29], $0x80, s3, s29, $0xb8;
	[tilespmem:$0x1D280] =	vst v63  }
0x1da: {  	_ =	swait.ge [sflag:s14], $0x2000  }
0x1db: {  	[sflag:s14] =	ssyncset.done $0x0  }
0x1dc: {  	s3 =	simm.s32 $0x1A800;
	[sflag:s14] =	ssyncadd.s32 $0xFFFFE000  }
0x1dd: {  	[spmem:s9] =	stream.indirect.scatter.add.f32 [tilespmem:s3], [sflag:$0x10], $0x80, s17, s29, $0xb8;
	[tilespmem:$0x1D280] =	vst v63  }
0x1de: {  	s14 =	rddreg [dreg:$0xb]  }
0x1df: {  	[spmem:s12] =	stream.indirect.scatter.add.f32 [tilespmem:s24], [sflag:$0x4], $0x1, s17, s29, $0xb8;
	[tilespmem:$0x1D280] =	vst v63  }
0x1e0: {  	s8 =	simm.s32 $0x1D180;
	s21 =	rddreg [dreg:$0xa];
	s26 =	sadd.s32 s22, s14  }
0x1e1: {  	[tilespmem:s8], [sflag:$0xC] =	stream.linear.gather [hbm4b:s26+s0], $0x40, $0x38;
	[tilespmem:$0x1D280] =	vst v63  }
0x1e2: {  	s11 =	sadd.s32 s22, s21;
	s14 =	simm.s32 $0x14400  }
0x1e3: {  	[tilespmem:s14], [sflag:$0xC] =	stream.linear.gather [hbm4b:s11+s0], $0x40, $0x38;
	[tilespmem:$0x1D280] =	vst v63  }
0x1e4: {  	_ =	swait.ge [sflag:s19], $0x2000  }
0x1e5: {  	[sflag:s19] =	ssyncset.done $0x0  }
0x1e6: {  	[sflag:s19] =	ssyncadd.s32 $0xFFFFE000  }
0x1e7: {  	_ =	swait.ge [sflag:s15], $0x40  }
0x1e8: {  	[sflag:s15] =	ssyncset.done $0x0  }
0x1e9: {  	[sflag:s15] =	ssyncadd.s32 $0xFFFFFFC0  }
0x1ea: {  	_ =	swait.ge [sflag:s16], $0x40  }
0x1eb: {  	[sflag:s16] =	ssyncset.done $0x0  }
0x1ec: {  	[sflag:s16] =	ssyncadd.s32 $0xFFFFFFC0  }
0x1ed: {  	_ =	swait.ge [sflag:s16], $0x40  }
0x1ee: {  	[sflag:s16] =	ssyncset.done $0x0  }
0x1ef: {  	[sflag:s16] =	ssyncadd.s32 $0xFFFFFFC0  }
0x1f0: {  	[tilespmem:s6], [sflag:$0x7] =	stream.indirect.gather [hbm4b:s7+s29], $0x80, s31, s29, $0xb8;
	[tilespmem:$0x1D280] =	vst v63  }
0x1f1: {  	_ =	swait.ge [sflag:s23], $0x2000  }
0x1f2: {  	[sflag:s23] =	ssyncset.done $0x0  }
0x1f3: {  	s17 =	simm.s32 $0x14280;
	[sflag:s23] =	ssyncadd.s32 $0xFFFFE000  }
0x1f4: {  	[spmem:s9] =	stream.indirect.scatter.add.f32 [tilespmem:s30], [sflag:$0xD], $0x80, s17, s29, $0xb8;
	[tilespmem:$0x1D280] =	vst v63  }
0x1f5: {  	s16 =	rddreg [dreg:$0x9]  }
0x1f6: {  	[spmem:s12] =	stream.indirect.scatter.add.f32 [tilespmem:s24], [sflag:$0x1], $0x1, s17, s29, $0xb8;
	[tilespmem:$0x1D280] =	vst v63  }
0x1f7: {  	s25 =	simm.s32 $0x1D000;
	s19 =	rddreg [dreg:$0x8];
	s26 =	sadd.s32 s22, s16  }
0x1f8: {  	[tilespmem:s25], [sflag:$0x9] =	stream.linear.gather [hbm4b:s26+s0], $0x40, $0x38;
	[tilespmem:$0x1D280] =	vst v63  }
0x1f9: {  	s21 =	sadd.s32 s22, s19;
	s23 =	simm.s32 $0x14480  }
0x1fa: {  	[tilespmem:s23], [sflag:$0x9] =	stream.linear.gather [hbm4b:s21+s0], $0x40, $0x38;
	[tilespmem:$0x1D280] =	vst v63  }
0x1fb: {  	_ =	swait.ge [sflag:s2], $0x2000  }
0x1fc: {  	[sflag:s2] =	ssyncset.done $0x0  }
0x1fd: {  	[sflag:s2] =	ssyncadd.s32 $0xFFFFE000  }
0x1fe: {  	_ =	swait.ge [sflag:s10], $0x40  }
0x1ff: {  	[sflag:s10] =	ssyncset.done $0x0  }
0x200: {  	[sflag:s10] =	ssyncadd.s32 $0xFFFFFFC0  }
0x201: {  	_ =	swait.ge [sflag:s5], $0x40  }
0x202: {  	[sflag:s5] =	ssyncset.done $0x0  }
0x203: {  	[sflag:s5] =	ssyncadd.s32 $0xFFFFFFC0  }
0x204: {  	_ =	swait.ge [sflag:s5], $0x40  }
0x205: {  	[sflag:s5] =	ssyncset.done $0x0  }
0x206: {  	[sflag:s5] =	ssyncadd.s32 $0xFFFFFFC0  }
0x207: {  	[tilespmem:s3], [sflag:$0x8] =	stream.indirect.gather [hbm4b:s7+s29], $0x80, s8, s29, $0xb8;
	[tilespmem:$0x1D280] =	vst v63  }
0x208: {  	_ =	swait.ge [sflag:s1], $0x2000  }
0x209: {  	[sflag:s1] =	ssyncset.done $0x0  }
0x20a: {  	p0 =	sne.s32 s13, $0x440;
	s31 =	simm.s32 $0x14300;
	[sflag:s1] =	ssyncadd.s32 $0xFFFFE000  }
0x20b: {  	[spmem:s9] =	stream.indirect.scatter.add.f32 [tilespmem:s4], [sflag:$0xE], $0x80, s31, s29, $0xb8;
	[tilespmem:$0x1D280] =	vst v63  }
.Ltmp0:
0x20c: {  	s25 =	rddreg [dreg:$0x7];
	(pc) =	sbr.rel @p0 .LBB2_2-.Ltmp0, $4  }
0x20d: {  	s13 =	sadd.s32 $0x40, s13;
	s20 =	sadd.s32 $0x200, s20;
	s30 =	rddreg [dreg:$0x6]  }
0x20e: {  	[spmem:s12] =	stream.indirect.scatter.add.f32 [tilespmem:s24], [sflag:$0x2], $0x1, s31, s29, $0xb8;
	[tilespmem:$0x1D280] =	vst v63  }
0x20f: {  	s18 =	simm.s32 $0x1D080;
	s26 =	sadd.s32 s22, s25;
	s22 =	sadd.s32 s22, s30  }
0x210: {  	[tilespmem:s18], [sflag:$0xA] =	stream.linear.gather [hbm4b:s26+s0], $0x40, $0x38;
	[tilespmem:$0x1D280] =	vst v63  }
0x211: {  	s26 =	simm.s32 $0x0;
	s17 =	simm.s32 $0x14500;
	s28 =	simm.s32 $0xE  }
0x212: {  	[tilespmem:s17], [sflag:$0xA] =	stream.linear.gather [hbm4b:s22+s26], $0x40, $0x38;
	[tilespmem:$0x1D280] =	vst v63  }
0x213: {  	_ =	swait.ge [sflag:s28], $0x2000  }
0x214: {  	[sflag:s28] =	ssyncset.done $0x0  }
0x215: {  	s25 =	simm.s32 $0x2;
	[sflag:s28] =	ssyncadd.s32 $0xFFFFE000  }
0x216: {  	_ =	swait.ge [sflag:s25], $0x40  }
0x217: {  	[sflag:s25] =	ssyncset.done $0x0  }
0x218: {  	s24 =	simm.s32 $0x9;
	[sflag:s25] =	ssyncadd.s32 $0xFFFFFFC0  }
0x219: {  	_ =	swait.ge [sflag:s24], $0x40  }
0x21a: {  	[sflag:s24] =	ssyncset.done $0x0  }
0x21b: {  	[sflag:s24] =	ssyncadd.s32 $0xFFFFFFC0  }
0x21c: {  	_ =	swait.ge [sflag:s24], $0x40  }
0x21d: {  	[sflag:s24] =	ssyncset.done $0x0  }
0x21e: {  	s20 =	simm.s32 $0x1D000;
	[sflag:s24] =	ssyncadd.s32 $0xFFFFFFC0  }
0x21f: {  	s0 =	simm.s32 $0x14800;
	s15 =	simm.s32 $0x7;
	s6 =	rddreg [dreg:$0x0]  }
0x220: {  	[tilespmem:s0], [sflag:$0x5] =	stream.indirect.gather [hbm4b:s6+s29], $0x80, s20, s29, $0xb8;
	[tilespmem:$0x1D280] =	vst v63  }
0x221: {  	_ =	swait.ge [sflag:s15], $0x2000  }
0x222: {  	[sflag:s15] =	ssyncset.done $0x0  }
0x223: {  	s13 =	sld [smem:$0x7EB];
	[sflag:s15] =	ssyncadd.s32 $0xFFFFE000  }
0x224: {  	s9 =	simm.s32 $0x14380;
	s1 =	simm.s32 $0x18800;
	s4 =	rddreg [dreg:$0x3]  }
0x225: {  	[spmem:s4] =	stream.indirect.scatter.add.f32 [tilespmem:s1], [sflag:$0xF], $0x80, s9, s29, $0xb8;
	[tilespmem:$0x1D280] =	vst v63  }
0x226: {  	s23 =	simm.s32 $0x14780;
	s12 =	rddreg [dreg:$0x4]  }
0x227: {  	[spmem:s12] =	stream.indirect.scatter.add.f32 [tilespmem:s23], [sflag:$0x3], $0x1, s9, s29, $0xb8;
	[tilespmem:$0x1D280] =	vst v63  }
0x228: {  	s11 =	simm.s32 $0x1D100;
	s14 =	sld [smem:$0x7EC]  }
0x229: {  	[tilespmem:s11], [sflag:$0xB] =	stream.linear.gather [hbm4b:s13+s26], $0x40, $0x38;
	[tilespmem:$0x1D280] =	vst v63  }
0x22a: {  	s31 =	simm.s32 $0x14580;
	s18 =	simm.s32 $0xF  }
0x22b: {  	[tilespmem:s31], [sflag:$0xB] =	stream.linear.gather [hbm4b:s14+s26], $0x40, $0x38;
	[tilespmem:$0x1D280] =	vst v63  }
0x22c: {  	_ =	swait.ge [sflag:s18], $0x2000  }
0x22d: {  	[sflag:s18] =	ssyncset.done $0x0  }
0x22e: {  	s21 =	simm.s32 $0x3;
	[sflag:s18] =	ssyncadd.s32 $0xFFFFE000  }
0x22f: {  	_ =	swait.ge [sflag:s21], $0x40  }
0x230: {  	[sflag:s21] =	ssyncset.done $0x0  }
0x231: {  	s8 =	simm.s32 $0xA;
	[sflag:s21] =	ssyncadd.s32 $0xFFFFFFC0  }
0x232: {  	_ =	swait.ge [sflag:s8], $0x40  }
0x233: {  	[sflag:s8] =	ssyncset.done $0x0  }
0x234: {  	[sflag:s8] =	ssyncadd.s32 $0xFFFFFFC0  }
0x235: {  	_ =	swait.ge [sflag:s8], $0x40  }
0x236: {  	s16 =	simm.s32 $0x16800;
	[sflag:s8] =	ssyncset.done $0x0  }
0x237: {  	s9 =	simm.s32 $0x1D080;
	s14 =	simm.s32 $0x8;
	[sflag:s8] =	ssyncadd.s32 $0xFFFFFFC0  }
0x238: {  	[tilespmem:s16], [sflag:$0x6] =	stream.indirect.gather [hbm4b:s6+s29], $0x80, s9, s29, $0xb8;
	[tilespmem:$0x1D280] =	vst v63  }
0x239: {  	_ =	swait.ge [sflag:s14], $0x2000  }
0x23a: {  	[sflag:s14] =	ssyncset.done $0x0  }
0x23b: {  	s19 =	simm.s32 $0x14400;
	s3 =	simm.s32 $0x1A800;
	[sflag:s14] =	ssyncadd.s32 $0xFFFFE000  }
0x23c: {  	[spmem:s4] =	stream.indirect.scatter.add.f32 [tilespmem:s3], [sflag:$0x10], $0x80, s19, s29, $0xb8;
	[tilespmem:$0x1D280] =	vst v63  }
0x23d: {  	s22 =	sld [smem:$0x7ED]  }
0x23e: {  	[spmem:s12] =	stream.indirect.scatter.add.f32 [tilespmem:s23], [sflag:$0x4], $0x1, s19, s29, $0xb8;
	[tilespmem:$0x1D280] =	vst v63  }
0x23f: {  	s11 =	simm.s32 $0x1D180;
	s0 =	sld [smem:$0x7EE]  }
0x240: {  	[tilespmem:s11], [sflag:$0xC] =	stream.linear.gather [hbm4b:s22+s26], $0x40, $0x38;
	[tilespmem:$0x1D280] =	vst v63  }
0x241: {  	s7 =	simm.s32 $0x14600;
	s19 =	simm.s32 $0x10  }
0x242: {  	[tilespmem:s7], [sflag:$0xC] =	stream.linear.gather [hbm4b:s0+s26], $0x40, $0x38;
	[tilespmem:$0x1D280] =	vst v63  }
0x243: {  	_ =	swait.ge [sflag:s19], $0x2000  }
0x244: {  	[sflag:s19] =	ssyncset.done $0x0  }
0x245: {  	s3 =	simm.s32 $0x4;
	[sflag:s19] =	ssyncadd.s32 $0xFFFFE000  }
0x246: {  	_ =	swait.ge [sflag:s3], $0x40  }
0x247: {  	[sflag:s3] =	ssyncset.done $0x0  }
0x248: {  	s16 =	simm.s32 $0xB;
	[sflag:s3] =	ssyncadd.s32 $0xFFFFFFC0  }
0x249: {  	_ =	swait.ge [sflag:s16], $0x40  }
0x24a: {  	[sflag:s16] =	ssyncset.done $0x0  }
0x24b: {  	[sflag:s16] =	ssyncadd.s32 $0xFFFFFFC0  }
0x24c: {  	_ =	swait.ge [sflag:s16], $0x40  }
0x24d: {  	s10 =	simm.s32 $0x18800;
	[sflag:s16] =	ssyncset.done $0x0  }
0x24e: {  	s5 =	simm.s32 $0x1D100;
	s22 =	simm.s32 $0x5;
	[sflag:s16] =	ssyncadd.s32 $0xFFFFFFC0  }
0x24f: {  	[tilespmem:s10], [sflag:$0x7] =	stream.indirect.gather [hbm4b:s6+s29], $0x80, s5, s29, $0xb8;
	[tilespmem:$0x1D280] =	vst v63  }
0x250: {  	_ =	swait.ge [sflag:s22], $0x2000  }
0x251: {  	[sflag:s22] =	ssyncset.done $0x0  }
0x252: {  	s2 =	simm.s32 $0x14800;
	s1 =	simm.s32 $0x14480;
	[sflag:s22] =	ssyncadd.s32 $0xFFFFE000  }
0x253: {  	[spmem:s4] =	stream.indirect.scatter.add.f32 [tilespmem:s2], [sflag:$0xD], $0x80, s1, s29, $0xb8;
	[tilespmem:$0x1D280] =	vst v63  }
0x254: {  	s5 =	sld [smem:$0x7EF]  }
0x255: {  	[spmem:s12] =	stream.indirect.scatter.add.f32 [tilespmem:s23], [sflag:$0x1], $0x1, s1, s29, $0xb8;
	[tilespmem:$0x1D280] =	vst v63  }
0x256: {  	s10 =	sld [smem:$0x7F0]  }
0x257: {  	[tilespmem:s20], [sflag:$0x9] =	stream.linear.gather [hbm4b:s5+s26], $0x40, $0x38;
	[tilespmem:$0x1D280] =	vst v63  }
0x258: {  	s0 =	simm.s32 $0x14280;
	s2 =	simm.s32 $0xD  }
0x259: {  	[tilespmem:s0], [sflag:$0x9] =	stream.linear.gather [hbm4b:s10+s26], $0x40, $0x38;
	[tilespmem:$0x1D280] =	vst v63  }
0x25a: {  	_ =	swait.ge [sflag:s2], $0x2000  }
0x25b: {  	[sflag:s2] =	ssyncset.done $0x0  }
0x25c: {  	s10 =	simm.s32 $0x1;
	[sflag:s2] =	ssyncadd.s32 $0xFFFFE000  }
0x25d: {  	_ =	swait.ge [sflag:s10], $0x40  }
0x25e: {  	[sflag:s10] =	ssyncset.done $0x0  }
0x25f: {  	s5 =	simm.s32 $0xC;
	[sflag:s10] =	ssyncadd.s32 $0xFFFFFFC0  }
0x260: {  	_ =	swait.ge [sflag:s5], $0x40  }
0x261: {  	[sflag:s5] =	ssyncset.done $0x0  }
0x262: {  	[sflag:s5] =	ssyncadd.s32 $0xFFFFFFC0  }
0x263: {  	_ =	swait.ge [sflag:s5], $0x40  }
0x264: {  	[sflag:s5] =	ssyncset.done $0x0  }
0x265: {  	s30 =	simm.s32 $0x1A800;
	s1 =	simm.s32 $0x6;
	[sflag:s5] =	ssyncadd.s32 $0xFFFFFFC0  }
0x266: {  	[tilespmem:s30], [sflag:$0x8] =	stream.indirect.gather [hbm4b:s6+s29], $0x80, s11, s29, $0xb8;
	[tilespmem:$0x1D280] =	vst v63  }
0x267: {  	_ =	swait.ge [sflag:s1], $0x2000  }
0x268: {  	[sflag:s1] =	ssyncset.done $0x0  }
0x269: {  	s30 =	simm.s32 $0x16800;
	[sflag:s1] =	ssyncadd.s32 $0xFFFFE000  }
0x26a: {  	[spmem:s4] =	stream.indirect.scatter.add.f32 [tilespmem:s30], [sflag:$0xE], $0x80, s17, s29, $0xb8;
	[tilespmem:$0x1D280] =	vst v63  }
0x26b: {  	_ = 	snop  }
0x26c: {  	[spmem:s12] =	stream.indirect.scatter.add.f32 [tilespmem:s23], [sflag:$0x2], $0x1, s17, s29, $0xb8;
	[tilespmem:$0x1D280] =	vst v63  }
0x26d: {  	s17 =	sld [smem:$0x7F1];
	_ =	sdelay $0x1  }
0x26e: {  	s30 =	sld [smem:$0x7F2]  }
0x26f: {  	[tilespmem:s9], [sflag:$0xA] =	stream.linear.gather [hbm4b:s17+s26], $0x40, $0x38;
	[tilespmem:$0x1D280] =	vst v63  }
0x270: {  	s17 =	simm.s32 $0x14300  }
0x271: {  	[tilespmem:s17], [sflag:$0xA] =	stream.linear.gather [hbm4b:s30+s26], $0x40, $0x38;
	[tilespmem:$0x1D280] =	vst v63  }
0x272: {  	_ =	swait.ge [sflag:s28], $0x2000  }
0x273: {  	[sflag:s28] =	ssyncset.done $0x0  }
0x274: {  	[sflag:s28] =	ssyncadd.s32 $0xFFFFE000  }
0x275: {  	_ =	swait.ge [sflag:s25], $0x40  }
0x276: {  	[sflag:s25] =	ssyncset.done $0x0  }
0x277: {  	[sflag:s25] =	ssyncadd.s32 $0xFFFFFFC0  }
0x278: {  	_ =	swait.ge [sflag:s24], $0x40  }
0x279: {  	[sflag:s24] =	ssyncset.done $0x0  }
0x27a: {  	[sflag:s24] =	ssyncadd.s32 $0xFFFFFFC0  }
0x27b: {  	_ =	swait.ge [sflag:s24], $0x40  }
0x27c: {  	[sflag:s24] =	ssyncset.done $0x0  }
0x27d: {  	[sflag:s24] =	ssyncadd.s32 $0xFFFFFFC0;
	s24 =	simm.s32 $0x14800  }
0x27e: {  	[tilespmem:s24], [sflag:$0x5] =	stream.indirect.gather [hbm4b:s6+s29], $0x80, s20, s29, $0xb8;
	[tilespmem:$0x1D280] =	vst v63  }
0x27f: {  	_ =	swait.ge [sflag:s15], $0x2000  }
0x280: {  	[sflag:s15] =	ssyncset.done $0x0  }
0x281: {  	s20 =	simm.s32 $0x18800;
	[sflag:s15] =	ssyncadd.s32 $0xFFFFE000  }
0x282: {  	[spmem:s4] =	stream.indirect.scatter.add.f32 [tilespmem:s20], [sflag:$0xF], $0x80, s31, s29, $0xb8;
	[tilespmem:$0x1D280] =	vst v63  }
0x283: {  	s30 =	sld [smem:$0x7F3]  }
0x284: {  	[spmem:s12] =	stream.indirect.scatter.add.f32 [tilespmem:s23], [sflag:$0x3], $0x1, s31, s29, $0xb8;
	[tilespmem:$0x1D280] =	vst v63  }
0x285: {  	s13 =	sld [smem:$0x7F4];
	s31 =	simm.s32 $0x1D100  }
0x286: {  	[tilespmem:s31], [sflag:$0xB] =	stream.linear.gather [hbm4b:s30+s26], $0x40, $0x38;
	[tilespmem:$0x1D280] =	vst v63  }
0x287: {  	s30 =	simm.s32 $0x14380  }
0x288: {  	[tilespmem:s30], [sflag:$0xB] =	stream.linear.gather [hbm4b:s13+s26], $0x40, $0x38;
	[tilespmem:$0x1D280] =	vst v63  }
0x289: {  	_ =	swait.ge [sflag:s18], $0x2000  }
0x28a: {  	[sflag:s18] =	ssyncset.done $0x0  }
0x28b: {  	[sflag:s18] =	ssyncadd.s32 $0xFFFFE000  }
0x28c: {  	_ =	swait.ge [sflag:s21], $0x40  }
0x28d: {  	[sflag:s21] =	ssyncset.done $0x0  }
0x28e: {  	[sflag:s21] =	ssyncadd.s32 $0xFFFFFFC0  }
0x28f: {  	_ =	swait.ge [sflag:s8], $0x40  }
0x290: {  	[sflag:s8] =	ssyncset.done $0x0  }
0x291: {  	[sflag:s8] =	ssyncadd.s32 $0xFFFFFFC0  }
0x292: {  	_ =	swait.ge [sflag:s8], $0x40  }
0x293: {  	[sflag:s8] =	ssyncset.done $0x0  }
0x294: {  	[sflag:s8] =	ssyncadd.s32 $0xFFFFFFC0;
	s8 =	simm.s32 $0x16800  }
0x295: {  	[tilespmem:s8], [sflag:$0x6] =	stream.indirect.gather [hbm4b:s6+s29], $0x80, s9, s29, $0xb8;
	[tilespmem:$0x1D280] =	vst v63  }
0x296: {  	_ =	swait.ge [sflag:s14], $0x2000  }
0x297: {  	[sflag:s14] =	ssyncset.done $0x0  }
0x298: {  	s9 =	simm.s32 $0x1A800;
	[sflag:s14] =	ssyncadd.s32 $0xFFFFE000  }
0x299: {  	[spmem:s4] =	stream.indirect.scatter.add.f32 [tilespmem:s9], [sflag:$0x10], $0x80, s7, s29, $0xb8;
	[tilespmem:$0x1D280] =	vst v63  }
0x29a: {  	s30 =	sld [smem:$0x7F5]  }
0x29b: {  	[spmem:s12] =	stream.indirect.scatter.add.f32 [tilespmem:s23], [sflag:$0x4], $0x1, s7, s29, $0xb8;
	[tilespmem:$0x1D280] =	vst v63  }
0x29c: {  	s7 =	sld [smem:$0x7F6]  }
0x29d: {  	[tilespmem:s11], [sflag:$0xC] =	stream.linear.gather [hbm4b:s30+s26], $0x40, $0x38;
	[tilespmem:$0x1D280] =	vst v63  }
0x29e: {  	s30 =	simm.s32 $0x14400  }
0x29f: {  	[tilespmem:s30], [sflag:$0xC] =	stream.linear.gather [hbm4b:s7+s26], $0x40, $0x38;
	[tilespmem:$0x1D280] =	vst v63  }
0x2a0: {  	_ =	swait.ge [sflag:s19], $0x2000  }
0x2a1: {  	[sflag:s19] =	ssyncset.done $0x0  }
0x2a2: {  	[sflag:s19] =	ssyncadd.s32 $0xFFFFE000  }
0x2a3: {  	_ =	swait.ge [sflag:s3], $0x40  }
0x2a4: {  	[sflag:s3] =	ssyncset.done $0x0  }
0x2a5: {  	[sflag:s3] =	ssyncadd.s32 $0xFFFFFFC0  }
0x2a6: {  	_ =	swait.ge [sflag:s16], $0x40  }
0x2a7: {  	[sflag:s16] =	ssyncset.done $0x0  }
0x2a8: {  	[sflag:s16] =	ssyncadd.s32 $0xFFFFFFC0  }
0x2a9: {  	_ =	swait.ge [sflag:s16], $0x40  }
0x2aa: {  	[sflag:s16] =	ssyncset.done $0x0  }
0x2ab: {  	[sflag:s16] =	ssyncadd.s32 $0xFFFFFFC0  }
0x2ac: {  	[tilespmem:s20], [sflag:$0x7] =	stream.indirect.gather [hbm4b:s6+s29], $0x80, s31, s29, $0xb8;
	[tilespmem:$0x1D280] =	vst v63  }
0x2ad: {  	_ =	swait.ge [sflag:s22], $0x2000  }
0x2ae: {  	[sflag:s22] =	ssyncset.done $0x0  }
0x2af: {  	[sflag:s22] =	ssyncadd.s32 $0xFFFFE000  }
0x2b0: {  	[spmem:s4] =	stream.indirect.scatter.add.f32 [tilespmem:s24], [sflag:$0xD], $0x80, s0, s29, $0xb8;
	[tilespmem:$0x1D280] =	vst v63  }
0x2b1: {  	_ = 	snop  }
0x2b2: {  	[spmem:s12] =	stream.indirect.scatter.add.f32 [tilespmem:s23], [sflag:$0x1], $0x1, s0, s29, $0xb8;
	[tilespmem:$0x1D280] =	vst v63  }
0x2b3: {  	_ =	swait.ge [sflag:s2], $0x2000  }
0x2b4: {  	[sflag:s2] =	ssyncset.done $0x0  }
0x2b5: {  	[sflag:s2] =	ssyncadd.s32 $0xFFFFE000  }
0x2b6: {  	_ =	swait.ge [sflag:s10], $0x40  }
0x2b7: {  	[sflag:s10] =	ssyncset.done $0x0  }
0x2b8: {  	[sflag:s10] =	ssyncadd.s32 $0xFFFFFFC0  }
0x2b9: {  	_ =	swait.ge [sflag:s5], $0x40  }
0x2ba: {  	[sflag:s5] =	ssyncset.done $0x0  }
0x2bb: {  	[sflag:s5] =	ssyncadd.s32 $0xFFFFFFC0  }
0x2bc: {  	_ =	swait.ge [sflag:s5], $0x40  }
0x2bd: {  	[sflag:s5] =	ssyncset.done $0x0  }
0x2be: {  	[sflag:s5] =	ssyncadd.s32 $0xFFFFFFC0  }
0x2bf: {  	[tilespmem:s9], [sflag:$0x8] =	stream.indirect.gather [hbm4b:s6+s29], $0x80, s11, s29, $0xb8;
	[tilespmem:$0x1D280] =	vst v63  }
0x2c0: {  	_ =	swait.ge [sflag:s1], $0x2000  }
0x2c1: {  	[sflag:s1] =	ssyncset.done $0x0  }
0x2c2: {  	[sflag:s1] =	ssyncadd.s32 $0xFFFFE000  }
0x2c3: {  	[spmem:s4] =	stream.indirect.scatter.add.f32 [tilespmem:s8], [sflag:$0xE], $0x80, s17, s29, $0xb8;
	[tilespmem:$0x1D280] =	vst v63  }
0x2c4: {  	_ = 	snop  }
0x2c5: {  	[spmem:s12] =	stream.indirect.scatter.add.f32 [tilespmem:s23], [sflag:$0x2], $0x1, s17, s29, $0xb8;
	[tilespmem:$0x1D280] =	vst v63  }
0x2c6: {  	_ =	swait.ge [sflag:s28], $0x2000  }
0x2c7: {  	[sflag:s28] =	ssyncset.done $0x0  }
0x2c8: {  	[sflag:s28] =	ssyncadd.s32 $0xFFFFE000  }
0x2c9: {  	_ =	swait.ge [sflag:s25], $0x40  }
0x2ca: {  	[sflag:s25] =	ssyncset.done $0x0  }
0x2cb: {  	[sflag:s25] =	ssyncadd.s32 $0xFFFFFFC0  }
0x2cc: {  	_ =	swait.ge [sflag:s15], $0x2000  }
0x2cd: {  	[sflag:s15] =	ssyncset.done $0x0  }
0x2ce: {  	s13 =	simm.s32 $0x14380;
	s31 =	simm.s32 $0x18800;
	[sflag:s15] =	ssyncadd.s32 $0xFFFFE000  }
0x2cf: {  	[spmem:s4] =	stream.indirect.scatter.add.f32 [tilespmem:s31], [sflag:$0xF], $0x80, s13, s29, $0xb8;
	[tilespmem:$0x1D280] =	vst v63  }
0x2d0: {  	_ = 	snop  }
0x2d1: {  	[spmem:s12] =	stream.indirect.scatter.add.f32 [tilespmem:s23], [sflag:$0x3], $0x1, s13, s29, $0xb8;
	[tilespmem:$0x1D280] =	vst v63  }
0x2d2: {  	_ =	swait.ge [sflag:s18], $0x2000  }
0x2d3: {  	[sflag:s18] =	ssyncset.done $0x0  }
0x2d4: {  	[sflag:s18] =	ssyncadd.s32 $0xFFFFE000  }
0x2d5: {  	_ =	swait.ge [sflag:s21], $0x40  }
0x2d6: {  	[sflag:s21] =	ssyncset.done $0x0  }
0x2d7: {  	[sflag:s21] =	ssyncadd.s32 $0xFFFFFFC0  }
0x2d8: {  	_ =	swait.ge [sflag:s14], $0x2000  }
0x2d9: {  	[sflag:s14] =	ssyncset.done $0x0  }
0x2da: {  	s11 =	simm.s32 $0x1A800;
	s15 =	simm.s32 $0x14400;
	[sflag:s14] =	ssyncadd.s32 $0xFFFFE000  }
0x2db: {  	[spmem:s4] =	stream.indirect.scatter.add.f32 [tilespmem:s11], [sflag:$0x10], $0x80, s15, s29, $0xb8;
	[tilespmem:$0x1D280] =	vst v63  }
0x2dc: {  	_ = 	snop  }
0x2dd: {  	[spmem:s12] =	stream.indirect.scatter.add.f32 [tilespmem:s23], [sflag:$0x4], $0x1, s15, s29, $0xb8;
	[tilespmem:$0x1D280] =	vst v63  }
0x2de: {  	_ =	swait.ge [sflag:s19], $0x2000  }
0x2df: {  	[sflag:s19] =	ssyncset.done $0x0  }
0x2e0: {  	[sflag:s19] =	ssyncadd.s32 $0xFFFFE000  }
0x2e1: {  	_ =	swait.ge [sflag:s3], $0x40  }
0x2e2: {  	s16 =	sld [smem:$0x7F9]  }
0x2e3: {  	[sflag:s3] =	ssyncset.done $0x0  }
0x2e4: {  	s17 =	simm.s32 $0x1D200;
	s28 =	simm.s32 $0x11;
	[sflag:s3] =	ssyncadd.s32 $0xFFFFFFC0  }
0x2e5: {  	[tilespmem:s17], [sflag:$0x11] =	stream.linear.gather [hbm4b:s16+s26], $0x10, $0x38;
	[tilespmem:$0x1D280] =	vst v63  }
0x2e6: {  	_ =	swait.ge [sflag:s28], $0x10  }
0x2e7: {  	s18 =	sld [smem:$0x7FA]  }
0x2e8: {  	[sflag:s28] =	ssyncset.done $0x0  }
0x2e9: {  	s20 =	simm.s32 $0x14680;
	[sflag:s28] =	ssyncadd.s32 $0xFFFFFFF0  }
0x2ea: {  	[tilespmem:s20], [sflag:$0x11] =	stream.linear.gather [hbm4b:s18+s26], $0x10, $0x38;
	[tilespmem:$0x1D280] =	vst v63  }
0x2eb: {  	_ =	swait.ge [sflag:s28], $0x10  }
0x2ec: {  	[sflag:s28] =	ssyncset.done $0x0  }
0x2ed: {  	s21 =	simm.s32 $0x1C800;
	[sflag:s28] =	ssyncadd.s32 $0xFFFFFFF0  }
0x2ee: {  	[tilespmem:s21], [sflag:$0x5] =	stream.indirect.gather [hbm4b:s6+s19], $0x80, s17, s19, $0xb8;
	[tilespmem:$0x1D280] =	vst v63  }
0x2ef: {  	_ =	swait.ge [sflag:s22], $0x800  }
0x2f0: {  	[sflag:s22] =	ssyncset.done $0x0  }
0x2f1: {  	[sflag:s22] =	ssyncadd.s32 $0xFFFFF800  }
0x2f2: {  	[spmem:s4] =	stream.indirect.scatter.add.f32 [tilespmem:s21], [sflag:$0x11], $0x80, s20, s19, $0xb8;
	[tilespmem:$0x1D280] =	vst v63  }
0x2f3: {  	_ =	swait.ge [sflag:s28], $0x800  }
0x2f4: {  	[sflag:s28] =	ssyncset.done $0x0  }
0x2f5: {  	s22 =	simm.s32 $0x14700;
	[sflag:s28] =	ssyncadd.s32 $0xFFFFF800  }
0x2f6: {  	[spmem:s12] =	stream.indirect.scatter.add.f32 [tilespmem:s22], [sflag:$0x11], $0x1, s20, s19, $0xb8;
	[tilespmem:$0x1D280] =	vst v63  }
0x2f7: {  	_ =	swait.ge [sflag:s28], $0x10  }
0x2f8: {  	[sflag:s28] =	ssyncset.done $0x0  }
0x2f9: {  	[sflag:s28] =	ssyncadd.s32 $0xFFFFFFF0  }
0x2fa: {  	[bflag:$0x0] =	sbarrier.arrive $0xFFFF  }
0x2fb: {  	s24 =	sld [smem:$0x7E3]  }
0x2fc: {  	s20 =	rddreg [dreg:$0x18]  }
0x2fd: {  	s23 =	rddreg [dreg:$0x1f]  }
0x2fe: {  	[hbm:s23], [sflag:s20] =	dma.local [spmem:s24], $0x2800  }
0x2ff: {  	_ =	swait.ge [sflag:s28], $0x2800  }
0x300: {  	s25 =	sld [smem:$0x7FB]  }
0x301: {  	s26 =	sld [smem:$0x7E4]  }
0x302: {  	[sflag:s28] =	ssyncset.done $0x0  }
0x303: {  	[sflag:s28] =	ssyncadd.s32 $0xFFFFD800  }
0x304: {  	[hbm:s25], [sflag:s20] =	dma.local [spmem:s26], $0x50  }
0x305: {  	_ =	swait.ge [sflag:s28], $0x50  }
0x306: {  	s30 =	sld [smem:$0x7E2]  }
0x307: {  	s31 =	sld [smem:$0x7FC];
	_ =	sdelay $0x1  }
0x308: {  	s0 =	sadd.s32 $0x1, s30  }
0x309: {  	p0 =	sne.s32 s0, s31  }
.Ltmp1:
0x30a: {  	_ = 	snop;
	(pc) =	sbr.rel @p0 .LBB2_1-.Ltmp1, $3  }
0x30b: {  	_ =	sdelay $0x1  }
0x30c: {  	[sflag:s28] =	ssyncset.done $0x0;
	s22 =	rddreg [dreg:$0x14]  }
0x30d: {  	s18 =	rddreg [dreg:$0x15];
	[sflag:s28] =	ssyncadd.s32 $0xFFFFFFB0  }
0x30e: {  	_ =	sfence.sel $0x180000  }
0x30f: {  	[bflag:$0x0] =	sbarrier.arrive $0xFFFF  }
0x310: {  	_ =	strace $0x90000047  }
0x311: {  	s0 =	stileid.u32;
	[bflag:$0x2] =	sbarrier.arrive $0xFFFF  }
0x312: {  	p0 =	sne.s32 s0, $0x0;
	s0 =	rddreg [dreg:$0x5]  }
0x313: {  	s0 =	sadd.s32 @!p0 $0x100000, s0  }
0x314: {  	[sflag:s0] =	ssyncadd.tile.s32 @!p0 $0x1;
	_ =	shalt  }
.Lfunc_end2:
_tile_overlayer_lowered:
.L_overlay_start_2:
0x315: {  	(tag) =	ssettag $0x2  }
0x316: {  	s0 =	rddreg [dreg:$0x0];
	s2 =	stileid.u32  }
0x317: {  	s1 =	rddreg [dreg:$0x1];
	p0 =	sne.s32 s2, $0x0  }
0x318: {  	s3 =	rddreg [dreg:$0x2];
	[bflag:$0x3] =	sbarrier.arrive $0xFFFF;
	s2 =	simm.s32 @!p0 $0x1C11  }
0x319: {  	[timem:s3], [sflag:s2] =	dma.local @!p0 [hbm:s0], s1  }
0x31a: {  	s0 =	simm.s32 @!p0 $0x11  }
0x31b: {  	_ =	swait.ge @!p0 [sflag:s0], s1  }
0x31c: {  	s1 =	ssub.s32 @!p0 $0x0, s1;
	[sflag:s0] =	ssyncset.done @!p0 $0x0  }
0x31d: {  	[sflag:s0] =	ssyncadd.s32 @!p0 s1  }
0x31e: {  	[bflag:$0x3] =	sbarrier.arrive $0xFFFF  }
0x31f: {  	_ =	shalt  }

</sc_bundles>
